<compile_context>
chip_gen: v7x
topology: tpu7x:2x2x1
jax: 0.10.2.dev20260603
libtpu: 0.0.44.dev20260713+nightly
codegen_flags: <defaults>
</compile_context>

<pallas_src>
import functools
import math

import jax
import jax.numpy as jnp
from jax import lax
from jax.experimental import pallas as pl
from jax.experimental.pallas import tpu as pltpu
from jax.experimental.pallas import tpu_sc as plsc

BATCH = 4096
HIST = 200
D = 64
B = BATCH * HIST
NC, NS = 2, 16
NW = NC * NS
ROWS_PER_W = B // NW
CHUNK = 128
NCHUNK = ROWS_PER_W // CHUNK
CPP = 8
NPLANE = NCHUNK // CPP
NBUF = 4
NPB = 2
SCALE = math.sqrt(D)

_mesh = plsc.VectorSubcoreMesh(
    core_axis_name="c", subcore_axis_name="s", num_cores=NC, num_subcores=NS
)


@functools.partial(
    pl.kernel,
    mesh=_mesh,
    out_type=jax.ShapeDtypeStruct((B, D), jnp.float32),
    scratch_types=[
        pltpu.VMEM((NPB, 8, 128), jnp.int32),
        pltpu.VMEM((NBUF, CHUNK, 128), jnp.float32),
        pltpu.VMEM((2, CHUNK, D), jnp.float32),
        pltpu.SemaphoreType.DMA,
        pltpu.SemaphoreType.DMA,
        pltpu.SemaphoreType.DMA,
        pltpu.SemaphoreType.DMA,
        pltpu.SemaphoreType.DMA,
        pltpu.SemaphoreType.DMA,
        pltpu.SemaphoreType.DMA,
    ],
    compiler_params=pltpu.CompilerParams(needs_layout_passes=False),
)
def _embed_sc(table2_hbm, src_hbm, out_hbm, idx_v, rows_v, outc_v,
              g0, g1, g2, g3, o0, o1, psem):
    wid = lax.axis_index("s") * NC + lax.axis_index("c")
    plane0 = wid * NPLANE
    base = wid * ROWS_PER_W
    gsems = [g0, g1, g2, g3]
    osems = [o0, o1]

    def load_plane(p):
        pltpu.async_copy(src_hbm.at[plane0 + p], idx_v.at[p % NPB], psem)

    def drain_plane():
        pltpu.make_async_copy(
            src_hbm.at[plane0], idx_v.at[0], psem
        ).wait()

    def fire_gather(i, krow, b):
        pb = (i // CPP) % NPB
        pltpu.async_copy(
            table2_hbm.at[idx_v.at[pb, krow]], rows_v.at[b], gsems[b]
        )

    def drain_gather(b):
        pltpu.make_async_copy(
            table2_hbm.at[pl.ds(0, CHUNK)], rows_v.at[b], gsems[b]
        ).wait()

    def drain_out(b):
        pltpu.make_async_copy(
            outc_v.at[b], out_hbm.at[pl.ds(base, CHUNK)], osems[b]
        ).wait()

    load_plane(0)
    drain_plane()
    fire_gather(0, 0, 0)
    fire_gather(1, 1, 1)
    fire_gather(2, 2, 2)

    def plane_body(p, carry):
        @pl.when(p < NPLANE - 1)
        def _():
            load_plane(p + 1)

        i0 = p * CPP
        for k in range(CPP):
            i = i0 + k
            b = k % NBUF
            ob = k % 2
            pb = (i // CPP) % NPB
            drain_gather(b)
            if k < 2:
                @pl.when(p > 0)
                def _():
                    drain_out(ob)
            else:
                drain_out(ob)

            def sel_row(r, c2, b=b, ob=ob):
                for j in range(D // 16):
                    sl = pl.ds(j * 16, 16)
                    outc_v[ob, r, sl] = rows_v[b, r, sl] * SCALE
                return c2

            lax.fori_loop(0, CHUNK, sel_row, 0, unroll=8)
            pltpu.async_copy(
                outc_v.at[ob],
                out_hbm.at[pl.ds(base + i * CHUNK, CHUNK)],
                osems[ob],
            )
            if k < CPP - 3:
                fire_gather(i + 3, (k + 3) % CPP, (k + 3) % NBUF)
            else:
                @pl.when(p < NPLANE - 1)
                def _(k=k, i=i):
                    if k == CPP - 3:
                        drain_plane()
                    fire_gather(i + 3, (k + 3) % CPP, (k + 3) % NBUF)
        return carry

    lax.fori_loop(0, NPLANE, plane_body, 0)
    drain_out(0)
    drain_out(1)


def kernel(source, table):
    src = source.astype(jnp.int32).reshape(B // 1024, 8, 128)
    table2 = jnp.pad(table, ((0, 0), (0, 64)))
    out = _embed_sc(table2, src)
    return out.reshape(BATCH, HIST, D)

# --- scband reference (transcript-rebuilt; emitter-appended) ---
"""Pipeline reference for scband-embeddings-4492535792308 (READ-ONLY COPY).

The authoritative reference and input builder live on the scoring server;
editing this copy changes nothing except your own understanding.
"""

import math
import jax, jax.numpy as jnp
import numpy as np

VOCAB = 1000000
EMBED_DIM = 64
PADDING_INDEX = 1
SCALE = True
BATCH = 4096
HIST = 200


def setup_inputs(seed: int = 0) -> dict:
    key = jax.random.key(seed)
    k_idx, k_tab = jax.random.split(key)
    source = jax.random.randint(k_idx, (BATCH, HIST), 0, VOCAB, dtype=jnp.int64 if jax.config.read('jax_enable_x64') else jnp.int32)
    table = jax.random.normal(k_tab, (VOCAB, EMBED_DIM), dtype=jnp.float32)
    # nn.Embedding with padding_idx initializes that row to zeros
    table = table.at[PADDING_INDEX].set(0.0)
    return {"source": source, "table": table}


def reference(source, table):
    # lut(source)
    emb = jnp.take(table, source, axis=0)
    if SCALE:
        emb = emb * math.sqrt(EMBED_DIM)
    return emb


if False:  # reference __main__ guard neutralized (emitter)
    inp = setup_inputs()
    out = reference(**inp)
    print(out.shape, out.dtype)

if __name__ == "__main__":
    import jax
    _d = setup_inputs()
    print(jax.jit(kernel)(*tuple(_d.values())))

</pallas_src>

<mosaic_0001>
#map = affine_map<(d0, d1) -> (0, 0)>
#map1 = affine_map<(d0, d1) -> (0, 0, 0)>
module attributes {stable_mosaic.version = 14 : i64} {
  func.func @_embed_sc(%arg0: i32, %arg1: i32, %arg2: memref<1000000x128xf32, #tpu.memory_space<hbm>>, %arg3: memref<800x8x128xi32, #tpu.memory_space<hbm>>, %arg4: memref<819200x64xf32, #tpu.memory_space<hbm>>, %arg5: memref<2x8x128xi32, #tpu.memory_space<vmem>>, %arg6: memref<4x128x128xf32, #tpu.memory_space<vmem>>, %arg7: memref<2x128x64xf32, #tpu.memory_space<vmem>>, %arg8: memref<!tpu.dma_semaphore, #tpu.memory_space<semaphore_mem>>, %arg9: memref<!tpu.dma_semaphore, #tpu.memory_space<semaphore_mem>>, %arg10: memref<!tpu.dma_semaphore, #tpu.memory_space<semaphore_mem>>, %arg11: memref<!tpu.dma_semaphore, #tpu.memory_space<semaphore_mem>>, %arg12: memref<!tpu.dma_semaphore, #tpu.memory_space<semaphore_mem>>, %arg13: memref<!tpu.dma_semaphore, #tpu.memory_space<semaphore_mem>>, %arg14: memref<!tpu.dma_semaphore, #tpu.memory_space<semaphore_mem>>) attributes {dimension_semantics = [#tpu.dimension_semantics<core_parallel>, #tpu.dimension_semantics<subcore_parallel>], iteration_bounds = array<i64: 2, 16>, scalar_prefetch = 0 : i64, scratch_operands = 10 : i64, tpu.core_type = #tpu.core_type<sc_vector_subcore>, window_params = [{transform_indices = #map}, {transform_indices = #map1}, {transform_indices = #map}]} {
    %mul3A = arith.constant 2 : i32
    %mul3A_0 = arith.muli %arg1, %mul3A : i32
    %add3A = arith.addi %mul3A_0, %arg0 : i32
    %mul3A_1 = arith.constant 25 : i32
    %mul3A_2 = arith.muli %add3A, %mul3A_1 : i32
    %mul3A_3 = arith.constant 25600 : i32
    %mul3A_4 = arith.muli %add3A, %mul3A_3 : i32
    %add3A_5 = arith.constant 0 : i32
    %add3A_6 = arith.addi %mul3A_2, %add3A_5 : i32
    %dma_start3A = arith.constant 0 : i32
    %dma_start3A_7 = arith.constant 0 : i32
    %dma_start3A_8 = arith.constant 0 : i32
    %dma_start3A_9 = tpu.memref_slice %arg5[%dma_start3A, %dma_start3A_7, %dma_start3A_8] : memref<2x8x128xi32, #tpu.memory_space<vmem>> -> memref<1x8x128xi32, #tpu.memory_space<vmem>>
    %dma_start3A_10 = tpu.memref_squeeze %dma_start3A_9 : memref<1x8x128xi32, #tpu.memory_space<vmem>> -> memref<8x128xi32, #tpu.memory_space<vmem>>
    %dma_start3A_11 = arith.constant 0 : i32
    %dma_start3A_12 = arith.constant 0 : i32
    %dma_start3A_13 = tpu.memref_slice %arg3[%add3A_6, %dma_start3A_11, %dma_start3A_12] : memref<800x8x128xi32, #tpu.memory_space<hbm>> -> memref<1x8x128xi32, #tpu.memory_space<hbm>>
    %dma_start3A_14 = tpu.memref_squeeze %dma_start3A_13 : memref<1x8x128xi32, #tpu.memory_space<hbm>> -> memref<8x128xi32, #tpu.memory_space<hbm>>
    %dma_start3A_15 = arith.constant 0 : i32
    %dma_start3A_16 = arith.constant 0 : i32
    %dma_start3A_17 = tpu.memref_slice %arg5[%dma_start3A, %dma_start3A_15, %dma_start3A_16] : memref<2x8x128xi32, #tpu.memory_space<vmem>> -> memref<1x8x128xi32, #tpu.memory_space<vmem>>
    %dma_start3A_18 = tpu.memref_squeeze %dma_start3A_17 : memref<1x8x128xi32, #tpu.memory_space<vmem>> -> memref<8x128xi32, #tpu.memory_space<vmem>>
    %dma_start3A_19 = arith.constant 0 : i32
    %dma_start3A_20 = arith.constant 0 : i32
    %dma_start3A_21 = tpu.memref_slice %arg3[%add3A_6, %dma_start3A_19, %dma_start3A_20] : memref<800x8x128xi32, #tpu.memory_space<hbm>> -> memref<1x8x128xi32, #tpu.memory_space<hbm>>
    %dma_start3A_22 = tpu.memref_squeeze %dma_start3A_21 : memref<1x8x128xi32, #tpu.memory_space<hbm>> -> memref<8x128xi32, #tpu.memory_space<hbm>>
    tpu.enqueue_dma source(%dma_start3A_22 : memref<8x128xi32, #tpu.memory_space<hbm>>) target(%dma_start3A_18 : memref<8x128xi32, #tpu.memory_space<vmem>>) target_semaphore(%arg14 : memref<!tpu.dma_semaphore, #tpu.memory_space<semaphore_mem>>)
    %dma_wait3A = arith.constant 0 : i32
    %dma_wait3A_23 = arith.constant 0 : i32
    %dma_wait3A_24 = arith.constant 0 : i32
    %dma_wait3A_25 = tpu.memref_slice %arg5[%dma_wait3A, %dma_wait3A_23, %dma_wait3A_24] : memref<2x8x128xi32, #tpu.memory_space<vmem>> -> memref<1x8x128xi32, #tpu.memory_space<vmem>>
    %dma_wait3A_26 = tpu.memref_squeeze %dma_wait3A_25 : memref<1x8x128xi32, #tpu.memory_space<vmem>> -> memref<8x128xi32, #tpu.memory_space<vmem>>
    %dma_wait3A_27 = arith.constant 0 : i32
    %dma_wait3A_28 = arith.constant 0 : i32
    %dma_wait3A_29 = tpu.memref_slice %arg3[%mul3A_2, %dma_wait3A_27, %dma_wait3A_28] : memref<800x8x128xi32, #tpu.memory_space<hbm>> -> memref<1x8x128xi32, #tpu.memory_space<hbm>>
    %dma_wait3A_30 = tpu.memref_squeeze %dma_wait3A_29 : memref<1x8x128xi32, #tpu.memory_space<hbm>> -> memref<8x128xi32, #tpu.memory_space<hbm>>
    %dma_wait3A_31 = arith.constant 0 : i32
    %dma_wait3A_32 = arith.constant 0 : i32
    %dma_wait3A_33 = tpu.memref_slice %arg5[%dma_wait3A, %dma_wait3A_31, %dma_wait3A_32] : memref<2x8x128xi32, #tpu.memory_space<vmem>> -> memref<1x8x128xi32, #tpu.memory_space<vmem>>
    %dma_wait3A_34 = tpu.memref_squeeze %dma_wait3A_33 : memref<1x8x128xi32, #tpu.memory_space<vmem>> -> memref<8x128xi32, #tpu.memory_space<vmem>>
    %dma_wait3A_35 = arith.constant 0 : i32
    %dma_wait3A_36 = arith.constant 0 : i32
    %dma_wait3A_37 = tpu.memref_slice %arg3[%mul3A_2, %dma_wait3A_35, %dma_wait3A_36] : memref<800x8x128xi32, #tpu.memory_space<hbm>> -> memref<1x8x128xi32, #tpu.memory_space<hbm>>
    %dma_wait3A_38 = tpu.memref_squeeze %dma_wait3A_37 : memref<1x8x128xi32, #tpu.memory_space<hbm>> -> memref<8x128xi32, #tpu.memory_space<hbm>>
    tpu.wait_dma2 semaphore(%arg14 : memref<!tpu.dma_semaphore, #tpu.memory_space<semaphore_mem>>) src(%dma_wait3A_38 : memref<8x128xi32, #tpu.memory_space<hbm>>) dst(%dma_wait3A_34 : memref<8x128xi32, #tpu.memory_space<vmem>>)
    %dma_start3A_39 = arith.constant 0 : i32
    %dma_start3A_40 = arith.constant 0 : i32
    %dma_start3A_41 = arith.constant 0 : i32
    %dma_start3A_42 = arith.constant 0 : i32
    %dma_start3A_43 = arith.constant 0 : i32
    %dma_start3A_44 = tpu.memref_slice %arg6[%dma_start3A_41, %dma_start3A_42, %dma_start3A_43] : memref<4x128x128xf32, #tpu.memory_space<vmem>> -> memref<1x128x128xf32, #tpu.memory_space<vmem>>
    %dma_start3A_45 = tpu.memref_squeeze %dma_start3A_44 : memref<1x128x128xf32, #tpu.memory_space<vmem>> -> memref<128x128xf32, #tpu.memory_space<vmem>>
    %dma_start3A_46 = arith.constant 0 : i32
    %dma_start3A_47 = tpu.memref_slice %arg5[%dma_start3A_39, %dma_start3A_40, %dma_start3A_46] : memref<2x8x128xi32, #tpu.memory_space<vmem>> -> memref<1x1x128xi32, #tpu.memory_space<vmem>>
    %dma_start3A_48 = tpu.memref_squeeze %dma_start3A_47 : memref<1x1x128xi32, #tpu.memory_space<vmem>> -> memref<128xi32, #tpu.memory_space<vmem>>
    %dma_start3A_49 = arith.constant 0 : i32
    %dma_start3A_50 = arith.constant 0 : i32
    %dma_start3A_51 = tpu.memref_slice %arg2[%dma_start3A_49, %dma_start3A_50] : memref<1000000x128xf32, #tpu.memory_space<hbm>> -> memref<1000000x128xf32, #tpu.memory_space<hbm>>
    tpu.enqueue_indirect_dma source(%dma_start3A_51 : memref<1000000x128xf32, #tpu.memory_space<hbm>>) target(%dma_start3A_45 : memref<128x128xf32, #tpu.memory_space<vmem>>) offsets(%dma_start3A_48 : memref<128xi32, #tpu.memory_space<vmem>>) semaphore(%arg8 : memref<!tpu.dma_semaphore, #tpu.memory_space<semaphore_mem>>)
    %dma_start3A_52 = arith.constant 0 : i32
    %dma_start3A_53 = arith.constant 1 : i32
    %dma_start3A_54 = arith.constant 1 : i32
    %dma_start3A_55 = arith.constant 0 : i32
    %dma_start3A_56 = arith.constant 0 : i32
    %dma_start3A_57 = tpu.memref_slice %arg6[%dma_start3A_54, %dma_start3A_55, %dma_start3A_56] : memref<4x128x128xf32, #tpu.memory_space<vmem>> -> memref<1x128x128xf32, #tpu.memory_space<vmem>>
    %dma_start3A_58 = tpu.memref_squeeze %dma_start3A_57 : memref<1x128x128xf32, #tpu.memory_space<vmem>> -> memref<128x128xf32, #tpu.memory_space<vmem>>
    %dma_start3A_59 = arith.constant 0 : i32
    %dma_start3A_60 = tpu.memref_slice %arg5[%dma_start3A_52, %dma_start3A_53, %dma_start3A_59] : memref<2x8x128xi32, #tpu.memory_space<vmem>> -> memref<1x1x128xi32, #tpu.memory_space<vmem>>
    %dma_start3A_61 = tpu.memref_squeeze %dma_start3A_60 : memref<1x1x128xi32, #tpu.memory_space<vmem>> -> memref<128xi32, #tpu.memory_space<vmem>>
    %dma_start3A_62 = arith.constant 0 : i32
    %dma_start3A_63 = arith.constant 0 : i32
    %dma_start3A_64 = tpu.memref_slice %arg2[%dma_start3A_62, %dma_start3A_63] : memref<1000000x128xf32, #tpu.memory_space<hbm>> -> memref<1000000x128xf32, #tpu.memory_space<hbm>>
    tpu.enqueue_indirect_dma source(%dma_start3A_64 : memref<1000000x128xf32, #tpu.memory_space<hbm>>) target(%dma_start3A_58 : memref<128x128xf32, #tpu.memory_space<vmem>>) offsets(%dma_start3A_61 : memref<128xi32, #tpu.memory_space<vmem>>) semaphore(%arg9 : memref<!tpu.dma_semaphore, #tpu.memory_space<semaphore_mem>>)
    %dma_start3A_65 = arith.constant 0 : i32
    %dma_start3A_66 = arith.constant 2 : i32
    %dma_start3A_67 = arith.constant 2 : i32
    %dma_start3A_68 = arith.constant 0 : i32
    %dma_start3A_69 = arith.constant 0 : i32
    %dma_start3A_70 = tpu.memref_slice %arg6[%dma_start3A_67, %dma_start3A_68, %dma_start3A_69] : memref<4x128x128xf32, #tpu.memory_space<vmem>> -> memref<1x128x128xf32, #tpu.memory_space<vmem>>
    %dma_start3A_71 = tpu.memref_squeeze %dma_start3A_70 : memref<1x128x128xf32, #tpu.memory_space<vmem>> -> memref<128x128xf32, #tpu.memory_space<vmem>>
    %dma_start3A_72 = arith.constant 0 : i32
    %dma_start3A_73 = tpu.memref_slice %arg5[%dma_start3A_65, %dma_start3A_66, %dma_start3A_72] : memref<2x8x128xi32, #tpu.memory_space<vmem>> -> memref<1x1x128xi32, #tpu.memory_space<vmem>>
    %dma_start3A_74 = tpu.memref_squeeze %dma_start3A_73 : memref<1x1x128xi32, #tpu.memory_space<vmem>> -> memref<128xi32, #tpu.memory_space<vmem>>
    %dma_start3A_75 = arith.constant 0 : i32
    %dma_start3A_76 = arith.constant 0 : i32
    %dma_start3A_77 = tpu.memref_slice %arg2[%dma_start3A_75, %dma_start3A_76] : memref<1000000x128xf32, #tpu.memory_space<hbm>> -> memref<1000000x128xf32, #tpu.memory_space<hbm>>
    tpu.enqueue_indirect_dma source(%dma_start3A_77 : memref<1000000x128xf32, #tpu.memory_space<hbm>>) target(%dma_start3A_71 : memref<128x128xf32, #tpu.memory_space<vmem>>) offsets(%dma_start3A_74 : memref<128xi32, #tpu.memory_space<vmem>>) semaphore(%arg10 : memref<!tpu.dma_semaphore, #tpu.memory_space<semaphore_mem>>)
    %scan3A = arith.constant 0 : i32
    %scan3A_78 = arith.constant 0 : i32
    %scan3A_79 = arith.constant 25 : i32
    %scan3A_80 = arith.addi %scan3A_78, %scan3A_79 : i32
    %scan3A_81 = arith.constant 1 : i32
    scf.for %scan3A_109 = %scan3A_78 to %scan3A_80 step %scan3A_81  : i32 {
      %lt3A = arith.constant 24 : i32
      %lt3A_110 = arith.cmpi slt, %scan3A_109, %lt3A : i32
      %convert_element_type3A = arith.extui %lt3A_110 : i1 to i32
      %cond3A = arith.constant 0 : i32
      %cond3A_111 = arith.cmpi ne, %convert_element_type3A, %cond3A : i32
      scf.if %cond3A_111 {
        %add3A_1109 = arith.constant 1 : i32
        %add3A_1110 = arith.addi %scan3A_109, %add3A_1109 : i32
        %add3A_1111 = arith.addi %mul3A_2, %add3A_1110 : i32
        %jit3A_1112 = arith.constant 2 : i32
        %eq3A_1113 = arith.constant 0 : i32
        %eq3A_1114 = arith.cmpi eq, %jit3A_1112, %eq3A_1113 : i32
        %jit3A_1115 = arith.constant 1 : i32
        %select_n3A_1116 = arith.select %eq3A_1114, %jit3A_1115, %jit3A_1112 : i32
        %rem3A_1117 = arith.remsi %add3A_1110, %select_n3A_1116 : i32
        %ne3A_1118 = arith.constant 0 : i32
        %ne3A_1119 = arith.cmpi ne, %rem3A_1117, %ne3A_1118 : i32
        %lt3A_1120 = arith.constant 0 : i32
        %lt3A_1121 = arith.cmpi slt, %rem3A_1117, %lt3A_1120 : i32
        %lt3A_1122 = arith.constant 0 : i32
        %lt3A_1123 = arith.cmpi slt, %select_n3A_1116, %lt3A_1122 : i32
        %ne3A_1124 = arith.xori %lt3A_1121, %lt3A_1123 : i1
        %and3A_1125 = arith.andi %ne3A_1124, %ne3A_1119 : i1
        %add3A_1126 = arith.addi %rem3A_1117, %select_n3A_1116 : i32
        %select_n3A_1127 = arith.select %and3A_1125, %add3A_1126, %rem3A_1117 : i32
        %dma_start3A_1128 = arith.constant 0 : i32
        %dma_start3A_1129 = arith.constant 0 : i32
        %dma_start3A_1130 = tpu.memref_slice %arg5[%select_n3A_1127, %dma_start3A_1128, %dma_start3A_1129] : memref<2x8x128xi32, #tpu.memory_space<vmem>> -> memref<1x8x128xi32, #tpu.memory_space<vmem>>
        %dma_start3A_1131 = tpu.memref_squeeze %dma_start3A_1130 : memref<1x8x128xi32, #tpu.memory_space<vmem>> -> memref<8x128xi32, #tpu.memory_space<vmem>>
        %dma_start3A_1132 = arith.constant 0 : i32
        %dma_start3A_1133 = arith.constant 0 : i32
        %dma_start3A_1134 = tpu.memref_slice %arg3[%add3A_1111, %dma_start3A_1132, %dma_start3A_1133] : memref<800x8x128xi32, #tpu.memory_space<hbm>> -> memref<1x8x128xi32, #tpu.memory_space<hbm>>
        %dma_start3A_1135 = tpu.memref_squeeze %dma_start3A_1134 : memref<1x8x128xi32, #tpu.memory_space<hbm>> -> memref<8x128xi32, #tpu.memory_space<hbm>>
        %dma_start3A_1136 = arith.constant 0 : i32
        %dma_start3A_1137 = arith.constant 0 : i32
        %dma_start3A_1138 = tpu.memref_slice %arg5[%select_n3A_1127, %dma_start3A_1136, %dma_start3A_1137] : memref<2x8x128xi32, #tpu.memory_space<vmem>> -> memref<1x8x128xi32, #tpu.memory_space<vmem>>
        %dma_start3A_1139 = tpu.memref_squeeze %dma_start3A_1138 : memref<1x8x128xi32, #tpu.memory_space<vmem>> -> memref<8x128xi32, #tpu.memory_space<vmem>>
        %dma_start3A_1140 = arith.constant 0 : i32
        %dma_start3A_1141 = arith.constant 0 : i32
        %dma_start3A_1142 = tpu.memref_slice %arg3[%add3A_1111, %dma_start3A_1140, %dma_start3A_1141] : memref<800x8x128xi32, #tpu.memory_space<hbm>> -> memref<1x8x128xi32, #tpu.memory_space<hbm>>
        %dma_start3A_1143 = tpu.memref_squeeze %dma_start3A_1142 : memref<1x8x128xi32, #tpu.memory_space<hbm>> -> memref<8x128xi32, #tpu.memory_space<hbm>>
        tpu.enqueue_dma source(%dma_start3A_1143 : memref<8x128xi32, #tpu.memory_space<hbm>>) target(%dma_start3A_1139 : memref<8x128xi32, #tpu.memory_space<vmem>>) target_semaphore(%arg14 : memref<!tpu.dma_semaphore, #tpu.memory_space<semaphore_mem>>)
      } else {
      }
      %mul3A_112 = arith.constant 8 : i32
      %mul3A_113 = arith.muli %scan3A_109, %mul3A_112 : i32
      %add3A_114 = arith.constant 0 : i32
      %add3A_115 = arith.addi %mul3A_113, %add3A_114 : i32
      %jit3A = arith.constant 8 : i32
      %div3A = arith.divsi %add3A_115, %jit3A : i32
      %sign3A = arith.constant 0 : i32
      %sign3A_116 = arith.cmpi sgt, %add3A_115, %sign3A : i32
      %sign3A_117 = arith.extui %sign3A_116 : i1 to i32
      %sign3A_118 = arith.constant 0 : i32
      %sign3A_119 = arith.cmpi slt, %add3A_115, %sign3A_118 : i32
      %sign3A_120 = arith.extui %sign3A_119 : i1 to i32
      %sign3A_121 = arith.subi %sign3A_117, %sign3A_120 : i32
      %sign3A_122 = arith.constant 0 : i32
      %sign3A_123 = arith.cmpi sgt, %jit3A, %sign3A_122 : i32
      %sign3A_124 = arith.extui %sign3A_123 : i1 to i32
      %sign3A_125 = arith.constant 0 : i32
      %sign3A_126 = arith.cmpi slt, %jit3A, %sign3A_125 : i32
      %sign3A_127 = arith.extui %sign3A_126 : i1 to i32
      %sign3A_128 = arith.subi %sign3A_124, %sign3A_127 : i32
      %ne3A = arith.cmpi ne, %sign3A_121, %sign3A_128 : i32
      %rem3A = arith.remsi %add3A_115, %jit3A : i32
      %ne3A_129 = arith.constant 0 : i32
      %ne3A_130 = arith.cmpi ne, %rem3A, %ne3A_129 : i32
      %and3A = arith.andi %ne3A, %ne3A_130 : i1
      %sub3A = arith.constant 1 : i32
      %sub3A_131 = arith.subi %div3A, %sub3A : i32
      %select_n3A = arith.select %and3A, %sub3A_131, %div3A : i32
      %jit3A_132 = arith.constant 2 : i32
      %eq3A = arith.constant 0 : i32
      %eq3A_133 = arith.cmpi eq, %jit3A_132, %eq3A : i32
      %jit3A_134 = arith.constant 1 : i32
      %select_n3A_135 = arith.select %eq3A_133, %jit3A_134, %jit3A_132 : i32
      %rem3A_136 = arith.remsi %select_n3A, %select_n3A_135 : i32
      %ne3A_137 = arith.constant 0 : i32
      %ne3A_138 = arith.cmpi ne, %rem3A_136, %ne3A_137 : i32
      %lt3A_139 = arith.constant 0 : i32
      %lt3A_140 = arith.cmpi slt, %rem3A_136, %lt3A_139 : i32
      %lt3A_141 = arith.constant 0 : i32
      %lt3A_142 = arith.cmpi slt, %select_n3A_135, %lt3A_141 : i32
      %ne3A_143 = arith.xori %lt3A_140, %lt3A_142 : i1
      %and3A_144 = arith.andi %ne3A_143, %ne3A_138 : i1
      %add3A_145 = arith.addi %rem3A_136, %select_n3A_135 : i32
      %select_n3A_146 = arith.select %and3A_144, %add3A_145, %rem3A_136 : i32
      %dma_wait3A_147 = arith.constant 0 : i32
      %dma_wait3A_148 = arith.constant 0 : i32
      %dma_wait3A_149 = arith.constant 0 : i32
      %dma_wait3A_150 = tpu.memref_slice %arg6[%dma_wait3A_147, %dma_wait3A_148, %dma_wait3A_149] : memref<4x128x128xf32, #tpu.memory_space<vmem>> -> memref<1x128x128xf32, #tpu.memory_space<vmem>>
      %dma_wait3A_151 = tpu.memref_squeeze %dma_wait3A_150 : memref<1x128x128xf32, #tpu.memory_space<vmem>> -> memref<128x128xf32, #tpu.memory_space<vmem>>
      %dma_wait3A_152 = arith.constant 0 : i32
      %dma_wait3A_153 = arith.constant 0 : i32
      %dma_wait3A_154 = tpu.memref_slice %arg2[%dma_wait3A_152, %dma_wait3A_153] : memref<1000000x128xf32, #tpu.memory_space<hbm>> -> memref<128x128xf32, #tpu.memory_space<hbm>>
      %dma_wait3A_155 = arith.constant 0 : i32
      %dma_wait3A_156 = arith.constant 0 : i32
      %dma_wait3A_157 = tpu.memref_slice %arg6[%dma_wait3A_147, %dma_wait3A_155, %dma_wait3A_156] : memref<4x128x128xf32, #tpu.memory_space<vmem>> -> memref<1x128x128xf32, #tpu.memory_space<vmem>>
      %dma_wait3A_158 = tpu.memref_squeeze %dma_wait3A_157 : memref<1x128x128xf32, #tpu.memory_space<vmem>> -> memref<128x128xf32, #tpu.memory_space<vmem>>
      %dma_wait3A_159 = arith.constant 0 : i32
      %dma_wait3A_160 = arith.constant 0 : i32
      %dma_wait3A_161 = tpu.memref_slice %arg2[%dma_wait3A_159, %dma_wait3A_160] : memref<1000000x128xf32, #tpu.memory_space<hbm>> -> memref<128x128xf32, #tpu.memory_space<hbm>>
      tpu.wait_dma2 semaphore(%arg8 : memref<!tpu.dma_semaphore, #tpu.memory_space<semaphore_mem>>) src(%dma_wait3A_161 : memref<128x128xf32, #tpu.memory_space<hbm>>) dst(%dma_wait3A_158 : memref<128x128xf32, #tpu.memory_space<vmem>>)
      %gt3A = arith.constant 0 : i32
      %gt3A_162 = arith.cmpi sgt, %scan3A_109, %gt3A : i32
      %convert_element_type3A_163 = arith.extui %gt3A_162 : i1 to i32
      %cond3A_164 = arith.constant 0 : i32
      %cond3A_165 = arith.cmpi ne, %convert_element_type3A_163, %cond3A_164 : i32
      scf.if %cond3A_165 {
        %dma_wait3A_1109 = arith.constant 0 : i32
        %dma_wait3A_1110 = arith.constant 0 : i32
        %dma_wait3A_1111 = arith.constant 0 : i32
        %dma_wait3A_1112 = tpu.memref_slice %arg7[%dma_wait3A_1109, %dma_wait3A_1110, %dma_wait3A_1111] : memref<2x128x64xf32, #tpu.memory_space<vmem>> -> memref<1x128x64xf32, #tpu.memory_space<vmem>>
        %dma_wait3A_1113 = tpu.memref_squeeze %dma_wait3A_1112 : memref<1x128x64xf32, #tpu.memory_space<vmem>> -> memref<128x64xf32, #tpu.memory_space<vmem>>
        %dma_wait3A_1114 = arith.constant 0 : i32
        %dma_wait3A_1115 = tpu.memref_slice %arg4[%mul3A_4, %dma_wait3A_1114] : memref<819200x64xf32, #tpu.memory_space<hbm>> -> memref<128x64xf32, #tpu.memory_space<hbm>>
        %dma_wait3A_1116 = arith.constant 0 : i32
        %dma_wait3A_1117 = tpu.memref_slice %arg4[%mul3A_4, %dma_wait3A_1116] : memref<819200x64xf32, #tpu.memory_space<hbm>> -> memref<128x64xf32, #tpu.memory_space<hbm>>
        %dma_wait3A_1118 = arith.constant 0 : i32
        %dma_wait3A_1119 = arith.constant 0 : i32
        %dma_wait3A_1120 = tpu.memref_slice %arg7[%dma_wait3A_1109, %dma_wait3A_1118, %dma_wait3A_1119] : memref<2x128x64xf32, #tpu.memory_space<vmem>> -> memref<1x128x64xf32, #tpu.memory_space<vmem>>
        %dma_wait3A_1121 = tpu.memref_squeeze %dma_wait3A_1120 : memref<1x128x64xf32, #tpu.memory_space<vmem>> -> memref<128x64xf32, #tpu.memory_space<vmem>>
        tpu.wait_dma2 semaphore(%arg12 : memref<!tpu.dma_semaphore, #tpu.memory_space<semaphore_mem>>) src(%dma_wait3A_1121 : memref<128x64xf32, #tpu.memory_space<vmem>>) dst(%dma_wait3A_1117 : memref<128x64xf32, #tpu.memory_space<hbm>>)
      } else {
      }
      %scan3A_166 = arith.constant 0 : i32
      %scan3A_167 = arith.constant 0 : i32
      %scan3A_168 = arith.constant 128 : i32
      %scan3A_169 = arith.addi %scan3A_167, %scan3A_168 : i32
      %scan3A_170 = arith.constant 8 : i32
      scf.for %scan3A_1109 = %scan3A_167 to %scan3A_169 step %scan3A_170  : i32 {
        %get3A = arith.constant 0 : i32
        %get3A_1110 = arith.index_cast %get3A : i32 to index
        %get3A_1111 = arith.index_cast %scan3A_1109 : i32 to index
        %get3A_1112 = arith.constant 0 : index
        %get3A_1113 = tpu.vector_load %arg6[%get3A_1110, %get3A_1111, %get3A_1112] {strides = array<i32>} : memref<4x128x128xf32, #tpu.memory_space<vmem>>, vector<16xf32>,
        %mul3A_1114 = arith.constant 1.000000e+00 : f32
        %mul3A_1115 = vector.broadcast %mul3A_1114 : f32 to vector<16xf32>
        %mul3A_1116 = arith.mulf %get3A_1113, %mul3A_1115 : vector<16xf32>
        %swap3A = arith.constant 0 : i32
        %swap3A_1117 = arith.index_cast %swap3A : i32 to index
        %swap3A_1118 = arith.index_cast %scan3A_1109 : i32 to index
        %swap3A_1119 = arith.constant 0 : index
        %swap3A_1120 = tpu.vector_load %arg7[%swap3A_1117, %swap3A_1118, %swap3A_1119] {strides = array<i32>} : memref<2x128x64xf32, #tpu.memory_space<vmem>>, vector<16xf32>,
        tpu.vector_store %arg7[%swap3A_1117, %swap3A_1118, %swap3A_1119], %mul3A_1116 {strides = array<i32>} : memref<2x128x64xf32, #tpu.memory_space<vmem>>, vector<16xf32>,
        %get3A_1121 = arith.constant 0 : i32
        %get3A_1122 = arith.index_cast %get3A_1121 : i32 to index
        %get3A_1123 = arith.index_cast %scan3A_1109 : i32 to index
        %get3A_1124 = arith.constant 16 : index
        %get3A_1125 = tpu.vector_load %arg6[%get3A_1122, %get3A_1123, %get3A_1124] {strides = array<i32>} : memref<4x128x128xf32, #tpu.memory_space<vmem>>, vector<16xf32>,
        %mul3A_1126 = arith.constant 1.000000e+00 : f32
        %mul3A_1127 = vector.broadcast %mul3A_1126 : f32 to vector<16xf32>
        %mul3A_1128 = arith.mulf %get3A_1125, %mul3A_1127 : vector<16xf32>
        %swap3A_1129 = arith.constant 0 : i32
        %swap3A_1130 = arith.index_cast %swap3A_1129 : i32 to index
        %swap3A_1131 = arith.index_cast %scan3A_1109 : i32 to index
        %swap3A_1132 = arith.constant 16 : index
        %swap3A_1133 = tpu.vector_load %arg7[%swap3A_1130, %swap3A_1131, %swap3A_1132] {strides = array<i32>} : memref<2x128x64xf32, #tpu.memory_space<vmem>>, vector<16xf32>,
        tpu.vector_store %arg7[%swap3A_1130, %swap3A_1131, %swap3A_1132], %mul3A_1128 {strides = array<i32>} : memref<2x128x64xf32, #tpu.memory_space<vmem>>, vector<16xf32>,
        %get3A_1134 = arith.constant 0 : i32
        %get3A_1135 = arith.index_cast %get3A_1134 : i32 to index
        %get3A_1136 = arith.index_cast %scan3A_1109 : i32 to index
        %get3A_1137 = arith.constant 32 : index
        %get3A_1138 = tpu.vector_load %arg6[%get3A_1135, %get3A_1136, %get3A_1137] {strides = array<i32>} : memref<4x128x128xf32, #tpu.memory_space<vmem>>, vector<16xf32>,
        %mul3A_1139 = arith.constant 1.000000e+00 : f32
        %mul3A_1140 = vector.broadcast %mul3A_1139 : f32 to vector<16xf32>
        %mul3A_1141 = arith.mulf %get3A_1138, %mul3A_1140 : vector<16xf32>
        %swap3A_1142 = arith.constant 0 : i32
        %swap3A_1143 = arith.index_cast %swap3A_1142 : i32 to index
        %swap3A_1144 = arith.index_cast %scan3A_1109 : i32 to index
        %swap3A_1145 = arith.constant 32 : index
        %swap3A_1146 = tpu.vector_load %arg7[%swap3A_1143, %swap3A_1144, %swap3A_1145] {strides = array<i32>} : memref<2x128x64xf32, #tpu.memory_space<vmem>>, vector<16xf32>,
        tpu.vector_store %arg7[%swap3A_1143, %swap3A_1144, %swap3A_1145], %mul3A_1141 {strides = array<i32>} : memref<2x128x64xf32, #tpu.memory_space<vmem>>, vector<16xf32>,
        %get3A_1147 = arith.constant 0 : i32
        %get3A_1148 = arith.index_cast %get3A_1147 : i32 to index
        %get3A_1149 = arith.index_cast %scan3A_1109 : i32 to index
        %get3A_1150 = arith.constant 48 : index
        %get3A_1151 = tpu.vector_load %arg6[%get3A_1148, %get3A_1149, %get3A_1150] {strides = array<i32>} : memref<4x128x128xf32, #tpu.memory_space<vmem>>, vector<16xf32>,
        %mul3A_1152 = arith.constant 1.000000e+00 : f32
        %mul3A_1153 = vector.broadcast %mul3A_1152 : f32 to vector<16xf32>
        %mul3A_1154 = arith.mulf %get3A_1151, %mul3A_1153 : vector<16xf32>
        %swap3A_1155 = arith.constant 0 : i32
        %swap3A_1156 = arith.index_cast %swap3A_1155 : i32 to index
        %swap3A_1157 = arith.index_cast %scan3A_1109 : i32 to index
        %swap3A_1158 = arith.constant 48 : index
        %swap3A_1159 = tpu.vector_load %arg7[%swap3A_1156, %swap3A_1157, %swap3A_1158] {strides = array<i32>} : memref<2x128x64xf32, #tpu.memory_space<vmem>>, vector<16xf32>,
        tpu.vector_store %arg7[%swap3A_1156, %swap3A_1157, %swap3A_1158], %mul3A_1154 {strides = array<i32>} : memref<2x128x64xf32, #tpu.memory_space<vmem>>, vector<16xf32>,
        %scan3A_1160 = arith.constant 1 : i32
        %scan3A_1161 = arith.addi %scan3A_1109, %scan3A_1160 : i32
        %get3A_1162 = arith.constant 0 : i32
        %get3A_1163 = arith.index_cast %get3A_1162 : i32 to index
        %get3A_1164 = arith.index_cast %scan3A_1161 : i32 to index
        %get3A_1165 = arith.constant 0 : index
        %get3A_1166 = tpu.vector_load %arg6[%get3A_1163, %get3A_1164, %get3A_1165] {strides = array<i32>} : memref<4x128x128xf32, #tpu.memory_space<vmem>>, vector<16xf32>,
        %mul3A_1167 = arith.constant 1.000000e+00 : f32
        %mul3A_1168 = vector.broadcast %mul3A_1167 : f32 to vector<16xf32>
        %mul3A_1169 = arith.mulf %get3A_1166, %mul3A_1168 : vector<16xf32>
        %swap3A_1170 = arith.constant 0 : i32
        %swap3A_1171 = arith.index_cast %swap3A_1170 : i32 to index
        %swap3A_1172 = arith.index_cast %scan3A_1161 : i32 to index
        %swap3A_1173 = arith.constant 0 : index
        %swap3A_1174 = tpu.vector_load %arg7[%swap3A_1171, %swap3A_1172, %swap3A_1173] {strides = array<i32>} : memref<2x128x64xf32, #tpu.memory_space<vmem>>, vector<16xf32>,
        tpu.vector_store %arg7[%swap3A_1171, %swap3A_1172, %swap3A_1173], %mul3A_1169 {strides = array<i32>} : memref<2x128x64xf32, #tpu.memory_space<vmem>>, vector<16xf32>,
        %get3A_1175 = arith.constant 0 : i32
        %get3A_1176 = arith.index_cast %get3A_1175 : i32 to index
        %get3A_1177 = arith.index_cast %scan3A_1161 : i32 to index
        %get3A_1178 = arith.constant 16 : index
        %get3A_1179 = tpu.vector_load %arg6[%get3A_1176, %get3A_1177, %get3A_1178] {strides = array<i32>} : memref<4x128x128xf32, #tpu.memory_space<vmem>>, vector<16xf32>,
        %mul3A_1180 = arith.constant 1.000000e+00 : f32
        %mul3A_1181 = vector.broadcast %mul3A_1180 : f32 to vector<16xf32>
        %mul3A_1182 = arith.mulf %get3A_1179, %mul3A_1181 : vector<16xf32>
        %swap3A_1183 = arith.constant 0 : i32
        %swap3A_1184 = arith.index_cast %swap3A_1183 : i32 to index
        %swap3A_1185 = arith.index_cast %scan3A_1161 : i32 to index
        %swap3A_1186 = arith.constant 16 : index
        %swap3A_1187 = tpu.vector_load %arg7[%swap3A_1184, %swap3A_1185, %swap3A_1186] {strides = array<i32>} : memref<2x128x64xf32, #tpu.memory_space<vmem>>, vector<16xf32>,
        tpu.vector_store %arg7[%swap3A_1184, %swap3A_1185, %swap3A_1186], %mul3A_1182 {strides = array<i32>} : memref<2x128x64xf32, #tpu.memory_space<vmem>>, vector<16xf32>,
        %get3A_1188 = arith.constant 0 : i32
        %get3A_1189 = arith.index_cast %get3A_1188 : i32 to index
        %get3A_1190 = arith.index_cast %scan3A_1161 : i32 to index
        %get3A_1191 = arith.constant 32 : index
        %get3A_1192 = tpu.vector_load %arg6[%get3A_1189, %get3A_1190, %get3A_1191] {strides = array<i32>} : memref<4x128x128xf32, #tpu.memory_space<vmem>>, vector<16xf32>,
        %mul3A_1193 = arith.constant 1.000000e+00 : f32
        %mul3A_1194 = vector.broadcast %mul3A_1193 : f32 to vector<16xf32>
        %mul3A_1195 = arith.mulf %get3A_1192, %mul3A_1194 : vector<16xf32>
        %swap3A_1196 = arith.constant 0 : i32
        %swap3A_1197 = arith.index_cast %swap3A_1196 : i32 to index
        %swap3A_1198 = arith.index_cast %scan3A_1161 : i32 to index
        %swap3A_1199 = arith.constant 32 : index
        %swap3A_1200 = tpu.vector_load %arg7[%swap3A_1197, %swap3A_1198, %swap3A_1199] {strides = array<i32>} : memref<2x128x64xf32, #tpu.memory_space<vmem>>, vector<16xf32>,
        tpu.vector_store %arg7[%swap3A_1197, %swap3A_1198, %swap3A_1199], %mul3A_1195 {strides = array<i32>} : memref<2x128x64xf32, #tpu.memory_space<vmem>>, vector<16xf32>,
        %get3A_1201 = arith.constant 0 : i32
        %get3A_1202 = arith.index_cast %get3A_1201 : i32 to index
        %get3A_1203 = arith.index_cast %scan3A_1161 : i32 to index
        %get3A_1204 = arith.constant 48 : index
        %get3A_1205 = tpu.vector_load %arg6[%get3A_1202, %get3A_1203, %get3A_1204] {strides = array<i32>} : memref<4x128x128xf32, #tpu.memory_space<vmem>>, vector<16xf32>,
        %mul3A_1206 = arith.constant 1.000000e+00 : f32
        %mul3A_1207 = vector.broadcast %mul3A_1206 : f32 to vector<16xf32>
        %mul3A_1208 = arith.mulf %get3A_1205, %mul3A_1207 : vector<16xf32>
        %swap3A_1209 = arith.constant 0 : i32
        %swap3A_1210 = arith.index_cast %swap3A_1209 : i32 to index
        %swap3A_1211 = arith.index_cast %scan3A_1161 : i32 to index
        %swap3A_1212 = arith.constant 48 : index
        %swap3A_1213 = tpu.vector_load %arg7[%swap3A_1210, %swap3A_1211, %swap3A_1212] {strides = array<i32>} : memref<2x128x64xf32, #tpu.memory_space<vmem>>, vector<16xf32>,
        tpu.vector_store %arg7[%swap3A_1210, %swap3A_1211, %swap3A_1212], %mul3A_1208 {strides = array<i32>} : memref<2x128x64xf32, #tpu.memory_space<vmem>>, vector<16xf32>,
        %scan3A_1214 = arith.constant 2 : i32
        %scan3A_1215 = arith.addi %scan3A_1109, %scan3A_1214 : i32
        %get3A_1216 = arith.constant 0 : i32
        %get3A_1217 = arith.index_cast %get3A_1216 : i32 to index
        %get3A_1218 = arith.index_cast %scan3A_1215 : i32 to index
        %get3A_1219 = arith.constant 0 : index
        %get3A_1220 = tpu.vector_load %arg6[%get3A_1217, %get3A_1218, %get3A_1219] {strides = array<i32>} : memref<4x128x128xf32, #tpu.memory_space<vmem>>, vector<16xf32>,
        %mul3A_1221 = arith.constant 1.000000e+00 : f32
        %mul3A_1222 = vector.broadcast %mul3A_1221 : f32 to vector<16xf32>
        %mul3A_1223 = arith.mulf %get3A_1220, %mul3A_1222 : vector<16xf32>
        %swap3A_1224 = arith.constant 0 : i32
        %swap3A_1225 = arith.index_cast %swap3A_1224 : i32 to index
        %swap3A_1226 = arith.index_cast %scan3A_1215 : i32 to index
        %swap3A_1227 = arith.constant 0 : index
        %swap3A_1228 = tpu.vector_load %arg7[%swap3A_1225, %swap3A_1226, %swap3A_1227] {strides = array<i32>} : memref<2x128x64xf32, #tpu.memory_space<vmem>>, vector<16xf32>,
        tpu.vector_store %arg7[%swap3A_1225, %swap3A_1226, %swap3A_1227], %mul3A_1223 {strides = array<i32>} : memref<2x128x64xf32, #tpu.memory_space<vmem>>, vector<16xf32>,
        %get3A_1229 = arith.constant 0 : i32
        %get3A_1230 = arith.index_cast %get3A_1229 : i32 to index
        %get3A_1231 = arith.index_cast %scan3A_1215 : i32 to index
        %get3A_1232 = arith.constant 16 : index
        %get3A_1233 = tpu.vector_load %arg6[%get3A_1230, %get3A_1231, %get3A_1232] {strides = array<i32>} : memref<4x128x128xf32, #tpu.memory_space<vmem>>, vector<16xf32>,
        %mul3A_1234 = arith.constant 1.000000e+00 : f32
        %mul3A_1235 = vector.broadcast %mul3A_1234 : f32 to vector<16xf32>
        %mul3A_1236 = arith.mulf %get3A_1233, %mul3A_1235 : vector<16xf32>
        %swap3A_1237 = arith.constant 0 : i32
        %swap3A_1238 = arith.index_cast %swap3A_1237 : i32 to index
        %swap3A_1239 = arith.index_cast %scan3A_1215 : i32 to index
        %swap3A_1240 = arith.constant 16 : index
        %swap3A_1241 = tpu.vector_load %arg7[%swap3A_1238, %swap3A_1239, %swap3A_1240] {strides = array<i32>} : memref<2x128x64xf32, #tpu.memory_space<vmem>>, vector<16xf32>,
        tpu.vector_store %arg7[%swap3A_1238, %swap3A_1239, %swap3A_1240], %mul3A_1236 {strides = array<i32>} : memref<2x128x64xf32, #tpu.memory_space<vmem>>, vector<16xf32>,
        %get3A_1242 = arith.constant 0 : i32
        %get3A_1243 = arith.index_cast %get3A_1242 : i32 to index
        %get3A_1244 = arith.index_cast %scan3A_1215 : i32 to index
        %get3A_1245 = arith.constant 32 : index
        %get3A_1246 = tpu.vector_load %arg6[%get3A_1243, %get3A_1244, %get3A_1245] {strides = array<i32>} : memref<4x128x128xf32, #tpu.memory_space<vmem>>, vector<16xf32>,
        %mul3A_1247 = arith.constant 1.000000e+00 : f32
        %mul3A_1248 = vector.broadcast %mul3A_1247 : f32 to vector<16xf32>
        %mul3A_1249 = arith.mulf %get3A_1246, %mul3A_1248 : vector<16xf32>
        %swap3A_1250 = arith.constant 0 : i32
        %swap3A_1251 = arith.index_cast %swap3A_1250 : i32 to index
        %swap3A_1252 = arith.index_cast %scan3A_1215 : i32 to index
        %swap3A_1253 = arith.constant 32 : index
        %swap3A_1254 = tpu.vector_load %arg7[%swap3A_1251, %swap3A_1252, %swap3A_1253] {strides = array<i32>} : memref<2x128x64xf32, #tpu.memory_space<vmem>>, vector<16xf32>,
        tpu.vector_store %arg7[%swap3A_1251, %swap3A_1252, %swap3A_1253], %mul3A_1249 {strides = array<i32>} : memref<2x128x64xf32, #tpu.memory_space<vmem>>, vector<16xf32>,
        %get3A_1255 = arith.constant 0 : i32
        %get3A_1256 = arith.index_cast %get3A_1255 : i32 to index
        %get3A_1257 = arith.index_cast %scan3A_1215 : i32 to index
        %get3A_1258 = arith.constant 48 : index
        %get3A_1259 = tpu.vector_load %arg6[%get3A_1256, %get3A_1257, %get3A_1258] {strides = array<i32>} : memref<4x128x128xf32, #tpu.memory_space<vmem>>, vector<16xf32>,
        %mul3A_1260 = arith.constant 1.000000e+00 : f32
        %mul3A_1261 = vector.broadcast %mul3A_1260 : f32 to vector<16xf32>
        %mul3A_1262 = arith.mulf %get3A_1259, %mul3A_1261 : vector<16xf32>
        %swap3A_1263 = arith.constant 0 : i32
        %swap3A_1264 = arith.index_cast %swap3A_1263 : i32 to index
        %swap3A_1265 = arith.index_cast %scan3A_1215 : i32 to index
        %swap3A_1266 = arith.constant 48 : index
        %swap3A_1267 = tpu.vector_load %arg7[%swap3A_1264, %swap3A_1265, %swap3A_1266] {strides = array<i32>} : memref<2x128x64xf32, #tpu.memory_space<vmem>>, vector<16xf32>,
        tpu.vector_store %arg7[%swap3A_1264, %swap3A_1265, %swap3A_1266], %mul3A_1262 {strides = array<i32>} : memref<2x128x64xf32, #tpu.memory_space<vmem>>, vector<16xf32>,
        %scan3A_1268 = arith.constant 3 : i32
        %scan3A_1269 = arith.addi %scan3A_1109, %scan3A_1268 : i32
        %get3A_1270 = arith.constant 0 : i32
        %get3A_1271 = arith.index_cast %get3A_1270 : i32 to index
        %get3A_1272 = arith.index_cast %scan3A_1269 : i32 to index
        %get3A_1273 = arith.constant 0 : index
        %get3A_1274 = tpu.vector_load %arg6[%get3A_1271, %get3A_1272, %get3A_1273] {strides = array<i32>} : memref<4x128x128xf32, #tpu.memory_space<vmem>>, vector<16xf32>,
        %mul3A_1275 = arith.constant 1.000000e+00 : f32
        %mul3A_1276 = vector.broadcast %mul3A_1275 : f32 to vector<16xf32>
        %mul3A_1277 = arith.mulf %get3A_1274, %mul3A_1276 : vector<16xf32>
        %swap3A_1278 = arith.constant 0 : i32
        %swap3A_1279 = arith.index_cast %swap3A_1278 : i32 to index
        %swap3A_1280 = arith.index_cast %scan3A_1269 : i32 to index
        %swap3A_1281 = arith.constant 0 : index
        %swap3A_1282 = tpu.vector_load %arg7[%swap3A_1279, %swap3A_1280, %swap3A_1281] {strides = array<i32>} : memref<2x128x64xf32, #tpu.memory_space<vmem>>, vector<16xf32>,
        tpu.vector_store %arg7[%swap3A_1279, %swap3A_1280, %swap3A_1281], %mul3A_1277 {strides = array<i32>} : memref<2x128x64xf32, #tpu.memory_space<vmem>>, vector<16xf32>,
        %get3A_1283 = arith.constant 0 : i32
        %get3A_1284 = arith.index_cast %get3A_1283 : i32 to index
        %get3A_1285 = arith.index_cast %scan3A_1269 : i32 to index
        %get3A_1286 = arith.constant 16 : index
        %get3A_1287 = tpu.vector_load %arg6[%get3A_1284, %get3A_1285, %get3A_1286] {strides = array<i32>} : memref<4x128x128xf32, #tpu.memory_space<vmem>>, vector<16xf32>,
        %mul3A_1288 = arith.constant 1.000000e+00 : f32
        %mul3A_1289 = vector.broadcast %mul3A_1288 : f32 to vector<16xf32>
        %mul3A_1290 = arith.mulf %get3A_1287, %mul3A_1289 : vector<16xf32>
        %swap3A_1291 = arith.constant 0 : i32
        %swap3A_1292 = arith.index_cast %swap3A_1291 : i32 to index
        %swap3A_1293 = arith.index_cast %scan3A_1269 : i32 to index
        %swap3A_1294 = arith.constant 16 : index
        %swap3A_1295 = tpu.vector_load %arg7[%swap3A_1292, %swap3A_1293, %swap3A_1294] {strides = array<i32>} : memref<2x128x64xf32, #tpu.memory_space<vmem>>, vector<16xf32>,
        tpu.vector_store %arg7[%swap3A_1292, %swap3A_1293, %swap3A_1294], %mul3A_1290 {strides = array<i32>} : memref<2x128x64xf32, #tpu.memory_space<vmem>>, vector<16xf32>,
        %get3A_1296 = arith.constant 0 : i32
        %get3A_1297 = arith.index_cast %get3A_1296 : i32 to index
        %get3A_1298 = arith.index_cast %scan3A_1269 : i32 to index
        %get3A_1299 = arith.constant 32 : index
        %get3A_1300 = tpu.vector_load %arg6[%get3A_1297, %get3A_1298, %get3A_1299] {strides = array<i32>} : memref<4x128x128xf32, #tpu.memory_space<vmem>>, vector<16xf32>,
        %mul3A_1301 = arith.constant 1.000000e+00 : f32
        %mul3A_1302 = vector.broadcast %mul3A_1301 : f32 to vector<16xf32>
        %mul3A_1303 = arith.mulf %get3A_1300, %mul3A_1302 : vector<16xf32>
        %swap3A_1304 = arith.constant 0 : i32
        %swap3A_1305 = arith.index_cast %swap3A_1304 : i32 to index
        %swap3A_1306 = arith.index_cast %scan3A_1269 : i32 to index
        %swap3A_1307 = arith.constant 32 : index
        %swap3A_1308 = tpu.vector_load %arg7[%swap3A_1305, %swap3A_1306, %swap3A_1307] {strides = array<i32>} : memref<2x128x64xf32, #tpu.memory_space<vmem>>, vector<16xf32>,
        tpu.vector_store %arg7[%swap3A_1305, %swap3A_1306, %swap3A_1307], %mul3A_1303 {strides = array<i32>} : memref<2x128x64xf32, #tpu.memory_space<vmem>>, vector<16xf32>,
        %get3A_1309 = arith.constant 0 : i32
        %get3A_1310 = arith.index_cast %get3A_1309 : i32 to index
        %get3A_1311 = arith.index_cast %scan3A_1269 : i32 to index
        %get3A_1312 = arith.constant 48 : index
        %get3A_1313 = tpu.vector_load %arg6[%get3A_1310, %get3A_1311, %get3A_1312] {strides = array<i32>} : memref<4x128x128xf32, #tpu.memory_space<vmem>>, vector<16xf32>,
        %mul3A_1314 = arith.constant 1.000000e+00 : f32
        %mul3A_1315 = vector.broadcast %mul3A_1314 : f32 to vector<16xf32>
        %mul3A_1316 = arith.mulf %get3A_1313, %mul3A_1315 : vector<16xf32>
        %swap3A_1317 = arith.constant 0 : i32
        %swap3A_1318 = arith.index_cast %swap3A_1317 : i32 to index
        %swap3A_1319 = arith.index_cast %scan3A_1269 : i32 to index
        %swap3A_1320 = arith.constant 48 : index
        %swap3A_1321 = tpu.vector_load %arg7[%swap3A_1318, %swap3A_1319, %swap3A_1320] {strides = array<i32>} : memref<2x128x64xf32, #tpu.memory_space<vmem>>, vector<16xf32>,
        tpu.vector_store %arg7[%swap3A_1318, %swap3A_1319, %swap3A_1320], %mul3A_1316 {strides = array<i32>} : memref<2x128x64xf32, #tpu.memory_space<vmem>>, vector<16xf32>,
        %scan3A_1322 = arith.constant 4 : i32
        %scan3A_1323 = arith.addi %scan3A_1109, %scan3A_1322 : i32
        %get3A_1324 = arith.constant 0 : i32
        %get3A_1325 = arith.index_cast %get3A_1324 : i32 to index
        %get3A_1326 = arith.index_cast %scan3A_1323 : i32 to index
        %get3A_1327 = arith.constant 0 : index
        %get3A_1328 = tpu.vector_load %arg6[%get3A_1325, %get3A_1326, %get3A_1327] {strides = array<i32>} : memref<4x128x128xf32, #tpu.memory_space<vmem>>, vector<16xf32>,
        %mul3A_1329 = arith.constant 1.000000e+00 : f32
        %mul3A_1330 = vector.broadcast %mul3A_1329 : f32 to vector<16xf32>
        %mul3A_1331 = arith.mulf %get3A_1328, %mul3A_1330 : vector<16xf32>
        %swap3A_1332 = arith.constant 0 : i32
        %swap3A_1333 = arith.index_cast %swap3A_1332 : i32 to index
        %swap3A_1334 = arith.index_cast %scan3A_1323 : i32 to index
        %swap3A_1335 = arith.constant 0 : index
        %swap3A_1336 = tpu.vector_load %arg7[%swap3A_1333, %swap3A_1334, %swap3A_1335] {strides = array<i32>} : memref<2x128x64xf32, #tpu.memory_space<vmem>>, vector<16xf32>,
        tpu.vector_store %arg7[%swap3A_1333, %swap3A_1334, %swap3A_1335], %mul3A_1331 {strides = array<i32>} : memref<2x128x64xf32, #tpu.memory_space<vmem>>, vector<16xf32>,
        %get3A_1337 = arith.constant 0 : i32
        %get3A_1338 = arith.index_cast %get3A_1337 : i32 to index
        %get3A_1339 = arith.index_cast %scan3A_1323 : i32 to index
        %get3A_1340 = arith.constant 16 : index
        %get3A_1341 = tpu.vector_load %arg6[%get3A_1338, %get3A_1339, %get3A_1340] {strides = array<i32>} : memref<4x128x128xf32, #tpu.memory_space<vmem>>, vector<16xf32>,
        %mul3A_1342 = arith.constant 1.000000e+00 : f32
        %mul3A_1343 = vector.broadcast %mul3A_1342 : f32 to vector<16xf32>
        %mul3A_1344 = arith.mulf %get3A_1341, %mul3A_1343 : vector<16xf32>
        %swap3A_1345 = arith.constant 0 : i32
        %swap3A_1346 = arith.index_cast %swap3A_1345 : i32 to index
        %swap3A_1347 = arith.index_cast %scan3A_1323 : i32 to index
        %swap3A_1348 = arith.constant 16 : index
        %swap3A_1349 = tpu.vector_load %arg7[%swap3A_1346, %swap3A_1347, %swap3A_1348] {strides = array<i32>} : memref<2x128x64xf32, #tpu.memory_space<vmem>>, vector<16xf32>,
        tpu.vector_store %arg7[%swap3A_1346, %swap3A_1347, %swap3A_1348], %mul3A_1344 {strides = array<i32>} : memref<2x128x64xf32, #tpu.memory_space<vmem>>, vector<16xf32>,
        %get3A_1350 = arith.constant 0 : i32
        %get3A_1351 = arith.index_cast %get3A_1350 : i32 to index
        %get3A_1352 = arith.index_cast %scan3A_1323 : i32 to index
        %get3A_1353 = arith.constant 32 : index
        %get3A_1354 = tpu.vector_load %arg6[%get3A_1351, %get3A_1352, %get3A_1353] {strides = array<i32>} : memref<4x128x128xf32, #tpu.memory_space<vmem>>, vector<16xf32>,
        %mul3A_1355 = arith.constant 1.000000e+00 : f32
        %mul3A_1356 = vector.broadcast %mul3A_1355 : f32 to vector<16xf32>
        %mul3A_1357 = arith.mulf %get3A_1354, %mul3A_1356 : vector<16xf32>
        %swap3A_1358 = arith.constant 0 : i32
        %swap3A_1359 = arith.index_cast %swap3A_1358 : i32 to index
        %swap3A_1360 = arith.index_cast %scan3A_1323 : i32 to index
        %swap3A_1361 = arith.constant 32 : index
        %swap3A_1362 = tpu.vector_load %arg7[%swap3A_1359, %swap3A_1360, %swap3A_1361] {strides = array<i32>} : memref<2x128x64xf32, #tpu.memory_space<vmem>>, vector<16xf32>,
        tpu.vector_store %arg7[%swap3A_1359, %swap3A_1360, %swap3A_1361], %mul3A_1357 {strides = array<i32>} : memref<2x128x64xf32, #tpu.memory_space<vmem>>, vector<16xf32>,
        %get3A_1363 = arith.constant 0 : i32
        %get3A_1364 = arith.index_cast %get3A_1363 : i32 to index
        %get3A_1365 = arith.index_cast %scan3A_1323 : i32 to index
        %get3A_1366 = arith.constant 48 : index
        %get3A_1367 = tpu.vector_load %arg6[%get3A_1364, %get3A_1365, %get3A_1366] {strides = array<i32>} : memref<4x128x128xf32, #tpu.memory_space<vmem>>, vector<16xf32>,
        %mul3A_1368 = arith.constant 1.000000e+00 : f32
        %mul3A_1369 = vector.broadcast %mul3A_1368 : f32 to vector<16xf32>
        %mul3A_1370 = arith.mulf %get3A_1367, %mul3A_1369 : vector<16xf32>
        %swap3A_1371 = arith.constant 0 : i32
        %swap3A_1372 = arith.index_cast %swap3A_1371 : i32 to index
        %swap3A_1373 = arith.index_cast %scan3A_1323 : i32 to index
        %swap3A_1374 = arith.constant 48 : index
        %swap3A_1375 = tpu.vector_load %arg7[%swap3A_1372, %swap3A_1373, %swap3A_1374] {strides = array<i32>} : memref<2x128x64xf32, #tpu.memory_space<vmem>>, vector<16xf32>,
        tpu.vector_store %arg7[%swap3A_1372, %swap3A_1373, %swap3A_1374], %mul3A_1370 {strides = array<i32>} : memref<2x128x64xf32, #tpu.memory_space<vmem>>, vector<16xf32>,
        %scan3A_1376 = arith.constant 5 : i32
        %scan3A_1377 = arith.addi %scan3A_1109, %scan3A_1376 : i32
        %get3A_1378 = arith.constant 0 : i32
        %get3A_1379 = arith.index_cast %get3A_1378 : i32 to index
        %get3A_1380 = arith.index_cast %scan3A_1377 : i32 to index
        %get3A_1381 = arith.constant 0 : index
        %get3A_1382 = tpu.vector_load %arg6[%get3A_1379, %get3A_1380, %get3A_1381] {strides = array<i32>} : memref<4x128x128xf32, #tpu.memory_space<vmem>>, vector<16xf32>,
        %mul3A_1383 = arith.constant 1.000000e+00 : f32
        %mul3A_1384 = vector.broadcast %mul3A_1383 : f32 to vector<16xf32>
        %mul3A_1385 = arith.mulf %get3A_1382, %mul3A_1384 : vector<16xf32>
        %swap3A_1386 = arith.constant 0 : i32
        %swap3A_1387 = arith.index_cast %swap3A_1386 : i32 to index
        %swap3A_1388 = arith.index_cast %scan3A_1377 : i32 to index
        %swap3A_1389 = arith.constant 0 : index
        %swap3A_1390 = tpu.vector_load %arg7[%swap3A_1387, %swap3A_1388, %swap3A_1389] {strides = array<i32>} : memref<2x128x64xf32, #tpu.memory_space<vmem>>, vector<16xf32>,
        tpu.vector_store %arg7[%swap3A_1387, %swap3A_1388, %swap3A_1389], %mul3A_1385 {strides = array<i32>} : memref<2x128x64xf32, #tpu.memory_space<vmem>>, vector<16xf32>,
        %get3A_1391 = arith.constant 0 : i32
        %get3A_1392 = arith.index_cast %get3A_1391 : i32 to index
        %get3A_1393 = arith.index_cast %scan3A_1377 : i32 to index
        %get3A_1394 = arith.constant 16 : index
        %get3A_1395 = tpu.vector_load %arg6[%get3A_1392, %get3A_1393, %get3A_1394] {strides = array<i32>} : memref<4x128x128xf32, #tpu.memory_space<vmem>>, vector<16xf32>,
        %mul3A_1396 = arith.constant 1.000000e+00 : f32
        %mul3A_1397 = vector.broadcast %mul3A_1396 : f32 to vector<16xf32>
        %mul3A_1398 = arith.mulf %get3A_1395, %mul3A_1397 : vector<16xf32>
        %swap3A_1399 = arith.constant 0 : i32
        %swap3A_1400 = arith.index_cast %swap3A_1399 : i32 to index
        %swap3A_1401 = arith.index_cast %scan3A_1377 : i32 to index
        %swap3A_1402 = arith.constant 16 : index
        %swap3A_1403 = tpu.vector_load %arg7[%swap3A_1400, %swap3A_1401, %swap3A_1402] {strides = array<i32>} : memref<2x128x64xf32, #tpu.memory_space<vmem>>, vector<16xf32>,
        tpu.vector_store %arg7[%swap3A_1400, %swap3A_1401, %swap3A_1402], %mul3A_1398 {strides = array<i32>} : memref<2x128x64xf32, #tpu.memory_space<vmem>>, vector<16xf32>,
        %get3A_1404 = arith.constant 0 : i32
        %get3A_1405 = arith.index_cast %get3A_1404 : i32 to index
        %get3A_1406 = arith.index_cast %scan3A_1377 : i32 to index
        %get3A_1407 = arith.constant 32 : index
        %get3A_1408 = tpu.vector_load %arg6[%get3A_1405, %get3A_1406, %get3A_1407] {strides = array<i32>} : memref<4x128x128xf32, #tpu.memory_space<vmem>>, vector<16xf32>,
        %mul3A_1409 = arith.constant 1.000000e+00 : f32
        %mul3A_1410 = vector.broadcast %mul3A_1409 : f32 to vector<16xf32>
        %mul3A_1411 = arith.mulf %get3A_1408, %mul3A_1410 : vector<16xf32>
        %swap3A_1412 = arith.constant 0 : i32
        %swap3A_1413 = arith.index_cast %swap3A_1412 : i32 to index
        %swap3A_1414 = arith.index_cast %scan3A_1377 : i32 to index
        %swap3A_1415 = arith.constant 32 : index
        %swap3A_1416 = tpu.vector_load %arg7[%swap3A_1413, %swap3A_1414, %swap3A_1415] {strides = array<i32>} : memref<2x128x64xf32, #tpu.memory_space<vmem>>, vector<16xf32>,
        tpu.vector_store %arg7[%swap3A_1413, %swap3A_1414, %swap3A_1415], %mul3A_1411 {strides = array<i32>} : memref<2x128x64xf32, #tpu.memory_space<vmem>>, vector<16xf32>,
        %get3A_1417 = arith.constant 0 : i32
        %get3A_1418 = arith.index_cast %get3A_1417 : i32 to index
        %get3A_1419 = arith.index_cast %scan3A_1377 : i32 to index
        %get3A_1420 = arith.constant 48 : index
        %get3A_1421 = tpu.vector_load %arg6[%get3A_1418, %get3A_1419, %get3A_1420] {strides = array<i32>} : memref<4x128x128xf32, #tpu.memory_space<vmem>>, vector<16xf32>,
        %mul3A_1422 = arith.constant 1.000000e+00 : f32
        %mul3A_1423 = vector.broadcast %mul3A_1422 : f32 to vector<16xf32>
        %mul3A_1424 = arith.mulf %get3A_1421, %mul3A_1423 : vector<16xf32>
        %swap3A_1425 = arith.constant 0 : i32
        %swap3A_1426 = arith.index_cast %swap3A_1425 : i32 to index
        %swap3A_1427 = arith.index_cast %scan3A_1377 : i32 to index
        %swap3A_1428 = arith.constant 48 : index
        %swap3A_1429 = tpu.vector_load %arg7[%swap3A_1426, %swap3A_1427, %swap3A_1428] {strides = array<i32>} : memref<2x128x64xf32, #tpu.memory_space<vmem>>, vector<16xf32>,
        tpu.vector_store %arg7[%swap3A_1426, %swap3A_1427, %swap3A_1428], %mul3A_1424 {strides = array<i32>} : memref<2x128x64xf32, #tpu.memory_space<vmem>>, vector<16xf32>,
        %scan3A_1430 = arith.constant 6 : i32
        %scan3A_1431 = arith.addi %scan3A_1109, %scan3A_1430 : i32
        %get3A_1432 = arith.constant 0 : i32
        %get3A_1433 = arith.index_cast %get3A_1432 : i32 to index
        %get3A_1434 = arith.index_cast %scan3A_1431 : i32 to index
        %get3A_1435 = arith.constant 0 : index
        %get3A_1436 = tpu.vector_load %arg6[%get3A_1433, %get3A_1434, %get3A_1435] {strides = array<i32>} : memref<4x128x128xf32, #tpu.memory_space<vmem>>, vector<16xf32>,
        %mul3A_1437 = arith.constant 1.000000e+00 : f32
        %mul3A_1438 = vector.broadcast %mul3A_1437 : f32 to vector<16xf32>
        %mul3A_1439 = arith.mulf %get3A_1436, %mul3A_1438 : vector<16xf32>
        %swap3A_1440 = arith.constant 0 : i32
        %swap3A_1441 = arith.index_cast %swap3A_1440 : i32 to index
        %swap3A_1442 = arith.index_cast %scan3A_1431 : i32 to index
        %swap3A_1443 = arith.constant 0 : index
        %swap3A_1444 = tpu.vector_load %arg7[%swap3A_1441, %swap3A_1442, %swap3A_1443] {strides = array<i32>} : memref<2x128x64xf32, #tpu.memory_space<vmem>>, vector<16xf32>,
        tpu.vector_store %arg7[%swap3A_1441, %swap3A_1442, %swap3A_1443], %mul3A_1439 {strides = array<i32>} : memref<2x128x64xf32, #tpu.memory_space<vmem>>, vector<16xf32>,
        %get3A_1445 = arith.constant 0 : i32
        %get3A_1446 = arith.index_cast %get3A_1445 : i32 to index
        %get3A_1447 = arith.index_cast %scan3A_1431 : i32 to index
        %get3A_1448 = arith.constant 16 : index
        %get3A_1449 = tpu.vector_load %arg6[%get3A_1446, %get3A_1447, %get3A_1448] {strides = array<i32>} : memref<4x128x128xf32, #tpu.memory_space<vmem>>, vector<16xf32>,
        %mul3A_1450 = arith.constant 1.000000e+00 : f32
        %mul3A_1451 = vector.broadcast %mul3A_1450 : f32 to vector<16xf32>
        %mul3A_1452 = arith.mulf %get3A_1449, %mul3A_1451 : vector<16xf32>
        %swap3A_1453 = arith.constant 0 : i32
        %swap3A_1454 = arith.index_cast %swap3A_1453 : i32 to index
        %swap3A_1455 = arith.index_cast %scan3A_1431 : i32 to index
        %swap3A_1456 = arith.constant 16 : index
        %swap3A_1457 = tpu.vector_load %arg7[%swap3A_1454, %swap3A_1455, %swap3A_1456] {strides = array<i32>} : memref<2x128x64xf32, #tpu.memory_space<vmem>>, vector<16xf32>,
        tpu.vector_store %arg7[%swap3A_1454, %swap3A_1455, %swap3A_1456], %mul3A_1452 {strides = array<i32>} : memref<2x128x64xf32, #tpu.memory_space<vmem>>, vector<16xf32>,
        %get3A_1458 = arith.constant 0 : i32
        %get3A_1459 = arith.index_cast %get3A_1458 : i32 to index
        %get3A_1460 = arith.index_cast %scan3A_1431 : i32 to index
        %get3A_1461 = arith.constant 32 : index
        %get3A_1462 = tpu.vector_load %arg6[%get3A_1459, %get3A_1460, %get3A_1461] {strides = array<i32>} : memref<4x128x128xf32, #tpu.memory_space<vmem>>, vector<16xf32>,
        %mul3A_1463 = arith.constant 1.000000e+00 : f32
        %mul3A_1464 = vector.broadcast %mul3A_1463 : f32 to vector<16xf32>
        %mul3A_1465 = arith.mulf %get3A_1462, %mul3A_1464 : vector<16xf32>
        %swap3A_1466 = arith.constant 0 : i32
        %swap3A_1467 = arith.index_cast %swap3A_1466 : i32 to index
        %swap3A_1468 = arith.index_cast %scan3A_1431 : i32 to index
        %swap3A_1469 = arith.constant 32 : index
        %swap3A_1470 = tpu.vector_load %arg7[%swap3A_1467, %swap3A_1468, %swap3A_1469] {strides = array<i32>} : memref<2x128x64xf32, #tpu.memory_space<vmem>>, vector<16xf32>,
        tpu.vector_store %arg7[%swap3A_1467, %swap3A_1468, %swap3A_1469], %mul3A_1465 {strides = array<i32>} : memref<2x128x64xf32, #tpu.memory_space<vmem>>, vector<16xf32>,
        %get3A_1471 = arith.constant 0 : i32
        %get3A_1472 = arith.index_cast %get3A_1471 : i32 to index
        %get3A_1473 = arith.index_cast %scan3A_1431 : i32 to index
        %get3A_1474 = arith.constant 48 : index
        %get3A_1475 = tpu.vector_load %arg6[%get3A_1472, %get3A_1473, %get3A_1474] {strides = array<i32>} : memref<4x128x128xf32, #tpu.memory_space<vmem>>, vector<16xf32>,
        %mul3A_1476 = arith.constant 1.000000e+00 : f32
        %mul3A_1477 = vector.broadcast %mul3A_1476 : f32 to vector<16xf32>
        %mul3A_1478 = arith.mulf %get3A_1475, %mul3A_1477 : vector<16xf32>
        %swap3A_1479 = arith.constant 0 : i32
        %swap3A_1480 = arith.index_cast %swap3A_1479 : i32 to index
        %swap3A_1481 = arith.index_cast %scan3A_1431 : i32 to index
        %swap3A_1482 = arith.constant 48 : index
        %swap3A_1483 = tpu.vector_load %arg7[%swap3A_1480, %swap3A_1481, %swap3A_1482] {strides = array<i32>} : memref<2x128x64xf32, #tpu.memory_space<vmem>>, vector<16xf32>,
        tpu.vector_store %arg7[%swap3A_1480, %swap3A_1481, %swap3A_1482], %mul3A_1478 {strides = array<i32>} : memref<2x128x64xf32, #tpu.memory_space<vmem>>, vector<16xf32>,
        %scan3A_1484 = arith.constant 7 : i32
        %scan3A_1485 = arith.addi %scan3A_1109, %scan3A_1484 : i32
        %get3A_1486 = arith.constant 0 : i32
        %get3A_1487 = arith.index_cast %get3A_1486 : i32 to index
        %get3A_1488 = arith.index_cast %scan3A_1485 : i32 to index
        %get3A_1489 = arith.constant 0 : index
        %get3A_1490 = tpu.vector_load %arg6[%get3A_1487, %get3A_1488, %get3A_1489] {strides = array<i32>} : memref<4x128x128xf32, #tpu.memory_space<vmem>>, vector<16xf32>,
        %mul3A_1491 = arith.constant 1.000000e+00 : f32
        %mul3A_1492 = vector.broadcast %mul3A_1491 : f32 to vector<16xf32>
        %mul3A_1493 = arith.mulf %get3A_1490, %mul3A_1492 : vector<16xf32>
        %swap3A_1494 = arith.constant 0 : i32
        %swap3A_1495 = arith.index_cast %swap3A_1494 : i32 to index
        %swap3A_1496 = arith.index_cast %scan3A_1485 : i32 to index
        %swap3A_1497 = arith.constant 0 : index
        %swap3A_1498 = tpu.vector_load %arg7[%swap3A_1495, %swap3A_1496, %swap3A_1497] {strides = array<i32>} : memref<2x128x64xf32, #tpu.memory_space<vmem>>, vector<16xf32>,
        tpu.vector_store %arg7[%swap3A_1495, %swap3A_1496, %swap3A_1497], %mul3A_1493 {strides = array<i32>} : memref<2x128x64xf32, #tpu.memory_space<vmem>>, vector<16xf32>,
        %get3A_1499 = arith.constant 0 : i32
        %get3A_1500 = arith.index_cast %get3A_1499 : i32 to index
        %get3A_1501 = arith.index_cast %scan3A_1485 : i32 to index
        %get3A_1502 = arith.constant 16 : index
        %get3A_1503 = tpu.vector_load %arg6[%get3A_1500, %get3A_1501, %get3A_1502] {strides = array<i32>} : memref<4x128x128xf32, #tpu.memory_space<vmem>>, vector<16xf32>,
        %mul3A_1504 = arith.constant 1.000000e+00 : f32
        %mul3A_1505 = vector.broadcast %mul3A_1504 : f32 to vector<16xf32>
        %mul3A_1506 = arith.mulf %get3A_1503, %mul3A_1505 : vector<16xf32>
        %swap3A_1507 = arith.constant 0 : i32
        %swap3A_1508 = arith.index_cast %swap3A_1507 : i32 to index
        %swap3A_1509 = arith.index_cast %scan3A_1485 : i32 to index
        %swap3A_1510 = arith.constant 16 : index
        %swap3A_1511 = tpu.vector_load %arg7[%swap3A_1508, %swap3A_1509, %swap3A_1510] {strides = array<i32>} : memref<2x128x64xf32, #tpu.memory_space<vmem>>, vector<16xf32>,
        tpu.vector_store %arg7[%swap3A_1508, %swap3A_1509, %swap3A_1510], %mul3A_1506 {strides = array<i32>} : memref<2x128x64xf32, #tpu.memory_space<vmem>>, vector<16xf32>,
        %get3A_1512 = arith.constant 0 : i32
        %get3A_1513 = arith.index_cast %get3A_1512 : i32 to index
        %get3A_1514 = arith.index_cast %scan3A_1485 : i32 to index
        %get3A_1515 = arith.constant 32 : index
        %get3A_1516 = tpu.vector_load %arg6[%get3A_1513, %get3A_1514, %get3A_1515] {strides = array<i32>} : memref<4x128x128xf32, #tpu.memory_space<vmem>>, vector<16xf32>,
        %mul3A_1517 = arith.constant 1.000000e+00 : f32
        %mul3A_1518 = vector.broadcast %mul3A_1517 : f32 to vector<16xf32>
        %mul3A_1519 = arith.mulf %get3A_1516, %mul3A_1518 : vector<16xf32>
        %swap3A_1520 = arith.constant 0 : i32
        %swap3A_1521 = arith.index_cast %swap3A_1520 : i32 to index
        %swap3A_1522 = arith.index_cast %scan3A_1485 : i32 to index
        %swap3A_1523 = arith.constant 32 : index
        %swap3A_1524 = tpu.vector_load %arg7[%swap3A_1521, %swap3A_1522, %swap3A_1523] {strides = array<i32>} : memref<2x128x64xf32, #tpu.memory_space<vmem>>, vector<16xf32>,
        tpu.vector_store %arg7[%swap3A_1521, %swap3A_1522, %swap3A_1523], %mul3A_1519 {strides = array<i32>} : memref<2x128x64xf32, #tpu.memory_space<vmem>>, vector<16xf32>,
        %get3A_1525 = arith.constant 0 : i32
        %get3A_1526 = arith.index_cast %get3A_1525 : i32 to index
        %get3A_1527 = arith.index_cast %scan3A_1485 : i32 to index
        %get3A_1528 = arith.constant 48 : index
        %get3A_1529 = tpu.vector_load %arg6[%get3A_1526, %get3A_1527, %get3A_1528] {strides = array<i32>} : memref<4x128x128xf32, #tpu.memory_space<vmem>>, vector<16xf32>,
        %mul3A_1530 = arith.constant 1.000000e+00 : f32
        %mul3A_1531 = vector.broadcast %mul3A_1530 : f32 to vector<16xf32>
        %mul3A_1532 = arith.mulf %get3A_1529, %mul3A_1531 : vector<16xf32>
        %swap3A_1533 = arith.constant 0 : i32
        %swap3A_1534 = arith.index_cast %swap3A_1533 : i32 to index
        %swap3A_1535 = arith.index_cast %scan3A_1485 : i32 to index
        %swap3A_1536 = arith.constant 48 : index
        %swap3A_1537 = tpu.vector_load %arg7[%swap3A_1534, %swap3A_1535, %swap3A_1536] {strides = array<i32>} : memref<2x128x64xf32, #tpu.memory_space<vmem>>, vector<16xf32>,
        tpu.vector_store %arg7[%swap3A_1534, %swap3A_1535, %swap3A_1536], %mul3A_1532 {strides = array<i32>} : memref<2x128x64xf32, #tpu.memory_space<vmem>>, vector<16xf32>,
      }
      %scan3A_171 = arith.constant 128 : i32
      %mul3A_172 = arith.constant 128 : i32
      %mul3A_173 = arith.muli %add3A_115, %mul3A_172 : i32
      %add3A_174 = arith.addi %mul3A_4, %mul3A_173 : i32
      %dma_start3A_175 = arith.constant 0 : i32
      %dma_start3A_176 = arith.constant 0 : i32
      %dma_start3A_177 = arith.constant 0 : i32
      %dma_start3A_178 = tpu.memref_slice %arg7[%dma_start3A_175, %dma_start3A_176, %dma_start3A_177] : memref<2x128x64xf32, #tpu.memory_space<vmem>> -> memref<1x128x64xf32, #tpu.memory_space<vmem>>
      %dma_start3A_179 = tpu.memref_squeeze %dma_start3A_178 : memref<1x128x64xf32, #tpu.memory_space<vmem>> -> memref<128x64xf32, #tpu.memory_space<vmem>>
      %dma_start3A_180 = arith.constant 0 : i32
      %dma_start3A_181 = tpu.memref_slice %arg4[%add3A_174, %dma_start3A_180] : memref<819200x64xf32, #tpu.memory_space<hbm>> -> memref<128x64xf32, #tpu.memory_space<hbm>>
      %dma_start3A_182 = arith.constant 0 : i32
      %dma_start3A_183 = tpu.memref_slice %arg4[%add3A_174, %dma_start3A_182] : memref<819200x64xf32, #tpu.memory_space<hbm>> -> memref<128x64xf32, #tpu.memory_space<hbm>>
      %dma_start3A_184 = arith.constant 0 : i32
      %dma_start3A_185 = arith.constant 0 : i32
      %dma_start3A_186 = tpu.memref_slice %arg7[%dma_start3A_175, %dma_start3A_184, %dma_start3A_185] : memref<2x128x64xf32, #tpu.memory_space<vmem>> -> memref<1x128x64xf32, #tpu.memory_space<vmem>>
      %dma_start3A_187 = tpu.memref_squeeze %dma_start3A_186 : memref<1x128x64xf32, #tpu.memory_space<vmem>> -> memref<128x64xf32, #tpu.memory_space<vmem>>
      tpu.enqueue_dma source(%dma_start3A_187 : memref<128x64xf32, #tpu.memory_space<vmem>>) target(%dma_start3A_183 : memref<128x64xf32, #tpu.memory_space<hbm>>) target_semaphore(%arg12 : memref<!tpu.dma_semaphore, #tpu.memory_space<semaphore_mem>>)
      %add3A_188 = arith.constant 3 : i32
      %add3A_189 = arith.addi %add3A_115, %add3A_188 : i32
      %jit3A_190 = arith.constant 8 : i32
      %div3A_191 = arith.divsi %add3A_189, %jit3A_190 : i32
      %sign3A_192 = arith.constant 0 : i32
      %sign3A_193 = arith.cmpi sgt, %add3A_189, %sign3A_192 : i32
      %sign3A_194 = arith.extui %sign3A_193 : i1 to i32
      %sign3A_195 = arith.constant 0 : i32
      %sign3A_196 = arith.cmpi slt, %add3A_189, %sign3A_195 : i32
      %sign3A_197 = arith.extui %sign3A_196 : i1 to i32
      %sign3A_198 = arith.subi %sign3A_194, %sign3A_197 : i32
      %sign3A_199 = arith.constant 0 : i32
      %sign3A_200 = arith.cmpi sgt, %jit3A_190, %sign3A_199 : i32
      %sign3A_201 = arith.extui %sign3A_200 : i1 to i32
      %sign3A_202 = arith.constant 0 : i32
      %sign3A_203 = arith.cmpi slt, %jit3A_190, %sign3A_202 : i32
      %sign3A_204 = arith.extui %sign3A_203 : i1 to i32
      %sign3A_205 = arith.subi %sign3A_201, %sign3A_204 : i32
      %ne3A_206 = arith.cmpi ne, %sign3A_198, %sign3A_205 : i32
      %rem3A_207 = arith.remsi %add3A_189, %jit3A_190 : i32
      %ne3A_208 = arith.constant 0 : i32
      %ne3A_209 = arith.cmpi ne, %rem3A_207, %ne3A_208 : i32
      %and3A_210 = arith.andi %ne3A_206, %ne3A_209 : i1
      %sub3A_211 = arith.constant 1 : i32
      %sub3A_212 = arith.subi %div3A_191, %sub3A_211 : i32
      %select_n3A_213 = arith.select %and3A_210, %sub3A_212, %div3A_191 : i32
      %jit3A_214 = arith.constant 2 : i32
      %eq3A_215 = arith.constant 0 : i32
      %eq3A_216 = arith.cmpi eq, %jit3A_214, %eq3A_215 : i32
      %jit3A_217 = arith.constant 1 : i32
      %select_n3A_218 = arith.select %eq3A_216, %jit3A_217, %jit3A_214 : i32
      %rem3A_219 = arith.remsi %select_n3A_213, %select_n3A_218 : i32
      %ne3A_220 = arith.constant 0 : i32
      %ne3A_221 = arith.cmpi ne, %rem3A_219, %ne3A_220 : i32
      %lt3A_222 = arith.constant 0 : i32
      %lt3A_223 = arith.cmpi slt, %rem3A_219, %lt3A_222 : i32
      %lt3A_224 = arith.constant 0 : i32
      %lt3A_225 = arith.cmpi slt, %select_n3A_218, %lt3A_224 : i32
      %ne3A_226 = arith.xori %lt3A_223, %lt3A_225 : i1
      %and3A_227 = arith.andi %ne3A_226, %ne3A_221 : i1
      %add3A_228 = arith.addi %rem3A_219, %select_n3A_218 : i32
      %select_n3A_229 = arith.select %and3A_227, %add3A_228, %rem3A_219 : i32
      %dma_start3A_230 = arith.constant 3 : i32
      %dma_start3A_231 = arith.constant 3 : i32
      %dma_start3A_232 = arith.constant 0 : i32
      %dma_start3A_233 = arith.constant 0 : i32
      %dma_start3A_234 = tpu.memref_slice %arg6[%dma_start3A_231, %dma_start3A_232, %dma_start3A_233] : memref<4x128x128xf32, #tpu.memory_space<vmem>> -> memref<1x128x128xf32, #tpu.memory_space<vmem>>
      %dma_start3A_235 = tpu.memref_squeeze %dma_start3A_234 : memref<1x128x128xf32, #tpu.memory_space<vmem>> -> memref<128x128xf32, #tpu.memory_space<vmem>>
      %dma_start3A_236 = arith.constant 0 : i32
      %dma_start3A_237 = tpu.memref_slice %arg5[%select_n3A_229, %dma_start3A_230, %dma_start3A_236] : memref<2x8x128xi32, #tpu.memory_space<vmem>> -> memref<1x1x128xi32, #tpu.memory_space<vmem>>
      %dma_start3A_238 = tpu.memref_squeeze %dma_start3A_237 : memref<1x1x128xi32, #tpu.memory_space<vmem>> -> memref<128xi32, #tpu.memory_space<vmem>>
      %dma_start3A_239 = arith.constant 0 : i32
      %dma_start3A_240 = arith.constant 0 : i32
      %dma_start3A_241 = tpu.memref_slice %arg2[%dma_start3A_239, %dma_start3A_240] : memref<1000000x128xf32, #tpu.memory_space<hbm>> -> memref<1000000x128xf32, #tpu.memory_space<hbm>>
      tpu.enqueue_indirect_dma source(%dma_start3A_241 : memref<1000000x128xf32, #tpu.memory_space<hbm>>) target(%dma_start3A_235 : memref<128x128xf32, #tpu.memory_space<vmem>>) offsets(%dma_start3A_238 : memref<128xi32, #tpu.memory_space<vmem>>) semaphore(%arg11 : memref<!tpu.dma_semaphore, #tpu.memory_space<semaphore_mem>>)
      %add3A_242 = arith.constant 1 : i32
      %add3A_243 = arith.addi %mul3A_113, %add3A_242 : i32
      %jit3A_244 = arith.constant 8 : i32
      %div3A_245 = arith.divsi %add3A_243, %jit3A_244 : i32
      %sign3A_246 = arith.constant 0 : i32
      %sign3A_247 = arith.cmpi sgt, %add3A_243, %sign3A_246 : i32
      %sign3A_248 = arith.extui %sign3A_247 : i1 to i32
      %sign3A_249 = arith.constant 0 : i32
      %sign3A_250 = arith.cmpi slt, %add3A_243, %sign3A_249 : i32
      %sign3A_251 = arith.extui %sign3A_250 : i1 to i32
      %sign3A_252 = arith.subi %sign3A_248, %sign3A_251 : i32
      %sign3A_253 = arith.constant 0 : i32
      %sign3A_254 = arith.cmpi sgt, %jit3A_244, %sign3A_253 : i32
      %sign3A_255 = arith.extui %sign3A_254 : i1 to i32
      %sign3A_256 = arith.constant 0 : i32
      %sign3A_257 = arith.cmpi slt, %jit3A_244, %sign3A_256 : i32
      %sign3A_258 = arith.extui %sign3A_257 : i1 to i32
      %sign3A_259 = arith.subi %sign3A_255, %sign3A_258 : i32
      %ne3A_260 = arith.cmpi ne, %sign3A_252, %sign3A_259 : i32
      %rem3A_261 = arith.remsi %add3A_243, %jit3A_244 : i32
      %ne3A_262 = arith.constant 0 : i32
      %ne3A_263 = arith.cmpi ne, %rem3A_261, %ne3A_262 : i32
      %and3A_264 = arith.andi %ne3A_260, %ne3A_263 : i1
      %sub3A_265 = arith.constant 1 : i32
      %sub3A_266 = arith.subi %div3A_245, %sub3A_265 : i32
      %select_n3A_267 = arith.select %and3A_264, %sub3A_266, %div3A_245 : i32
      %jit3A_268 = arith.constant 2 : i32
      %eq3A_269 = arith.constant 0 : i32
      %eq3A_270 = arith.cmpi eq, %jit3A_268, %eq3A_269 : i32
      %jit3A_271 = arith.constant 1 : i32
      %select_n3A_272 = arith.select %eq3A_270, %jit3A_271, %jit3A_268 : i32
      %rem3A_273 = arith.remsi %select_n3A_267, %select_n3A_272 : i32
      %ne3A_274 = arith.constant 0 : i32
      %ne3A_275 = arith.cmpi ne, %rem3A_273, %ne3A_274 : i32
      %lt3A_276 = arith.constant 0 : i32
      %lt3A_277 = arith.cmpi slt, %rem3A_273, %lt3A_276 : i32
      %lt3A_278 = arith.constant 0 : i32
      %lt3A_279 = arith.cmpi slt, %select_n3A_272, %lt3A_278 : i32
      %ne3A_280 = arith.xori %lt3A_277, %lt3A_279 : i1
      %and3A_281 = arith.andi %ne3A_280, %ne3A_275 : i1
      %add3A_282 = arith.addi %rem3A_273, %select_n3A_272 : i32
      %select_n3A_283 = arith.select %and3A_281, %add3A_282, %rem3A_273 : i32
      %dma_wait3A_284 = arith.constant 1 : i32
      %dma_wait3A_285 = arith.constant 0 : i32
      %dma_wait3A_286 = arith.constant 0 : i32
      %dma_wait3A_287 = tpu.memref_slice %arg6[%dma_wait3A_284, %dma_wait3A_285, %dma_wait3A_286] : memref<4x128x128xf32, #tpu.memory_space<vmem>> -> memref<1x128x128xf32, #tpu.memory_space<vmem>>
      %dma_wait3A_288 = tpu.memref_squeeze %dma_wait3A_287 : memref<1x128x128xf32, #tpu.memory_space<vmem>> -> memref<128x128xf32, #tpu.memory_space<vmem>>
      %dma_wait3A_289 = arith.constant 0 : i32
      %dma_wait3A_290 = arith.constant 0 : i32
      %dma_wait3A_291 = tpu.memref_slice %arg2[%dma_wait3A_289, %dma_wait3A_290] : memref<1000000x128xf32, #tpu.memory_space<hbm>> -> memref<128x128xf32, #tpu.memory_space<hbm>>
      %dma_wait3A_292 = arith.constant 0 : i32
      %dma_wait3A_293 = arith.constant 0 : i32
      %dma_wait3A_294 = tpu.memref_slice %arg6[%dma_wait3A_284, %dma_wait3A_292, %dma_wait3A_293] : memref<4x128x128xf32, #tpu.memory_space<vmem>> -> memref<1x128x128xf32, #tpu.memory_space<vmem>>
      %dma_wait3A_295 = tpu.memref_squeeze %dma_wait3A_294 : memref<1x128x128xf32, #tpu.memory_space<vmem>> -> memref<128x128xf32, #tpu.memory_space<vmem>>
      %dma_wait3A_296 = arith.constant 0 : i32
      %dma_wait3A_297 = arith.constant 0 : i32
      %dma_wait3A_298 = tpu.memref_slice %arg2[%dma_wait3A_296, %dma_wait3A_297] : memref<1000000x128xf32, #tpu.memory_space<hbm>> -> memref<128x128xf32, #tpu.memory_space<hbm>>
      tpu.wait_dma2 semaphore(%arg9 : memref<!tpu.dma_semaphore, #tpu.memory_space<semaphore_mem>>) src(%dma_wait3A_298 : memref<128x128xf32, #tpu.memory_space<hbm>>) dst(%dma_wait3A_295 : memref<128x128xf32, #tpu.memory_space<vmem>>)
      %gt3A_299 = arith.constant 0 : i32
      %gt3A_300 = arith.cmpi sgt, %scan3A_109, %gt3A_299 : i32
      %convert_element_type3A_301 = arith.extui %gt3A_300 : i1 to i32
      %cond3A_302 = arith.constant 0 : i32
      %cond3A_303 = arith.cmpi ne, %convert_element_type3A_301, %cond3A_302 : i32
      scf.if %cond3A_303 {
        %dma_wait3A_1109 = arith.constant 1 : i32
        %dma_wait3A_1110 = arith.constant 0 : i32
        %dma_wait3A_1111 = arith.constant 0 : i32
        %dma_wait3A_1112 = tpu.memref_slice %arg7[%dma_wait3A_1109, %dma_wait3A_1110, %dma_wait3A_1111] : memref<2x128x64xf32, #tpu.memory_space<vmem>> -> memref<1x128x64xf32, #tpu.memory_space<vmem>>
        %dma_wait3A_1113 = tpu.memref_squeeze %dma_wait3A_1112 : memref<1x128x64xf32, #tpu.memory_space<vmem>> -> memref<128x64xf32, #tpu.memory_space<vmem>>
        %dma_wait3A_1114 = arith.constant 0 : i32
        %dma_wait3A_1115 = tpu.memref_slice %arg4[%mul3A_4, %dma_wait3A_1114] : memref<819200x64xf32, #tpu.memory_space<hbm>> -> memref<128x64xf32, #tpu.memory_space<hbm>>
        %dma_wait3A_1116 = arith.constant 0 : i32
        %dma_wait3A_1117 = tpu.memref_slice %arg4[%mul3A_4, %dma_wait3A_1116] : memref<819200x64xf32, #tpu.memory_space<hbm>> -> memref<128x64xf32, #tpu.memory_space<hbm>>
        %dma_wait3A_1118 = arith.constant 0 : i32
        %dma_wait3A_1119 = arith.constant 0 : i32
        %dma_wait3A_1120 = tpu.memref_slice %arg7[%dma_wait3A_1109, %dma_wait3A_1118, %dma_wait3A_1119] : memref<2x128x64xf32, #tpu.memory_space<vmem>> -> memref<1x128x64xf32, #tpu.memory_space<vmem>>
        %dma_wait3A_1121 = tpu.memref_squeeze %dma_wait3A_1120 : memref<1x128x64xf32, #tpu.memory_space<vmem>> -> memref<128x64xf32, #tpu.memory_space<vmem>>
        tpu.wait_dma2 semaphore(%arg13 : memref<!tpu.dma_semaphore, #tpu.memory_space<semaphore_mem>>) src(%dma_wait3A_1121 : memref<128x64xf32, #tpu.memory_space<vmem>>) dst(%dma_wait3A_1117 : memref<128x64xf32, #tpu.memory_space<hbm>>)
      } else {
      }
      %scan3A_304 = arith.constant 0 : i32
      %scan3A_305 = arith.constant 0 : i32
      %scan3A_306 = arith.constant 128 : i32
      %scan3A_307 = arith.addi %scan3A_305, %scan3A_306 : i32
      %scan3A_308 = arith.constant 8 : i32
      scf.for %scan3A_1109 = %scan3A_305 to %scan3A_307 step %scan3A_308  : i32 {
        %get3A = arith.constant 1 : i32
        %get3A_1110 = arith.index_cast %get3A : i32 to index
        %get3A_1111 = arith.index_cast %scan3A_1109 : i32 to index
        %get3A_1112 = arith.constant 0 : index
        %get3A_1113 = tpu.vector_load %arg6[%get3A_1110, %get3A_1111, %get3A_1112] {strides = array<i32>} : memref<4x128x128xf32, #tpu.memory_space<vmem>>, vector<16xf32>,
        %mul3A_1114 = arith.constant 1.000000e+00 : f32
        %mul3A_1115 = vector.broadcast %mul3A_1114 : f32 to vector<16xf32>
        %mul3A_1116 = arith.mulf %get3A_1113, %mul3A_1115 : vector<16xf32>
        %swap3A = arith.constant 1 : i32
        %swap3A_1117 = arith.index_cast %swap3A : i32 to index
        %swap3A_1118 = arith.index_cast %scan3A_1109 : i32 to index
        %swap3A_1119 = arith.constant 0 : index
        %swap3A_1120 = tpu.vector_load %arg7[%swap3A_1117, %swap3A_1118, %swap3A_1119] {strides = array<i32>} : memref<2x128x64xf32, #tpu.memory_space<vmem>>, vector<16xf32>,
        tpu.vector_store %arg7[%swap3A_1117, %swap3A_1118, %swap3A_1119], %mul3A_1116 {strides = array<i32>} : memref<2x128x64xf32, #tpu.memory_space<vmem>>, vector<16xf32>,
        %get3A_1121 = arith.constant 1 : i32
        %get3A_1122 = arith.index_cast %get3A_1121 : i32 to index
        %get3A_1123 = arith.index_cast %scan3A_1109 : i32 to index
        %get3A_1124 = arith.constant 16 : index
        %get3A_1125 = tpu.vector_load %arg6[%get3A_1122, %get3A_1123, %get3A_1124] {strides = array<i32>} : memref<4x128x128xf32, #tpu.memory_space<vmem>>, vector<16xf32>,
        %mul3A_1126 = arith.constant 1.000000e+00 : f32
        %mul3A_1127 = vector.broadcast %mul3A_1126 : f32 to vector<16xf32>
        %mul3A_1128 = arith.mulf %get3A_1125, %mul3A_1127 : vector<16xf32>
        %swap3A_1129 = arith.constant 1 : i32
        %swap3A_1130 = arith.index_cast %swap3A_1129 : i32 to index
        %swap3A_1131 = arith.index_cast %scan3A_1109 : i32 to index
        %swap3A_1132 = arith.constant 16 : index
        %swap3A_1133 = tpu.vector_load %arg7[%swap3A_1130, %swap3A_1131, %swap3A_1132] {strides = array<i32>} : memref<2x128x64xf32, #tpu.memory_space<vmem>>, vector<16xf32>,
        tpu.vector_store %arg7[%swap3A_1130, %swap3A_1131, %swap3A_1132], %mul3A_1128 {strides = array<i32>} : memref<2x128x64xf32, #tpu.memory_space<vmem>>, vector<16xf32>,
        %get3A_1134 = arith.constant 1 : i32
        %get3A_1135 = arith.index_cast %get3A_1134 : i32 to index
        %get3A_1136 = arith.index_cast %scan3A_1109 : i32 to index
        %get3A_1137 = arith.constant 32 : index
        %get3A_1138 = tpu.vector_load %arg6[%get3A_1135, %get3A_1136, %get3A_1137] {strides = array<i32>} : memref<4x128x128xf32, #tpu.memory_space<vmem>>, vector<16xf32>,
        %mul3A_1139 = arith.constant 1.000000e+00 : f32
        %mul3A_1140 = vector.broadcast %mul3A_1139 : f32 to vector<16xf32>
        %mul3A_1141 = arith.mulf %get3A_1138, %mul3A_1140 : vector<16xf32>
        %swap3A_1142 = arith.constant 1 : i32
        %swap3A_1143 = arith.index_cast %swap3A_1142 : i32 to index
        %swap3A_1144 = arith.index_cast %scan3A_1109 : i32 to index
        %swap3A_1145 = arith.constant 32 : index
        %swap3A_1146 = tpu.vector_load %arg7[%swap3A_1143, %swap3A_1144, %swap3A_1145] {strides = array<i32>} : memref<2x128x64xf32, #tpu.memory_space<vmem>>, vector<16xf32>,
        tpu.vector_store %arg7[%swap3A_1143, %swap3A_1144, %swap3A_1145], %mul3A_1141 {strides = array<i32>} : memref<2x128x64xf32, #tpu.memory_space<vmem>>, vector<16xf32>,
        %get3A_1147 = arith.constant 1 : i32
        %get3A_1148 = arith.index_cast %get3A_1147 : i32 to index
        %get3A_1149 = arith.index_cast %scan3A_1109 : i32 to index
        %get3A_1150 = arith.constant 48 : index
        %get3A_1151 = tpu.vector_load %arg6[%get3A_1148, %get3A_1149, %get3A_1150] {strides = array<i32>} : memref<4x128x128xf32, #tpu.memory_space<vmem>>, vector<16xf32>,
        %mul3A_1152 = arith.constant 1.000000e+00 : f32
        %mul3A_1153 = vector.broadcast %mul3A_1152 : f32 to vector<16xf32>
        %mul3A_1154 = arith.mulf %get3A_1151, %mul3A_1153 : vector<16xf32>
        %swap3A_1155 = arith.constant 1 : i32
        %swap3A_1156 = arith.index_cast %swap3A_1155 : i32 to index
        %swap3A_1157 = arith.index_cast %scan3A_1109 : i32 to index
        %swap3A_1158 = arith.constant 48 : index
        %swap3A_1159 = tpu.vector_load %arg7[%swap3A_1156, %swap3A_1157, %swap3A_1158] {strides = array<i32>} : memref<2x128x64xf32, #tpu.memory_space<vmem>>, vector<16xf32>,
        tpu.vector_store %arg7[%swap3A_1156, %swap3A_1157, %swap3A_1158], %mul3A_1154 {strides = array<i32>} : memref<2x128x64xf32, #tpu.memory_space<vmem>>, vector<16xf32>,
        %scan3A_1160 = arith.constant 1 : i32
        %scan3A_1161 = arith.addi %scan3A_1109, %scan3A_1160 : i32
        %get3A_1162 = arith.constant 1 : i32
        %get3A_1163 = arith.index_cast %get3A_1162 : i32 to index
        %get3A_1164 = arith.index_cast %scan3A_1161 : i32 to index
        %get3A_1165 = arith.constant 0 : index
        %get3A_1166 = tpu.vector_load %arg6[%get3A_1163, %get3A_1164, %get3A_1165] {strides = array<i32>} : memref<4x128x128xf32, #tpu.memory_space<vmem>>, vector<16xf32>,
        %mul3A_1167 = arith.constant 1.000000e+00 : f32
        %mul3A_1168 = vector.broadcast %mul3A_1167 : f32 to vector<16xf32>
        %mul3A_1169 = arith.mulf %get3A_1166, %mul3A_1168 : vector<16xf32>
        %swap3A_1170 = arith.constant 1 : i32
        %swap3A_1171 = arith.index_cast %swap3A_1170 : i32 to index
        %swap3A_1172 = arith.index_cast %scan3A_1161 : i32 to index
        %swap3A_1173 = arith.constant 0 : index
        %swap3A_1174 = tpu.vector_load %arg7[%swap3A_1171, %swap3A_1172, %swap3A_1173] {strides = array<i32>} : memref<2x128x64xf32, #tpu.memory_space<vmem>>, vector<16xf32>,
        tpu.vector_store %arg7[%swap3A_1171, %swap3A_1172, %swap3A_1173], %mul3A_1169 {strides = array<i32>} : memref<2x128x64xf32, #tpu.memory_space<vmem>>, vector<16xf32>,
        %get3A_1175 = arith.constant 1 : i32
        %get3A_1176 = arith.index_cast %get3A_1175 : i32 to index
        %get3A_1177 = arith.index_cast %scan3A_1161 : i32 to index
        %get3A_1178 = arith.constant 16 : index
        %get3A_1179 = tpu.vector_load %arg6[%get3A_1176, %get3A_1177, %get3A_1178] {strides = array<i32>} : memref<4x128x128xf32, #tpu.memory_space<vmem>>, vector<16xf32>,
        %mul3A_1180 = arith.constant 1.000000e+00 : f32
        %mul3A_1181 = vector.broadcast %mul3A_1180 : f32 to vector<16xf32>
        %mul3A_1182 = arith.mulf %get3A_1179, %mul3A_1181 : vector<16xf32>
        %swap3A_1183 = arith.constant 1 : i32
        %swap3A_1184 = arith.index_cast %swap3A_1183 : i32 to index
        %swap3A_1185 = arith.index_cast %scan3A_1161 : i32 to index
        %swap3A_1186 = arith.constant 16 : index
        %swap3A_1187 = tpu.vector_load %arg7[%swap3A_1184, %swap3A_1185, %swap3A_1186] {strides = array<i32>} : memref<2x128x64xf32, #tpu.memory_space<vmem>>, vector<16xf32>,
        tpu.vector_store %arg7[%swap3A_1184, %swap3A_1185, %swap3A_1186], %mul3A_1182 {strides = array<i32>} : memref<2x128x64xf32, #tpu.memory_space<vmem>>, vector<16xf32>,
        %get3A_1188 = arith.constant 1 : i32
        %get3A_1189 = arith.index_cast %get3A_1188 : i32 to index
        %get3A_1190 = arith.index_cast %scan3A_1161 : i32 to index
        %get3A_1191 = arith.constant 32 : index
        %get3A_1192 = tpu.vector_load %arg6[%get3A_1189, %get3A_1190, %get3A_1191] {strides = array<i32>} : memref<4x128x128xf32, #tpu.memory_space<vmem>>, vector<16xf32>,
        %mul3A_1193 = arith.constant 1.000000e+00 : f32
        %mul3A_1194 = vector.broadcast %mul3A_1193 : f32 to vector<16xf32>
        %mul3A_1195 = arith.mulf %get3A_1192, %mul3A_1194 : vector<16xf32>
        %swap3A_1196 = arith.constant 1 : i32
        %swap3A_1197 = arith.index_cast %swap3A_1196 : i32 to index
        %swap3A_1198 = arith.index_cast %scan3A_1161 : i32 to index
        %swap3A_1199 = arith.constant 32 : index
        %swap3A_1200 = tpu.vector_load %arg7[%swap3A_1197, %swap3A_1198, %swap3A_1199] {strides = array<i32>} : memref<2x128x64xf32, #tpu.memory_space<vmem>>, vector<16xf32>,
        tpu.vector_store %arg7[%swap3A_1197, %swap3A_1198, %swap3A_1199], %mul3A_1195 {strides = array<i32>} : memref<2x128x64xf32, #tpu.memory_space<vmem>>, vector<16xf32>,
        %get3A_1201 = arith.constant 1 : i32
        %get3A_1202 = arith.index_cast %get3A_1201 : i32 to index
        %get3A_1203 = arith.index_cast %scan3A_1161 : i32 to index
        %get3A_1204 = arith.constant 48 : index
        %get3A_1205 = tpu.vector_load %arg6[%get3A_1202, %get3A_1203, %get3A_1204] {strides = array<i32>} : memref<4x128x128xf32, #tpu.memory_space<vmem>>, vector<16xf32>,
        %mul3A_1206 = arith.constant 1.000000e+00 : f32
        %mul3A_1207 = vector.broadcast %mul3A_1206 : f32 to vector<16xf32>
        %mul3A_1208 = arith.mulf %get3A_1205, %mul3A_1207 : vector<16xf32>
        %swap3A_1209 = arith.constant 1 : i32
        %swap3A_1210 = arith.index_cast %swap3A_1209 : i32 to index
        %swap3A_1211 = arith.index_cast %scan3A_1161 : i32 to index
        %swap3A_1212 = arith.constant 48 : index
        %swap3A_1213 = tpu.vector_load %arg7[%swap3A_1210, %swap3A_1211, %swap3A_1212] {strides = array<i32>} : memref<2x128x64xf32, #tpu.memory_space<vmem>>, vector<16xf32>,
        tpu.vector_store %arg7[%swap3A_1210, %swap3A_1211, %swap3A_1212], %mul3A_1208 {strides = array<i32>} : memref<2x128x64xf32, #tpu.memory_space<vmem>>, vector<16xf32>,
        %scan3A_1214 = arith.constant 2 : i32
        %scan3A_1215 = arith.addi %scan3A_1109, %scan3A_1214 : i32
        %get3A_1216 = arith.constant 1 : i32
        %get3A_1217 = arith.index_cast %get3A_1216 : i32 to index
        %get3A_1218 = arith.index_cast %scan3A_1215 : i32 to index
        %get3A_1219 = arith.constant 0 : index
        %get3A_1220 = tpu.vector_load %arg6[%get3A_1217, %get3A_1218, %get3A_1219] {strides = array<i32>} : memref<4x128x128xf32, #tpu.memory_space<vmem>>, vector<16xf32>,
        %mul3A_1221 = arith.constant 1.000000e+00 : f32
        %mul3A_1222 = vector.broadcast %mul3A_1221 : f32 to vector<16xf32>
        %mul3A_1223 = arith.mulf %get3A_1220, %mul3A_1222 : vector<16xf32>
        %swap3A_1224 = arith.constant 1 : i32
        %swap3A_1225 = arith.index_cast %swap3A_1224 : i32 to index
        %swap3A_1226 = arith.index_cast %scan3A_1215 : i32 to index
        %swap3A_1227 = arith.constant 0 : index
        %swap3A_1228 = tpu.vector_load %arg7[%swap3A_1225, %swap3A_1226, %swap3A_1227] {strides = array<i32>} : memref<2x128x64xf32, #tpu.memory_space<vmem>>, vector<16xf32>,
        tpu.vector_store %arg7[%swap3A_1225, %swap3A_1226, %swap3A_1227], %mul3A_1223 {strides = array<i32>} : memref<2x128x64xf32, #tpu.memory_space<vmem>>, vector<16xf32>,
        %get3A_1229 = arith.constant 1 : i32
        %get3A_1230 = arith.index_cast %get3A_1229 : i32 to index
        %get3A_1231 = arith.index_cast %scan3A_1215 : i32 to index
        %get3A_1232 = arith.constant 16 : index
        %get3A_1233 = tpu.vector_load %arg6[%get3A_1230, %get3A_1231, %get3A_1232] {strides = array<i32>} : memref<4x128x128xf32, #tpu.memory_space<vmem>>, vector<16xf32>,
        %mul3A_1234 = arith.constant 1.000000e+00 : f32
        %mul3A_1235 = vector.broadcast %mul3A_1234 : f32 to vector<16xf32>
        %mul3A_1236 = arith.mulf %get3A_1233, %mul3A_1235 : vector<16xf32>
        %swap3A_1237 = arith.constant 1 : i32
        %swap3A_1238 = arith.index_cast %swap3A_1237 : i32 to index
        %swap3A_1239 = arith.index_cast %scan3A_1215 : i32 to index
        %swap3A_1240 = arith.constant 16 : index
        %swap3A_1241 = tpu.vector_load %arg7[%swap3A_1238, %swap3A_1239, %swap3A_1240] {strides = array<i32>} : memref<2x128x64xf32, #tpu.memory_space<vmem>>, vector<16xf32>,
        tpu.vector_store %arg7[%swap3A_1238, %swap3A_1239, %swap3A_1240], %mul3A_1236 {strides = array<i32>} : memref<2x128x64xf32, #tpu.memory_space<vmem>>, vector<16xf32>,
        %get3A_1242 = arith.constant 1 : i32
        %get3A_1243 = arith.index_cast %get3A_1242 : i32 to index
        %get3A_1244 = arith.index_cast %scan3A_1215 : i32 to index
        %get3A_1245 = arith.constant 32 : index
        %get3A_1246 = tpu.vector_load %arg6[%get3A_1243, %get3A_1244, %get3A_1245] {strides = array<i32>} : memref<4x128x128xf32, #tpu.memory_space<vmem>>, vector<16xf32>,
        %mul3A_1247 = arith.constant 1.000000e+00 : f32
        %mul3A_1248 = vector.broadcast %mul3A_1247 : f32 to vector<16xf32>
        %mul3A_1249 = arith.mulf %get3A_1246, %mul3A_1248 : vector<16xf32>
        %swap3A_1250 = arith.constant 1 : i32
        %swap3A_1251 = arith.index_cast %swap3A_1250 : i32 to index
        %swap3A_1252 = arith.index_cast %scan3A_1215 : i32 to index
        %swap3A_1253 = arith.constant 32 : index
        %swap3A_1254 = tpu.vector_load %arg7[%swap3A_1251, %swap3A_1252, %swap3A_1253] {strides = array<i32>} : memref<2x128x64xf32, #tpu.memory_space<vmem>>, vector<16xf32>,
        tpu.vector_store %arg7[%swap3A_1251, %swap3A_1252, %swap3A_1253], %mul3A_1249 {strides = array<i32>} : memref<2x128x64xf32, #tpu.memory_space<vmem>>, vector<16xf32>,
        %get3A_1255 = arith.constant 1 : i32
        %get3A_1256 = arith.index_cast %get3A_1255 : i32 to index
        %get3A_1257 = arith.index_cast %scan3A_1215 : i32 to index
        %get3A_1258 = arith.constant 48 : index
        %get3A_1259 = tpu.vector_load %arg6[%get3A_1256, %get3A_1257, %get3A_1258] {strides = array<i32>} : memref<4x128x128xf32, #tpu.memory_space<vmem>>, vector<16xf32>,
        %mul3A_1260 = arith.constant 1.000000e+00 : f32
        %mul3A_1261 = vector.broadcast %mul3A_1260 : f32 to vector<16xf32>
        %mul3A_1262 = arith.mulf %get3A_1259, %mul3A_1261 : vector<16xf32>
        %swap3A_1263 = arith.constant 1 : i32
        %swap3A_1264 = arith.index_cast %swap3A_1263 : i32 to index
        %swap3A_1265 = arith.index_cast %scan3A_1215 : i32 to index
        %swap3A_1266 = arith.constant 48 : index
        %swap3A_1267 = tpu.vector_load %arg7[%swap3A_1264, %swap3A_1265, %swap3A_1266] {strides = array<i32>} : memref<2x128x64xf32, #tpu.memory_space<vmem>>, vector<16xf32>,
        tpu.vector_store %arg7[%swap3A_1264, %swap3A_1265, %swap3A_1266], %mul3A_1262 {strides = array<i32>} : memref<2x128x64xf32, #tpu.memory_space<vmem>>, vector<16xf32>,
        %scan3A_1268 = arith.constant 3 : i32
        %scan3A_1269 = arith.addi %scan3A_1109, %scan3A_1268 : i32
        %get3A_1270 = arith.constant 1 : i32
        %get3A_1271 = arith.index_cast %get3A_1270 : i32 to index
        %get3A_1272 = arith.index_cast %scan3A_1269 : i32 to index
        %get3A_1273 = arith.constant 0 : index
        %get3A_1274 = tpu.vector_load %arg6[%get3A_1271, %get3A_1272, %get3A_1273] {strides = array<i32>} : memref<4x128x128xf32, #tpu.memory_space<vmem>>, vector<16xf32>,
        %mul3A_1275 = arith.constant 1.000000e+00 : f32
        %mul3A_1276 = vector.broadcast %mul3A_1275 : f32 to vector<16xf32>
        %mul3A_1277 = arith.mulf %get3A_1274, %mul3A_1276 : vector<16xf32>
        %swap3A_1278 = arith.constant 1 : i32
        %swap3A_1279 = arith.index_cast %swap3A_1278 : i32 to index
        %swap3A_1280 = arith.index_cast %scan3A_1269 : i32 to index
        %swap3A_1281 = arith.constant 0 : index
        %swap3A_1282 = tpu.vector_load %arg7[%swap3A_1279, %swap3A_1280, %swap3A_1281] {strides = array<i32>} : memref<2x128x64xf32, #tpu.memory_space<vmem>>, vector<16xf32>,
        tpu.vector_store %arg7[%swap3A_1279, %swap3A_1280, %swap3A_1281], %mul3A_1277 {strides = array<i32>} : memref<2x128x64xf32, #tpu.memory_space<vmem>>, vector<16xf32>,
        %get3A_1283 = arith.constant 1 : i32
        %get3A_1284 = arith.index_cast %get3A_1283 : i32 to index
        %get3A_1285 = arith.index_cast %scan3A_1269 : i32 to index
        %get3A_1286 = arith.constant 16 : index
        %get3A_1287 = tpu.vector_load %arg6[%get3A_1284, %get3A_1285, %get3A_1286] {strides = array<i32>} : memref<4x128x128xf32, #tpu.memory_space<vmem>>, vector<16xf32>,
        %mul3A_1288 = arith.constant 1.000000e+00 : f32
        %mul3A_1289 = vector.broadcast %mul3A_1288 : f32 to vector<16xf32>
        %mul3A_1290 = arith.mulf %get3A_1287, %mul3A_1289 : vector<16xf32>
        %swap3A_1291 = arith.constant 1 : i32
        %swap3A_1292 = arith.index_cast %swap3A_1291 : i32 to index
        %swap3A_1293 = arith.index_cast %scan3A_1269 : i32 to index
        %swap3A_1294 = arith.constant 16 : index
        %swap3A_1295 = tpu.vector_load %arg7[%swap3A_1292, %swap3A_1293, %swap3A_1294] {strides = array<i32>} : memref<2x128x64xf32, #tpu.memory_space<vmem>>, vector<16xf32>,
        tpu.vector_store %arg7[%swap3A_1292, %swap3A_1293, %swap3A_1294], %mul3A_1290 {strides = array<i32>} : memref<2x128x64xf32, #tpu.memory_space<vmem>>, vector<16xf32>,
        %get3A_1296 = arith.constant 1 : i32
        %get3A_1297 = arith.index_cast %get3A_1296 : i32 to index
        %get3A_1298 = arith.index_cast %scan3A_1269 : i32 to index
        %get3A_1299 = arith.constant 32 : index
        %get3A_1300 = tpu.vector_load %arg6[%get3A_1297, %get3A_1298, %get3A_1299] {strides = array<i32>} : memref<4x128x128xf32, #tpu.memory_space<vmem>>, vector<16xf32>,
        %mul3A_1301 = arith.constant 1.000000e+00 : f32
        %mul3A_1302 = vector.broadcast %mul3A_1301 : f32 to vector<16xf32>
        %mul3A_1303 = arith.mulf %get3A_1300, %mul3A_1302 : vector<16xf32>
        %swap3A_1304 = arith.constant 1 : i32
        %swap3A_1305 = arith.index_cast %swap3A_1304 : i32 to index
        %swap3A_1306 = arith.index_cast %scan3A_1269 : i32 to index
        %swap3A_1307 = arith.constant 32 : index
        %swap3A_1308 = tpu.vector_load %arg7[%swap3A_1305, %swap3A_1306, %swap3A_1307] {strides = array<i32>} : memref<2x128x64xf32, #tpu.memory_space<vmem>>, vector<16xf32>,
        tpu.vector_store %arg7[%swap3A_1305, %swap3A_1306, %swap3A_1307], %mul3A_1303 {strides = array<i32>} : memref<2x128x64xf32, #tpu.memory_space<vmem>>, vector<16xf32>,
        %get3A_1309 = arith.constant 1 : i32
        %get3A_1310 = arith.index_cast %get3A_1309 : i32 to index
        %get3A_1311 = arith.index_cast %scan3A_1269 : i32 to index
        %get3A_1312 = arith.constant 48 : index
        %get3A_1313 = tpu.vector_load %arg6[%get3A_1310, %get3A_1311, %get3A_1312] {strides = array<i32>} : memref<4x128x128xf32, #tpu.memory_space<vmem>>, vector<16xf32>,
        %mul3A_1314 = arith.constant 1.000000e+00 : f32
        %mul3A_1315 = vector.broadcast %mul3A_1314 : f32 to vector<16xf32>
        %mul3A_1316 = arith.mulf %get3A_1313, %mul3A_1315 : vector<16xf32>
        %swap3A_1317 = arith.constant 1 : i32
        %swap3A_1318 = arith.index_cast %swap3A_1317 : i32 to index
        %swap3A_1319 = arith.index_cast %scan3A_1269 : i32 to index
        %swap3A_1320 = arith.constant 48 : index
        %swap3A_1321 = tpu.vector_load %arg7[%swap3A_1318, %swap3A_1319, %swap3A_1320] {strides = array<i32>} : memref<2x128x64xf32, #tpu.memory_space<vmem>>, vector<16xf32>,
        tpu.vector_store %arg7[%swap3A_1318, %swap3A_1319, %swap3A_1320], %mul3A_1316 {strides = array<i32>} : memref<2x128x64xf32, #tpu.memory_space<vmem>>, vector<16xf32>,
        %scan3A_1322 = arith.constant 4 : i32
        %scan3A_1323 = arith.addi %scan3A_1109, %scan3A_1322 : i32
        %get3A_1324 = arith.constant 1 : i32
        %get3A_1325 = arith.index_cast %get3A_1324 : i32 to index
        %get3A_1326 = arith.index_cast %scan3A_1323 : i32 to index
        %get3A_1327 = arith.constant 0 : index
        %get3A_1328 = tpu.vector_load %arg6[%get3A_1325, %get3A_1326, %get3A_1327] {strides = array<i32>} : memref<4x128x128xf32, #tpu.memory_space<vmem>>, vector<16xf32>,
        %mul3A_1329 = arith.constant 1.000000e+00 : f32
        %mul3A_1330 = vector.broadcast %mul3A_1329 : f32 to vector<16xf32>
        %mul3A_1331 = arith.mulf %get3A_1328, %mul3A_1330 : vector<16xf32>
        %swap3A_1332 = arith.constant 1 : i32
        %swap3A_1333 = arith.index_cast %swap3A_1332 : i32 to index
        %swap3A_1334 = arith.index_cast %scan3A_1323 : i32 to index
        %swap3A_1335 = arith.constant 0 : index
        %swap3A_1336 = tpu.vector_load %arg7[%swap3A_1333, %swap3A_1334, %swap3A_1335] {strides = array<i32>} : memref<2x128x64xf32, #tpu.memory_space<vmem>>, vector<16xf32>,
        tpu.vector_store %arg7[%swap3A_1333, %swap3A_1334, %swap3A_1335], %mul3A_1331 {strides = array<i32>} : memref<2x128x64xf32, #tpu.memory_space<vmem>>, vector<16xf32>,
        %get3A_1337 = arith.constant 1 : i32
        %get3A_1338 = arith.index_cast %get3A_1337 : i32 to index
        %get3A_1339 = arith.index_cast %scan3A_1323 : i32 to index
        %get3A_1340 = arith.constant 16 : index
        %get3A_1341 = tpu.vector_load %arg6[%get3A_1338, %get3A_1339, %get3A_1340] {strides = array<i32>} : memref<4x128x128xf32, #tpu.memory_space<vmem>>, vector<16xf32>,
        %mul3A_1342 = arith.constant 1.000000e+00 : f32
        %mul3A_1343 = vector.broadcast %mul3A_1342 : f32 to vector<16xf32>
        %mul3A_1344 = arith.mulf %get3A_1341, %mul3A_1343 : vector<16xf32>
        %swap3A_1345 = arith.constant 1 : i32
        %swap3A_1346 = arith.index_cast %swap3A_1345 : i32 to index
        %swap3A_1347 = arith.index_cast %scan3A_1323 : i32 to index
        %swap3A_1348 = arith.constant 16 : index
        %swap3A_1349 = tpu.vector_load %arg7[%swap3A_1346, %swap3A_1347, %swap3A_1348] {strides = array<i32>} : memref<2x128x64xf32, #tpu.memory_space<vmem>>, vector<16xf32>,
        tpu.vector_store %arg7[%swap3A_1346, %swap3A_1347, %swap3A_1348], %mul3A_1344 {strides = array<i32>} : memref<2x128x64xf32, #tpu.memory_space<vmem>>, vector<16xf32>,
        %get3A_1350 = arith.constant 1 : i32
        %get3A_1351 = arith.index_cast %get3A_1350 : i32 to index
        %get3A_1352 = arith.index_cast %scan3A_1323 : i32 to index
        %get3A_1353 = arith.constant 32 : index
        %get3A_1354 = tpu.vector_load %arg6[%get3A_1351, %get3A_1352, %get3A_1353] {strides = array<i32>} : memref<4x128x128xf32, #tpu.memory_space<vmem>>, vector<16xf32>,
        %mul3A_1355 = arith.constant 1.000000e+00 : f32
        %mul3A_1356 = vector.broadcast %mul3A_1355 : f32 to vector<16xf32>
        %mul3A_1357 = arith.mulf %get3A_1354, %mul3A_1356 : vector<16xf32>
        %swap3A_1358 = arith.constant 1 : i32
        %swap3A_1359 = arith.index_cast %swap3A_1358 : i32 to index
        %swap3A_1360 = arith.index_cast %scan3A_1323 : i32 to index
        %swap3A_1361 = arith.constant 32 : index
        %swap3A_1362 = tpu.vector_load %arg7[%swap3A_1359, %swap3A_1360, %swap3A_1361] {strides = array<i32>} : memref<2x128x64xf32, #tpu.memory_space<vmem>>, vector<16xf32>,
        tpu.vector_store %arg7[%swap3A_1359, %swap3A_1360, %swap3A_1361], %mul3A_1357 {strides = array<i32>} : memref<2x128x64xf32, #tpu.memory_space<vmem>>, vector<16xf32>,
        %get3A_1363 = arith.constant 1 : i32
        %get3A_1364 = arith.index_cast %get3A_1363 : i32 to index
        %get3A_1365 = arith.index_cast %scan3A_1323 : i32 to index
        %get3A_1366 = arith.constant 48 : index
        %get3A_1367 = tpu.vector_load %arg6[%get3A_1364, %get3A_1365, %get3A_1366] {strides = array<i32>} : memref<4x128x128xf32, #tpu.memory_space<vmem>>, vector<16xf32>,
        %mul3A_1368 = arith.constant 1.000000e+00 : f32
        %mul3A_1369 = vector.broadcast %mul3A_1368 : f32 to vector<16xf32>
        %mul3A_1370 = arith.mulf %get3A_1367, %mul3A_1369 : vector<16xf32>
        %swap3A_1371 = arith.constant 1 : i32
        %swap3A_1372 = arith.index_cast %swap3A_1371 : i32 to index
        %swap3A_1373 = arith.index_cast %scan3A_1323 : i32 to index
        %swap3A_1374 = arith.constant 48 : index
        %swap3A_1375 = tpu.vector_load %arg7[%swap3A_1372, %swap3A_1373, %swap3A_1374] {strides = array<i32>} : memref<2x128x64xf32, #tpu.memory_space<vmem>>, vector<16xf32>,
        tpu.vector_store %arg7[%swap3A_1372, %swap3A_1373, %swap3A_1374], %mul3A_1370 {strides = array<i32>} : memref<2x128x64xf32, #tpu.memory_space<vmem>>, vector<16xf32>,
        %scan3A_1376 = arith.constant 5 : i32
        %scan3A_1377 = arith.addi %scan3A_1109, %scan3A_1376 : i32
        %get3A_1378 = arith.constant 1 : i32
        %get3A_1379 = arith.index_cast %get3A_1378 : i32 to index
        %get3A_1380 = arith.index_cast %scan3A_1377 : i32 to index
        %get3A_1381 = arith.constant 0 : index
        %get3A_1382 = tpu.vector_load %arg6[%get3A_1379, %get3A_1380, %get3A_1381] {strides = array<i32>} : memref<4x128x128xf32, #tpu.memory_space<vmem>>, vector<16xf32>,
        %mul3A_1383 = arith.constant 1.000000e+00 : f32
        %mul3A_1384 = vector.broadcast %mul3A_1383 : f32 to vector<16xf32>
        %mul3A_1385 = arith.mulf %get3A_1382, %mul3A_1384 : vector<16xf32>
        %swap3A_1386 = arith.constant 1 : i32
        %swap3A_1387 = arith.index_cast %swap3A_1386 : i32 to index
        %swap3A_1388 = arith.index_cast %scan3A_1377 : i32 to index
        %swap3A_1389 = arith.constant 0 : index
        %swap3A_1390 = tpu.vector_load %arg7[%swap3A_1387, %swap3A_1388, %swap3A_1389] {strides = array<i32>} : memref<2x128x64xf32, #tpu.memory_space<vmem>>, vector<16xf32>,
        tpu.vector_store %arg7[%swap3A_1387, %swap3A_1388, %swap3A_1389], %mul3A_1385 {strides = array<i32>} : memref<2x128x64xf32, #tpu.memory_space<vmem>>, vector<16xf32>,
        %get3A_1391 = arith.constant 1 : i32
        %get3A_1392 = arith.index_cast %get3A_1391 : i32 to index
        %get3A_1393 = arith.index_cast %scan3A_1377 : i32 to index
        %get3A_1394 = arith.constant 16 : index
        %get3A_1395 = tpu.vector_load %arg6[%get3A_1392, %get3A_1393, %get3A_1394] {strides = array<i32>} : memref<4x128x128xf32, #tpu.memory_space<vmem>>, vector<16xf32>,
        %mul3A_1396 = arith.constant 1.000000e+00 : f32
        %mul3A_1397 = vector.broadcast %mul3A_1396 : f32 to vector<16xf32>
        %mul3A_1398 = arith.mulf %get3A_1395, %mul3A_1397 : vector<16xf32>
        %swap3A_1399 = arith.constant 1 : i32
        %swap3A_1400 = arith.index_cast %swap3A_1399 : i32 to index
        %swap3A_1401 = arith.index_cast %scan3A_1377 : i32 to index
        %swap3A_1402 = arith.constant 16 : index
        %swap3A_1403 = tpu.vector_load %arg7[%swap3A_1400, %swap3A_1401, %swap3A_1402] {strides = array<i32>} : memref<2x128x64xf32, #tpu.memory_space<vmem>>, vector<16xf32>,
        tpu.vector_store %arg7[%swap3A_1400, %swap3A_1401, %swap3A_1402], %mul3A_1398 {strides = array<i32>} : memref<2x128x64xf32, #tpu.memory_space<vmem>>, vector<16xf32>,
        %get3A_1404 = arith.constant 1 : i32
        %get3A_1405 = arith.index_cast %get3A_1404 : i32 to index
        %get3A_1406 = arith.index_cast %scan3A_1377 : i32 to index
        %get3A_1407 = arith.constant 32 : index
        %get3A_1408 = tpu.vector_load %arg6[%get3A_1405, %get3A_1406, %get3A_1407] {strides = array<i32>} : memref<4x128x128xf32, #tpu.memory_space<vmem>>, vector<16xf32>,
        %mul3A_1409 = arith.constant 1.000000e+00 : f32
        %mul3A_1410 = vector.broadcast %mul3A_1409 : f32 to vector<16xf32>
        %mul3A_1411 = arith.mulf %get3A_1408, %mul3A_1410 : vector<16xf32>
        %swap3A_1412 = arith.constant 1 : i32
        %swap3A_1413 = arith.index_cast %swap3A_1412 : i32 to index
        %swap3A_1414 = arith.index_cast %scan3A_1377 : i32 to index
        %swap3A_1415 = arith.constant 32 : index
        %swap3A_1416 = tpu.vector_load %arg7[%swap3A_1413, %swap3A_1414, %swap3A_1415] {strides = array<i32>} : memref<2x128x64xf32, #tpu.memory_space<vmem>>, vector<16xf32>,
        tpu.vector_store %arg7[%swap3A_1413, %swap3A_1414, %swap3A_1415], %mul3A_1411 {strides = array<i32>} : memref<2x128x64xf32, #tpu.memory_space<vmem>>, vector<16xf32>,
        %get3A_1417 = arith.constant 1 : i32
        %get3A_1418 = arith.index_cast %get3A_1417 : i32 to index
        %get3A_1419 = arith.index_cast %scan3A_1377 : i32 to index
        %get3A_1420 = arith.constant 48 : index
        %get3A_1421 = tpu.vector_load %arg6[%get3A_1418, %get3A_1419, %get3A_1420] {strides = array<i32>} : memref<4x128x128xf32, #tpu.memory_space<vmem>>, vector<16xf32>,
        %mul3A_1422 = arith.constant 1.000000e+00 : f32
        %mul3A_1423 = vector.broadcast %mul3A_1422 : f32 to vector<16xf32>
        %mul3A_1424 = arith.mulf %get3A_1421, %mul3A_1423 : vector<16xf32>
        %swap3A_1425 = arith.constant 1 : i32
        %swap3A_1426 = arith.index_cast %swap3A_1425 : i32 to index
        %swap3A_1427 = arith.index_cast %scan3A_1377 : i32 to index
        %swap3A_1428 = arith.constant 48 : index
        %swap3A_1429 = tpu.vector_load %arg7[%swap3A_1426, %swap3A_1427, %swap3A_1428] {strides = array<i32>} : memref<2x128x64xf32, #tpu.memory_space<vmem>>, vector<16xf32>,
        tpu.vector_store %arg7[%swap3A_1426, %swap3A_1427, %swap3A_1428], %mul3A_1424 {strides = array<i32>} : memref<2x128x64xf32, #tpu.memory_space<vmem>>, vector<16xf32>,
        %scan3A_1430 = arith.constant 6 : i32
        %scan3A_1431 = arith.addi %scan3A_1109, %scan3A_1430 : i32
        %get3A_1432 = arith.constant 1 : i32
        %get3A_1433 = arith.index_cast %get3A_1432 : i32 to index
        %get3A_1434 = arith.index_cast %scan3A_1431 : i32 to index
        %get3A_1435 = arith.constant 0 : index
        %get3A_1436 = tpu.vector_load %arg6[%get3A_1433, %get3A_1434, %get3A_1435] {strides = array<i32>} : memref<4x128x128xf32, #tpu.memory_space<vmem>>, vector<16xf32>,
        %mul3A_1437 = arith.constant 1.000000e+00 : f32
        %mul3A_1438 = vector.broadcast %mul3A_1437 : f32 to vector<16xf32>
        %mul3A_1439 = arith.mulf %get3A_1436, %mul3A_1438 : vector<16xf32>
        %swap3A_1440 = arith.constant 1 : i32
        %swap3A_1441 = arith.index_cast %swap3A_1440 : i32 to index
        %swap3A_1442 = arith.index_cast %scan3A_1431 : i32 to index
        %swap3A_1443 = arith.constant 0 : index
        %swap3A_1444 = tpu.vector_load %arg7[%swap3A_1441, %swap3A_1442, %swap3A_1443] {strides = array<i32>} : memref<2x128x64xf32, #tpu.memory_space<vmem>>, vector<16xf32>,
        tpu.vector_store %arg7[%swap3A_1441, %swap3A_1442, %swap3A_1443], %mul3A_1439 {strides = array<i32>} : memref<2x128x64xf32, #tpu.memory_space<vmem>>, vector<16xf32>,
        %get3A_1445 = arith.constant 1 : i32
        %get3A_1446 = arith.index_cast %get3A_1445 : i32 to index
        %get3A_1447 = arith.index_cast %scan3A_1431 : i32 to index
        %get3A_1448 = arith.constant 16 : index
        %get3A_1449 = tpu.vector_load %arg6[%get3A_1446, %get3A_1447, %get3A_1448] {strides = array<i32>} : memref<4x128x128xf32, #tpu.memory_space<vmem>>, vector<16xf32>,
        %mul3A_1450 = arith.constant 1.000000e+00 : f32
        %mul3A_1451 = vector.broadcast %mul3A_1450 : f32 to vector<16xf32>
        %mul3A_1452 = arith.mulf %get3A_1449, %mul3A_1451 : vector<16xf32>
        %swap3A_1453 = arith.constant 1 : i32
        %swap3A_1454 = arith.index_cast %swap3A_1453 : i32 to index
        %swap3A_1455 = arith.index_cast %scan3A_1431 : i32 to index
        %swap3A_1456 = arith.constant 16 : index
        %swap3A_1457 = tpu.vector_load %arg7[%swap3A_1454, %swap3A_1455, %swap3A_1456] {strides = array<i32>} : memref<2x128x64xf32, #tpu.memory_space<vmem>>, vector<16xf32>,
        tpu.vector_store %arg7[%swap3A_1454, %swap3A_1455, %swap3A_1456], %mul3A_1452 {strides = array<i32>} : memref<2x128x64xf32, #tpu.memory_space<vmem>>, vector<16xf32>,
        %get3A_1458 = arith.constant 1 : i32
        %get3A_1459 = arith.index_cast %get3A_1458 : i32 to index
        %get3A_1460 = arith.index_cast %scan3A_1431 : i32 to index
        %get3A_1461 = arith.constant 32 : index
        %get3A_1462 = tpu.vector_load %arg6[%get3A_1459, %get3A_1460, %get3A_1461] {strides = array<i32>} : memref<4x128x128xf32, #tpu.memory_space<vmem>>, vector<16xf32>,
        %mul3A_1463 = arith.constant 1.000000e+00 : f32
        %mul3A_1464 = vector.broadcast %mul3A_1463 : f32 to vector<16xf32>
        %mul3A_1465 = arith.mulf %get3A_1462, %mul3A_1464 : vector<16xf32>
        %swap3A_1466 = arith.constant 1 : i32
        %swap3A_1467 = arith.index_cast %swap3A_1466 : i32 to index
        %swap3A_1468 = arith.index_cast %scan3A_1431 : i32 to index
        %swap3A_1469 = arith.constant 32 : index
        %swap3A_1470 = tpu.vector_load %arg7[%swap3A_1467, %swap3A_1468, %swap3A_1469] {strides = array<i32>} : memref<2x128x64xf32, #tpu.memory_space<vmem>>, vector<16xf32>,
        tpu.vector_store %arg7[%swap3A_1467, %swap3A_1468, %swap3A_1469], %mul3A_1465 {strides = array<i32>} : memref<2x128x64xf32, #tpu.memory_space<vmem>>, vector<16xf32>,
        %get3A_1471 = arith.constant 1 : i32
        %get3A_1472 = arith.index_cast %get3A_1471 : i32 to index
        %get3A_1473 = arith.index_cast %scan3A_1431 : i32 to index
        %get3A_1474 = arith.constant 48 : index
        %get3A_1475 = tpu.vector_load %arg6[%get3A_1472, %get3A_1473, %get3A_1474] {strides = array<i32>} : memref<4x128x128xf32, #tpu.memory_space<vmem>>, vector<16xf32>,
        %mul3A_1476 = arith.constant 1.000000e+00 : f32
        %mul3A_1477 = vector.broadcast %mul3A_1476 : f32 to vector<16xf32>
        %mul3A_1478 = arith.mulf %get3A_1475, %mul3A_1477 : vector<16xf32>
        %swap3A_1479 = arith.constant 1 : i32
        %swap3A_1480 = arith.index_cast %swap3A_1479 : i32 to index
        %swap3A_1481 = arith.index_cast %scan3A_1431 : i32 to index
        %swap3A_1482 = arith.constant 48 : index
        %swap3A_1483 = tpu.vector_load %arg7[%swap3A_1480, %swap3A_1481, %swap3A_1482] {strides = array<i32>} : memref<2x128x64xf32, #tpu.memory_space<vmem>>, vector<16xf32>,
        tpu.vector_store %arg7[%swap3A_1480, %swap3A_1481, %swap3A_1482], %mul3A_1478 {strides = array<i32>} : memref<2x128x64xf32, #tpu.memory_space<vmem>>, vector<16xf32>,
        %scan3A_1484 = arith.constant 7 : i32
        %scan3A_1485 = arith.addi %scan3A_1109, %scan3A_1484 : i32
        %get3A_1486 = arith.constant 1 : i32
        %get3A_1487 = arith.index_cast %get3A_1486 : i32 to index
        %get3A_1488 = arith.index_cast %scan3A_1485 : i32 to index
        %get3A_1489 = arith.constant 0 : index
        %get3A_1490 = tpu.vector_load %arg6[%get3A_1487, %get3A_1488, %get3A_1489] {strides = array<i32>} : memref<4x128x128xf32, #tpu.memory_space<vmem>>, vector<16xf32>,
        %mul3A_1491 = arith.constant 1.000000e+00 : f32
        %mul3A_1492 = vector.broadcast %mul3A_1491 : f32 to vector<16xf32>
        %mul3A_1493 = arith.mulf %get3A_1490, %mul3A_1492 : vector<16xf32>
        %swap3A_1494 = arith.constant 1 : i32
        %swap3A_1495 = arith.index_cast %swap3A_1494 : i32 to index
        %swap3A_1496 = arith.index_cast %scan3A_1485 : i32 to index
        %swap3A_1497 = arith.constant 0 : index
        %swap3A_1498 = tpu.vector_load %arg7[%swap3A_1495, %swap3A_1496, %swap3A_1497] {strides = array<i32>} : memref<2x128x64xf32, #tpu.memory_space<vmem>>, vector<16xf32>,
        tpu.vector_store %arg7[%swap3A_1495, %swap3A_1496, %swap3A_1497], %mul3A_1493 {strides = array<i32>} : memref<2x128x64xf32, #tpu.memory_space<vmem>>, vector<16xf32>,
        %get3A_1499 = arith.constant 1 : i32
        %get3A_1500 = arith.index_cast %get3A_1499 : i32 to index
        %get3A_1501 = arith.index_cast %scan3A_1485 : i32 to index
        %get3A_1502 = arith.constant 16 : index
        %get3A_1503 = tpu.vector_load %arg6[%get3A_1500, %get3A_1501, %get3A_1502] {strides = array<i32>} : memref<4x128x128xf32, #tpu.memory_space<vmem>>, vector<16xf32>,
        %mul3A_1504 = arith.constant 1.000000e+00 : f32
        %mul3A_1505 = vector.broadcast %mul3A_1504 : f32 to vector<16xf32>
        %mul3A_1506 = arith.mulf %get3A_1503, %mul3A_1505 : vector<16xf32>
        %swap3A_1507 = arith.constant 1 : i32
        %swap3A_1508 = arith.index_cast %swap3A_1507 : i32 to index
        %swap3A_1509 = arith.index_cast %scan3A_1485 : i32 to index
        %swap3A_1510 = arith.constant 16 : index
        %swap3A_1511 = tpu.vector_load %arg7[%swap3A_1508, %swap3A_1509, %swap3A_1510] {strides = array<i32>} : memref<2x128x64xf32, #tpu.memory_space<vmem>>, vector<16xf32>,
        tpu.vector_store %arg7[%swap3A_1508, %swap3A_1509, %swap3A_1510], %mul3A_1506 {strides = array<i32>} : memref<2x128x64xf32, #tpu.memory_space<vmem>>, vector<16xf32>,
        %get3A_1512 = arith.constant 1 : i32
        %get3A_1513 = arith.index_cast %get3A_1512 : i32 to index
        %get3A_1514 = arith.index_cast %scan3A_1485 : i32 to index
        %get3A_1515 = arith.constant 32 : index
        %get3A_1516 = tpu.vector_load %arg6[%get3A_1513, %get3A_1514, %get3A_1515] {strides = array<i32>} : memref<4x128x128xf32, #tpu.memory_space<vmem>>, vector<16xf32>,
        %mul3A_1517 = arith.constant 1.000000e+00 : f32
        %mul3A_1518 = vector.broadcast %mul3A_1517 : f32 to vector<16xf32>
        %mul3A_1519 = arith.mulf %get3A_1516, %mul3A_1518 : vector<16xf32>
        %swap3A_1520 = arith.constant 1 : i32
        %swap3A_1521 = arith.index_cast %swap3A_1520 : i32 to index
        %swap3A_1522 = arith.index_cast %scan3A_1485 : i32 to index
        %swap3A_1523 = arith.constant 32 : index
        %swap3A_1524 = tpu.vector_load %arg7[%swap3A_1521, %swap3A_1522, %swap3A_1523] {strides = array<i32>} : memref<2x128x64xf32, #tpu.memory_space<vmem>>, vector<16xf32>,
        tpu.vector_store %arg7[%swap3A_1521, %swap3A_1522, %swap3A_1523], %mul3A_1519 {strides = array<i32>} : memref<2x128x64xf32, #tpu.memory_space<vmem>>, vector<16xf32>,
        %get3A_1525 = arith.constant 1 : i32
        %get3A_1526 = arith.index_cast %get3A_1525 : i32 to index
        %get3A_1527 = arith.index_cast %scan3A_1485 : i32 to index
        %get3A_1528 = arith.constant 48 : index
        %get3A_1529 = tpu.vector_load %arg6[%get3A_1526, %get3A_1527, %get3A_1528] {strides = array<i32>} : memref<4x128x128xf32, #tpu.memory_space<vmem>>, vector<16xf32>,
        %mul3A_1530 = arith.constant 1.000000e+00 : f32
        %mul3A_1531 = vector.broadcast %mul3A_1530 : f32 to vector<16xf32>
        %mul3A_1532 = arith.mulf %get3A_1529, %mul3A_1531 : vector<16xf32>
        %swap3A_1533 = arith.constant 1 : i32
        %swap3A_1534 = arith.index_cast %swap3A_1533 : i32 to index
        %swap3A_1535 = arith.index_cast %scan3A_1485 : i32 to index
        %swap3A_1536 = arith.constant 48 : index
        %swap3A_1537 = tpu.vector_load %arg7[%swap3A_1534, %swap3A_1535, %swap3A_1536] {strides = array<i32>} : memref<2x128x64xf32, #tpu.memory_space<vmem>>, vector<16xf32>,
        tpu.vector_store %arg7[%swap3A_1534, %swap3A_1535, %swap3A_1536], %mul3A_1532 {strides = array<i32>} : memref<2x128x64xf32, #tpu.memory_space<vmem>>, vector<16xf32>,
      }
      %scan3A_309 = arith.constant 128 : i32
      %mul3A_310 = arith.constant 128 : i32
      %mul3A_311 = arith.muli %add3A_243, %mul3A_310 : i32
      %add3A_312 = arith.addi %mul3A_4, %mul3A_311 : i32
      %dma_start3A_313 = arith.constant 1 : i32
      %dma_start3A_314 = arith.constant 0 : i32
      %dma_start3A_315 = arith.constant 0 : i32
      %dma_start3A_316 = tpu.memref_slice %arg7[%dma_start3A_313, %dma_start3A_314, %dma_start3A_315] : memref<2x128x64xf32, #tpu.memory_space<vmem>> -> memref<1x128x64xf32, #tpu.memory_space<vmem>>
      %dma_start3A_317 = tpu.memref_squeeze %dma_start3A_316 : memref<1x128x64xf32, #tpu.memory_space<vmem>> -> memref<128x64xf32, #tpu.memory_space<vmem>>
      %dma_start3A_318 = arith.constant 0 : i32
      %dma_start3A_319 = tpu.memref_slice %arg4[%add3A_312, %dma_start3A_318] : memref<819200x64xf32, #tpu.memory_space<hbm>> -> memref<128x64xf32, #tpu.memory_space<hbm>>
      %dma_start3A_320 = arith.constant 0 : i32
      %dma_start3A_321 = tpu.memref_slice %arg4[%add3A_312, %dma_start3A_320] : memref<819200x64xf32, #tpu.memory_space<hbm>> -> memref<128x64xf32, #tpu.memory_space<hbm>>
      %dma_start3A_322 = arith.constant 0 : i32
      %dma_start3A_323 = arith.constant 0 : i32
      %dma_start3A_324 = tpu.memref_slice %arg7[%dma_start3A_313, %dma_start3A_322, %dma_start3A_323] : memref<2x128x64xf32, #tpu.memory_space<vmem>> -> memref<1x128x64xf32, #tpu.memory_space<vmem>>
      %dma_start3A_325 = tpu.memref_squeeze %dma_start3A_324 : memref<1x128x64xf32, #tpu.memory_space<vmem>> -> memref<128x64xf32, #tpu.memory_space<vmem>>
      tpu.enqueue_dma source(%dma_start3A_325 : memref<128x64xf32, #tpu.memory_space<vmem>>) target(%dma_start3A_321 : memref<128x64xf32, #tpu.memory_space<hbm>>) target_semaphore(%arg13 : memref<!tpu.dma_semaphore, #tpu.memory_space<semaphore_mem>>)
      %add3A_326 = arith.constant 3 : i32
      %add3A_327 = arith.addi %add3A_243, %add3A_326 : i32
      %jit3A_328 = arith.constant 8 : i32
      %div3A_329 = arith.divsi %add3A_327, %jit3A_328 : i32
      %sign3A_330 = arith.constant 0 : i32
      %sign3A_331 = arith.cmpi sgt, %add3A_327, %sign3A_330 : i32
      %sign3A_332 = arith.extui %sign3A_331 : i1 to i32
      %sign3A_333 = arith.constant 0 : i32
      %sign3A_334 = arith.cmpi slt, %add3A_327, %sign3A_333 : i32
      %sign3A_335 = arith.extui %sign3A_334 : i1 to i32
      %sign3A_336 = arith.subi %sign3A_332, %sign3A_335 : i32
      %sign3A_337 = arith.constant 0 : i32
      %sign3A_338 = arith.cmpi sgt, %jit3A_328, %sign3A_337 : i32
      %sign3A_339 = arith.extui %sign3A_338 : i1 to i32
      %sign3A_340 = arith.constant 0 : i32
      %sign3A_341 = arith.cmpi slt, %jit3A_328, %sign3A_340 : i32
      %sign3A_342 = arith.extui %sign3A_341 : i1 to i32
      %sign3A_343 = arith.subi %sign3A_339, %sign3A_342 : i32
      %ne3A_344 = arith.cmpi ne, %sign3A_336, %sign3A_343 : i32
      %rem3A_345 = arith.remsi %add3A_327, %jit3A_328 : i32
      %ne3A_346 = arith.constant 0 : i32
      %ne3A_347 = arith.cmpi ne, %rem3A_345, %ne3A_346 : i32
      %and3A_348 = arith.andi %ne3A_344, %ne3A_347 : i1
      %sub3A_349 = arith.constant 1 : i32
      %sub3A_350 = arith.subi %div3A_329, %sub3A_349 : i32
      %select_n3A_351 = arith.select %and3A_348, %sub3A_350, %div3A_329 : i32
      %jit3A_352 = arith.constant 2 : i32
      %eq3A_353 = arith.constant 0 : i32
      %eq3A_354 = arith.cmpi eq, %jit3A_352, %eq3A_353 : i32
      %jit3A_355 = arith.constant 1 : i32
      %select_n3A_356 = arith.select %eq3A_354, %jit3A_355, %jit3A_352 : i32
      %rem3A_357 = arith.remsi %select_n3A_351, %select_n3A_356 : i32
      %ne3A_358 = arith.constant 0 : i32
      %ne3A_359 = arith.cmpi ne, %rem3A_357, %ne3A_358 : i32
      %lt3A_360 = arith.constant 0 : i32
      %lt3A_361 = arith.cmpi slt, %rem3A_357, %lt3A_360 : i32
      %lt3A_362 = arith.constant 0 : i32
      %lt3A_363 = arith.cmpi slt, %select_n3A_356, %lt3A_362 : i32
      %ne3A_364 = arith.xori %lt3A_361, %lt3A_363 : i1
      %and3A_365 = arith.andi %ne3A_364, %ne3A_359 : i1
      %add3A_366 = arith.addi %rem3A_357, %select_n3A_356 : i32
      %select_n3A_367 = arith.select %and3A_365, %add3A_366, %rem3A_357 : i32
      %dma_start3A_368 = arith.constant 4 : i32
      %dma_start3A_369 = arith.constant 0 : i32
      %dma_start3A_370 = arith.constant 0 : i32
      %dma_start3A_371 = arith.constant 0 : i32
      %dma_start3A_372 = tpu.memref_slice %arg6[%dma_start3A_369, %dma_start3A_370, %dma_start3A_371] : memref<4x128x128xf32, #tpu.memory_space<vmem>> -> memref<1x128x128xf32, #tpu.memory_space<vmem>>
      %dma_start3A_373 = tpu.memref_squeeze %dma_start3A_372 : memref<1x128x128xf32, #tpu.memory_space<vmem>> -> memref<128x128xf32, #tpu.memory_space<vmem>>
      %dma_start3A_374 = arith.constant 0 : i32
      %dma_start3A_375 = tpu.memref_slice %arg5[%select_n3A_367, %dma_start3A_368, %dma_start3A_374] : memref<2x8x128xi32, #tpu.memory_space<vmem>> -> memref<1x1x128xi32, #tpu.memory_space<vmem>>
      %dma_start3A_376 = tpu.memref_squeeze %dma_start3A_375 : memref<1x1x128xi32, #tpu.memory_space<vmem>> -> memref<128xi32, #tpu.memory_space<vmem>>
      %dma_start3A_377 = arith.constant 0 : i32
      %dma_start3A_378 = arith.constant 0 : i32
      %dma_start3A_379 = tpu.memref_slice %arg2[%dma_start3A_377, %dma_start3A_378] : memref<1000000x128xf32, #tpu.memory_space<hbm>> -> memref<1000000x128xf32, #tpu.memory_space<hbm>>
      tpu.enqueue_indirect_dma source(%dma_start3A_379 : memref<1000000x128xf32, #tpu.memory_space<hbm>>) target(%dma_start3A_373 : memref<128x128xf32, #tpu.memory_space<vmem>>) offsets(%dma_start3A_376 : memref<128xi32, #tpu.memory_space<vmem>>) semaphore(%arg8 : memref<!tpu.dma_semaphore, #tpu.memory_space<semaphore_mem>>)
      %add3A_380 = arith.constant 2 : i32
      %add3A_381 = arith.addi %mul3A_113, %add3A_380 : i32
      %jit3A_382 = arith.constant 8 : i32
      %div3A_383 = arith.divsi %add3A_381, %jit3A_382 : i32
      %sign3A_384 = arith.constant 0 : i32
      %sign3A_385 = arith.cmpi sgt, %add3A_381, %sign3A_384 : i32
      %sign3A_386 = arith.extui %sign3A_385 : i1 to i32
      %sign3A_387 = arith.constant 0 : i32
      %sign3A_388 = arith.cmpi slt, %add3A_381, %sign3A_387 : i32
      %sign3A_389 = arith.extui %sign3A_388 : i1 to i32
      %sign3A_390 = arith.subi %sign3A_386, %sign3A_389 : i32
      %sign3A_391 = arith.constant 0 : i32
      %sign3A_392 = arith.cmpi sgt, %jit3A_382, %sign3A_391 : i32
      %sign3A_393 = arith.extui %sign3A_392 : i1 to i32
      %sign3A_394 = arith.constant 0 : i32
      %sign3A_395 = arith.cmpi slt, %jit3A_382, %sign3A_394 : i32
      %sign3A_396 = arith.extui %sign3A_395 : i1 to i32
      %sign3A_397 = arith.subi %sign3A_393, %sign3A_396 : i32
      %ne3A_398 = arith.cmpi ne, %sign3A_390, %sign3A_397 : i32
      %rem3A_399 = arith.remsi %add3A_381, %jit3A_382 : i32
      %ne3A_400 = arith.constant 0 : i32
      %ne3A_401 = arith.cmpi ne, %rem3A_399, %ne3A_400 : i32
      %and3A_402 = arith.andi %ne3A_398, %ne3A_401 : i1
      %sub3A_403 = arith.constant 1 : i32
      %sub3A_404 = arith.subi %div3A_383, %sub3A_403 : i32
      %select_n3A_405 = arith.select %and3A_402, %sub3A_404, %div3A_383 : i32
      %jit3A_406 = arith.constant 2 : i32
      %eq3A_407 = arith.constant 0 : i32
      %eq3A_408 = arith.cmpi eq, %jit3A_406, %eq3A_407 : i32
      %jit3A_409 = arith.constant 1 : i32
      %select_n3A_410 = arith.select %eq3A_408, %jit3A_409, %jit3A_406 : i32
      %rem3A_411 = arith.remsi %select_n3A_405, %select_n3A_410 : i32
      %ne3A_412 = arith.constant 0 : i32
      %ne3A_413 = arith.cmpi ne, %rem3A_411, %ne3A_412 : i32
      %lt3A_414 = arith.constant 0 : i32
      %lt3A_415 = arith.cmpi slt, %rem3A_411, %lt3A_414 : i32
      %lt3A_416 = arith.constant 0 : i32
      %lt3A_417 = arith.cmpi slt, %select_n3A_410, %lt3A_416 : i32
      %ne3A_418 = arith.xori %lt3A_415, %lt3A_417 : i1
      %and3A_419 = arith.andi %ne3A_418, %ne3A_413 : i1
      %add3A_420 = arith.addi %rem3A_411, %select_n3A_410 : i32
      %select_n3A_421 = arith.select %and3A_419, %add3A_420, %rem3A_411 : i32
      %dma_wait3A_422 = arith.constant 2 : i32
      %dma_wait3A_423 = arith.constant 0 : i32
      %dma_wait3A_424 = arith.constant 0 : i32
      %dma_wait3A_425 = tpu.memref_slice %arg6[%dma_wait3A_422, %dma_wait3A_423, %dma_wait3A_424] : memref<4x128x128xf32, #tpu.memory_space<vmem>> -> memref<1x128x128xf32, #tpu.memory_space<vmem>>
      %dma_wait3A_426 = tpu.memref_squeeze %dma_wait3A_425 : memref<1x128x128xf32, #tpu.memory_space<vmem>> -> memref<128x128xf32, #tpu.memory_space<vmem>>
      %dma_wait3A_427 = arith.constant 0 : i32
      %dma_wait3A_428 = arith.constant 0 : i32
      %dma_wait3A_429 = tpu.memref_slice %arg2[%dma_wait3A_427, %dma_wait3A_428] : memref<1000000x128xf32, #tpu.memory_space<hbm>> -> memref<128x128xf32, #tpu.memory_space<hbm>>
      %dma_wait3A_430 = arith.constant 0 : i32
      %dma_wait3A_431 = arith.constant 0 : i32
      %dma_wait3A_432 = tpu.memref_slice %arg6[%dma_wait3A_422, %dma_wait3A_430, %dma_wait3A_431] : memref<4x128x128xf32, #tpu.memory_space<vmem>> -> memref<1x128x128xf32, #tpu.memory_space<vmem>>
      %dma_wait3A_433 = tpu.memref_squeeze %dma_wait3A_432 : memref<1x128x128xf32, #tpu.memory_space<vmem>> -> memref<128x128xf32, #tpu.memory_space<vmem>>
      %dma_wait3A_434 = arith.constant 0 : i32
      %dma_wait3A_435 = arith.constant 0 : i32
      %dma_wait3A_436 = tpu.memref_slice %arg2[%dma_wait3A_434, %dma_wait3A_435] : memref<1000000x128xf32, #tpu.memory_space<hbm>> -> memref<128x128xf32, #tpu.memory_space<hbm>>
      tpu.wait_dma2 semaphore(%arg10 : memref<!tpu.dma_semaphore, #tpu.memory_space<semaphore_mem>>) src(%dma_wait3A_436 : memref<128x128xf32, #tpu.memory_space<hbm>>) dst(%dma_wait3A_433 : memref<128x128xf32, #tpu.memory_space<vmem>>)
      %dma_wait3A_437 = arith.constant 0 : i32
      %dma_wait3A_438 = arith.constant 0 : i32
      %dma_wait3A_439 = arith.constant 0 : i32
      %dma_wait3A_440 = tpu.memref_slice %arg7[%dma_wait3A_437, %dma_wait3A_438, %dma_wait3A_439] : memref<2x128x64xf32, #tpu.memory_space<vmem>> -> memref<1x128x64xf32, #tpu.memory_space<vmem>>
      %dma_wait3A_441 = tpu.memref_squeeze %dma_wait3A_440 : memref<1x128x64xf32, #tpu.memory_space<vmem>> -> memref<128x64xf32, #tpu.memory_space<vmem>>
      %dma_wait3A_442 = arith.constant 0 : i32
      %dma_wait3A_443 = tpu.memref_slice %arg4[%mul3A_4, %dma_wait3A_442] : memref<819200x64xf32, #tpu.memory_space<hbm>> -> memref<128x64xf32, #tpu.memory_space<hbm>>
      %dma_wait3A_444 = arith.constant 0 : i32
      %dma_wait3A_445 = tpu.memref_slice %arg4[%mul3A_4, %dma_wait3A_444] : memref<819200x64xf32, #tpu.memory_space<hbm>> -> memref<128x64xf32, #tpu.memory_space<hbm>>
      %dma_wait3A_446 = arith.constant 0 : i32
      %dma_wait3A_447 = arith.constant 0 : i32
      %dma_wait3A_448 = tpu.memref_slice %arg7[%dma_wait3A_437, %dma_wait3A_446, %dma_wait3A_447] : memref<2x128x64xf32, #tpu.memory_space<vmem>> -> memref<1x128x64xf32, #tpu.memory_space<vmem>>
      %dma_wait3A_449 = tpu.memref_squeeze %dma_wait3A_448 : memref<1x128x64xf32, #tpu.memory_space<vmem>> -> memref<128x64xf32, #tpu.memory_space<vmem>>
      tpu.wait_dma2 semaphore(%arg12 : memref<!tpu.dma_semaphore, #tpu.memory_space<semaphore_mem>>) src(%dma_wait3A_449 : memref<128x64xf32, #tpu.memory_space<vmem>>) dst(%dma_wait3A_445 : memref<128x64xf32, #tpu.memory_space<hbm>>)
      %scan3A_450 = arith.constant 0 : i32
      %scan3A_451 = arith.constant 0 : i32
      %scan3A_452 = arith.constant 128 : i32
      %scan3A_453 = arith.addi %scan3A_451, %scan3A_452 : i32
      %scan3A_454 = arith.constant 8 : i32
      scf.for %scan3A_1109 = %scan3A_451 to %scan3A_453 step %scan3A_454  : i32 {
        %get3A = arith.constant 2 : i32
        %get3A_1110 = arith.index_cast %get3A : i32 to index
        %get3A_1111 = arith.index_cast %scan3A_1109 : i32 to index
        %get3A_1112 = arith.constant 0 : index
        %get3A_1113 = tpu.vector_load %arg6[%get3A_1110, %get3A_1111, %get3A_1112] {strides = array<i32>} : memref<4x128x128xf32, #tpu.memory_space<vmem>>, vector<16xf32>,
        %mul3A_1114 = arith.constant 1.000000e+00 : f32
        %mul3A_1115 = vector.broadcast %mul3A_1114 : f32 to vector<16xf32>
        %mul3A_1116 = arith.mulf %get3A_1113, %mul3A_1115 : vector<16xf32>
        %swap3A = arith.constant 0 : i32
        %swap3A_1117 = arith.index_cast %swap3A : i32 to index
        %swap3A_1118 = arith.index_cast %scan3A_1109 : i32 to index
        %swap3A_1119 = arith.constant 0 : index
        %swap3A_1120 = tpu.vector_load %arg7[%swap3A_1117, %swap3A_1118, %swap3A_1119] {strides = array<i32>} : memref<2x128x64xf32, #tpu.memory_space<vmem>>, vector<16xf32>,
        tpu.vector_store %arg7[%swap3A_1117, %swap3A_1118, %swap3A_1119], %mul3A_1116 {strides = array<i32>} : memref<2x128x64xf32, #tpu.memory_space<vmem>>, vector<16xf32>,
        %get3A_1121 = arith.constant 2 : i32
        %get3A_1122 = arith.index_cast %get3A_1121 : i32 to index
        %get3A_1123 = arith.index_cast %scan3A_1109 : i32 to index
        %get3A_1124 = arith.constant 16 : index
        %get3A_1125 = tpu.vector_load %arg6[%get3A_1122, %get3A_1123, %get3A_1124] {strides = array<i32>} : memref<4x128x128xf32, #tpu.memory_space<vmem>>, vector<16xf32>,
        %mul3A_1126 = arith.constant 1.000000e+00 : f32
        %mul3A_1127 = vector.broadcast %mul3A_1126 : f32 to vector<16xf32>
        %mul3A_1128 = arith.mulf %get3A_1125, %mul3A_1127 : vector<16xf32>
        %swap3A_1129 = arith.constant 0 : i32
        %swap3A_1130 = arith.index_cast %swap3A_1129 : i32 to index
        %swap3A_1131 = arith.index_cast %scan3A_1109 : i32 to index
        %swap3A_1132 = arith.constant 16 : index
        %swap3A_1133 = tpu.vector_load %arg7[%swap3A_1130, %swap3A_1131, %swap3A_1132] {strides = array<i32>} : memref<2x128x64xf32, #tpu.memory_space<vmem>>, vector<16xf32>,
        tpu.vector_store %arg7[%swap3A_1130, %swap3A_1131, %swap3A_1132], %mul3A_1128 {strides = array<i32>} : memref<2x128x64xf32, #tpu.memory_space<vmem>>, vector<16xf32>,
        %get3A_1134 = arith.constant 2 : i32
        %get3A_1135 = arith.index_cast %get3A_1134 : i32 to index
        %get3A_1136 = arith.index_cast %scan3A_1109 : i32 to index
        %get3A_1137 = arith.constant 32 : index
        %get3A_1138 = tpu.vector_load %arg6[%get3A_1135, %get3A_1136, %get3A_1137] {strides = array<i32>} : memref<4x128x128xf32, #tpu.memory_space<vmem>>, vector<16xf32>,
        %mul3A_1139 = arith.constant 1.000000e+00 : f32
        %mul3A_1140 = vector.broadcast %mul3A_1139 : f32 to vector<16xf32>
        %mul3A_1141 = arith.mulf %get3A_1138, %mul3A_1140 : vector<16xf32>
        %swap3A_1142 = arith.constant 0 : i32
        %swap3A_1143 = arith.index_cast %swap3A_1142 : i32 to index
        %swap3A_1144 = arith.index_cast %scan3A_1109 : i32 to index
        %swap3A_1145 = arith.constant 32 : index
        %swap3A_1146 = tpu.vector_load %arg7[%swap3A_1143, %swap3A_1144, %swap3A_1145] {strides = array<i32>} : memref<2x128x64xf32, #tpu.memory_space<vmem>>, vector<16xf32>,
        tpu.vector_store %arg7[%swap3A_1143, %swap3A_1144, %swap3A_1145], %mul3A_1141 {strides = array<i32>} : memref<2x128x64xf32, #tpu.memory_space<vmem>>, vector<16xf32>,
        %get3A_1147 = arith.constant 2 : i32
        %get3A_1148 = arith.index_cast %get3A_1147 : i32 to index
        %get3A_1149 = arith.index_cast %scan3A_1109 : i32 to index
        %get3A_1150 = arith.constant 48 : index
        %get3A_1151 = tpu.vector_load %arg6[%get3A_1148, %get3A_1149, %get3A_1150] {strides = array<i32>} : memref<4x128x128xf32, #tpu.memory_space<vmem>>, vector<16xf32>,
        %mul3A_1152 = arith.constant 1.000000e+00 : f32
        %mul3A_1153 = vector.broadcast %mul3A_1152 : f32 to vector<16xf32>
        %mul3A_1154 = arith.mulf %get3A_1151, %mul3A_1153 : vector<16xf32>
        %swap3A_1155 = arith.constant 0 : i32
        %swap3A_1156 = arith.index_cast %swap3A_1155 : i32 to index
        %swap3A_1157 = arith.index_cast %scan3A_1109 : i32 to index
        %swap3A_1158 = arith.constant 48 : index
        %swap3A_1159 = tpu.vector_load %arg7[%swap3A_1156, %swap3A_1157, %swap3A_1158] {strides = array<i32>} : memref<2x128x64xf32, #tpu.memory_space<vmem>>, vector<16xf32>,
        tpu.vector_store %arg7[%swap3A_1156, %swap3A_1157, %swap3A_1158], %mul3A_1154 {strides = array<i32>} : memref<2x128x64xf32, #tpu.memory_space<vmem>>, vector<16xf32>,
        %scan3A_1160 = arith.constant 1 : i32
        %scan3A_1161 = arith.addi %scan3A_1109, %scan3A_1160 : i32
        %get3A_1162 = arith.constant 2 : i32
        %get3A_1163 = arith.index_cast %get3A_1162 : i32 to index
        %get3A_1164 = arith.index_cast %scan3A_1161 : i32 to index
        %get3A_1165 = arith.constant 0 : index
        %get3A_1166 = tpu.vector_load %arg6[%get3A_1163, %get3A_1164, %get3A_1165] {strides = array<i32>} : memref<4x128x128xf32, #tpu.memory_space<vmem>>, vector<16xf32>,
        %mul3A_1167 = arith.constant 1.000000e+00 : f32
        %mul3A_1168 = vector.broadcast %mul3A_1167 : f32 to vector<16xf32>
        %mul3A_1169 = arith.mulf %get3A_1166, %mul3A_1168 : vector<16xf32>
        %swap3A_1170 = arith.constant 0 : i32
        %swap3A_1171 = arith.index_cast %swap3A_1170 : i32 to index
        %swap3A_1172 = arith.index_cast %scan3A_1161 : i32 to index
        %swap3A_1173 = arith.constant 0 : index
        %swap3A_1174 = tpu.vector_load %arg7[%swap3A_1171, %swap3A_1172, %swap3A_1173] {strides = array<i32>} : memref<2x128x64xf32, #tpu.memory_space<vmem>>, vector<16xf32>,
        tpu.vector_store %arg7[%swap3A_1171, %swap3A_1172, %swap3A_1173], %mul3A_1169 {strides = array<i32>} : memref<2x128x64xf32, #tpu.memory_space<vmem>>, vector<16xf32>,
        %get3A_1175 = arith.constant 2 : i32
        %get3A_1176 = arith.index_cast %get3A_1175 : i32 to index
        %get3A_1177 = arith.index_cast %scan3A_1161 : i32 to index
        %get3A_1178 = arith.constant 16 : index
        %get3A_1179 = tpu.vector_load %arg6[%get3A_1176, %get3A_1177, %get3A_1178] {strides = array<i32>} : memref<4x128x128xf32, #tpu.memory_space<vmem>>, vector<16xf32>,
        %mul3A_1180 = arith.constant 1.000000e+00 : f32
        %mul3A_1181 = vector.broadcast %mul3A_1180 : f32 to vector<16xf32>
        %mul3A_1182 = arith.mulf %get3A_1179, %mul3A_1181 : vector<16xf32>
        %swap3A_1183 = arith.constant 0 : i32
        %swap3A_1184 = arith.index_cast %swap3A_1183 : i32 to index
        %swap3A_1185 = arith.index_cast %scan3A_1161 : i32 to index
        %swap3A_1186 = arith.constant 16 : index
        %swap3A_1187 = tpu.vector_load %arg7[%swap3A_1184, %swap3A_1185, %swap3A_1186] {strides = array<i32>} : memref<2x128x64xf32, #tpu.memory_space<vmem>>, vector<16xf32>,
        tpu.vector_store %arg7[%swap3A_1184, %swap3A_1185, %swap3A_1186], %mul3A_1182 {strides = array<i32>} : memref<2x128x64xf32, #tpu.memory_space<vmem>>, vector<16xf32>,
        %get3A_1188 = arith.constant 2 : i32
        %get3A_1189 = arith.index_cast %get3A_1188 : i32 to index
        %get3A_1190 = arith.index_cast %scan3A_1161 : i32 to index
        %get3A_1191 = arith.constant 32 : index
        %get3A_1192 = tpu.vector_load %arg6[%get3A_1189, %get3A_1190, %get3A_1191] {strides = array<i32>} : memref<4x128x128xf32, #tpu.memory_space<vmem>>, vector<16xf32>,
        %mul3A_1193 = arith.constant 1.000000e+00 : f32
        %mul3A_1194 = vector.broadcast %mul3A_1193 : f32 to vector<16xf32>
        %mul3A_1195 = arith.mulf %get3A_1192, %mul3A_1194 : vector<16xf32>
        %swap3A_1196 = arith.constant 0 : i32
        %swap3A_1197 = arith.index_cast %swap3A_1196 : i32 to index
        %swap3A_1198 = arith.index_cast %scan3A_1161 : i32 to index
        %swap3A_1199 = arith.constant 32 : index
        %swap3A_1200 = tpu.vector_load %arg7[%swap3A_1197, %swap3A_1198, %swap3A_1199] {strides = array<i32>} : memref<2x128x64xf32, #tpu.memory_space<vmem>>, vector<16xf32>,
        tpu.vector_store %arg7[%swap3A_1197, %swap3A_1198, %swap3A_1199], %mul3A_1195 {strides = array<i32>} : memref<2x128x64xf32, #tpu.memory_space<vmem>>, vector<16xf32>,
        %get3A_1201 = arith.constant 2 : i32
        %get3A_1202 = arith.index_cast %get3A_1201 : i32 to index
        %get3A_1203 = arith.index_cast %scan3A_1161 : i32 to index
        %get3A_1204 = arith.constant 48 : index
        %get3A_1205 = tpu.vector_load %arg6[%get3A_1202, %get3A_1203, %get3A_1204] {strides = array<i32>} : memref<4x128x128xf32, #tpu.memory_space<vmem>>, vector<16xf32>,
        %mul3A_1206 = arith.constant 1.000000e+00 : f32
        %mul3A_1207 = vector.broadcast %mul3A_1206 : f32 to vector<16xf32>
        %mul3A_1208 = arith.mulf %get3A_1205, %mul3A_1207 : vector<16xf32>
        %swap3A_1209 = arith.constant 0 : i32
        %swap3A_1210 = arith.index_cast %swap3A_1209 : i32 to index
        %swap3A_1211 = arith.index_cast %scan3A_1161 : i32 to index
        %swap3A_1212 = arith.constant 48 : index
        %swap3A_1213 = tpu.vector_load %arg7[%swap3A_1210, %swap3A_1211, %swap3A_1212] {strides = array<i32>} : memref<2x128x64xf32, #tpu.memory_space<vmem>>, vector<16xf32>,
        tpu.vector_store %arg7[%swap3A_1210, %swap3A_1211, %swap3A_1212], %mul3A_1208 {strides = array<i32>} : memref<2x128x64xf32, #tpu.memory_space<vmem>>, vector<16xf32>,
        %scan3A_1214 = arith.constant 2 : i32
        %scan3A_1215 = arith.addi %scan3A_1109, %scan3A_1214 : i32
        %get3A_1216 = arith.constant 2 : i32
        %get3A_1217 = arith.index_cast %get3A_1216 : i32 to index
        %get3A_1218 = arith.index_cast %scan3A_1215 : i32 to index
        %get3A_1219 = arith.constant 0 : index
        %get3A_1220 = tpu.vector_load %arg6[%get3A_1217, %get3A_1218, %get3A_1219] {strides = array<i32>} : memref<4x128x128xf32, #tpu.memory_space<vmem>>, vector<16xf32>,
        %mul3A_1221 = arith.constant 1.000000e+00 : f32
        %mul3A_1222 = vector.broadcast %mul3A_1221 : f32 to vector<16xf32>
        %mul3A_1223 = arith.mulf %get3A_1220, %mul3A_1222 : vector<16xf32>
        %swap3A_1224 = arith.constant 0 : i32
        %swap3A_1225 = arith.index_cast %swap3A_1224 : i32 to index
        %swap3A_1226 = arith.index_cast %scan3A_1215 : i32 to index
        %swap3A_1227 = arith.constant 0 : index
        %swap3A_1228 = tpu.vector_load %arg7[%swap3A_1225, %swap3A_1226, %swap3A_1227] {strides = array<i32>} : memref<2x128x64xf32, #tpu.memory_space<vmem>>, vector<16xf32>,
        tpu.vector_store %arg7[%swap3A_1225, %swap3A_1226, %swap3A_1227], %mul3A_1223 {strides = array<i32>} : memref<2x128x64xf32, #tpu.memory_space<vmem>>, vector<16xf32>,
        %get3A_1229 = arith.constant 2 : i32
        %get3A_1230 = arith.index_cast %get3A_1229 : i32 to index
        %get3A_1231 = arith.index_cast %scan3A_1215 : i32 to index
        %get3A_1232 = arith.constant 16 : index
        %get3A_1233 = tpu.vector_load %arg6[%get3A_1230, %get3A_1231, %get3A_1232] {strides = array<i32>} : memref<4x128x128xf32, #tpu.memory_space<vmem>>, vector<16xf32>,
        %mul3A_1234 = arith.constant 1.000000e+00 : f32
        %mul3A_1235 = vector.broadcast %mul3A_1234 : f32 to vector<16xf32>
        %mul3A_1236 = arith.mulf %get3A_1233, %mul3A_1235 : vector<16xf32>
        %swap3A_1237 = arith.constant 0 : i32
        %swap3A_1238 = arith.index_cast %swap3A_1237 : i32 to index
        %swap3A_1239 = arith.index_cast %scan3A_1215 : i32 to index
        %swap3A_1240 = arith.constant 16 : index
        %swap3A_1241 = tpu.vector_load %arg7[%swap3A_1238, %swap3A_1239, %swap3A_1240] {strides = array<i32>} : memref<2x128x64xf32, #tpu.memory_space<vmem>>, vector<16xf32>,
        tpu.vector_store %arg7[%swap3A_1238, %swap3A_1239, %swap3A_1240], %mul3A_1236 {strides = array<i32>} : memref<2x128x64xf32, #tpu.memory_space<vmem>>, vector<16xf32>,
        %get3A_1242 = arith.constant 2 : i32
        %get3A_1243 = arith.index_cast %get3A_1242 : i32 to index
        %get3A_1244 = arith.index_cast %scan3A_1215 : i32 to index
        %get3A_1245 = arith.constant 32 : index
        %get3A_1246 = tpu.vector_load %arg6[%get3A_1243, %get3A_1244, %get3A_1245] {strides = array<i32>} : memref<4x128x128xf32, #tpu.memory_space<vmem>>, vector<16xf32>,
        %mul3A_1247 = arith.constant 1.000000e+00 : f32
        %mul3A_1248 = vector.broadcast %mul3A_1247 : f32 to vector<16xf32>
        %mul3A_1249 = arith.mulf %get3A_1246, %mul3A_1248 : vector<16xf32>
        %swap3A_1250 = arith.constant 0 : i32
        %swap3A_1251 = arith.index_cast %swap3A_1250 : i32 to index
        %swap3A_1252 = arith.index_cast %scan3A_1215 : i32 to index
        %swap3A_1253 = arith.constant 32 : index
        %swap3A_1254 = tpu.vector_load %arg7[%swap3A_1251, %swap3A_1252, %swap3A_1253] {strides = array<i32>} : memref<2x128x64xf32, #tpu.memory_space<vmem>>, vector<16xf32>,
        tpu.vector_store %arg7[%swap3A_1251, %swap3A_1252, %swap3A_1253], %mul3A_1249 {strides = array<i32>} : memref<2x128x64xf32, #tpu.memory_space<vmem>>, vector<16xf32>,
        %get3A_1255 = arith.constant 2 : i32
        %get3A_1256 = arith.index_cast %get3A_1255 : i32 to index
        %get3A_1257 = arith.index_cast %scan3A_1215 : i32 to index
        %get3A_1258 = arith.constant 48 : index
        %get3A_1259 = tpu.vector_load %arg6[%get3A_1256, %get3A_1257, %get3A_1258] {strides = array<i32>} : memref<4x128x128xf32, #tpu.memory_space<vmem>>, vector<16xf32>,
        %mul3A_1260 = arith.constant 1.000000e+00 : f32
        %mul3A_1261 = vector.broadcast %mul3A_1260 : f32 to vector<16xf32>
        %mul3A_1262 = arith.mulf %get3A_1259, %mul3A_1261 : vector<16xf32>
        %swap3A_1263 = arith.constant 0 : i32
        %swap3A_1264 = arith.index_cast %swap3A_1263 : i32 to index
        %swap3A_1265 = arith.index_cast %scan3A_1215 : i32 to index
        %swap3A_1266 = arith.constant 48 : index
        %swap3A_1267 = tpu.vector_load %arg7[%swap3A_1264, %swap3A_1265, %swap3A_1266] {strides = array<i32>} : memref<2x128x64xf32, #tpu.memory_space<vmem>>, vector<16xf32>,
        tpu.vector_store %arg7[%swap3A_1264, %swap3A_1265, %swap3A_1266], %mul3A_1262 {strides = array<i32>} : memref<2x128x64xf32, #tpu.memory_space<vmem>>, vector<16xf32>,
        %scan3A_1268 = arith.constant 3 : i32
        %scan3A_1269 = arith.addi %scan3A_1109, %scan3A_1268 : i32
        %get3A_1270 = arith.constant 2 : i32
        %get3A_1271 = arith.index_cast %get3A_1270 : i32 to index
        %get3A_1272 = arith.index_cast %scan3A_1269 : i32 to index
        %get3A_1273 = arith.constant 0 : index
        %get3A_1274 = tpu.vector_load %arg6[%get3A_1271, %get3A_1272, %get3A_1273] {strides = array<i32>} : memref<4x128x128xf32, #tpu.memory_space<vmem>>, vector<16xf32>,
        %mul3A_1275 = arith.constant 1.000000e+00 : f32
        %mul3A_1276 = vector.broadcast %mul3A_1275 : f32 to vector<16xf32>
        %mul3A_1277 = arith.mulf %get3A_1274, %mul3A_1276 : vector<16xf32>
        %swap3A_1278 = arith.constant 0 : i32
        %swap3A_1279 = arith.index_cast %swap3A_1278 : i32 to index
        %swap3A_1280 = arith.index_cast %scan3A_1269 : i32 to index
        %swap3A_1281 = arith.constant 0 : index
        %swap3A_1282 = tpu.vector_load %arg7[%swap3A_1279, %swap3A_1280, %swap3A_1281] {strides = array<i32>} : memref<2x128x64xf32, #tpu.memory_space<vmem>>, vector<16xf32>,
        tpu.vector_store %arg7[%swap3A_1279, %swap3A_1280, %swap3A_1281], %mul3A_1277 {strides = array<i32>} : memref<2x128x64xf32, #tpu.memory_space<vmem>>, vector<16xf32>,
        %get3A_1283 = arith.constant 2 : i32
        %get3A_1284 = arith.index_cast %get3A_1283 : i32 to index
        %get3A_1285 = arith.index_cast %scan3A_1269 : i32 to index
        %get3A_1286 = arith.constant 16 : index
        %get3A_1287 = tpu.vector_load %arg6[%get3A_1284, %get3A_1285, %get3A_1286] {strides = array<i32>} : memref<4x128x128xf32, #tpu.memory_space<vmem>>, vector<16xf32>,
        %mul3A_1288 = arith.constant 1.000000e+00 : f32
        %mul3A_1289 = vector.broadcast %mul3A_1288 : f32 to vector<16xf32>
        %mul3A_1290 = arith.mulf %get3A_1287, %mul3A_1289 : vector<16xf32>
        %swap3A_1291 = arith.constant 0 : i32
        %swap3A_1292 = arith.index_cast %swap3A_1291 : i32 to index
        %swap3A_1293 = arith.index_cast %scan3A_1269 : i32 to index
        %swap3A_1294 = arith.constant 16 : index
        %swap3A_1295 = tpu.vector_load %arg7[%swap3A_1292, %swap3A_1293, %swap3A_1294] {strides = array<i32>} : memref<2x128x64xf32, #tpu.memory_space<vmem>>, vector<16xf32>,
        tpu.vector_store %arg7[%swap3A_1292, %swap3A_1293, %swap3A_1294], %mul3A_1290 {strides = array<i32>} : memref<2x128x64xf32, #tpu.memory_space<vmem>>, vector<16xf32>,
        %get3A_1296 = arith.constant 2 : i32
        %get3A_1297 = arith.index_cast %get3A_1296 : i32 to index
        %get3A_1298 = arith.index_cast %scan3A_1269 : i32 to index
        %get3A_1299 = arith.constant 32 : index
        %get3A_1300 = tpu.vector_load %arg6[%get3A_1297, %get3A_1298, %get3A_1299] {strides = array<i32>} : memref<4x128x128xf32, #tpu.memory_space<vmem>>, vector<16xf32>,
        %mul3A_1301 = arith.constant 1.000000e+00 : f32
        %mul3A_1302 = vector.broadcast %mul3A_1301 : f32 to vector<16xf32>
        %mul3A_1303 = arith.mulf %get3A_1300, %mul3A_1302 : vector<16xf32>
        %swap3A_1304 = arith.constant 0 : i32
        %swap3A_1305 = arith.index_cast %swap3A_1304 : i32 to index
        %swap3A_1306 = arith.index_cast %scan3A_1269 : i32 to index
        %swap3A_1307 = arith.constant 32 : index
        %swap3A_1308 = tpu.vector_load %arg7[%swap3A_1305, %swap3A_1306, %swap3A_1307] {strides = array<i32>} : memref<2x128x64xf32, #tpu.memory_space<vmem>>, vector<16xf32>,
        tpu.vector_store %arg7[%swap3A_1305, %swap3A_1306, %swap3A_1307], %mul3A_1303 {strides = array<i32>} : memref<2x128x64xf32, #tpu.memory_space<vmem>>, vector<16xf32>,
        %get3A_1309 = arith.constant 2 : i32
        %get3A_1310 = arith.index_cast %get3A_1309 : i32 to index
        %get3A_1311 = arith.index_cast %scan3A_1269 : i32 to index
        %get3A_1312 = arith.constant 48 : index
        %get3A_1313 = tpu.vector_load %arg6[%get3A_1310, %get3A_1311, %get3A_1312] {strides = array<i32>} : memref<4x128x128xf32, #tpu.memory_space<vmem>>, vector<16xf32>,
        %mul3A_1314 = arith.constant 1.000000e+00 : f32
        %mul3A_1315 = vector.broadcast %mul3A_1314 : f32 to vector<16xf32>
        %mul3A_1316 = arith.mulf %get3A_1313, %mul3A_1315 : vector<16xf32>
        %swap3A_1317 = arith.constant 0 : i32
        %swap3A_1318 = arith.index_cast %swap3A_1317 : i32 to index
        %swap3A_1319 = arith.index_cast %scan3A_1269 : i32 to index
        %swap3A_1320 = arith.constant 48 : index
        %swap3A_1321 = tpu.vector_load %arg7[%swap3A_1318, %swap3A_1319, %swap3A_1320] {strides = array<i32>} : memref<2x128x64xf32, #tpu.memory_space<vmem>>, vector<16xf32>,
        tpu.vector_store %arg7[%swap3A_1318, %swap3A_1319, %swap3A_1320], %mul3A_1316 {strides = array<i32>} : memref<2x128x64xf32, #tpu.memory_space<vmem>>, vector<16xf32>,
        %scan3A_1322 = arith.constant 4 : i32
        %scan3A_1323 = arith.addi %scan3A_1109, %scan3A_1322 : i32
        %get3A_1324 = arith.constant 2 : i32
        %get3A_1325 = arith.index_cast %get3A_1324 : i32 to index
        %get3A_1326 = arith.index_cast %scan3A_1323 : i32 to index
        %get3A_1327 = arith.constant 0 : index
        %get3A_1328 = tpu.vector_load %arg6[%get3A_1325, %get3A_1326, %get3A_1327] {strides = array<i32>} : memref<4x128x128xf32, #tpu.memory_space<vmem>>, vector<16xf32>,
        %mul3A_1329 = arith.constant 1.000000e+00 : f32
        %mul3A_1330 = vector.broadcast %mul3A_1329 : f32 to vector<16xf32>
        %mul3A_1331 = arith.mulf %get3A_1328, %mul3A_1330 : vector<16xf32>
        %swap3A_1332 = arith.constant 0 : i32
        %swap3A_1333 = arith.index_cast %swap3A_1332 : i32 to index
        %swap3A_1334 = arith.index_cast %scan3A_1323 : i32 to index
        %swap3A_1335 = arith.constant 0 : index
        %swap3A_1336 = tpu.vector_load %arg7[%swap3A_1333, %swap3A_1334, %swap3A_1335] {strides = array<i32>} : memref<2x128x64xf32, #tpu.memory_space<vmem>>, vector<16xf32>,
        tpu.vector_store %arg7[%swap3A_1333, %swap3A_1334, %swap3A_1335], %mul3A_1331 {strides = array<i32>} : memref<2x128x64xf32, #tpu.memory_space<vmem>>, vector<16xf32>,
        %get3A_1337 = arith.constant 2 : i32
        %get3A_1338 = arith.index_cast %get3A_1337 : i32 to index
        %get3A_1339 = arith.index_cast %scan3A_1323 : i32 to index
        %get3A_1340 = arith.constant 16 : index
        %get3A_1341 = tpu.vector_load %arg6[%get3A_1338, %get3A_1339, %get3A_1340] {strides = array<i32>} : memref<4x128x128xf32, #tpu.memory_space<vmem>>, vector<16xf32>,
        %mul3A_1342 = arith.constant 1.000000e+00 : f32
        %mul3A_1343 = vector.broadcast %mul3A_1342 : f32 to vector<16xf32>
        %mul3A_1344 = arith.mulf %get3A_1341, %mul3A_1343 : vector<16xf32>
        %swap3A_1345 = arith.constant 0 : i32
        %swap3A_1346 = arith.index_cast %swap3A_1345 : i32 to index
        %swap3A_1347 = arith.index_cast %scan3A_1323 : i32 to index
        %swap3A_1348 = arith.constant 16 : index
        %swap3A_1349 = tpu.vector_load %arg7[%swap3A_1346, %swap3A_1347, %swap3A_1348] {strides = array<i32>} : memref<2x128x64xf32, #tpu.memory_space<vmem>>, vector<16xf32>,
        tpu.vector_store %arg7[%swap3A_1346, %swap3A_1347, %swap3A_1348], %mul3A_1344 {strides = array<i32>} : memref<2x128x64xf32, #tpu.memory_space<vmem>>, vector<16xf32>,
        %get3A_1350 = arith.constant 2 : i32
        %get3A_1351 = arith.index_cast %get3A_1350 : i32 to index
        %get3A_1352 = arith.index_cast %scan3A_1323 : i32 to index
        %get3A_1353 = arith.constant 32 : index
        %get3A_1354 = tpu.vector_load %arg6[%get3A_1351, %get3A_1352, %get3A_1353] {strides = array<i32>} : memref<4x128x128xf32, #tpu.memory_space<vmem>>, vector<16xf32>,
        %mul3A_1355 = arith.constant 1.000000e+00 : f32
        %mul3A_1356 = vector.broadcast %mul3A_1355 : f32 to vector<16xf32>
        %mul3A_1357 = arith.mulf %get3A_1354, %mul3A_1356 : vector<16xf32>
        %swap3A_1358 = arith.constant 0 : i32
        %swap3A_1359 = arith.index_cast %swap3A_1358 : i32 to index
        %swap3A_1360 = arith.index_cast %scan3A_1323 : i32 to index
        %swap3A_1361 = arith.constant 32 : index
        %swap3A_1362 = tpu.vector_load %arg7[%swap3A_1359, %swap3A_1360, %swap3A_1361] {strides = array<i32>} : memref<2x128x64xf32, #tpu.memory_space<vmem>>, vector<16xf32>,
        tpu.vector_store %arg7[%swap3A_1359, %swap3A_1360, %swap3A_1361], %mul3A_1357 {strides = array<i32>} : memref<2x128x64xf32, #tpu.memory_space<vmem>>, vector<16xf32>,
        %get3A_1363 = arith.constant 2 : i32
        %get3A_1364 = arith.index_cast %get3A_1363 : i32 to index
        %get3A_1365 = arith.index_cast %scan3A_1323 : i32 to index
        %get3A_1366 = arith.constant 48 : index
        %get3A_1367 = tpu.vector_load %arg6[%get3A_1364, %get3A_1365, %get3A_1366] {strides = array<i32>} : memref<4x128x128xf32, #tpu.memory_space<vmem>>, vector<16xf32>,
        %mul3A_1368 = arith.constant 1.000000e+00 : f32
        %mul3A_1369 = vector.broadcast %mul3A_1368 : f32 to vector<16xf32>
        %mul3A_1370 = arith.mulf %get3A_1367, %mul3A_1369 : vector<16xf32>
        %swap3A_1371 = arith.constant 0 : i32
        %swap3A_1372 = arith.index_cast %swap3A_1371 : i32 to index
        %swap3A_1373 = arith.index_cast %scan3A_1323 : i32 to index
        %swap3A_1374 = arith.constant 48 : index
        %swap3A_1375 = tpu.vector_load %arg7[%swap3A_1372, %swap3A_1373, %swap3A_1374] {strides = array<i32>} : memref<2x128x64xf32, #tpu.memory_space<vmem>>, vector<16xf32>,
        tpu.vector_store %arg7[%swap3A_1372, %swap3A_1373, %swap3A_1374], %mul3A_1370 {strides = array<i32>} : memref<2x128x64xf32, #tpu.memory_space<vmem>>, vector<16xf32>,
        %scan3A_1376 = arith.constant 5 : i32
        %scan3A_1377 = arith.addi %scan3A_1109, %scan3A_1376 : i32
        %get3A_1378 = arith.constant 2 : i32
        %get3A_1379 = arith.index_cast %get3A_1378 : i32 to index
        %get3A_1380 = arith.index_cast %scan3A_1377 : i32 to index
        %get3A_1381 = arith.constant 0 : index
        %get3A_1382 = tpu.vector_load %arg6[%get3A_1379, %get3A_1380, %get3A_1381] {strides = array<i32>} : memref<4x128x128xf32, #tpu.memory_space<vmem>>, vector<16xf32>,
        %mul3A_1383 = arith.constant 1.000000e+00 : f32
        %mul3A_1384 = vector.broadcast %mul3A_1383 : f32 to vector<16xf32>
        %mul3A_1385 = arith.mulf %get3A_1382, %mul3A_1384 : vector<16xf32>
        %swap3A_1386 = arith.constant 0 : i32
        %swap3A_1387 = arith.index_cast %swap3A_1386 : i32 to index
        %swap3A_1388 = arith.index_cast %scan3A_1377 : i32 to index
        %swap3A_1389 = arith.constant 0 : index
        %swap3A_1390 = tpu.vector_load %arg7[%swap3A_1387, %swap3A_1388, %swap3A_1389] {strides = array<i32>} : memref<2x128x64xf32, #tpu.memory_space<vmem>>, vector<16xf32>,
        tpu.vector_store %arg7[%swap3A_1387, %swap3A_1388, %swap3A_1389], %mul3A_1385 {strides = array<i32>} : memref<2x128x64xf32, #tpu.memory_space<vmem>>, vector<16xf32>,
        %get3A_1391 = arith.constant 2 : i32
        %get3A_1392 = arith.index_cast %get3A_1391 : i32 to index
        %get3A_1393 = arith.index_cast %scan3A_1377 : i32 to index
        %get3A_1394 = arith.constant 16 : index
        %get3A_1395 = tpu.vector_load %arg6[%get3A_1392, %get3A_1393, %get3A_1394] {strides = array<i32>} : memref<4x128x128xf32, #tpu.memory_space<vmem>>, vector<16xf32>,
        %mul3A_1396 = arith.constant 1.000000e+00 : f32
        %mul3A_1397 = vector.broadcast %mul3A_1396 : f32 to vector<16xf32>
        %mul3A_1398 = arith.mulf %get3A_1395, %mul3A_1397 : vector<16xf32>
        %swap3A_1399 = arith.constant 0 : i32
        %swap3A_1400 = arith.index_cast %swap3A_1399 : i32 to index
        %swap3A_1401 = arith.index_cast %scan3A_1377 : i32 to index
        %swap3A_1402 = arith.constant 16 : index
        %swap3A_1403 = tpu.vector_load %arg7[%swap3A_1400, %swap3A_1401, %swap3A_1402] {strides = array<i32>} : memref<2x128x64xf32, #tpu.memory_space<vmem>>, vector<16xf32>,
        tpu.vector_store %arg7[%swap3A_1400, %swap3A_1401, %swap3A_1402], %mul3A_1398 {strides = array<i32>} : memref<2x128x64xf32, #tpu.memory_space<vmem>>, vector<16xf32>,
        %get3A_1404 = arith.constant 2 : i32
        %get3A_1405 = arith.index_cast %get3A_1404 : i32 to index
        %get3A_1406 = arith.index_cast %scan3A_1377 : i32 to index
        %get3A_1407 = arith.constant 32 : index
        %get3A_1408 = tpu.vector_load %arg6[%get3A_1405, %get3A_1406, %get3A_1407] {strides = array<i32>} : memref<4x128x128xf32, #tpu.memory_space<vmem>>, vector<16xf32>,
        %mul3A_1409 = arith.constant 1.000000e+00 : f32
        %mul3A_1410 = vector.broadcast %mul3A_1409 : f32 to vector<16xf32>
        %mul3A_1411 = arith.mulf %get3A_1408, %mul3A_1410 : vector<16xf32>
        %swap3A_1412 = arith.constant 0 : i32
        %swap3A_1413 = arith.index_cast %swap3A_1412 : i32 to index
        %swap3A_1414 = arith.index_cast %scan3A_1377 : i32 to index
        %swap3A_1415 = arith.constant 32 : index
        %swap3A_1416 = tpu.vector_load %arg7[%swap3A_1413, %swap3A_1414, %swap3A_1415] {strides = array<i32>} : memref<2x128x64xf32, #tpu.memory_space<vmem>>, vector<16xf32>,
        tpu.vector_store %arg7[%swap3A_1413, %swap3A_1414, %swap3A_1415], %mul3A_1411 {strides = array<i32>} : memref<2x128x64xf32, #tpu.memory_space<vmem>>, vector<16xf32>,
        %get3A_1417 = arith.constant 2 : i32
        %get3A_1418 = arith.index_cast %get3A_1417 : i32 to index
        %get3A_1419 = arith.index_cast %scan3A_1377 : i32 to index
        %get3A_1420 = arith.constant 48 : index
        %get3A_1421 = tpu.vector_load %arg6[%get3A_1418, %get3A_1419, %get3A_1420] {strides = array<i32>} : memref<4x128x128xf32, #tpu.memory_space<vmem>>, vector<16xf32>,
        %mul3A_1422 = arith.constant 1.000000e+00 : f32
        %mul3A_1423 = vector.broadcast %mul3A_1422 : f32 to vector<16xf32>
        %mul3A_1424 = arith.mulf %get3A_1421, %mul3A_1423 : vector<16xf32>
        %swap3A_1425 = arith.constant 0 : i32
        %swap3A_1426 = arith.index_cast %swap3A_1425 : i32 to index
        %swap3A_1427 = arith.index_cast %scan3A_1377 : i32 to index
        %swap3A_1428 = arith.constant 48 : index
        %swap3A_1429 = tpu.vector_load %arg7[%swap3A_1426, %swap3A_1427, %swap3A_1428] {strides = array<i32>} : memref<2x128x64xf32, #tpu.memory_space<vmem>>, vector<16xf32>,
        tpu.vector_store %arg7[%swap3A_1426, %swap3A_1427, %swap3A_1428], %mul3A_1424 {strides = array<i32>} : memref<2x128x64xf32, #tpu.memory_space<vmem>>, vector<16xf32>,
        %scan3A_1430 = arith.constant 6 : i32
        %scan3A_1431 = arith.addi %scan3A_1109, %scan3A_1430 : i32
        %get3A_1432 = arith.constant 2 : i32
        %get3A_1433 = arith.index_cast %get3A_1432 : i32 to index
        %get3A_1434 = arith.index_cast %scan3A_1431 : i32 to index
        %get3A_1435 = arith.constant 0 : index
        %get3A_1436 = tpu.vector_load %arg6[%get3A_1433, %get3A_1434, %get3A_1435] {strides = array<i32>} : memref<4x128x128xf32, #tpu.memory_space<vmem>>, vector<16xf32>,
        %mul3A_1437 = arith.constant 1.000000e+00 : f32
        %mul3A_1438 = vector.broadcast %mul3A_1437 : f32 to vector<16xf32>
        %mul3A_1439 = arith.mulf %get3A_1436, %mul3A_1438 : vector<16xf32>
        %swap3A_1440 = arith.constant 0 : i32
        %swap3A_1441 = arith.index_cast %swap3A_1440 : i32 to index
        %swap3A_1442 = arith.index_cast %scan3A_1431 : i32 to index
        %swap3A_1443 = arith.constant 0 : index
        %swap3A_1444 = tpu.vector_load %arg7[%swap3A_1441, %swap3A_1442, %swap3A_1443] {strides = array<i32>} : memref<2x128x64xf32, #tpu.memory_space<vmem>>, vector<16xf32>,
        tpu.vector_store %arg7[%swap3A_1441, %swap3A_1442, %swap3A_1443], %mul3A_1439 {strides = array<i32>} : memref<2x128x64xf32, #tpu.memory_space<vmem>>, vector<16xf32>,
        %get3A_1445 = arith.constant 2 : i32
        %get3A_1446 = arith.index_cast %get3A_1445 : i32 to index
        %get3A_1447 = arith.index_cast %scan3A_1431 : i32 to index
        %get3A_1448 = arith.constant 16 : index
        %get3A_1449 = tpu.vector_load %arg6[%get3A_1446, %get3A_1447, %get3A_1448] {strides = array<i32>} : memref<4x128x128xf32, #tpu.memory_space<vmem>>, vector<16xf32>,
        %mul3A_1450 = arith.constant 1.000000e+00 : f32
        %mul3A_1451 = vector.broadcast %mul3A_1450 : f32 to vector<16xf32>
        %mul3A_1452 = arith.mulf %get3A_1449, %mul3A_1451 : vector<16xf32>
        %swap3A_1453 = arith.constant 0 : i32
        %swap3A_1454 = arith.index_cast %swap3A_1453 : i32 to index
        %swap3A_1455 = arith.index_cast %scan3A_1431 : i32 to index
        %swap3A_1456 = arith.constant 16 : index
        %swap3A_1457 = tpu.vector_load %arg7[%swap3A_1454, %swap3A_1455, %swap3A_1456] {strides = array<i32>} : memref<2x128x64xf32, #tpu.memory_space<vmem>>, vector<16xf32>,
        tpu.vector_store %arg7[%swap3A_1454, %swap3A_1455, %swap3A_1456], %mul3A_1452 {strides = array<i32>} : memref<2x128x64xf32, #tpu.memory_space<vmem>>, vector<16xf32>,
        %get3A_1458 = arith.constant 2 : i32
        %get3A_1459 = arith.index_cast %get3A_1458 : i32 to index
        %get3A_1460 = arith.index_cast %scan3A_1431 : i32 to index
        %get3A_1461 = arith.constant 32 : index
        %get3A_1462 = tpu.vector_load %arg6[%get3A_1459, %get3A_1460, %get3A_1461] {strides = array<i32>} : memref<4x128x128xf32, #tpu.memory_space<vmem>>, vector<16xf32>,
        %mul3A_1463 = arith.constant 1.000000e+00 : f32
        %mul3A_1464 = vector.broadcast %mul3A_1463 : f32 to vector<16xf32>
        %mul3A_1465 = arith.mulf %get3A_1462, %mul3A_1464 : vector<16xf32>
        %swap3A_1466 = arith.constant 0 : i32
        %swap3A_1467 = arith.index_cast %swap3A_1466 : i32 to index
        %swap3A_1468 = arith.index_cast %scan3A_1431 : i32 to index
        %swap3A_1469 = arith.constant 32 : index
        %swap3A_1470 = tpu.vector_load %arg7[%swap3A_1467, %swap3A_1468, %swap3A_1469] {strides = array<i32>} : memref<2x128x64xf32, #tpu.memory_space<vmem>>, vector<16xf32>,
        tpu.vector_store %arg7[%swap3A_1467, %swap3A_1468, %swap3A_1469], %mul3A_1465 {strides = array<i32>} : memref<2x128x64xf32, #tpu.memory_space<vmem>>, vector<16xf32>,
        %get3A_1471 = arith.constant 2 : i32
        %get3A_1472 = arith.index_cast %get3A_1471 : i32 to index
        %get3A_1473 = arith.index_cast %scan3A_1431 : i32 to index
        %get3A_1474 = arith.constant 48 : index
        %get3A_1475 = tpu.vector_load %arg6[%get3A_1472, %get3A_1473, %get3A_1474] {strides = array<i32>} : memref<4x128x128xf32, #tpu.memory_space<vmem>>, vector<16xf32>,
        %mul3A_1476 = arith.constant 1.000000e+00 : f32
        %mul3A_1477 = vector.broadcast %mul3A_1476 : f32 to vector<16xf32>
        %mul3A_1478 = arith.mulf %get3A_1475, %mul3A_1477 : vector<16xf32>
        %swap3A_1479 = arith.constant 0 : i32
        %swap3A_1480 = arith.index_cast %swap3A_1479 : i32 to index
        %swap3A_1481 = arith.index_cast %scan3A_1431 : i32 to index
        %swap3A_1482 = arith.constant 48 : index
        %swap3A_1483 = tpu.vector_load %arg7[%swap3A_1480, %swap3A_1481, %swap3A_1482] {strides = array<i32>} : memref<2x128x64xf32, #tpu.memory_space<vmem>>, vector<16xf32>,
        tpu.vector_store %arg7[%swap3A_1480, %swap3A_1481, %swap3A_1482], %mul3A_1478 {strides = array<i32>} : memref<2x128x64xf32, #tpu.memory_space<vmem>>, vector<16xf32>,
        %scan3A_1484 = arith.constant 7 : i32
        %scan3A_1485 = arith.addi %scan3A_1109, %scan3A_1484 : i32
        %get3A_1486 = arith.constant 2 : i32
        %get3A_1487 = arith.index_cast %get3A_1486 : i32 to index
        %get3A_1488 = arith.index_cast %scan3A_1485 : i32 to index
        %get3A_1489 = arith.constant 0 : index
        %get3A_1490 = tpu.vector_load %arg6[%get3A_1487, %get3A_1488, %get3A_1489] {strides = array<i32>} : memref<4x128x128xf32, #tpu.memory_space<vmem>>, vector<16xf32>,
        %mul3A_1491 = arith.constant 1.000000e+00 : f32
        %mul3A_1492 = vector.broadcast %mul3A_1491 : f32 to vector<16xf32>
        %mul3A_1493 = arith.mulf %get3A_1490, %mul3A_1492 : vector<16xf32>
        %swap3A_1494 = arith.constant 0 : i32
        %swap3A_1495 = arith.index_cast %swap3A_1494 : i32 to index
        %swap3A_1496 = arith.index_cast %scan3A_1485 : i32 to index
        %swap3A_1497 = arith.constant 0 : index
        %swap3A_1498 = tpu.vector_load %arg7[%swap3A_1495, %swap3A_1496, %swap3A_1497] {strides = array<i32>} : memref<2x128x64xf32, #tpu.memory_space<vmem>>, vector<16xf32>,
        tpu.vector_store %arg7[%swap3A_1495, %swap3A_1496, %swap3A_1497], %mul3A_1493 {strides = array<i32>} : memref<2x128x64xf32, #tpu.memory_space<vmem>>, vector<16xf32>,
        %get3A_1499 = arith.constant 2 : i32
        %get3A_1500 = arith.index_cast %get3A_1499 : i32 to index
        %get3A_1501 = arith.index_cast %scan3A_1485 : i32 to index
        %get3A_1502 = arith.constant 16 : index
        %get3A_1503 = tpu.vector_load %arg6[%get3A_1500, %get3A_1501, %get3A_1502] {strides = array<i32>} : memref<4x128x128xf32, #tpu.memory_space<vmem>>, vector<16xf32>,
        %mul3A_1504 = arith.constant 1.000000e+00 : f32
        %mul3A_1505 = vector.broadcast %mul3A_1504 : f32 to vector<16xf32>
        %mul3A_1506 = arith.mulf %get3A_1503, %mul3A_1505 : vector<16xf32>
        %swap3A_1507 = arith.constant 0 : i32
        %swap3A_1508 = arith.index_cast %swap3A_1507 : i32 to index
        %swap3A_1509 = arith.index_cast %scan3A_1485 : i32 to index
        %swap3A_1510 = arith.constant 16 : index
        %swap3A_1511 = tpu.vector_load %arg7[%swap3A_1508, %swap3A_1509, %swap3A_1510] {strides = array<i32>} : memref<2x128x64xf32, #tpu.memory_space<vmem>>, vector<16xf32>,
        tpu.vector_store %arg7[%swap3A_1508, %swap3A_1509, %swap3A_1510], %mul3A_1506 {strides = array<i32>} : memref<2x128x64xf32, #tpu.memory_space<vmem>>, vector<16xf32>,
        %get3A_1512 = arith.constant 2 : i32
        %get3A_1513 = arith.index_cast %get3A_1512 : i32 to index
        %get3A_1514 = arith.index_cast %scan3A_1485 : i32 to index
        %get3A_1515 = arith.constant 32 : index
        %get3A_1516 = tpu.vector_load %arg6[%get3A_1513, %get3A_1514, %get3A_1515] {strides = array<i32>} : memref<4x128x128xf32, #tpu.memory_space<vmem>>, vector<16xf32>,
        %mul3A_1517 = arith.constant 1.000000e+00 : f32
        %mul3A_1518 = vector.broadcast %mul3A_1517 : f32 to vector<16xf32>
        %mul3A_1519 = arith.mulf %get3A_1516, %mul3A_1518 : vector<16xf32>
        %swap3A_1520 = arith.constant 0 : i32
        %swap3A_1521 = arith.index_cast %swap3A_1520 : i32 to index
        %swap3A_1522 = arith.index_cast %scan3A_1485 : i32 to index
        %swap3A_1523 = arith.constant 32 : index
        %swap3A_1524 = tpu.vector_load %arg7[%swap3A_1521, %swap3A_1522, %swap3A_1523] {strides = array<i32>} : memref<2x128x64xf32, #tpu.memory_space<vmem>>, vector<16xf32>,
        tpu.vector_store %arg7[%swap3A_1521, %swap3A_1522, %swap3A_1523], %mul3A_1519 {strides = array<i32>} : memref<2x128x64xf32, #tpu.memory_space<vmem>>, vector<16xf32>,
        %get3A_1525 = arith.constant 2 : i32
        %get3A_1526 = arith.index_cast %get3A_1525 : i32 to index
        %get3A_1527 = arith.index_cast %scan3A_1485 : i32 to index
        %get3A_1528 = arith.constant 48 : index
        %get3A_1529 = tpu.vector_load %arg6[%get3A_1526, %get3A_1527, %get3A_1528] {strides = array<i32>} : memref<4x128x128xf32, #tpu.memory_space<vmem>>, vector<16xf32>,
        %mul3A_1530 = arith.constant 1.000000e+00 : f32
        %mul3A_1531 = vector.broadcast %mul3A_1530 : f32 to vector<16xf32>
        %mul3A_1532 = arith.mulf %get3A_1529, %mul3A_1531 : vector<16xf32>
        %swap3A_1533 = arith.constant 0 : i32
        %swap3A_1534 = arith.index_cast %swap3A_1533 : i32 to index
        %swap3A_1535 = arith.index_cast %scan3A_1485 : i32 to index
        %swap3A_1536 = arith.constant 48 : index
        %swap3A_1537 = tpu.vector_load %arg7[%swap3A_1534, %swap3A_1535, %swap3A_1536] {strides = array<i32>} : memref<2x128x64xf32, #tpu.memory_space<vmem>>, vector<16xf32>,
        tpu.vector_store %arg7[%swap3A_1534, %swap3A_1535, %swap3A_1536], %mul3A_1532 {strides = array<i32>} : memref<2x128x64xf32, #tpu.memory_space<vmem>>, vector<16xf32>,
      }
      %scan3A_455 = arith.constant 128 : i32
      %mul3A_456 = arith.constant 128 : i32
      %mul3A_457 = arith.muli %add3A_381, %mul3A_456 : i32
      %add3A_458 = arith.addi %mul3A_4, %mul3A_457 : i32
      %dma_start3A_459 = arith.constant 0 : i32
      %dma_start3A_460 = arith.constant 0 : i32
      %dma_start3A_461 = arith.constant 0 : i32
      %dma_start3A_462 = tpu.memref_slice %arg7[%dma_start3A_459, %dma_start3A_460, %dma_start3A_461] : memref<2x128x64xf32, #tpu.memory_space<vmem>> -> memref<1x128x64xf32, #tpu.memory_space<vmem>>
      %dma_start3A_463 = tpu.memref_squeeze %dma_start3A_462 : memref<1x128x64xf32, #tpu.memory_space<vmem>> -> memref<128x64xf32, #tpu.memory_space<vmem>>
      %dma_start3A_464 = arith.constant 0 : i32
      %dma_start3A_465 = tpu.memref_slice %arg4[%add3A_458, %dma_start3A_464] : memref<819200x64xf32, #tpu.memory_space<hbm>> -> memref<128x64xf32, #tpu.memory_space<hbm>>
      %dma_start3A_466 = arith.constant 0 : i32
      %dma_start3A_467 = tpu.memref_slice %arg4[%add3A_458, %dma_start3A_466] : memref<819200x64xf32, #tpu.memory_space<hbm>> -> memref<128x64xf32, #tpu.memory_space<hbm>>
      %dma_start3A_468 = arith.constant 0 : i32
      %dma_start3A_469 = arith.constant 0 : i32
      %dma_start3A_470 = tpu.memref_slice %arg7[%dma_start3A_459, %dma_start3A_468, %dma_start3A_469] : memref<2x128x64xf32, #tpu.memory_space<vmem>> -> memref<1x128x64xf32, #tpu.memory_space<vmem>>
      %dma_start3A_471 = tpu.memref_squeeze %dma_start3A_470 : memref<1x128x64xf32, #tpu.memory_space<vmem>> -> memref<128x64xf32, #tpu.memory_space<vmem>>
      tpu.enqueue_dma source(%dma_start3A_471 : memref<128x64xf32, #tpu.memory_space<vmem>>) target(%dma_start3A_467 : memref<128x64xf32, #tpu.memory_space<hbm>>) target_semaphore(%arg12 : memref<!tpu.dma_semaphore, #tpu.memory_space<semaphore_mem>>)
      %add3A_472 = arith.constant 3 : i32
      %add3A_473 = arith.addi %add3A_381, %add3A_472 : i32
      %jit3A_474 = arith.constant 8 : i32
      %div3A_475 = arith.divsi %add3A_473, %jit3A_474 : i32
      %sign3A_476 = arith.constant 0 : i32
      %sign3A_477 = arith.cmpi sgt, %add3A_473, %sign3A_476 : i32
      %sign3A_478 = arith.extui %sign3A_477 : i1 to i32
      %sign3A_479 = arith.constant 0 : i32
      %sign3A_480 = arith.cmpi slt, %add3A_473, %sign3A_479 : i32
      %sign3A_481 = arith.extui %sign3A_480 : i1 to i32
      %sign3A_482 = arith.subi %sign3A_478, %sign3A_481 : i32
      %sign3A_483 = arith.constant 0 : i32
      %sign3A_484 = arith.cmpi sgt, %jit3A_474, %sign3A_483 : i32
      %sign3A_485 = arith.extui %sign3A_484 : i1 to i32
      %sign3A_486 = arith.constant 0 : i32
      %sign3A_487 = arith.cmpi slt, %jit3A_474, %sign3A_486 : i32
      %sign3A_488 = arith.extui %sign3A_487 : i1 to i32
      %sign3A_489 = arith.subi %sign3A_485, %sign3A_488 : i32
      %ne3A_490 = arith.cmpi ne, %sign3A_482, %sign3A_489 : i32
      %rem3A_491 = arith.remsi %add3A_473, %jit3A_474 : i32
      %ne3A_492 = arith.constant 0 : i32
      %ne3A_493 = arith.cmpi ne, %rem3A_491, %ne3A_492 : i32
      %and3A_494 = arith.andi %ne3A_490, %ne3A_493 : i1
      %sub3A_495 = arith.constant 1 : i32
      %sub3A_496 = arith.subi %div3A_475, %sub3A_495 : i32
      %select_n3A_497 = arith.select %and3A_494, %sub3A_496, %div3A_475 : i32
      %jit3A_498 = arith.constant 2 : i32
      %eq3A_499 = arith.constant 0 : i32
      %eq3A_500 = arith.cmpi eq, %jit3A_498, %eq3A_499 : i32
      %jit3A_501 = arith.constant 1 : i32
      %select_n3A_502 = arith.select %eq3A_500, %jit3A_501, %jit3A_498 : i32
      %rem3A_503 = arith.remsi %select_n3A_497, %select_n3A_502 : i32
      %ne3A_504 = arith.constant 0 : i32
      %ne3A_505 = arith.cmpi ne, %rem3A_503, %ne3A_504 : i32
      %lt3A_506 = arith.constant 0 : i32
      %lt3A_507 = arith.cmpi slt, %rem3A_503, %lt3A_506 : i32
      %lt3A_508 = arith.constant 0 : i32
      %lt3A_509 = arith.cmpi slt, %select_n3A_502, %lt3A_508 : i32
      %ne3A_510 = arith.xori %lt3A_507, %lt3A_509 : i1
      %and3A_511 = arith.andi %ne3A_510, %ne3A_505 : i1
      %add3A_512 = arith.addi %rem3A_503, %select_n3A_502 : i32
      %select_n3A_513 = arith.select %and3A_511, %add3A_512, %rem3A_503 : i32
      %dma_start3A_514 = arith.constant 5 : i32
      %dma_start3A_515 = arith.constant 1 : i32
      %dma_start3A_516 = arith.constant 0 : i32
      %dma_start3A_517 = arith.constant 0 : i32
      %dma_start3A_518 = tpu.memref_slice %arg6[%dma_start3A_515, %dma_start3A_516, %dma_start3A_517] : memref<4x128x128xf32, #tpu.memory_space<vmem>> -> memref<1x128x128xf32, #tpu.memory_space<vmem>>
      %dma_start3A_519 = tpu.memref_squeeze %dma_start3A_518 : memref<1x128x128xf32, #tpu.memory_space<vmem>> -> memref<128x128xf32, #tpu.memory_space<vmem>>
      %dma_start3A_520 = arith.constant 0 : i32
      %dma_start3A_521 = tpu.memref_slice %arg5[%select_n3A_513, %dma_start3A_514, %dma_start3A_520] : memref<2x8x128xi32, #tpu.memory_space<vmem>> -> memref<1x1x128xi32, #tpu.memory_space<vmem>>
      %dma_start3A_522 = tpu.memref_squeeze %dma_start3A_521 : memref<1x1x128xi32, #tpu.memory_space<vmem>> -> memref<128xi32, #tpu.memory_space<vmem>>
      %dma_start3A_523 = arith.constant 0 : i32
      %dma_start3A_524 = arith.constant 0 : i32
      %dma_start3A_525 = tpu.memref_slice %arg2[%dma_start3A_523, %dma_start3A_524] : memref<1000000x128xf32, #tpu.memory_space<hbm>> -> memref<1000000x128xf32, #tpu.memory_space<hbm>>
      tpu.enqueue_indirect_dma source(%dma_start3A_525 : memref<1000000x128xf32, #tpu.memory_space<hbm>>) target(%dma_start3A_519 : memref<128x128xf32, #tpu.memory_space<vmem>>) offsets(%dma_start3A_522 : memref<128xi32, #tpu.memory_space<vmem>>) semaphore(%arg9 : memref<!tpu.dma_semaphore, #tpu.memory_space<semaphore_mem>>)
      %add3A_526 = arith.constant 3 : i32
      %add3A_527 = arith.addi %mul3A_113, %add3A_526 : i32
      %jit3A_528 = arith.constant 8 : i32
      %div3A_529 = arith.divsi %add3A_527, %jit3A_528 : i32
      %sign3A_530 = arith.constant 0 : i32
      %sign3A_531 = arith.cmpi sgt, %add3A_527, %sign3A_530 : i32
      %sign3A_532 = arith.extui %sign3A_531 : i1 to i32
      %sign3A_533 = arith.constant 0 : i32
      %sign3A_534 = arith.cmpi slt, %add3A_527, %sign3A_533 : i32
      %sign3A_535 = arith.extui %sign3A_534 : i1 to i32
      %sign3A_536 = arith.subi %sign3A_532, %sign3A_535 : i32
      %sign3A_537 = arith.constant 0 : i32
      %sign3A_538 = arith.cmpi sgt, %jit3A_528, %sign3A_537 : i32
      %sign3A_539 = arith.extui %sign3A_538 : i1 to i32
      %sign3A_540 = arith.constant 0 : i32
      %sign3A_541 = arith.cmpi slt, %jit3A_528, %sign3A_540 : i32
      %sign3A_542 = arith.extui %sign3A_541 : i1 to i32
      %sign3A_543 = arith.subi %sign3A_539, %sign3A_542 : i32
      %ne3A_544 = arith.cmpi ne, %sign3A_536, %sign3A_543 : i32
      %rem3A_545 = arith.remsi %add3A_527, %jit3A_528 : i32
      %ne3A_546 = arith.constant 0 : i32
      %ne3A_547 = arith.cmpi ne, %rem3A_545, %ne3A_546 : i32
      %and3A_548 = arith.andi %ne3A_544, %ne3A_547 : i1
      %sub3A_549 = arith.constant 1 : i32
      %sub3A_550 = arith.subi %div3A_529, %sub3A_549 : i32
      %select_n3A_551 = arith.select %and3A_548, %sub3A_550, %div3A_529 : i32
      %jit3A_552 = arith.constant 2 : i32
      %eq3A_553 = arith.constant 0 : i32
      %eq3A_554 = arith.cmpi eq, %jit3A_552, %eq3A_553 : i32
      %jit3A_555 = arith.constant 1 : i32
      %select_n3A_556 = arith.select %eq3A_554, %jit3A_555, %jit3A_552 : i32
      %rem3A_557 = arith.remsi %select_n3A_551, %select_n3A_556 : i32
      %ne3A_558 = arith.constant 0 : i32
      %ne3A_559 = arith.cmpi ne, %rem3A_557, %ne3A_558 : i32
      %lt3A_560 = arith.constant 0 : i32
      %lt3A_561 = arith.cmpi slt, %rem3A_557, %lt3A_560 : i32
      %lt3A_562 = arith.constant 0 : i32
      %lt3A_563 = arith.cmpi slt, %select_n3A_556, %lt3A_562 : i32
      %ne3A_564 = arith.xori %lt3A_561, %lt3A_563 : i1
      %and3A_565 = arith.andi %ne3A_564, %ne3A_559 : i1
      %add3A_566 = arith.addi %rem3A_557, %select_n3A_556 : i32
      %select_n3A_567 = arith.select %and3A_565, %add3A_566, %rem3A_557 : i32
      %dma_wait3A_568 = arith.constant 3 : i32
      %dma_wait3A_569 = arith.constant 0 : i32
      %dma_wait3A_570 = arith.constant 0 : i32
      %dma_wait3A_571 = tpu.memref_slice %arg6[%dma_wait3A_568, %dma_wait3A_569, %dma_wait3A_570] : memref<4x128x128xf32, #tpu.memory_space<vmem>> -> memref<1x128x128xf32, #tpu.memory_space<vmem>>
      %dma_wait3A_572 = tpu.memref_squeeze %dma_wait3A_571 : memref<1x128x128xf32, #tpu.memory_space<vmem>> -> memref<128x128xf32, #tpu.memory_space<vmem>>
      %dma_wait3A_573 = arith.constant 0 : i32
      %dma_wait3A_574 = arith.constant 0 : i32
      %dma_wait3A_575 = tpu.memref_slice %arg2[%dma_wait3A_573, %dma_wait3A_574] : memref<1000000x128xf32, #tpu.memory_space<hbm>> -> memref<128x128xf32, #tpu.memory_space<hbm>>
      %dma_wait3A_576 = arith.constant 0 : i32
      %dma_wait3A_577 = arith.constant 0 : i32
      %dma_wait3A_578 = tpu.memref_slice %arg6[%dma_wait3A_568, %dma_wait3A_576, %dma_wait3A_577] : memref<4x128x128xf32, #tpu.memory_space<vmem>> -> memref<1x128x128xf32, #tpu.memory_space<vmem>>
      %dma_wait3A_579 = tpu.memref_squeeze %dma_wait3A_578 : memref<1x128x128xf32, #tpu.memory_space<vmem>> -> memref<128x128xf32, #tpu.memory_space<vmem>>
      %dma_wait3A_580 = arith.constant 0 : i32
      %dma_wait3A_581 = arith.constant 0 : i32
      %dma_wait3A_582 = tpu.memref_slice %arg2[%dma_wait3A_580, %dma_wait3A_581] : memref<1000000x128xf32, #tpu.memory_space<hbm>> -> memref<128x128xf32, #tpu.memory_space<hbm>>
      tpu.wait_dma2 semaphore(%arg11 : memref<!tpu.dma_semaphore, #tpu.memory_space<semaphore_mem>>) src(%dma_wait3A_582 : memref<128x128xf32, #tpu.memory_space<hbm>>) dst(%dma_wait3A_579 : memref<128x128xf32, #tpu.memory_space<vmem>>)
      %dma_wait3A_583 = arith.constant 1 : i32
      %dma_wait3A_584 = arith.constant 0 : i32
      %dma_wait3A_585 = arith.constant 0 : i32
      %dma_wait3A_586 = tpu.memref_slice %arg7[%dma_wait3A_583, %dma_wait3A_584, %dma_wait3A_585] : memref<2x128x64xf32, #tpu.memory_space<vmem>> -> memref<1x128x64xf32, #tpu.memory_space<vmem>>
      %dma_wait3A_587 = tpu.memref_squeeze %dma_wait3A_586 : memref<1x128x64xf32, #tpu.memory_space<vmem>> -> memref<128x64xf32, #tpu.memory_space<vmem>>
      %dma_wait3A_588 = arith.constant 0 : i32
      %dma_wait3A_589 = tpu.memref_slice %arg4[%mul3A_4, %dma_wait3A_588] : memref<819200x64xf32, #tpu.memory_space<hbm>> -> memref<128x64xf32, #tpu.memory_space<hbm>>
      %dma_wait3A_590 = arith.constant 0 : i32
      %dma_wait3A_591 = tpu.memref_slice %arg4[%mul3A_4, %dma_wait3A_590] : memref<819200x64xf32, #tpu.memory_space<hbm>> -> memref<128x64xf32, #tpu.memory_space<hbm>>
      %dma_wait3A_592 = arith.constant 0 : i32
      %dma_wait3A_593 = arith.constant 0 : i32
      %dma_wait3A_594 = tpu.memref_slice %arg7[%dma_wait3A_583, %dma_wait3A_592, %dma_wait3A_593] : memref<2x128x64xf32, #tpu.memory_space<vmem>> -> memref<1x128x64xf32, #tpu.memory_space<vmem>>
      %dma_wait3A_595 = tpu.memref_squeeze %dma_wait3A_594 : memref<1x128x64xf32, #tpu.memory_space<vmem>> -> memref<128x64xf32, #tpu.memory_space<vmem>>
      tpu.wait_dma2 semaphore(%arg13 : memref<!tpu.dma_semaphore, #tpu.memory_space<semaphore_mem>>) src(%dma_wait3A_595 : memref<128x64xf32, #tpu.memory_space<vmem>>) dst(%dma_wait3A_591 : memref<128x64xf32, #tpu.memory_space<hbm>>)
      %scan3A_596 = arith.constant 0 : i32
      %scan3A_597 = arith.constant 0 : i32
      %scan3A_598 = arith.constant 128 : i32
      %scan3A_599 = arith.addi %scan3A_597, %scan3A_598 : i32
      %scan3A_600 = arith.constant 8 : i32
      scf.for %scan3A_1109 = %scan3A_597 to %scan3A_599 step %scan3A_600  : i32 {
        %get3A = arith.constant 3 : i32
        %get3A_1110 = arith.index_cast %get3A : i32 to index
        %get3A_1111 = arith.index_cast %scan3A_1109 : i32 to index
        %get3A_1112 = arith.constant 0 : index
        %get3A_1113 = tpu.vector_load %arg6[%get3A_1110, %get3A_1111, %get3A_1112] {strides = array<i32>} : memref<4x128x128xf32, #tpu.memory_space<vmem>>, vector<16xf32>,
        %mul3A_1114 = arith.constant 1.000000e+00 : f32
        %mul3A_1115 = vector.broadcast %mul3A_1114 : f32 to vector<16xf32>
        %mul3A_1116 = arith.mulf %get3A_1113, %mul3A_1115 : vector<16xf32>
        %swap3A = arith.constant 1 : i32
        %swap3A_1117 = arith.index_cast %swap3A : i32 to index
        %swap3A_1118 = arith.index_cast %scan3A_1109 : i32 to index
        %swap3A_1119 = arith.constant 0 : index
        %swap3A_1120 = tpu.vector_load %arg7[%swap3A_1117, %swap3A_1118, %swap3A_1119] {strides = array<i32>} : memref<2x128x64xf32, #tpu.memory_space<vmem>>, vector<16xf32>,
        tpu.vector_store %arg7[%swap3A_1117, %swap3A_1118, %swap3A_1119], %mul3A_1116 {strides = array<i32>} : memref<2x128x64xf32, #tpu.memory_space<vmem>>, vector<16xf32>,
        %get3A_1121 = arith.constant 3 : i32
        %get3A_1122 = arith.index_cast %get3A_1121 : i32 to index
        %get3A_1123 = arith.index_cast %scan3A_1109 : i32 to index
        %get3A_1124 = arith.constant 16 : index
        %get3A_1125 = tpu.vector_load %arg6[%get3A_1122, %get3A_1123, %get3A_1124] {strides = array<i32>} : memref<4x128x128xf32, #tpu.memory_space<vmem>>, vector<16xf32>,
        %mul3A_1126 = arith.constant 1.000000e+00 : f32
        %mul3A_1127 = vector.broadcast %mul3A_1126 : f32 to vector<16xf32>
        %mul3A_1128 = arith.mulf %get3A_1125, %mul3A_1127 : vector<16xf32>
        %swap3A_1129 = arith.constant 1 : i32
        %swap3A_1130 = arith.index_cast %swap3A_1129 : i32 to index
        %swap3A_1131 = arith.index_cast %scan3A_1109 : i32 to index
        %swap3A_1132 = arith.constant 16 : index
        %swap3A_1133 = tpu.vector_load %arg7[%swap3A_1130, %swap3A_1131, %swap3A_1132] {strides = array<i32>} : memref<2x128x64xf32, #tpu.memory_space<vmem>>, vector<16xf32>,
        tpu.vector_store %arg7[%swap3A_1130, %swap3A_1131, %swap3A_1132], %mul3A_1128 {strides = array<i32>} : memref<2x128x64xf32, #tpu.memory_space<vmem>>, vector<16xf32>,
        %get3A_1134 = arith.constant 3 : i32
        %get3A_1135 = arith.index_cast %get3A_1134 : i32 to index
        %get3A_1136 = arith.index_cast %scan3A_1109 : i32 to index
        %get3A_1137 = arith.constant 32 : index
        %get3A_1138 = tpu.vector_load %arg6[%get3A_1135, %get3A_1136, %get3A_1137] {strides = array<i32>} : memref<4x128x128xf32, #tpu.memory_space<vmem>>, vector<16xf32>,
        %mul3A_1139 = arith.constant 1.000000e+00 : f32
        %mul3A_1140 = vector.broadcast %mul3A_1139 : f32 to vector<16xf32>
        %mul3A_1141 = arith.mulf %get3A_1138, %mul3A_1140 : vector<16xf32>
        %swap3A_1142 = arith.constant 1 : i32
        %swap3A_1143 = arith.index_cast %swap3A_1142 : i32 to index
        %swap3A_1144 = arith.index_cast %scan3A_1109 : i32 to index
        %swap3A_1145 = arith.constant 32 : index
        %swap3A_1146 = tpu.vector_load %arg7[%swap3A_1143, %swap3A_1144, %swap3A_1145] {strides = array<i32>} : memref<2x128x64xf32, #tpu.memory_space<vmem>>, vector<16xf32>,
        tpu.vector_store %arg7[%swap3A_1143, %swap3A_1144, %swap3A_1145], %mul3A_1141 {strides = array<i32>} : memref<2x128x64xf32, #tpu.memory_space<vmem>>, vector<16xf32>,
        %get3A_1147 = arith.constant 3 : i32
        %get3A_1148 = arith.index_cast %get3A_1147 : i32 to index
        %get3A_1149 = arith.index_cast %scan3A_1109 : i32 to index
        %get3A_1150 = arith.constant 48 : index
        %get3A_1151 = tpu.vector_load %arg6[%get3A_1148, %get3A_1149, %get3A_1150] {strides = array<i32>} : memref<4x128x128xf32, #tpu.memory_space<vmem>>, vector<16xf32>,
        %mul3A_1152 = arith.constant 1.000000e+00 : f32
        %mul3A_1153 = vector.broadcast %mul3A_1152 : f32 to vector<16xf32>
        %mul3A_1154 = arith.mulf %get3A_1151, %mul3A_1153 : vector<16xf32>
        %swap3A_1155 = arith.constant 1 : i32
        %swap3A_1156 = arith.index_cast %swap3A_1155 : i32 to index
        %swap3A_1157 = arith.index_cast %scan3A_1109 : i32 to index
        %swap3A_1158 = arith.constant 48 : index
        %swap3A_1159 = tpu.vector_load %arg7[%swap3A_1156, %swap3A_1157, %swap3A_1158] {strides = array<i32>} : memref<2x128x64xf32, #tpu.memory_space<vmem>>, vector<16xf32>,
        tpu.vector_store %arg7[%swap3A_1156, %swap3A_1157, %swap3A_1158], %mul3A_1154 {strides = array<i32>} : memref<2x128x64xf32, #tpu.memory_space<vmem>>, vector<16xf32>,
        %scan3A_1160 = arith.constant 1 : i32
        %scan3A_1161 = arith.addi %scan3A_1109, %scan3A_1160 : i32
        %get3A_1162 = arith.constant 3 : i32
        %get3A_1163 = arith.index_cast %get3A_1162 : i32 to index
        %get3A_1164 = arith.index_cast %scan3A_1161 : i32 to index
        %get3A_1165 = arith.constant 0 : index
        %get3A_1166 = tpu.vector_load %arg6[%get3A_1163, %get3A_1164, %get3A_1165] {strides = array<i32>} : memref<4x128x128xf32, #tpu.memory_space<vmem>>, vector<16xf32>,
        %mul3A_1167 = arith.constant 1.000000e+00 : f32
        %mul3A_1168 = vector.broadcast %mul3A_1167 : f32 to vector<16xf32>
        %mul3A_1169 = arith.mulf %get3A_1166, %mul3A_1168 : vector<16xf32>
        %swap3A_1170 = arith.constant 1 : i32
        %swap3A_1171 = arith.index_cast %swap3A_1170 : i32 to index
        %swap3A_1172 = arith.index_cast %scan3A_1161 : i32 to index
        %swap3A_1173 = arith.constant 0 : index
        %swap3A_1174 = tpu.vector_load %arg7[%swap3A_1171, %swap3A_1172, %swap3A_1173] {strides = array<i32>} : memref<2x128x64xf32, #tpu.memory_space<vmem>>, vector<16xf32>,
        tpu.vector_store %arg7[%swap3A_1171, %swap3A_1172, %swap3A_1173], %mul3A_1169 {strides = array<i32>} : memref<2x128x64xf32, #tpu.memory_space<vmem>>, vector<16xf32>,
        %get3A_1175 = arith.constant 3 : i32
        %get3A_1176 = arith.index_cast %get3A_1175 : i32 to index
        %get3A_1177 = arith.index_cast %scan3A_1161 : i32 to index
        %get3A_1178 = arith.constant 16 : index
        %get3A_1179 = tpu.vector_load %arg6[%get3A_1176, %get3A_1177, %get3A_1178] {strides = array<i32>} : memref<4x128x128xf32, #tpu.memory_space<vmem>>, vector<16xf32>,
        %mul3A_1180 = arith.constant 1.000000e+00 : f32
        %mul3A_1181 = vector.broadcast %mul3A_1180 : f32 to vector<16xf32>
        %mul3A_1182 = arith.mulf %get3A_1179, %mul3A_1181 : vector<16xf32>
        %swap3A_1183 = arith.constant 1 : i32
        %swap3A_1184 = arith.index_cast %swap3A_1183 : i32 to index
        %swap3A_1185 = arith.index_cast %scan3A_1161 : i32 to index
        %swap3A_1186 = arith.constant 16 : index
        %swap3A_1187 = tpu.vector_load %arg7[%swap3A_1184, %swap3A_1185, %swap3A_1186] {strides = array<i32>} : memref<2x128x64xf32, #tpu.memory_space<vmem>>, vector<16xf32>,
        tpu.vector_store %arg7[%swap3A_1184, %swap3A_1185, %swap3A_1186], %mul3A_1182 {strides = array<i32>} : memref<2x128x64xf32, #tpu.memory_space<vmem>>, vector<16xf32>,
        %get3A_1188 = arith.constant 3 : i32
        %get3A_1189 = arith.index_cast %get3A_1188 : i32 to index
        %get3A_1190 = arith.index_cast %scan3A_1161 : i32 to index
        %get3A_1191 = arith.constant 32 : index
        %get3A_1192 = tpu.vector_load %arg6[%get3A_1189, %get3A_1190, %get3A_1191] {strides = array<i32>} : memref<4x128x128xf32, #tpu.memory_space<vmem>>, vector<16xf32>,
        %mul3A_1193 = arith.constant 1.000000e+00 : f32
        %mul3A_1194 = vector.broadcast %mul3A_1193 : f32 to vector<16xf32>
        %mul3A_1195 = arith.mulf %get3A_1192, %mul3A_1194 : vector<16xf32>
        %swap3A_1196 = arith.constant 1 : i32
        %swap3A_1197 = arith.index_cast %swap3A_1196 : i32 to index
        %swap3A_1198 = arith.index_cast %scan3A_1161 : i32 to index
        %swap3A_1199 = arith.constant 32 : index
        %swap3A_1200 = tpu.vector_load %arg7[%swap3A_1197, %swap3A_1198, %swap3A_1199] {strides = array<i32>} : memref<2x128x64xf32, #tpu.memory_space<vmem>>, vector<16xf32>,
        tpu.vector_store %arg7[%swap3A_1197, %swap3A_1198, %swap3A_1199], %mul3A_1195 {strides = array<i32>} : memref<2x128x64xf32, #tpu.memory_space<vmem>>, vector<16xf32>,
        %get3A_1201 = arith.constant 3 : i32
        %get3A_1202 = arith.index_cast %get3A_1201 : i32 to index
        %get3A_1203 = arith.index_cast %scan3A_1161 : i32 to index
        %get3A_1204 = arith.constant 48 : index
        %get3A_1205 = tpu.vector_load %arg6[%get3A_1202, %get3A_1203, %get3A_1204] {strides = array<i32>} : memref<4x128x128xf32, #tpu.memory_space<vmem>>, vector<16xf32>,
        %mul3A_1206 = arith.constant 1.000000e+00 : f32
        %mul3A_1207 = vector.broadcast %mul3A_1206 : f32 to vector<16xf32>
        %mul3A_1208 = arith.mulf %get3A_1205, %mul3A_1207 : vector<16xf32>
        %swap3A_1209 = arith.constant 1 : i32
        %swap3A_1210 = arith.index_cast %swap3A_1209 : i32 to index
        %swap3A_1211 = arith.index_cast %scan3A_1161 : i32 to index
        %swap3A_1212 = arith.constant 48 : index
        %swap3A_1213 = tpu.vector_load %arg7[%swap3A_1210, %swap3A_1211, %swap3A_1212] {strides = array<i32>} : memref<2x128x64xf32, #tpu.memory_space<vmem>>, vector<16xf32>,
        tpu.vector_store %arg7[%swap3A_1210, %swap3A_1211, %swap3A_1212], %mul3A_1208 {strides = array<i32>} : memref<2x128x64xf32, #tpu.memory_space<vmem>>, vector<16xf32>,
        %scan3A_1214 = arith.constant 2 : i32
        %scan3A_1215 = arith.addi %scan3A_1109, %scan3A_1214 : i32
        %get3A_1216 = arith.constant 3 : i32
        %get3A_1217 = arith.index_cast %get3A_1216 : i32 to index
        %get3A_1218 = arith.index_cast %scan3A_1215 : i32 to index
        %get3A_1219 = arith.constant 0 : index
        %get3A_1220 = tpu.vector_load %arg6[%get3A_1217, %get3A_1218, %get3A_1219] {strides = array<i32>} : memref<4x128x128xf32, #tpu.memory_space<vmem>>, vector<16xf32>,
        %mul3A_1221 = arith.constant 1.000000e+00 : f32
        %mul3A_1222 = vector.broadcast %mul3A_1221 : f32 to vector<16xf32>
        %mul3A_1223 = arith.mulf %get3A_1220, %mul3A_1222 : vector<16xf32>
        %swap3A_1224 = arith.constant 1 : i32
        %swap3A_1225 = arith.index_cast %swap3A_1224 : i32 to index
        %swap3A_1226 = arith.index_cast %scan3A_1215 : i32 to index
        %swap3A_1227 = arith.constant 0 : index
        %swap3A_1228 = tpu.vector_load %arg7[%swap3A_1225, %swap3A_1226, %swap3A_1227] {strides = array<i32>} : memref<2x128x64xf32, #tpu.memory_space<vmem>>, vector<16xf32>,
        tpu.vector_store %arg7[%swap3A_1225, %swap3A_1226, %swap3A_1227], %mul3A_1223 {strides = array<i32>} : memref<2x128x64xf32, #tpu.memory_space<vmem>>, vector<16xf32>,
        %get3A_1229 = arith.constant 3 : i32
        %get3A_1230 = arith.index_cast %get3A_1229 : i32 to index
        %get3A_1231 = arith.index_cast %scan3A_1215 : i32 to index
        %get3A_1232 = arith.constant 16 : index
        %get3A_1233 = tpu.vector_load %arg6[%get3A_1230, %get3A_1231, %get3A_1232] {strides = array<i32>} : memref<4x128x128xf32, #tpu.memory_space<vmem>>, vector<16xf32>,
        %mul3A_1234 = arith.constant 1.000000e+00 : f32
        %mul3A_1235 = vector.broadcast %mul3A_1234 : f32 to vector<16xf32>
        %mul3A_1236 = arith.mulf %get3A_1233, %mul3A_1235 : vector<16xf32>
        %swap3A_1237 = arith.constant 1 : i32
        %swap3A_1238 = arith.index_cast %swap3A_1237 : i32 to index
        %swap3A_1239 = arith.index_cast %scan3A_1215 : i32 to index
        %swap3A_1240 = arith.constant 16 : index
        %swap3A_1241 = tpu.vector_load %arg7[%swap3A_1238, %swap3A_1239, %swap3A_1240] {strides = array<i32>} : memref<2x128x64xf32, #tpu.memory_space<vmem>>, vector<16xf32>,
        tpu.vector_store %arg7[%swap3A_1238, %swap3A_1239, %swap3A_1240], %mul3A_1236 {strides = array<i32>} : memref<2x128x64xf32, #tpu.memory_space<vmem>>, vector<16xf32>,
        %get3A_1242 = arith.constant 3 : i32
        %get3A_1243 = arith.index_cast %get3A_1242 : i32 to index
        %get3A_1244 = arith.index_cast %scan3A_1215 : i32 to index
        %get3A_1245 = arith.constant 32 : index
        %get3A_1246 = tpu.vector_load %arg6[%get3A_1243, %get3A_1244, %get3A_1245] {strides = array<i32>} : memref<4x128x128xf32, #tpu.memory_space<vmem>>, vector<16xf32>,
        %mul3A_1247 = arith.constant 1.000000e+00 : f32
        %mul3A_1248 = vector.broadcast %mul3A_1247 : f32 to vector<16xf32>
        %mul3A_1249 = arith.mulf %get3A_1246, %mul3A_1248 : vector<16xf32>
        %swap3A_1250 = arith.constant 1 : i32
        %swap3A_1251 = arith.index_cast %swap3A_1250 : i32 to index
        %swap3A_1252 = arith.index_cast %scan3A_1215 : i32 to index
        %swap3A_1253 = arith.constant 32 : index
        %swap3A_1254 = tpu.vector_load %arg7[%swap3A_1251, %swap3A_1252, %swap3A_1253] {strides = array<i32>} : memref<2x128x64xf32, #tpu.memory_space<vmem>>, vector<16xf32>,
        tpu.vector_store %arg7[%swap3A_1251, %swap3A_1252, %swap3A_1253], %mul3A_1249 {strides = array<i32>} : memref<2x128x64xf32, #tpu.memory_space<vmem>>, vector<16xf32>,
        %get3A_1255 = arith.constant 3 : i32
        %get3A_1256 = arith.index_cast %get3A_1255 : i32 to index
        %get3A_1257 = arith.index_cast %scan3A_1215 : i32 to index
        %get3A_1258 = arith.constant 48 : index
        %get3A_1259 = tpu.vector_load %arg6[%get3A_1256, %get3A_1257, %get3A_1258] {strides = array<i32>} : memref<4x128x128xf32, #tpu.memory_space<vmem>>, vector<16xf32>,
        %mul3A_1260 = arith.constant 1.000000e+00 : f32
        %mul3A_1261 = vector.broadcast %mul3A_1260 : f32 to vector<16xf32>
        %mul3A_1262 = arith.mulf %get3A_1259, %mul3A_1261 : vector<16xf32>
        %swap3A_1263 = arith.constant 1 : i32
        %swap3A_1264 = arith.index_cast %swap3A_1263 : i32 to index
        %swap3A_1265 = arith.index_cast %scan3A_1215 : i32 to index
        %swap3A_1266 = arith.constant 48 : index
        %swap3A_1267 = tpu.vector_load %arg7[%swap3A_1264, %swap3A_1265, %swap3A_1266] {strides = array<i32>} : memref<2x128x64xf32, #tpu.memory_space<vmem>>, vector<16xf32>,
        tpu.vector_store %arg7[%swap3A_1264, %swap3A_1265, %swap3A_1266], %mul3A_1262 {strides = array<i32>} : memref<2x128x64xf32, #tpu.memory_space<vmem>>, vector<16xf32>,
        %scan3A_1268 = arith.constant 3 : i32
        %scan3A_1269 = arith.addi %scan3A_1109, %scan3A_1268 : i32
        %get3A_1270 = arith.constant 3 : i32
        %get3A_1271 = arith.index_cast %get3A_1270 : i32 to index
        %get3A_1272 = arith.index_cast %scan3A_1269 : i32 to index
        %get3A_1273 = arith.constant 0 : index
        %get3A_1274 = tpu.vector_load %arg6[%get3A_1271, %get3A_1272, %get3A_1273] {strides = array<i32>} : memref<4x128x128xf32, #tpu.memory_space<vmem>>, vector<16xf32>,
        %mul3A_1275 = arith.constant 1.000000e+00 : f32
        %mul3A_1276 = vector.broadcast %mul3A_1275 : f32 to vector<16xf32>
        %mul3A_1277 = arith.mulf %get3A_1274, %mul3A_1276 : vector<16xf32>
        %swap3A_1278 = arith.constant 1 : i32
        %swap3A_1279 = arith.index_cast %swap3A_1278 : i32 to index
        %swap3A_1280 = arith.index_cast %scan3A_1269 : i32 to index
        %swap3A_1281 = arith.constant 0 : index
        %swap3A_1282 = tpu.vector_load %arg7[%swap3A_1279, %swap3A_1280, %swap3A_1281] {strides = array<i32>} : memref<2x128x64xf32, #tpu.memory_space<vmem>>, vector<16xf32>,
        tpu.vector_store %arg7[%swap3A_1279, %swap3A_1280, %swap3A_1281], %mul3A_1277 {strides = array<i32>} : memref<2x128x64xf32, #tpu.memory_space<vmem>>, vector<16xf32>,
        %get3A_1283 = arith.constant 3 : i32
        %get3A_1284 = arith.index_cast %get3A_1283 : i32 to index
        %get3A_1285 = arith.index_cast %scan3A_1269 : i32 to index
        %get3A_1286 = arith.constant 16 : index
        %get3A_1287 = tpu.vector_load %arg6[%get3A_1284, %get3A_1285, %get3A_1286] {strides = array<i32>} : memref<4x128x128xf32, #tpu.memory_space<vmem>>, vector<16xf32>,
        %mul3A_1288 = arith.constant 1.000000e+00 : f32
        %mul3A_1289 = vector.broadcast %mul3A_1288 : f32 to vector<16xf32>
        %mul3A_1290 = arith.mulf %get3A_1287, %mul3A_1289 : vector<16xf32>
        %swap3A_1291 = arith.constant 1 : i32
        %swap3A_1292 = arith.index_cast %swap3A_1291 : i32 to index
        %swap3A_1293 = arith.index_cast %scan3A_1269 : i32 to index
        %swap3A_1294 = arith.constant 16 : index
        %swap3A_1295 = tpu.vector_load %arg7[%swap3A_1292, %swap3A_1293, %swap3A_1294] {strides = array<i32>} : memref<2x128x64xf32, #tpu.memory_space<vmem>>, vector<16xf32>,
        tpu.vector_store %arg7[%swap3A_1292, %swap3A_1293, %swap3A_1294], %mul3A_1290 {strides = array<i32>} : memref<2x128x64xf32, #tpu.memory_space<vmem>>, vector<16xf32>,
        %get3A_1296 = arith.constant 3 : i32
        %get3A_1297 = arith.index_cast %get3A_1296 : i32 to index
        %get3A_1298 = arith.index_cast %scan3A_1269 : i32 to index
        %get3A_1299 = arith.constant 32 : index
        %get3A_1300 = tpu.vector_load %arg6[%get3A_1297, %get3A_1298, %get3A_1299] {strides = array<i32>} : memref<4x128x128xf32, #tpu.memory_space<vmem>>, vector<16xf32>,
        %mul3A_1301 = arith.constant 1.000000e+00 : f32
        %mul3A_1302 = vector.broadcast %mul3A_1301 : f32 to vector<16xf32>
        %mul3A_1303 = arith.mulf %get3A_1300, %mul3A_1302 : vector<16xf32>
        %swap3A_1304 = arith.constant 1 : i32
        %swap3A_1305 = arith.index_cast %swap3A_1304 : i32 to index
        %swap3A_1306 = arith.index_cast %scan3A_1269 : i32 to index
        %swap3A_1307 = arith.constant 32 : index
        %swap3A_1308 = tpu.vector_load %arg7[%swap3A_1305, %swap3A_1306, %swap3A_1307] {strides = array<i32>} : memref<2x128x64xf32, #tpu.memory_space<vmem>>, vector<16xf32>,
        tpu.vector_store %arg7[%swap3A_1305, %swap3A_1306, %swap3A_1307], %mul3A_1303 {strides = array<i32>} : memref<2x128x64xf32, #tpu.memory_space<vmem>>, vector<16xf32>,
        %get3A_1309 = arith.constant 3 : i32
        %get3A_1310 = arith.index_cast %get3A_1309 : i32 to index
        %get3A_1311 = arith.index_cast %scan3A_1269 : i32 to index
        %get3A_1312 = arith.constant 48 : index
        %get3A_1313 = tpu.vector_load %arg6[%get3A_1310, %get3A_1311, %get3A_1312] {strides = array<i32>} : memref<4x128x128xf32, #tpu.memory_space<vmem>>, vector<16xf32>,
        %mul3A_1314 = arith.constant 1.000000e+00 : f32
        %mul3A_1315 = vector.broadcast %mul3A_1314 : f32 to vector<16xf32>
        %mul3A_1316 = arith.mulf %get3A_1313, %mul3A_1315 : vector<16xf32>
        %swap3A_1317 = arith.constant 1 : i32
        %swap3A_1318 = arith.index_cast %swap3A_1317 : i32 to index
        %swap3A_1319 = arith.index_cast %scan3A_1269 : i32 to index
        %swap3A_1320 = arith.constant 48 : index
        %swap3A_1321 = tpu.vector_load %arg7[%swap3A_1318, %swap3A_1319, %swap3A_1320] {strides = array<i32>} : memref<2x128x64xf32, #tpu.memory_space<vmem>>, vector<16xf32>,
        tpu.vector_store %arg7[%swap3A_1318, %swap3A_1319, %swap3A_1320], %mul3A_1316 {strides = array<i32>} : memref<2x128x64xf32, #tpu.memory_space<vmem>>, vector<16xf32>,
        %scan3A_1322 = arith.constant 4 : i32
        %scan3A_1323 = arith.addi %scan3A_1109, %scan3A_1322 : i32
        %get3A_1324 = arith.constant 3 : i32
        %get3A_1325 = arith.index_cast %get3A_1324 : i32 to index
        %get3A_1326 = arith.index_cast %scan3A_1323 : i32 to index
        %get3A_1327 = arith.constant 0 : index
        %get3A_1328 = tpu.vector_load %arg6[%get3A_1325, %get3A_1326, %get3A_1327] {strides = array<i32>} : memref<4x128x128xf32, #tpu.memory_space<vmem>>, vector<16xf32>,
        %mul3A_1329 = arith.constant 1.000000e+00 : f32
        %mul3A_1330 = vector.broadcast %mul3A_1329 : f32 to vector<16xf32>
        %mul3A_1331 = arith.mulf %get3A_1328, %mul3A_1330 : vector<16xf32>
        %swap3A_1332 = arith.constant 1 : i32
        %swap3A_1333 = arith.index_cast %swap3A_1332 : i32 to index
        %swap3A_1334 = arith.index_cast %scan3A_1323 : i32 to index
        %swap3A_1335 = arith.constant 0 : index
        %swap3A_1336 = tpu.vector_load %arg7[%swap3A_1333, %swap3A_1334, %swap3A_1335] {strides = array<i32>} : memref<2x128x64xf32, #tpu.memory_space<vmem>>, vector<16xf32>,
        tpu.vector_store %arg7[%swap3A_1333, %swap3A_1334, %swap3A_1335], %mul3A_1331 {strides = array<i32>} : memref<2x128x64xf32, #tpu.memory_space<vmem>>, vector<16xf32>,
        %get3A_1337 = arith.constant 3 : i32
        %get3A_1338 = arith.index_cast %get3A_1337 : i32 to index
        %get3A_1339 = arith.index_cast %scan3A_1323 : i32 to index
        %get3A_1340 = arith.constant 16 : index
        %get3A_1341 = tpu.vector_load %arg6[%get3A_1338, %get3A_1339, %get3A_1340] {strides = array<i32>} : memref<4x128x128xf32, #tpu.memory_space<vmem>>, vector<16xf32>,
        %mul3A_1342 = arith.constant 1.000000e+00 : f32
        %mul3A_1343 = vector.broadcast %mul3A_1342 : f32 to vector<16xf32>
        %mul3A_1344 = arith.mulf %get3A_1341, %mul3A_1343 : vector<16xf32>
        %swap3A_1345 = arith.constant 1 : i32
        %swap3A_1346 = arith.index_cast %swap3A_1345 : i32 to index
        %swap3A_1347 = arith.index_cast %scan3A_1323 : i32 to index
        %swap3A_1348 = arith.constant 16 : index
        %swap3A_1349 = tpu.vector_load %arg7[%swap3A_1346, %swap3A_1347, %swap3A_1348] {strides = array<i32>} : memref<2x128x64xf32, #tpu.memory_space<vmem>>, vector<16xf32>,
        tpu.vector_store %arg7[%swap3A_1346, %swap3A_1347, %swap3A_1348], %mul3A_1344 {strides = array<i32>} : memref<2x128x64xf32, #tpu.memory_space<vmem>>, vector<16xf32>,
        %get3A_1350 = arith.constant 3 : i32
        %get3A_1351 = arith.index_cast %get3A_1350 : i32 to index
        %get3A_1352 = arith.index_cast %scan3A_1323 : i32 to index
        %get3A_1353 = arith.constant 32 : index
        %get3A_1354 = tpu.vector_load %arg6[%get3A_1351, %get3A_1352, %get3A_1353] {strides = array<i32>} : memref<4x128x128xf32, #tpu.memory_space<vmem>>, vector<16xf32>,
        %mul3A_1355 = arith.constant 1.000000e+00 : f32
        %mul3A_1356 = vector.broadcast %mul3A_1355 : f32 to vector<16xf32>
        %mul3A_1357 = arith.mulf %get3A_1354, %mul3A_1356 : vector<16xf32>
        %swap3A_1358 = arith.constant 1 : i32
        %swap3A_1359 = arith.index_cast %swap3A_1358 : i32 to index
        %swap3A_1360 = arith.index_cast %scan3A_1323 : i32 to index
        %swap3A_1361 = arith.constant 32 : index
        %swap3A_1362 = tpu.vector_load %arg7[%swap3A_1359, %swap3A_1360, %swap3A_1361] {strides = array<i32>} : memref<2x128x64xf32, #tpu.memory_space<vmem>>, vector<16xf32>,
        tpu.vector_store %arg7[%swap3A_1359, %swap3A_1360, %swap3A_1361], %mul3A_1357 {strides = array<i32>} : memref<2x128x64xf32, #tpu.memory_space<vmem>>, vector<16xf32>,
        %get3A_1363 = arith.constant 3 : i32
        %get3A_1364 = arith.index_cast %get3A_1363 : i32 to index
        %get3A_1365 = arith.index_cast %scan3A_1323 : i32 to index
        %get3A_1366 = arith.constant 48 : index
        %get3A_1367 = tpu.vector_load %arg6[%get3A_1364, %get3A_1365, %get3A_1366] {strides = array<i32>} : memref<4x128x128xf32, #tpu.memory_space<vmem>>, vector<16xf32>,
        %mul3A_1368 = arith.constant 1.000000e+00 : f32
        %mul3A_1369 = vector.broadcast %mul3A_1368 : f32 to vector<16xf32>
        %mul3A_1370 = arith.mulf %get3A_1367, %mul3A_1369 : vector<16xf32>
        %swap3A_1371 = arith.constant 1 : i32
        %swap3A_1372 = arith.index_cast %swap3A_1371 : i32 to index
        %swap3A_1373 = arith.index_cast %scan3A_1323 : i32 to index
        %swap3A_1374 = arith.constant 48 : index
        %swap3A_1375 = tpu.vector_load %arg7[%swap3A_1372, %swap3A_1373, %swap3A_1374] {strides = array<i32>} : memref<2x128x64xf32, #tpu.memory_space<vmem>>, vector<16xf32>,
        tpu.vector_store %arg7[%swap3A_1372, %swap3A_1373, %swap3A_1374], %mul3A_1370 {strides = array<i32>} : memref<2x128x64xf32, #tpu.memory_space<vmem>>, vector<16xf32>,
        %scan3A_1376 = arith.constant 5 : i32
        %scan3A_1377 = arith.addi %scan3A_1109, %scan3A_1376 : i32
        %get3A_1378 = arith.constant 3 : i32
        %get3A_1379 = arith.index_cast %get3A_1378 : i32 to index
        %get3A_1380 = arith.index_cast %scan3A_1377 : i32 to index
        %get3A_1381 = arith.constant 0 : index
        %get3A_1382 = tpu.vector_load %arg6[%get3A_1379, %get3A_1380, %get3A_1381] {strides = array<i32>} : memref<4x128x128xf32, #tpu.memory_space<vmem>>, vector<16xf32>,
        %mul3A_1383 = arith.constant 1.000000e+00 : f32
        %mul3A_1384 = vector.broadcast %mul3A_1383 : f32 to vector<16xf32>
        %mul3A_1385 = arith.mulf %get3A_1382, %mul3A_1384 : vector<16xf32>
        %swap3A_1386 = arith.constant 1 : i32
        %swap3A_1387 = arith.index_cast %swap3A_1386 : i32 to index
        %swap3A_1388 = arith.index_cast %scan3A_1377 : i32 to index
        %swap3A_1389 = arith.constant 0 : index
        %swap3A_1390 = tpu.vector_load %arg7[%swap3A_1387, %swap3A_1388, %swap3A_1389] {strides = array<i32>} : memref<2x128x64xf32, #tpu.memory_space<vmem>>, vector<16xf32>,
        tpu.vector_store %arg7[%swap3A_1387, %swap3A_1388, %swap3A_1389], %mul3A_1385 {strides = array<i32>} : memref<2x128x64xf32, #tpu.memory_space<vmem>>, vector<16xf32>,
        %get3A_1391 = arith.constant 3 : i32
        %get3A_1392 = arith.index_cast %get3A_1391 : i32 to index
        %get3A_1393 = arith.index_cast %scan3A_1377 : i32 to index
        %get3A_1394 = arith.constant 16 : index
        %get3A_1395 = tpu.vector_load %arg6[%get3A_1392, %get3A_1393, %get3A_1394] {strides = array<i32>} : memref<4x128x128xf32, #tpu.memory_space<vmem>>, vector<16xf32>,
        %mul3A_1396 = arith.constant 1.000000e+00 : f32
        %mul3A_1397 = vector.broadcast %mul3A_1396 : f32 to vector<16xf32>
        %mul3A_1398 = arith.mulf %get3A_1395, %mul3A_1397 : vector<16xf32>
        %swap3A_1399 = arith.constant 1 : i32
        %swap3A_1400 = arith.index_cast %swap3A_1399 : i32 to index
        %swap3A_1401 = arith.index_cast %scan3A_1377 : i32 to index
        %swap3A_1402 = arith.constant 16 : index
        %swap3A_1403 = tpu.vector_load %arg7[%swap3A_1400, %swap3A_1401, %swap3A_1402] {strides = array<i32>} : memref<2x128x64xf32, #tpu.memory_space<vmem>>, vector<16xf32>,
        tpu.vector_store %arg7[%swap3A_1400, %swap3A_1401, %swap3A_1402], %mul3A_1398 {strides = array<i32>} : memref<2x128x64xf32, #tpu.memory_space<vmem>>, vector<16xf32>,
        %get3A_1404 = arith.constant 3 : i32
        %get3A_1405 = arith.index_cast %get3A_1404 : i32 to index
        %get3A_1406 = arith.index_cast %scan3A_1377 : i32 to index
        %get3A_1407 = arith.constant 32 : index
        %get3A_1408 = tpu.vector_load %arg6[%get3A_1405, %get3A_1406, %get3A_1407] {strides = array<i32>} : memref<4x128x128xf32, #tpu.memory_space<vmem>>, vector<16xf32>,
        %mul3A_1409 = arith.constant 1.000000e+00 : f32
        %mul3A_1410 = vector.broadcast %mul3A_1409 : f32 to vector<16xf32>
        %mul3A_1411 = arith.mulf %get3A_1408, %mul3A_1410 : vector<16xf32>
        %swap3A_1412 = arith.constant 1 : i32
        %swap3A_1413 = arith.index_cast %swap3A_1412 : i32 to index
        %swap3A_1414 = arith.index_cast %scan3A_1377 : i32 to index
        %swap3A_1415 = arith.constant 32 : index
        %swap3A_1416 = tpu.vector_load %arg7[%swap3A_1413, %swap3A_1414, %swap3A_1415] {strides = array<i32>} : memref<2x128x64xf32, #tpu.memory_space<vmem>>, vector<16xf32>,
        tpu.vector_store %arg7[%swap3A_1413, %swap3A_1414, %swap3A_1415], %mul3A_1411 {strides = array<i32>} : memref<2x128x64xf32, #tpu.memory_space<vmem>>, vector<16xf32>,
        %get3A_1417 = arith.constant 3 : i32
        %get3A_1418 = arith.index_cast %get3A_1417 : i32 to index
        %get3A_1419 = arith.index_cast %scan3A_1377 : i32 to index
        %get3A_1420 = arith.constant 48 : index
        %get3A_1421 = tpu.vector_load %arg6[%get3A_1418, %get3A_1419, %get3A_1420] {strides = array<i32>} : memref<4x128x128xf32, #tpu.memory_space<vmem>>, vector<16xf32>,
        %mul3A_1422 = arith.constant 1.000000e+00 : f32
        %mul3A_1423 = vector.broadcast %mul3A_1422 : f32 to vector<16xf32>
        %mul3A_1424 = arith.mulf %get3A_1421, %mul3A_1423 : vector<16xf32>
        %swap3A_1425 = arith.constant 1 : i32
        %swap3A_1426 = arith.index_cast %swap3A_1425 : i32 to index
        %swap3A_1427 = arith.index_cast %scan3A_1377 : i32 to index
        %swap3A_1428 = arith.constant 48 : index
        %swap3A_1429 = tpu.vector_load %arg7[%swap3A_1426, %swap3A_1427, %swap3A_1428] {strides = array<i32>} : memref<2x128x64xf32, #tpu.memory_space<vmem>>, vector<16xf32>,
        tpu.vector_store %arg7[%swap3A_1426, %swap3A_1427, %swap3A_1428], %mul3A_1424 {strides = array<i32>} : memref<2x128x64xf32, #tpu.memory_space<vmem>>, vector<16xf32>,
        %scan3A_1430 = arith.constant 6 : i32
        %scan3A_1431 = arith.addi %scan3A_1109, %scan3A_1430 : i32
        %get3A_1432 = arith.constant 3 : i32
        %get3A_1433 = arith.index_cast %get3A_1432 : i32 to index
        %get3A_1434 = arith.index_cast %scan3A_1431 : i32 to index
        %get3A_1435 = arith.constant 0 : index
        %get3A_1436 = tpu.vector_load %arg6[%get3A_1433, %get3A_1434, %get3A_1435] {strides = array<i32>} : memref<4x128x128xf32, #tpu.memory_space<vmem>>, vector<16xf32>,
        %mul3A_1437 = arith.constant 1.000000e+00 : f32
        %mul3A_1438 = vector.broadcast %mul3A_1437 : f32 to vector<16xf32>
        %mul3A_1439 = arith.mulf %get3A_1436, %mul3A_1438 : vector<16xf32>
        %swap3A_1440 = arith.constant 1 : i32
        %swap3A_1441 = arith.index_cast %swap3A_1440 : i32 to index
        %swap3A_1442 = arith.index_cast %scan3A_1431 : i32 to index
        %swap3A_1443 = arith.constant 0 : index
        %swap3A_1444 = tpu.vector_load %arg7[%swap3A_1441, %swap3A_1442, %swap3A_1443] {strides = array<i32>} : memref<2x128x64xf32, #tpu.memory_space<vmem>>, vector<16xf32>,
        tpu.vector_store %arg7[%swap3A_1441, %swap3A_1442, %swap3A_1443], %mul3A_1439 {strides = array<i32>} : memref<2x128x64xf32, #tpu.memory_space<vmem>>, vector<16xf32>,
        %get3A_1445 = arith.constant 3 : i32
        %get3A_1446 = arith.index_cast %get3A_1445 : i32 to index
        %get3A_1447 = arith.index_cast %scan3A_1431 : i32 to index
        %get3A_1448 = arith.constant 16 : index
        %get3A_1449 = tpu.vector_load %arg6[%get3A_1446, %get3A_1447, %get3A_1448] {strides = array<i32>} : memref<4x128x128xf32, #tpu.memory_space<vmem>>, vector<16xf32>,
        %mul3A_1450 = arith.constant 1.000000e+00 : f32
        %mul3A_1451 = vector.broadcast %mul3A_1450 : f32 to vector<16xf32>
        %mul3A_1452 = arith.mulf %get3A_1449, %mul3A_1451 : vector<16xf32>
        %swap3A_1453 = arith.constant 1 : i32
        %swap3A_1454 = arith.index_cast %swap3A_1453 : i32 to index
        %swap3A_1455 = arith.index_cast %scan3A_1431 : i32 to index
        %swap3A_1456 = arith.constant 16 : index
        %swap3A_1457 = tpu.vector_load %arg7[%swap3A_1454, %swap3A_1455, %swap3A_1456] {strides = array<i32>} : memref<2x128x64xf32, #tpu.memory_space<vmem>>, vector<16xf32>,
        tpu.vector_store %arg7[%swap3A_1454, %swap3A_1455, %swap3A_1456], %mul3A_1452 {strides = array<i32>} : memref<2x128x64xf32, #tpu.memory_space<vmem>>, vector<16xf32>,
        %get3A_1458 = arith.constant 3 : i32
        %get3A_1459 = arith.index_cast %get3A_1458 : i32 to index
        %get3A_1460 = arith.index_cast %scan3A_1431 : i32 to index
        %get3A_1461 = arith.constant 32 : index
        %get3A_1462 = tpu.vector_load %arg6[%get3A_1459, %get3A_1460, %get3A_1461] {strides = array<i32>} : memref<4x128x128xf32, #tpu.memory_space<vmem>>, vector<16xf32>,
        %mul3A_1463 = arith.constant 1.000000e+00 : f32
        %mul3A_1464 = vector.broadcast %mul3A_1463 : f32 to vector<16xf32>
        %mul3A_1465 = arith.mulf %get3A_1462, %mul3A_1464 : vector<16xf32>
        %swap3A_1466 = arith.constant 1 : i32
        %swap3A_1467 = arith.index_cast %swap3A_1466 : i32 to index
        %swap3A_1468 = arith.index_cast %scan3A_1431 : i32 to index
        %swap3A_1469 = arith.constant 32 : index
        %swap3A_1470 = tpu.vector_load %arg7[%swap3A_1467, %swap3A_1468, %swap3A_1469] {strides = array<i32>} : memref<2x128x64xf32, #tpu.memory_space<vmem>>, vector<16xf32>,
        tpu.vector_store %arg7[%swap3A_1467, %swap3A_1468, %swap3A_1469], %mul3A_1465 {strides = array<i32>} : memref<2x128x64xf32, #tpu.memory_space<vmem>>, vector<16xf32>,
        %get3A_1471 = arith.constant 3 : i32
        %get3A_1472 = arith.index_cast %get3A_1471 : i32 to index
        %get3A_1473 = arith.index_cast %scan3A_1431 : i32 to index
        %get3A_1474 = arith.constant 48 : index
        %get3A_1475 = tpu.vector_load %arg6[%get3A_1472, %get3A_1473, %get3A_1474] {strides = array<i32>} : memref<4x128x128xf32, #tpu.memory_space<vmem>>, vector<16xf32>,
        %mul3A_1476 = arith.constant 1.000000e+00 : f32
        %mul3A_1477 = vector.broadcast %mul3A_1476 : f32 to vector<16xf32>
        %mul3A_1478 = arith.mulf %get3A_1475, %mul3A_1477 : vector<16xf32>
        %swap3A_1479 = arith.constant 1 : i32
        %swap3A_1480 = arith.index_cast %swap3A_1479 : i32 to index
        %swap3A_1481 = arith.index_cast %scan3A_1431 : i32 to index
        %swap3A_1482 = arith.constant 48 : index
        %swap3A_1483 = tpu.vector_load %arg7[%swap3A_1480, %swap3A_1481, %swap3A_1482] {strides = array<i32>} : memref<2x128x64xf32, #tpu.memory_space<vmem>>, vector<16xf32>,
        tpu.vector_store %arg7[%swap3A_1480, %swap3A_1481, %swap3A_1482], %mul3A_1478 {strides = array<i32>} : memref<2x128x64xf32, #tpu.memory_space<vmem>>, vector<16xf32>,
        %scan3A_1484 = arith.constant 7 : i32
        %scan3A_1485 = arith.addi %scan3A_1109, %scan3A_1484 : i32
        %get3A_1486 = arith.constant 3 : i32
        %get3A_1487 = arith.index_cast %get3A_1486 : i32 to index
        %get3A_1488 = arith.index_cast %scan3A_1485 : i32 to index
        %get3A_1489 = arith.constant 0 : index
        %get3A_1490 = tpu.vector_load %arg6[%get3A_1487, %get3A_1488, %get3A_1489] {strides = array<i32>} : memref<4x128x128xf32, #tpu.memory_space<vmem>>, vector<16xf32>,
        %mul3A_1491 = arith.constant 1.000000e+00 : f32
        %mul3A_1492 = vector.broadcast %mul3A_1491 : f32 to vector<16xf32>
        %mul3A_1493 = arith.mulf %get3A_1490, %mul3A_1492 : vector<16xf32>
        %swap3A_1494 = arith.constant 1 : i32
        %swap3A_1495 = arith.index_cast %swap3A_1494 : i32 to index
        %swap3A_1496 = arith.index_cast %scan3A_1485 : i32 to index
        %swap3A_1497 = arith.constant 0 : index
        %swap3A_1498 = tpu.vector_load %arg7[%swap3A_1495, %swap3A_1496, %swap3A_1497] {strides = array<i32>} : memref<2x128x64xf32, #tpu.memory_space<vmem>>, vector<16xf32>,
        tpu.vector_store %arg7[%swap3A_1495, %swap3A_1496, %swap3A_1497], %mul3A_1493 {strides = array<i32>} : memref<2x128x64xf32, #tpu.memory_space<vmem>>, vector<16xf32>,
        %get3A_1499 = arith.constant 3 : i32
        %get3A_1500 = arith.index_cast %get3A_1499 : i32 to index
        %get3A_1501 = arith.index_cast %scan3A_1485 : i32 to index
        %get3A_1502 = arith.constant 16 : index
        %get3A_1503 = tpu.vector_load %arg6[%get3A_1500, %get3A_1501, %get3A_1502] {strides = array<i32>} : memref<4x128x128xf32, #tpu.memory_space<vmem>>, vector<16xf32>,
        %mul3A_1504 = arith.constant 1.000000e+00 : f32
        %mul3A_1505 = vector.broadcast %mul3A_1504 : f32 to vector<16xf32>
        %mul3A_1506 = arith.mulf %get3A_1503, %mul3A_1505 : vector<16xf32>
        %swap3A_1507 = arith.constant 1 : i32
        %swap3A_1508 = arith.index_cast %swap3A_1507 : i32 to index
        %swap3A_1509 = arith.index_cast %scan3A_1485 : i32 to index
        %swap3A_1510 = arith.constant 16 : index
        %swap3A_1511 = tpu.vector_load %arg7[%swap3A_1508, %swap3A_1509, %swap3A_1510] {strides = array<i32>} : memref<2x128x64xf32, #tpu.memory_space<vmem>>, vector<16xf32>,
        tpu.vector_store %arg7[%swap3A_1508, %swap3A_1509, %swap3A_1510], %mul3A_1506 {strides = array<i32>} : memref<2x128x64xf32, #tpu.memory_space<vmem>>, vector<16xf32>,
        %get3A_1512 = arith.constant 3 : i32
        %get3A_1513 = arith.index_cast %get3A_1512 : i32 to index
        %get3A_1514 = arith.index_cast %scan3A_1485 : i32 to index
        %get3A_1515 = arith.constant 32 : index
        %get3A_1516 = tpu.vector_load %arg6[%get3A_1513, %get3A_1514, %get3A_1515] {strides = array<i32>} : memref<4x128x128xf32, #tpu.memory_space<vmem>>, vector<16xf32>,
        %mul3A_1517 = arith.constant 1.000000e+00 : f32
        %mul3A_1518 = vector.broadcast %mul3A_1517 : f32 to vector<16xf32>
        %mul3A_1519 = arith.mulf %get3A_1516, %mul3A_1518 : vector<16xf32>
        %swap3A_1520 = arith.constant 1 : i32
        %swap3A_1521 = arith.index_cast %swap3A_1520 : i32 to index
        %swap3A_1522 = arith.index_cast %scan3A_1485 : i32 to index
        %swap3A_1523 = arith.constant 32 : index
        %swap3A_1524 = tpu.vector_load %arg7[%swap3A_1521, %swap3A_1522, %swap3A_1523] {strides = array<i32>} : memref<2x128x64xf32, #tpu.memory_space<vmem>>, vector<16xf32>,
        tpu.vector_store %arg7[%swap3A_1521, %swap3A_1522, %swap3A_1523], %mul3A_1519 {strides = array<i32>} : memref<2x128x64xf32, #tpu.memory_space<vmem>>, vector<16xf32>,
        %get3A_1525 = arith.constant 3 : i32
        %get3A_1526 = arith.index_cast %get3A_1525 : i32 to index
        %get3A_1527 = arith.index_cast %scan3A_1485 : i32 to index
        %get3A_1528 = arith.constant 48 : index
        %get3A_1529 = tpu.vector_load %arg6[%get3A_1526, %get3A_1527, %get3A_1528] {strides = array<i32>} : memref<4x128x128xf32, #tpu.memory_space<vmem>>, vector<16xf32>,
        %mul3A_1530 = arith.constant 1.000000e+00 : f32
        %mul3A_1531 = vector.broadcast %mul3A_1530 : f32 to vector<16xf32>
        %mul3A_1532 = arith.mulf %get3A_1529, %mul3A_1531 : vector<16xf32>
        %swap3A_1533 = arith.constant 1 : i32
        %swap3A_1534 = arith.index_cast %swap3A_1533 : i32 to index
        %swap3A_1535 = arith.index_cast %scan3A_1485 : i32 to index
        %swap3A_1536 = arith.constant 48 : index
        %swap3A_1537 = tpu.vector_load %arg7[%swap3A_1534, %swap3A_1535, %swap3A_1536] {strides = array<i32>} : memref<2x128x64xf32, #tpu.memory_space<vmem>>, vector<16xf32>,
        tpu.vector_store %arg7[%swap3A_1534, %swap3A_1535, %swap3A_1536], %mul3A_1532 {strides = array<i32>} : memref<2x128x64xf32, #tpu.memory_space<vmem>>, vector<16xf32>,
      }
      %scan3A_601 = arith.constant 128 : i32
      %mul3A_602 = arith.constant 128 : i32
      %mul3A_603 = arith.muli %add3A_527, %mul3A_602 : i32
      %add3A_604 = arith.addi %mul3A_4, %mul3A_603 : i32
      %dma_start3A_605 = arith.constant 1 : i32
      %dma_start3A_606 = arith.constant 0 : i32
      %dma_start3A_607 = arith.constant 0 : i32
      %dma_start3A_608 = tpu.memref_slice %arg7[%dma_start3A_605, %dma_start3A_606, %dma_start3A_607] : memref<2x128x64xf32, #tpu.memory_space<vmem>> -> memref<1x128x64xf32, #tpu.memory_space<vmem>>
      %dma_start3A_609 = tpu.memref_squeeze %dma_start3A_608 : memref<1x128x64xf32, #tpu.memory_space<vmem>> -> memref<128x64xf32, #tpu.memory_space<vmem>>
      %dma_start3A_610 = arith.constant 0 : i32
      %dma_start3A_611 = tpu.memref_slice %arg4[%add3A_604, %dma_start3A_610] : memref<819200x64xf32, #tpu.memory_space<hbm>> -> memref<128x64xf32, #tpu.memory_space<hbm>>
      %dma_start3A_612 = arith.constant 0 : i32
      %dma_start3A_613 = tpu.memref_slice %arg4[%add3A_604, %dma_start3A_612] : memref<819200x64xf32, #tpu.memory_space<hbm>> -> memref<128x64xf32, #tpu.memory_space<hbm>>
      %dma_start3A_614 = arith.constant 0 : i32
      %dma_start3A_615 = arith.constant 0 : i32
      %dma_start3A_616 = tpu.memref_slice %arg7[%dma_start3A_605, %dma_start3A_614, %dma_start3A_615] : memref<2x128x64xf32, #tpu.memory_space<vmem>> -> memref<1x128x64xf32, #tpu.memory_space<vmem>>
      %dma_start3A_617 = tpu.memref_squeeze %dma_start3A_616 : memref<1x128x64xf32, #tpu.memory_space<vmem>> -> memref<128x64xf32, #tpu.memory_space<vmem>>
      tpu.enqueue_dma source(%dma_start3A_617 : memref<128x64xf32, #tpu.memory_space<vmem>>) target(%dma_start3A_613 : memref<128x64xf32, #tpu.memory_space<hbm>>) target_semaphore(%arg13 : memref<!tpu.dma_semaphore, #tpu.memory_space<semaphore_mem>>)
      %add3A_618 = arith.constant 3 : i32
      %add3A_619 = arith.addi %add3A_527, %add3A_618 : i32
      %jit3A_620 = arith.constant 8 : i32
      %div3A_621 = arith.divsi %add3A_619, %jit3A_620 : i32
      %sign3A_622 = arith.constant 0 : i32
      %sign3A_623 = arith.cmpi sgt, %add3A_619, %sign3A_622 : i32
      %sign3A_624 = arith.extui %sign3A_623 : i1 to i32
      %sign3A_625 = arith.constant 0 : i32
      %sign3A_626 = arith.cmpi slt, %add3A_619, %sign3A_625 : i32
      %sign3A_627 = arith.extui %sign3A_626 : i1 to i32
      %sign3A_628 = arith.subi %sign3A_624, %sign3A_627 : i32
      %sign3A_629 = arith.constant 0 : i32
      %sign3A_630 = arith.cmpi sgt, %jit3A_620, %sign3A_629 : i32
      %sign3A_631 = arith.extui %sign3A_630 : i1 to i32
      %sign3A_632 = arith.constant 0 : i32
      %sign3A_633 = arith.cmpi slt, %jit3A_620, %sign3A_632 : i32
      %sign3A_634 = arith.extui %sign3A_633 : i1 to i32
      %sign3A_635 = arith.subi %sign3A_631, %sign3A_634 : i32
      %ne3A_636 = arith.cmpi ne, %sign3A_628, %sign3A_635 : i32
      %rem3A_637 = arith.remsi %add3A_619, %jit3A_620 : i32
      %ne3A_638 = arith.constant 0 : i32
      %ne3A_639 = arith.cmpi ne, %rem3A_637, %ne3A_638 : i32
      %and3A_640 = arith.andi %ne3A_636, %ne3A_639 : i1
      %sub3A_641 = arith.constant 1 : i32
      %sub3A_642 = arith.subi %div3A_621, %sub3A_641 : i32
      %select_n3A_643 = arith.select %and3A_640, %sub3A_642, %div3A_621 : i32
      %jit3A_644 = arith.constant 2 : i32
      %eq3A_645 = arith.constant 0 : i32
      %eq3A_646 = arith.cmpi eq, %jit3A_644, %eq3A_645 : i32
      %jit3A_647 = arith.constant 1 : i32
      %select_n3A_648 = arith.select %eq3A_646, %jit3A_647, %jit3A_644 : i32
      %rem3A_649 = arith.remsi %select_n3A_643, %select_n3A_648 : i32
      %ne3A_650 = arith.constant 0 : i32
      %ne3A_651 = arith.cmpi ne, %rem3A_649, %ne3A_650 : i32
      %lt3A_652 = arith.constant 0 : i32
      %lt3A_653 = arith.cmpi slt, %rem3A_649, %lt3A_652 : i32
      %lt3A_654 = arith.constant 0 : i32
      %lt3A_655 = arith.cmpi slt, %select_n3A_648, %lt3A_654 : i32
      %ne3A_656 = arith.xori %lt3A_653, %lt3A_655 : i1
      %and3A_657 = arith.andi %ne3A_656, %ne3A_651 : i1
      %add3A_658 = arith.addi %rem3A_649, %select_n3A_648 : i32
      %select_n3A_659 = arith.select %and3A_657, %add3A_658, %rem3A_649 : i32
      %dma_start3A_660 = arith.constant 6 : i32
      %dma_start3A_661 = arith.constant 2 : i32
      %dma_start3A_662 = arith.constant 0 : i32
      %dma_start3A_663 = arith.constant 0 : i32
      %dma_start3A_664 = tpu.memref_slice %arg6[%dma_start3A_661, %dma_start3A_662, %dma_start3A_663] : memref<4x128x128xf32, #tpu.memory_space<vmem>> -> memref<1x128x128xf32, #tpu.memory_space<vmem>>
      %dma_start3A_665 = tpu.memref_squeeze %dma_start3A_664 : memref<1x128x128xf32, #tpu.memory_space<vmem>> -> memref<128x128xf32, #tpu.memory_space<vmem>>
      %dma_start3A_666 = arith.constant 0 : i32
      %dma_start3A_667 = tpu.memref_slice %arg5[%select_n3A_659, %dma_start3A_660, %dma_start3A_666] : memref<2x8x128xi32, #tpu.memory_space<vmem>> -> memref<1x1x128xi32, #tpu.memory_space<vmem>>
      %dma_start3A_668 = tpu.memref_squeeze %dma_start3A_667 : memref<1x1x128xi32, #tpu.memory_space<vmem>> -> memref<128xi32, #tpu.memory_space<vmem>>
      %dma_start3A_669 = arith.constant 0 : i32
      %dma_start3A_670 = arith.constant 0 : i32
      %dma_start3A_671 = tpu.memref_slice %arg2[%dma_start3A_669, %dma_start3A_670] : memref<1000000x128xf32, #tpu.memory_space<hbm>> -> memref<1000000x128xf32, #tpu.memory_space<hbm>>
      tpu.enqueue_indirect_dma source(%dma_start3A_671 : memref<1000000x128xf32, #tpu.memory_space<hbm>>) target(%dma_start3A_665 : memref<128x128xf32, #tpu.memory_space<vmem>>) offsets(%dma_start3A_668 : memref<128xi32, #tpu.memory_space<vmem>>) semaphore(%arg10 : memref<!tpu.dma_semaphore, #tpu.memory_space<semaphore_mem>>)
      %add3A_672 = arith.constant 4 : i32
      %add3A_673 = arith.addi %mul3A_113, %add3A_672 : i32
      %jit3A_674 = arith.constant 8 : i32
      %div3A_675 = arith.divsi %add3A_673, %jit3A_674 : i32
      %sign3A_676 = arith.constant 0 : i32
      %sign3A_677 = arith.cmpi sgt, %add3A_673, %sign3A_676 : i32
      %sign3A_678 = arith.extui %sign3A_677 : i1 to i32
      %sign3A_679 = arith.constant 0 : i32
      %sign3A_680 = arith.cmpi slt, %add3A_673, %sign3A_679 : i32
      %sign3A_681 = arith.extui %sign3A_680 : i1 to i32
      %sign3A_682 = arith.subi %sign3A_678, %sign3A_681 : i32
      %sign3A_683 = arith.constant 0 : i32
      %sign3A_684 = arith.cmpi sgt, %jit3A_674, %sign3A_683 : i32
      %sign3A_685 = arith.extui %sign3A_684 : i1 to i32
      %sign3A_686 = arith.constant 0 : i32
      %sign3A_687 = arith.cmpi slt, %jit3A_674, %sign3A_686 : i32
      %sign3A_688 = arith.extui %sign3A_687 : i1 to i32
      %sign3A_689 = arith.subi %sign3A_685, %sign3A_688 : i32
      %ne3A_690 = arith.cmpi ne, %sign3A_682, %sign3A_689 : i32
      %rem3A_691 = arith.remsi %add3A_673, %jit3A_674 : i32
      %ne3A_692 = arith.constant 0 : i32
      %ne3A_693 = arith.cmpi ne, %rem3A_691, %ne3A_692 : i32
      %and3A_694 = arith.andi %ne3A_690, %ne3A_693 : i1
      %sub3A_695 = arith.constant 1 : i32
      %sub3A_696 = arith.subi %div3A_675, %sub3A_695 : i32
      %select_n3A_697 = arith.select %and3A_694, %sub3A_696, %div3A_675 : i32
      %jit3A_698 = arith.constant 2 : i32
      %eq3A_699 = arith.constant 0 : i32
      %eq3A_700 = arith.cmpi eq, %jit3A_698, %eq3A_699 : i32
      %jit3A_701 = arith.constant 1 : i32
      %select_n3A_702 = arith.select %eq3A_700, %jit3A_701, %jit3A_698 : i32
      %rem3A_703 = arith.remsi %select_n3A_697, %select_n3A_702 : i32
      %ne3A_704 = arith.constant 0 : i32
      %ne3A_705 = arith.cmpi ne, %rem3A_703, %ne3A_704 : i32
      %lt3A_706 = arith.constant 0 : i32
      %lt3A_707 = arith.cmpi slt, %rem3A_703, %lt3A_706 : i32
      %lt3A_708 = arith.constant 0 : i32
      %lt3A_709 = arith.cmpi slt, %select_n3A_702, %lt3A_708 : i32
      %ne3A_710 = arith.xori %lt3A_707, %lt3A_709 : i1
      %and3A_711 = arith.andi %ne3A_710, %ne3A_705 : i1
      %add3A_712 = arith.addi %rem3A_703, %select_n3A_702 : i32
      %select_n3A_713 = arith.select %and3A_711, %add3A_712, %rem3A_703 : i32
      %dma_wait3A_714 = arith.constant 0 : i32
      %dma_wait3A_715 = arith.constant 0 : i32
      %dma_wait3A_716 = arith.constant 0 : i32
      %dma_wait3A_717 = tpu.memref_slice %arg6[%dma_wait3A_714, %dma_wait3A_715, %dma_wait3A_716] : memref<4x128x128xf32, #tpu.memory_space<vmem>> -> memref<1x128x128xf32, #tpu.memory_space<vmem>>
      %dma_wait3A_718 = tpu.memref_squeeze %dma_wait3A_717 : memref<1x128x128xf32, #tpu.memory_space<vmem>> -> memref<128x128xf32, #tpu.memory_space<vmem>>
      %dma_wait3A_719 = arith.constant 0 : i32
      %dma_wait3A_720 = arith.constant 0 : i32
      %dma_wait3A_721 = tpu.memref_slice %arg2[%dma_wait3A_719, %dma_wait3A_720] : memref<1000000x128xf32, #tpu.memory_space<hbm>> -> memref<128x128xf32, #tpu.memory_space<hbm>>
      %dma_wait3A_722 = arith.constant 0 : i32
      %dma_wait3A_723 = arith.constant 0 : i32
      %dma_wait3A_724 = tpu.memref_slice %arg6[%dma_wait3A_714, %dma_wait3A_722, %dma_wait3A_723] : memref<4x128x128xf32, #tpu.memory_space<vmem>> -> memref<1x128x128xf32, #tpu.memory_space<vmem>>
      %dma_wait3A_725 = tpu.memref_squeeze %dma_wait3A_724 : memref<1x128x128xf32, #tpu.memory_space<vmem>> -> memref<128x128xf32, #tpu.memory_space<vmem>>
      %dma_wait3A_726 = arith.constant 0 : i32
      %dma_wait3A_727 = arith.constant 0 : i32
      %dma_wait3A_728 = tpu.memref_slice %arg2[%dma_wait3A_726, %dma_wait3A_727] : memref<1000000x128xf32, #tpu.memory_space<hbm>> -> memref<128x128xf32, #tpu.memory_space<hbm>>
      tpu.wait_dma2 semaphore(%arg8 : memref<!tpu.dma_semaphore, #tpu.memory_space<semaphore_mem>>) src(%dma_wait3A_728 : memref<128x128xf32, #tpu.memory_space<hbm>>) dst(%dma_wait3A_725 : memref<128x128xf32, #tpu.memory_space<vmem>>)
      %dma_wait3A_729 = arith.constant 0 : i32
      %dma_wait3A_730 = arith.constant 0 : i32
      %dma_wait3A_731 = arith.constant 0 : i32
      %dma_wait3A_732 = tpu.memref_slice %arg7[%dma_wait3A_729, %dma_wait3A_730, %dma_wait3A_731] : memref<2x128x64xf32, #tpu.memory_space<vmem>> -> memref<1x128x64xf32, #tpu.memory_space<vmem>>
      %dma_wait3A_733 = tpu.memref_squeeze %dma_wait3A_732 : memref<1x128x64xf32, #tpu.memory_space<vmem>> -> memref<128x64xf32, #tpu.memory_space<vmem>>
      %dma_wait3A_734 = arith.constant 0 : i32
      %dma_wait3A_735 = tpu.memref_slice %arg4[%mul3A_4, %dma_wait3A_734] : memref<819200x64xf32, #tpu.memory_space<hbm>> -> memref<128x64xf32, #tpu.memory_space<hbm>>
      %dma_wait3A_736 = arith.constant 0 : i32
      %dma_wait3A_737 = tpu.memref_slice %arg4[%mul3A_4, %dma_wait3A_736] : memref<819200x64xf32, #tpu.memory_space<hbm>> -> memref<128x64xf32, #tpu.memory_space<hbm>>
      %dma_wait3A_738 = arith.constant 0 : i32
      %dma_wait3A_739 = arith.constant 0 : i32
      %dma_wait3A_740 = tpu.memref_slice %arg7[%dma_wait3A_729, %dma_wait3A_738, %dma_wait3A_739] : memref<2x128x64xf32, #tpu.memory_space<vmem>> -> memref<1x128x64xf32, #tpu.memory_space<vmem>>
      %dma_wait3A_741 = tpu.memref_squeeze %dma_wait3A_740 : memref<1x128x64xf32, #tpu.memory_space<vmem>> -> memref<128x64xf32, #tpu.memory_space<vmem>>
      tpu.wait_dma2 semaphore(%arg12 : memref<!tpu.dma_semaphore, #tpu.memory_space<semaphore_mem>>) src(%dma_wait3A_741 : memref<128x64xf32, #tpu.memory_space<vmem>>) dst(%dma_wait3A_737 : memref<128x64xf32, #tpu.memory_space<hbm>>)
      %scan3A_742 = arith.constant 0 : i32
      %scan3A_743 = arith.constant 0 : i32
      %scan3A_744 = arith.constant 128 : i32
      %scan3A_745 = arith.addi %scan3A_743, %scan3A_744 : i32
      %scan3A_746 = arith.constant 8 : i32
      scf.for %scan3A_1109 = %scan3A_743 to %scan3A_745 step %scan3A_746  : i32 {
        %get3A = arith.constant 0 : i32
        %get3A_1110 = arith.index_cast %get3A : i32 to index
        %get3A_1111 = arith.index_cast %scan3A_1109 : i32 to index
        %get3A_1112 = arith.constant 0 : index
        %get3A_1113 = tpu.vector_load %arg6[%get3A_1110, %get3A_1111, %get3A_1112] {strides = array<i32>} : memref<4x128x128xf32, #tpu.memory_space<vmem>>, vector<16xf32>,
        %mul3A_1114 = arith.constant 1.000000e+00 : f32
        %mul3A_1115 = vector.broadcast %mul3A_1114 : f32 to vector<16xf32>
        %mul3A_1116 = arith.mulf %get3A_1113, %mul3A_1115 : vector<16xf32>
        %swap3A = arith.constant 0 : i32
        %swap3A_1117 = arith.index_cast %swap3A : i32 to index
        %swap3A_1118 = arith.index_cast %scan3A_1109 : i32 to index
        %swap3A_1119 = arith.constant 0 : index
        %swap3A_1120 = tpu.vector_load %arg7[%swap3A_1117, %swap3A_1118, %swap3A_1119] {strides = array<i32>} : memref<2x128x64xf32, #tpu.memory_space<vmem>>, vector<16xf32>,
        tpu.vector_store %arg7[%swap3A_1117, %swap3A_1118, %swap3A_1119], %mul3A_1116 {strides = array<i32>} : memref<2x128x64xf32, #tpu.memory_space<vmem>>, vector<16xf32>,
        %get3A_1121 = arith.constant 0 : i32
        %get3A_1122 = arith.index_cast %get3A_1121 : i32 to index
        %get3A_1123 = arith.index_cast %scan3A_1109 : i32 to index
        %get3A_1124 = arith.constant 16 : index
        %get3A_1125 = tpu.vector_load %arg6[%get3A_1122, %get3A_1123, %get3A_1124] {strides = array<i32>} : memref<4x128x128xf32, #tpu.memory_space<vmem>>, vector<16xf32>,
        %mul3A_1126 = arith.constant 1.000000e+00 : f32
        %mul3A_1127 = vector.broadcast %mul3A_1126 : f32 to vector<16xf32>
        %mul3A_1128 = arith.mulf %get3A_1125, %mul3A_1127 : vector<16xf32>
        %swap3A_1129 = arith.constant 0 : i32
        %swap3A_1130 = arith.index_cast %swap3A_1129 : i32 to index
        %swap3A_1131 = arith.index_cast %scan3A_1109 : i32 to index
        %swap3A_1132 = arith.constant 16 : index
        %swap3A_1133 = tpu.vector_load %arg7[%swap3A_1130, %swap3A_1131, %swap3A_1132] {strides = array<i32>} : memref<2x128x64xf32, #tpu.memory_space<vmem>>, vector<16xf32>,
        tpu.vector_store %arg7[%swap3A_1130, %swap3A_1131, %swap3A_1132], %mul3A_1128 {strides = array<i32>} : memref<2x128x64xf32, #tpu.memory_space<vmem>>, vector<16xf32>,
        %get3A_1134 = arith.constant 0 : i32
        %get3A_1135 = arith.index_cast %get3A_1134 : i32 to index
        %get3A_1136 = arith.index_cast %scan3A_1109 : i32 to index
        %get3A_1137 = arith.constant 32 : index
        %get3A_1138 = tpu.vector_load %arg6[%get3A_1135, %get3A_1136, %get3A_1137] {strides = array<i32>} : memref<4x128x128xf32, #tpu.memory_space<vmem>>, vector<16xf32>,
        %mul3A_1139 = arith.constant 1.000000e+00 : f32
        %mul3A_1140 = vector.broadcast %mul3A_1139 : f32 to vector<16xf32>
        %mul3A_1141 = arith.mulf %get3A_1138, %mul3A_1140 : vector<16xf32>
        %swap3A_1142 = arith.constant 0 : i32
        %swap3A_1143 = arith.index_cast %swap3A_1142 : i32 to index
        %swap3A_1144 = arith.index_cast %scan3A_1109 : i32 to index
        %swap3A_1145 = arith.constant 32 : index
        %swap3A_1146 = tpu.vector_load %arg7[%swap3A_1143, %swap3A_1144, %swap3A_1145] {strides = array<i32>} : memref<2x128x64xf32, #tpu.memory_space<vmem>>, vector<16xf32>,
        tpu.vector_store %arg7[%swap3A_1143, %swap3A_1144, %swap3A_1145], %mul3A_1141 {strides = array<i32>} : memref<2x128x64xf32, #tpu.memory_space<vmem>>, vector<16xf32>,
        %get3A_1147 = arith.constant 0 : i32
        %get3A_1148 = arith.index_cast %get3A_1147 : i32 to index
        %get3A_1149 = arith.index_cast %scan3A_1109 : i32 to index
        %get3A_1150 = arith.constant 48 : index
        %get3A_1151 = tpu.vector_load %arg6[%get3A_1148, %get3A_1149, %get3A_1150] {strides = array<i32>} : memref<4x128x128xf32, #tpu.memory_space<vmem>>, vector<16xf32>,
        %mul3A_1152 = arith.constant 1.000000e+00 : f32
        %mul3A_1153 = vector.broadcast %mul3A_1152 : f32 to vector<16xf32>
        %mul3A_1154 = arith.mulf %get3A_1151, %mul3A_1153 : vector<16xf32>
        %swap3A_1155 = arith.constant 0 : i32
        %swap3A_1156 = arith.index_cast %swap3A_1155 : i32 to index
        %swap3A_1157 = arith.index_cast %scan3A_1109 : i32 to index
        %swap3A_1158 = arith.constant 48 : index
        %swap3A_1159 = tpu.vector_load %arg7[%swap3A_1156, %swap3A_1157, %swap3A_1158] {strides = array<i32>} : memref<2x128x64xf32, #tpu.memory_space<vmem>>, vector<16xf32>,
        tpu.vector_store %arg7[%swap3A_1156, %swap3A_1157, %swap3A_1158], %mul3A_1154 {strides = array<i32>} : memref<2x128x64xf32, #tpu.memory_space<vmem>>, vector<16xf32>,
        %scan3A_1160 = arith.constant 1 : i32
        %scan3A_1161 = arith.addi %scan3A_1109, %scan3A_1160 : i32
        %get3A_1162 = arith.constant 0 : i32
        %get3A_1163 = arith.index_cast %get3A_1162 : i32 to index
        %get3A_1164 = arith.index_cast %scan3A_1161 : i32 to index
        %get3A_1165 = arith.constant 0 : index
        %get3A_1166 = tpu.vector_load %arg6[%get3A_1163, %get3A_1164, %get3A_1165] {strides = array<i32>} : memref<4x128x128xf32, #tpu.memory_space<vmem>>, vector<16xf32>,
        %mul3A_1167 = arith.constant 1.000000e+00 : f32
        %mul3A_1168 = vector.broadcast %mul3A_1167 : f32 to vector<16xf32>
        %mul3A_1169 = arith.mulf %get3A_1166, %mul3A_1168 : vector<16xf32>
        %swap3A_1170 = arith.constant 0 : i32
        %swap3A_1171 = arith.index_cast %swap3A_1170 : i32 to index
        %swap3A_1172 = arith.index_cast %scan3A_1161 : i32 to index
        %swap3A_1173 = arith.constant 0 : index
        %swap3A_1174 = tpu.vector_load %arg7[%swap3A_1171, %swap3A_1172, %swap3A_1173] {strides = array<i32>} : memref<2x128x64xf32, #tpu.memory_space<vmem>>, vector<16xf32>,
        tpu.vector_store %arg7[%swap3A_1171, %swap3A_1172, %swap3A_1173], %mul3A_1169 {strides = array<i32>} : memref<2x128x64xf32, #tpu.memory_space<vmem>>, vector<16xf32>,
        %get3A_1175 = arith.constant 0 : i32
        %get3A_1176 = arith.index_cast %get3A_1175 : i32 to index
        %get3A_1177 = arith.index_cast %scan3A_1161 : i32 to index
        %get3A_1178 = arith.constant 16 : index
        %get3A_1179 = tpu.vector_load %arg6[%get3A_1176, %get3A_1177, %get3A_1178] {strides = array<i32>} : memref<4x128x128xf32, #tpu.memory_space<vmem>>, vector<16xf32>,
        %mul3A_1180 = arith.constant 1.000000e+00 : f32
        %mul3A_1181 = vector.broadcast %mul3A_1180 : f32 to vector<16xf32>
        %mul3A_1182 = arith.mulf %get3A_1179, %mul3A_1181 : vector<16xf32>
        %swap3A_1183 = arith.constant 0 : i32
        %swap3A_1184 = arith.index_cast %swap3A_1183 : i32 to index
        %swap3A_1185 = arith.index_cast %scan3A_1161 : i32 to index
        %swap3A_1186 = arith.constant 16 : index
        %swap3A_1187 = tpu.vector_load %arg7[%swap3A_1184, %swap3A_1185, %swap3A_1186] {strides = array<i32>} : memref<2x128x64xf32, #tpu.memory_space<vmem>>, vector<16xf32>,
        tpu.vector_store %arg7[%swap3A_1184, %swap3A_1185, %swap3A_1186], %mul3A_1182 {strides = array<i32>} : memref<2x128x64xf32, #tpu.memory_space<vmem>>, vector<16xf32>,
        %get3A_1188 = arith.constant 0 : i32
        %get3A_1189 = arith.index_cast %get3A_1188 : i32 to index
        %get3A_1190 = arith.index_cast %scan3A_1161 : i32 to index
        %get3A_1191 = arith.constant 32 : index
        %get3A_1192 = tpu.vector_load %arg6[%get3A_1189, %get3A_1190, %get3A_1191] {strides = array<i32>} : memref<4x128x128xf32, #tpu.memory_space<vmem>>, vector<16xf32>,
        %mul3A_1193 = arith.constant 1.000000e+00 : f32
        %mul3A_1194 = vector.broadcast %mul3A_1193 : f32 to vector<16xf32>
        %mul3A_1195 = arith.mulf %get3A_1192, %mul3A_1194 : vector<16xf32>
        %swap3A_1196 = arith.constant 0 : i32
        %swap3A_1197 = arith.index_cast %swap3A_1196 : i32 to index
        %swap3A_1198 = arith.index_cast %scan3A_1161 : i32 to index
        %swap3A_1199 = arith.constant 32 : index
        %swap3A_1200 = tpu.vector_load %arg7[%swap3A_1197, %swap3A_1198, %swap3A_1199] {strides = array<i32>} : memref<2x128x64xf32, #tpu.memory_space<vmem>>, vector<16xf32>,
        tpu.vector_store %arg7[%swap3A_1197, %swap3A_1198, %swap3A_1199], %mul3A_1195 {strides = array<i32>} : memref<2x128x64xf32, #tpu.memory_space<vmem>>, vector<16xf32>,
        %get3A_1201 = arith.constant 0 : i32
        %get3A_1202 = arith.index_cast %get3A_1201 : i32 to index
        %get3A_1203 = arith.index_cast %scan3A_1161 : i32 to index
        %get3A_1204 = arith.constant 48 : index
        %get3A_1205 = tpu.vector_load %arg6[%get3A_1202, %get3A_1203, %get3A_1204] {strides = array<i32>} : memref<4x128x128xf32, #tpu.memory_space<vmem>>, vector<16xf32>,
        %mul3A_1206 = arith.constant 1.000000e+00 : f32
        %mul3A_1207 = vector.broadcast %mul3A_1206 : f32 to vector<16xf32>
        %mul3A_1208 = arith.mulf %get3A_1205, %mul3A_1207 : vector<16xf32>
        %swap3A_1209 = arith.constant 0 : i32
        %swap3A_1210 = arith.index_cast %swap3A_1209 : i32 to index
        %swap3A_1211 = arith.index_cast %scan3A_1161 : i32 to index
        %swap3A_1212 = arith.constant 48 : index
        %swap3A_1213 = tpu.vector_load %arg7[%swap3A_1210, %swap3A_1211, %swap3A_1212] {strides = array<i32>} : memref<2x128x64xf32, #tpu.memory_space<vmem>>, vector<16xf32>,
        tpu.vector_store %arg7[%swap3A_1210, %swap3A_1211, %swap3A_1212], %mul3A_1208 {strides = array<i32>} : memref<2x128x64xf32, #tpu.memory_space<vmem>>, vector<16xf32>,
        %scan3A_1214 = arith.constant 2 : i32
        %scan3A_1215 = arith.addi %scan3A_1109, %scan3A_1214 : i32
        %get3A_1216 = arith.constant 0 : i32
        %get3A_1217 = arith.index_cast %get3A_1216 : i32 to index
        %get3A_1218 = arith.index_cast %scan3A_1215 : i32 to index
        %get3A_1219 = arith.constant 0 : index
        %get3A_1220 = tpu.vector_load %arg6[%get3A_1217, %get3A_1218, %get3A_1219] {strides = array<i32>} : memref<4x128x128xf32, #tpu.memory_space<vmem>>, vector<16xf32>,
        %mul3A_1221 = arith.constant 1.000000e+00 : f32
        %mul3A_1222 = vector.broadcast %mul3A_1221 : f32 to vector<16xf32>
        %mul3A_1223 = arith.mulf %get3A_1220, %mul3A_1222 : vector<16xf32>
        %swap3A_1224 = arith.constant 0 : i32
        %swap3A_1225 = arith.index_cast %swap3A_1224 : i32 to index
        %swap3A_1226 = arith.index_cast %scan3A_1215 : i32 to index
        %swap3A_1227 = arith.constant 0 : index
        %swap3A_1228 = tpu.vector_load %arg7[%swap3A_1225, %swap3A_1226, %swap3A_1227] {strides = array<i32>} : memref<2x128x64xf32, #tpu.memory_space<vmem>>, vector<16xf32>,
        tpu.vector_store %arg7[%swap3A_1225, %swap3A_1226, %swap3A_1227], %mul3A_1223 {strides = array<i32>} : memref<2x128x64xf32, #tpu.memory_space<vmem>>, vector<16xf32>,
        %get3A_1229 = arith.constant 0 : i32
        %get3A_1230 = arith.index_cast %get3A_1229 : i32 to index
        %get3A_1231 = arith.index_cast %scan3A_1215 : i32 to index
        %get3A_1232 = arith.constant 16 : index
        %get3A_1233 = tpu.vector_load %arg6[%get3A_1230, %get3A_1231, %get3A_1232] {strides = array<i32>} : memref<4x128x128xf32, #tpu.memory_space<vmem>>, vector<16xf32>,
        %mul3A_1234 = arith.constant 1.000000e+00 : f32
        %mul3A_1235 = vector.broadcast %mul3A_1234 : f32 to vector<16xf32>
        %mul3A_1236 = arith.mulf %get3A_1233, %mul3A_1235 : vector<16xf32>
        %swap3A_1237 = arith.constant 0 : i32
        %swap3A_1238 = arith.index_cast %swap3A_1237 : i32 to index
        %swap3A_1239 = arith.index_cast %scan3A_1215 : i32 to index
        %swap3A_1240 = arith.constant 16 : index
        %swap3A_1241 = tpu.vector_load %arg7[%swap3A_1238, %swap3A_1239, %swap3A_1240] {strides = array<i32>} : memref<2x128x64xf32, #tpu.memory_space<vmem>>, vector<16xf32>,
        tpu.vector_store %arg7[%swap3A_1238, %swap3A_1239, %swap3A_1240], %mul3A_1236 {strides = array<i32>} : memref<2x128x64xf32, #tpu.memory_space<vmem>>, vector<16xf32>,
        %get3A_1242 = arith.constant 0 : i32
        %get3A_1243 = arith.index_cast %get3A_1242 : i32 to index
        %get3A_1244 = arith.index_cast %scan3A_1215 : i32 to index
        %get3A_1245 = arith.constant 32 : index
        %get3A_1246 = tpu.vector_load %arg6[%get3A_1243, %get3A_1244, %get3A_1245] {strides = array<i32>} : memref<4x128x128xf32, #tpu.memory_space<vmem>>, vector<16xf32>,
        %mul3A_1247 = arith.constant 1.000000e+00 : f32
        %mul3A_1248 = vector.broadcast %mul3A_1247 : f32 to vector<16xf32>
        %mul3A_1249 = arith.mulf %get3A_1246, %mul3A_1248 : vector<16xf32>
        %swap3A_1250 = arith.constant 0 : i32
        %swap3A_1251 = arith.index_cast %swap3A_1250 : i32 to index
        %swap3A_1252 = arith.index_cast %scan3A_1215 : i32 to index
        %swap3A_1253 = arith.constant 32 : index
        %swap3A_1254 = tpu.vector_load %arg7[%swap3A_1251, %swap3A_1252, %swap3A_1253] {strides = array<i32>} : memref<2x128x64xf32, #tpu.memory_space<vmem>>, vector<16xf32>,
        tpu.vector_store %arg7[%swap3A_1251, %swap3A_1252, %swap3A_1253], %mul3A_1249 {strides = array<i32>} : memref<2x128x64xf32, #tpu.memory_space<vmem>>, vector<16xf32>,
        %get3A_1255 = arith.constant 0 : i32
        %get3A_1256 = arith.index_cast %get3A_1255 : i32 to index
        %get3A_1257 = arith.index_cast %scan3A_1215 : i32 to index
        %get3A_1258 = arith.constant 48 : index
        %get3A_1259 = tpu.vector_load %arg6[%get3A_1256, %get3A_1257, %get3A_1258] {strides = array<i32>} : memref<4x128x128xf32, #tpu.memory_space<vmem>>, vector<16xf32>,
        %mul3A_1260 = arith.constant 1.000000e+00 : f32
        %mul3A_1261 = vector.broadcast %mul3A_1260 : f32 to vector<16xf32>
        %mul3A_1262 = arith.mulf %get3A_1259, %mul3A_1261 : vector<16xf32>
        %swap3A_1263 = arith.constant 0 : i32
        %swap3A_1264 = arith.index_cast %swap3A_1263 : i32 to index
        %swap3A_1265 = arith.index_cast %scan3A_1215 : i32 to index
        %swap3A_1266 = arith.constant 48 : index
        %swap3A_1267 = tpu.vector_load %arg7[%swap3A_1264, %swap3A_1265, %swap3A_1266] {strides = array<i32>} : memref<2x128x64xf32, #tpu.memory_space<vmem>>, vector<16xf32>,
        tpu.vector_store %arg7[%swap3A_1264, %swap3A_1265, %swap3A_1266], %mul3A_1262 {strides = array<i32>} : memref<2x128x64xf32, #tpu.memory_space<vmem>>, vector<16xf32>,
        %scan3A_1268 = arith.constant 3 : i32
        %scan3A_1269 = arith.addi %scan3A_1109, %scan3A_1268 : i32
        %get3A_1270 = arith.constant 0 : i32
        %get3A_1271 = arith.index_cast %get3A_1270 : i32 to index
        %get3A_1272 = arith.index_cast %scan3A_1269 : i32 to index
        %get3A_1273 = arith.constant 0 : index
        %get3A_1274 = tpu.vector_load %arg6[%get3A_1271, %get3A_1272, %get3A_1273] {strides = array<i32>} : memref<4x128x128xf32, #tpu.memory_space<vmem>>, vector<16xf32>,
        %mul3A_1275 = arith.constant 1.000000e+00 : f32
        %mul3A_1276 = vector.broadcast %mul3A_1275 : f32 to vector<16xf32>
        %mul3A_1277 = arith.mulf %get3A_1274, %mul3A_1276 : vector<16xf32>
        %swap3A_1278 = arith.constant 0 : i32
        %swap3A_1279 = arith.index_cast %swap3A_1278 : i32 to index
        %swap3A_1280 = arith.index_cast %scan3A_1269 : i32 to index
        %swap3A_1281 = arith.constant 0 : index
        %swap3A_1282 = tpu.vector_load %arg7[%swap3A_1279, %swap3A_1280, %swap3A_1281] {strides = array<i32>} : memref<2x128x64xf32, #tpu.memory_space<vmem>>, vector<16xf32>,
        tpu.vector_store %arg7[%swap3A_1279, %swap3A_1280, %swap3A_1281], %mul3A_1277 {strides = array<i32>} : memref<2x128x64xf32, #tpu.memory_space<vmem>>, vector<16xf32>,
        %get3A_1283 = arith.constant 0 : i32
        %get3A_1284 = arith.index_cast %get3A_1283 : i32 to index
        %get3A_1285 = arith.index_cast %scan3A_1269 : i32 to index
        %get3A_1286 = arith.constant 16 : index
        %get3A_1287 = tpu.vector_load %arg6[%get3A_1284, %get3A_1285, %get3A_1286] {strides = array<i32>} : memref<4x128x128xf32, #tpu.memory_space<vmem>>, vector<16xf32>,
        %mul3A_1288 = arith.constant 1.000000e+00 : f32
        %mul3A_1289 = vector.broadcast %mul3A_1288 : f32 to vector<16xf32>
        %mul3A_1290 = arith.mulf %get3A_1287, %mul3A_1289 : vector<16xf32>
        %swap3A_1291 = arith.constant 0 : i32
        %swap3A_1292 = arith.index_cast %swap3A_1291 : i32 to index
        %swap3A_1293 = arith.index_cast %scan3A_1269 : i32 to index
        %swap3A_1294 = arith.constant 16 : index
        %swap3A_1295 = tpu.vector_load %arg7[%swap3A_1292, %swap3A_1293, %swap3A_1294] {strides = array<i32>} : memref<2x128x64xf32, #tpu.memory_space<vmem>>, vector<16xf32>,
        tpu.vector_store %arg7[%swap3A_1292, %swap3A_1293, %swap3A_1294], %mul3A_1290 {strides = array<i32>} : memref<2x128x64xf32, #tpu.memory_space<vmem>>, vector<16xf32>,
        %get3A_1296 = arith.constant 0 : i32
        %get3A_1297 = arith.index_cast %get3A_1296 : i32 to index
        %get3A_1298 = arith.index_cast %scan3A_1269 : i32 to index
        %get3A_1299 = arith.constant 32 : index
        %get3A_1300 = tpu.vector_load %arg6[%get3A_1297, %get3A_1298, %get3A_1299] {strides = array<i32>} : memref<4x128x128xf32, #tpu.memory_space<vmem>>, vector<16xf32>,
        %mul3A_1301 = arith.constant 1.000000e+00 : f32
        %mul3A_1302 = vector.broadcast %mul3A_1301 : f32 to vector<16xf32>
        %mul3A_1303 = arith.mulf %get3A_1300, %mul3A_1302 : vector<16xf32>
        %swap3A_1304 = arith.constant 0 : i32
        %swap3A_1305 = arith.index_cast %swap3A_1304 : i32 to index
        %swap3A_1306 = arith.index_cast %scan3A_1269 : i32 to index
        %swap3A_1307 = arith.constant 32 : index
        %swap3A_1308 = tpu.vector_load %arg7[%swap3A_1305, %swap3A_1306, %swap3A_1307] {strides = array<i32>} : memref<2x128x64xf32, #tpu.memory_space<vmem>>, vector<16xf32>,
        tpu.vector_store %arg7[%swap3A_1305, %swap3A_1306, %swap3A_1307], %mul3A_1303 {strides = array<i32>} : memref<2x128x64xf32, #tpu.memory_space<vmem>>, vector<16xf32>,
        %get3A_1309 = arith.constant 0 : i32
        %get3A_1310 = arith.index_cast %get3A_1309 : i32 to index
        %get3A_1311 = arith.index_cast %scan3A_1269 : i32 to index
        %get3A_1312 = arith.constant 48 : index
        %get3A_1313 = tpu.vector_load %arg6[%get3A_1310, %get3A_1311, %get3A_1312] {strides = array<i32>} : memref<4x128x128xf32, #tpu.memory_space<vmem>>, vector<16xf32>,
        %mul3A_1314 = arith.constant 1.000000e+00 : f32
        %mul3A_1315 = vector.broadcast %mul3A_1314 : f32 to vector<16xf32>
        %mul3A_1316 = arith.mulf %get3A_1313, %mul3A_1315 : vector<16xf32>
        %swap3A_1317 = arith.constant 0 : i32
        %swap3A_1318 = arith.index_cast %swap3A_1317 : i32 to index
        %swap3A_1319 = arith.index_cast %scan3A_1269 : i32 to index
        %swap3A_1320 = arith.constant 48 : index
        %swap3A_1321 = tpu.vector_load %arg7[%swap3A_1318, %swap3A_1319, %swap3A_1320] {strides = array<i32>} : memref<2x128x64xf32, #tpu.memory_space<vmem>>, vector<16xf32>,
        tpu.vector_store %arg7[%swap3A_1318, %swap3A_1319, %swap3A_1320], %mul3A_1316 {strides = array<i32>} : memref<2x128x64xf32, #tpu.memory_space<vmem>>, vector<16xf32>,
        %scan3A_1322 = arith.constant 4 : i32
        %scan3A_1323 = arith.addi %scan3A_1109, %scan3A_1322 : i32
        %get3A_1324 = arith.constant 0 : i32
        %get3A_1325 = arith.index_cast %get3A_1324 : i32 to index
        %get3A_1326 = arith.index_cast %scan3A_1323 : i32 to index
        %get3A_1327 = arith.constant 0 : index
        %get3A_1328 = tpu.vector_load %arg6[%get3A_1325, %get3A_1326, %get3A_1327] {strides = array<i32>} : memref<4x128x128xf32, #tpu.memory_space<vmem>>, vector<16xf32>,
        %mul3A_1329 = arith.constant 1.000000e+00 : f32
        %mul3A_1330 = vector.broadcast %mul3A_1329 : f32 to vector<16xf32>
        %mul3A_1331 = arith.mulf %get3A_1328, %mul3A_1330 : vector<16xf32>
        %swap3A_1332 = arith.constant 0 : i32
        %swap3A_1333 = arith.index_cast %swap3A_1332 : i32 to index
        %swap3A_1334 = arith.index_cast %scan3A_1323 : i32 to index
        %swap3A_1335 = arith.constant 0 : index
        %swap3A_1336 = tpu.vector_load %arg7[%swap3A_1333, %swap3A_1334, %swap3A_1335] {strides = array<i32>} : memref<2x128x64xf32, #tpu.memory_space<vmem>>, vector<16xf32>,
        tpu.vector_store %arg7[%swap3A_1333, %swap3A_1334, %swap3A_1335], %mul3A_1331 {strides = array<i32>} : memref<2x128x64xf32, #tpu.memory_space<vmem>>, vector<16xf32>,
        %get3A_1337 = arith.constant 0 : i32
        %get3A_1338 = arith.index_cast %get3A_1337 : i32 to index
        %get3A_1339 = arith.index_cast %scan3A_1323 : i32 to index
        %get3A_1340 = arith.constant 16 : index
        %get3A_1341 = tpu.vector_load %arg6[%get3A_1338, %get3A_1339, %get3A_1340] {strides = array<i32>} : memref<4x128x128xf32, #tpu.memory_space<vmem>>, vector<16xf32>,
        %mul3A_1342 = arith.constant 1.000000e+00 : f32
        %mul3A_1343 = vector.broadcast %mul3A_1342 : f32 to vector<16xf32>
        %mul3A_1344 = arith.mulf %get3A_1341, %mul3A_1343 : vector<16xf32>
        %swap3A_1345 = arith.constant 0 : i32
        %swap3A_1346 = arith.index_cast %swap3A_1345 : i32 to index
        %swap3A_1347 = arith.index_cast %scan3A_1323 : i32 to index
        %swap3A_1348 = arith.constant 16 : index
        %swap3A_1349 = tpu.vector_load %arg7[%swap3A_1346, %swap3A_1347, %swap3A_1348] {strides = array<i32>} : memref<2x128x64xf32, #tpu.memory_space<vmem>>, vector<16xf32>,
        tpu.vector_store %arg7[%swap3A_1346, %swap3A_1347, %swap3A_1348], %mul3A_1344 {strides = array<i32>} : memref<2x128x64xf32, #tpu.memory_space<vmem>>, vector<16xf32>,
        %get3A_1350 = arith.constant 0 : i32
        %get3A_1351 = arith.index_cast %get3A_1350 : i32 to index
        %get3A_1352 = arith.index_cast %scan3A_1323 : i32 to index
        %get3A_1353 = arith.constant 32 : index
        %get3A_1354 = tpu.vector_load %arg6[%get3A_1351, %get3A_1352, %get3A_1353] {strides = array<i32>} : memref<4x128x128xf32, #tpu.memory_space<vmem>>, vector<16xf32>,
        %mul3A_1355 = arith.constant 1.000000e+00 : f32
        %mul3A_1356 = vector.broadcast %mul3A_1355 : f32 to vector<16xf32>
        %mul3A_1357 = arith.mulf %get3A_1354, %mul3A_1356 : vector<16xf32>
        %swap3A_1358 = arith.constant 0 : i32
        %swap3A_1359 = arith.index_cast %swap3A_1358 : i32 to index
        %swap3A_1360 = arith.index_cast %scan3A_1323 : i32 to index
        %swap3A_1361 = arith.constant 32 : index
        %swap3A_1362 = tpu.vector_load %arg7[%swap3A_1359, %swap3A_1360, %swap3A_1361] {strides = array<i32>} : memref<2x128x64xf32, #tpu.memory_space<vmem>>, vector<16xf32>,
        tpu.vector_store %arg7[%swap3A_1359, %swap3A_1360, %swap3A_1361], %mul3A_1357 {strides = array<i32>} : memref<2x128x64xf32, #tpu.memory_space<vmem>>, vector<16xf32>,
        %get3A_1363 = arith.constant 0 : i32
        %get3A_1364 = arith.index_cast %get3A_1363 : i32 to index
        %get3A_1365 = arith.index_cast %scan3A_1323 : i32 to index
        %get3A_1366 = arith.constant 48 : index
        %get3A_1367 = tpu.vector_load %arg6[%get3A_1364, %get3A_1365, %get3A_1366] {strides = array<i32>} : memref<4x128x128xf32, #tpu.memory_space<vmem>>, vector<16xf32>,
        %mul3A_1368 = arith.constant 1.000000e+00 : f32
        %mul3A_1369 = vector.broadcast %mul3A_1368 : f32 to vector<16xf32>
        %mul3A_1370 = arith.mulf %get3A_1367, %mul3A_1369 : vector<16xf32>
        %swap3A_1371 = arith.constant 0 : i32
        %swap3A_1372 = arith.index_cast %swap3A_1371 : i32 to index
        %swap3A_1373 = arith.index_cast %scan3A_1323 : i32 to index
        %swap3A_1374 = arith.constant 48 : index
        %swap3A_1375 = tpu.vector_load %arg7[%swap3A_1372, %swap3A_1373, %swap3A_1374] {strides = array<i32>} : memref<2x128x64xf32, #tpu.memory_space<vmem>>, vector<16xf32>,
        tpu.vector_store %arg7[%swap3A_1372, %swap3A_1373, %swap3A_1374], %mul3A_1370 {strides = array<i32>} : memref<2x128x64xf32, #tpu.memory_space<vmem>>, vector<16xf32>,
        %scan3A_1376 = arith.constant 5 : i32
        %scan3A_1377 = arith.addi %scan3A_1109, %scan3A_1376 : i32
        %get3A_1378 = arith.constant 0 : i32
        %get3A_1379 = arith.index_cast %get3A_1378 : i32 to index
        %get3A_1380 = arith.index_cast %scan3A_1377 : i32 to index
        %get3A_1381 = arith.constant 0 : index
        %get3A_1382 = tpu.vector_load %arg6[%get3A_1379, %get3A_1380, %get3A_1381] {strides = array<i32>} : memref<4x128x128xf32, #tpu.memory_space<vmem>>, vector<16xf32>,
        %mul3A_1383 = arith.constant 1.000000e+00 : f32
        %mul3A_1384 = vector.broadcast %mul3A_1383 : f32 to vector<16xf32>
        %mul3A_1385 = arith.mulf %get3A_1382, %mul3A_1384 : vector<16xf32>
        %swap3A_1386 = arith.constant 0 : i32
        %swap3A_1387 = arith.index_cast %swap3A_1386 : i32 to index
        %swap3A_1388 = arith.index_cast %scan3A_1377 : i32 to index
        %swap3A_1389 = arith.constant 0 : index
        %swap3A_1390 = tpu.vector_load %arg7[%swap3A_1387, %swap3A_1388, %swap3A_1389] {strides = array<i32>} : memref<2x128x64xf32, #tpu.memory_space<vmem>>, vector<16xf32>,
        tpu.vector_store %arg7[%swap3A_1387, %swap3A_1388, %swap3A_1389], %mul3A_1385 {strides = array<i32>} : memref<2x128x64xf32, #tpu.memory_space<vmem>>, vector<16xf32>,
        %get3A_1391 = arith.constant 0 : i32
        %get3A_1392 = arith.index_cast %get3A_1391 : i32 to index
        %get3A_1393 = arith.index_cast %scan3A_1377 : i32 to index
        %get3A_1394 = arith.constant 16 : index
        %get3A_1395 = tpu.vector_load %arg6[%get3A_1392, %get3A_1393, %get3A_1394] {strides = array<i32>} : memref<4x128x128xf32, #tpu.memory_space<vmem>>, vector<16xf32>,
        %mul3A_1396 = arith.constant 1.000000e+00 : f32
        %mul3A_1397 = vector.broadcast %mul3A_1396 : f32 to vector<16xf32>
        %mul3A_1398 = arith.mulf %get3A_1395, %mul3A_1397 : vector<16xf32>
        %swap3A_1399 = arith.constant 0 : i32
        %swap3A_1400 = arith.index_cast %swap3A_1399 : i32 to index
        %swap3A_1401 = arith.index_cast %scan3A_1377 : i32 to index
        %swap3A_1402 = arith.constant 16 : index
        %swap3A_1403 = tpu.vector_load %arg7[%swap3A_1400, %swap3A_1401, %swap3A_1402] {strides = array<i32>} : memref<2x128x64xf32, #tpu.memory_space<vmem>>, vector<16xf32>,
        tpu.vector_store %arg7[%swap3A_1400, %swap3A_1401, %swap3A_1402], %mul3A_1398 {strides = array<i32>} : memref<2x128x64xf32, #tpu.memory_space<vmem>>, vector<16xf32>,
        %get3A_1404 = arith.constant 0 : i32
        %get3A_1405 = arith.index_cast %get3A_1404 : i32 to index
        %get3A_1406 = arith.index_cast %scan3A_1377 : i32 to index
        %get3A_1407 = arith.constant 32 : index
        %get3A_1408 = tpu.vector_load %arg6[%get3A_1405, %get3A_1406, %get3A_1407] {strides = array<i32>} : memref<4x128x128xf32, #tpu.memory_space<vmem>>, vector<16xf32>,
        %mul3A_1409 = arith.constant 1.000000e+00 : f32
        %mul3A_1410 = vector.broadcast %mul3A_1409 : f32 to vector<16xf32>
        %mul3A_1411 = arith.mulf %get3A_1408, %mul3A_1410 : vector<16xf32>
        %swap3A_1412 = arith.constant 0 : i32
        %swap3A_1413 = arith.index_cast %swap3A_1412 : i32 to index
        %swap3A_1414 = arith.index_cast %scan3A_1377 : i32 to index
        %swap3A_1415 = arith.constant 32 : index
        %swap3A_1416 = tpu.vector_load %arg7[%swap3A_1413, %swap3A_1414, %swap3A_1415] {strides = array<i32>} : memref<2x128x64xf32, #tpu.memory_space<vmem>>, vector<16xf32>,
        tpu.vector_store %arg7[%swap3A_1413, %swap3A_1414, %swap3A_1415], %mul3A_1411 {strides = array<i32>} : memref<2x128x64xf32, #tpu.memory_space<vmem>>, vector<16xf32>,
        %get3A_1417 = arith.constant 0 : i32
        %get3A_1418 = arith.index_cast %get3A_1417 : i32 to index
        %get3A_1419 = arith.index_cast %scan3A_1377 : i32 to index
        %get3A_1420 = arith.constant 48 : index
        %get3A_1421 = tpu.vector_load %arg6[%get3A_1418, %get3A_1419, %get3A_1420] {strides = array<i32>} : memref<4x128x128xf32, #tpu.memory_space<vmem>>, vector<16xf32>,
        %mul3A_1422 = arith.constant 1.000000e+00 : f32
        %mul3A_1423 = vector.broadcast %mul3A_1422 : f32 to vector<16xf32>
        %mul3A_1424 = arith.mulf %get3A_1421, %mul3A_1423 : vector<16xf32>
        %swap3A_1425 = arith.constant 0 : i32
        %swap3A_1426 = arith.index_cast %swap3A_1425 : i32 to index
        %swap3A_1427 = arith.index_cast %scan3A_1377 : i32 to index
        %swap3A_1428 = arith.constant 48 : index
        %swap3A_1429 = tpu.vector_load %arg7[%swap3A_1426, %swap3A_1427, %swap3A_1428] {strides = array<i32>} : memref<2x128x64xf32, #tpu.memory_space<vmem>>, vector<16xf32>,
        tpu.vector_store %arg7[%swap3A_1426, %swap3A_1427, %swap3A_1428], %mul3A_1424 {strides = array<i32>} : memref<2x128x64xf32, #tpu.memory_space<vmem>>, vector<16xf32>,
        %scan3A_1430 = arith.constant 6 : i32
        %scan3A_1431 = arith.addi %scan3A_1109, %scan3A_1430 : i32
        %get3A_1432 = arith.constant 0 : i32
        %get3A_1433 = arith.index_cast %get3A_1432 : i32 to index
        %get3A_1434 = arith.index_cast %scan3A_1431 : i32 to index
        %get3A_1435 = arith.constant 0 : index
        %get3A_1436 = tpu.vector_load %arg6[%get3A_1433, %get3A_1434, %get3A_1435] {strides = array<i32>} : memref<4x128x128xf32, #tpu.memory_space<vmem>>, vector<16xf32>,
        %mul3A_1437 = arith.constant 1.000000e+00 : f32
        %mul3A_1438 = vector.broadcast %mul3A_1437 : f32 to vector<16xf32>
        %mul3A_1439 = arith.mulf %get3A_1436, %mul3A_1438 : vector<16xf32>
        %swap3A_1440 = arith.constant 0 : i32
        %swap3A_1441 = arith.index_cast %swap3A_1440 : i32 to index
        %swap3A_1442 = arith.index_cast %scan3A_1431 : i32 to index
        %swap3A_1443 = arith.constant 0 : index
        %swap3A_1444 = tpu.vector_load %arg7[%swap3A_1441, %swap3A_1442, %swap3A_1443] {strides = array<i32>} : memref<2x128x64xf32, #tpu.memory_space<vmem>>, vector<16xf32>,
        tpu.vector_store %arg7[%swap3A_1441, %swap3A_1442, %swap3A_1443], %mul3A_1439 {strides = array<i32>} : memref<2x128x64xf32, #tpu.memory_space<vmem>>, vector<16xf32>,
        %get3A_1445 = arith.constant 0 : i32
        %get3A_1446 = arith.index_cast %get3A_1445 : i32 to index
        %get3A_1447 = arith.index_cast %scan3A_1431 : i32 to index
        %get3A_1448 = arith.constant 16 : index
        %get3A_1449 = tpu.vector_load %arg6[%get3A_1446, %get3A_1447, %get3A_1448] {strides = array<i32>} : memref<4x128x128xf32, #tpu.memory_space<vmem>>, vector<16xf32>,
        %mul3A_1450 = arith.constant 1.000000e+00 : f32
        %mul3A_1451 = vector.broadcast %mul3A_1450 : f32 to vector<16xf32>
        %mul3A_1452 = arith.mulf %get3A_1449, %mul3A_1451 : vector<16xf32>
        %swap3A_1453 = arith.constant 0 : i32
        %swap3A_1454 = arith.index_cast %swap3A_1453 : i32 to index
        %swap3A_1455 = arith.index_cast %scan3A_1431 : i32 to index
        %swap3A_1456 = arith.constant 16 : index
        %swap3A_1457 = tpu.vector_load %arg7[%swap3A_1454, %swap3A_1455, %swap3A_1456] {strides = array<i32>} : memref<2x128x64xf32, #tpu.memory_space<vmem>>, vector<16xf32>,
        tpu.vector_store %arg7[%swap3A_1454, %swap3A_1455, %swap3A_1456], %mul3A_1452 {strides = array<i32>} : memref<2x128x64xf32, #tpu.memory_space<vmem>>, vector<16xf32>,
        %get3A_1458 = arith.constant 0 : i32
        %get3A_1459 = arith.index_cast %get3A_1458 : i32 to index
        %get3A_1460 = arith.index_cast %scan3A_1431 : i32 to index
        %get3A_1461 = arith.constant 32 : index
        %get3A_1462 = tpu.vector_load %arg6[%get3A_1459, %get3A_1460, %get3A_1461] {strides = array<i32>} : memref<4x128x128xf32, #tpu.memory_space<vmem>>, vector<16xf32>,
        %mul3A_1463 = arith.constant 1.000000e+00 : f32
        %mul3A_1464 = vector.broadcast %mul3A_1463 : f32 to vector<16xf32>
        %mul3A_1465 = arith.mulf %get3A_1462, %mul3A_1464 : vector<16xf32>
        %swap3A_1466 = arith.constant 0 : i32
        %swap3A_1467 = arith.index_cast %swap3A_1466 : i32 to index
        %swap3A_1468 = arith.index_cast %scan3A_1431 : i32 to index
        %swap3A_1469 = arith.constant 32 : index
        %swap3A_1470 = tpu.vector_load %arg7[%swap3A_1467, %swap3A_1468, %swap3A_1469] {strides = array<i32>} : memref<2x128x64xf32, #tpu.memory_space<vmem>>, vector<16xf32>,
        tpu.vector_store %arg7[%swap3A_1467, %swap3A_1468, %swap3A_1469], %mul3A_1465 {strides = array<i32>} : memref<2x128x64xf32, #tpu.memory_space<vmem>>, vector<16xf32>,
        %get3A_1471 = arith.constant 0 : i32
        %get3A_1472 = arith.index_cast %get3A_1471 : i32 to index
        %get3A_1473 = arith.index_cast %scan3A_1431 : i32 to index
        %get3A_1474 = arith.constant 48 : index
        %get3A_1475 = tpu.vector_load %arg6[%get3A_1472, %get3A_1473, %get3A_1474] {strides = array<i32>} : memref<4x128x128xf32, #tpu.memory_space<vmem>>, vector<16xf32>,
        %mul3A_1476 = arith.constant 1.000000e+00 : f32
        %mul3A_1477 = vector.broadcast %mul3A_1476 : f32 to vector<16xf32>
        %mul3A_1478 = arith.mulf %get3A_1475, %mul3A_1477 : vector<16xf32>
        %swap3A_1479 = arith.constant 0 : i32
        %swap3A_1480 = arith.index_cast %swap3A_1479 : i32 to index
        %swap3A_1481 = arith.index_cast %scan3A_1431 : i32 to index
        %swap3A_1482 = arith.constant 48 : index
        %swap3A_1483 = tpu.vector_load %arg7[%swap3A_1480, %swap3A_1481, %swap3A_1482] {strides = array<i32>} : memref<2x128x64xf32, #tpu.memory_space<vmem>>, vector<16xf32>,
        tpu.vector_store %arg7[%swap3A_1480, %swap3A_1481, %swap3A_1482], %mul3A_1478 {strides = array<i32>} : memref<2x128x64xf32, #tpu.memory_space<vmem>>, vector<16xf32>,
        %scan3A_1484 = arith.constant 7 : i32
        %scan3A_1485 = arith.addi %scan3A_1109, %scan3A_1484 : i32
        %get3A_1486 = arith.constant 0 : i32
        %get3A_1487 = arith.index_cast %get3A_1486 : i32 to index
        %get3A_1488 = arith.index_cast %scan3A_1485 : i32 to index
        %get3A_1489 = arith.constant 0 : index
        %get3A_1490 = tpu.vector_load %arg6[%get3A_1487, %get3A_1488, %get3A_1489] {strides = array<i32>} : memref<4x128x128xf32, #tpu.memory_space<vmem>>, vector<16xf32>,
        %mul3A_1491 = arith.constant 1.000000e+00 : f32
        %mul3A_1492 = vector.broadcast %mul3A_1491 : f32 to vector<16xf32>
        %mul3A_1493 = arith.mulf %get3A_1490, %mul3A_1492 : vector<16xf32>
        %swap3A_1494 = arith.constant 0 : i32
        %swap3A_1495 = arith.index_cast %swap3A_1494 : i32 to index
        %swap3A_1496 = arith.index_cast %scan3A_1485 : i32 to index
        %swap3A_1497 = arith.constant 0 : index
        %swap3A_1498 = tpu.vector_load %arg7[%swap3A_1495, %swap3A_1496, %swap3A_1497] {strides = array<i32>} : memref<2x128x64xf32, #tpu.memory_space<vmem>>, vector<16xf32>,
        tpu.vector_store %arg7[%swap3A_1495, %swap3A_1496, %swap3A_1497], %mul3A_1493 {strides = array<i32>} : memref<2x128x64xf32, #tpu.memory_space<vmem>>, vector<16xf32>,
        %get3A_1499 = arith.constant 0 : i32
        %get3A_1500 = arith.index_cast %get3A_1499 : i32 to index
        %get3A_1501 = arith.index_cast %scan3A_1485 : i32 to index
        %get3A_1502 = arith.constant 16 : index
        %get3A_1503 = tpu.vector_load %arg6[%get3A_1500, %get3A_1501, %get3A_1502] {strides = array<i32>} : memref<4x128x128xf32, #tpu.memory_space<vmem>>, vector<16xf32>,
        %mul3A_1504 = arith.constant 1.000000e+00 : f32
        %mul3A_1505 = vector.broadcast %mul3A_1504 : f32 to vector<16xf32>
        %mul3A_1506 = arith.mulf %get3A_1503, %mul3A_1505 : vector<16xf32>
        %swap3A_1507 = arith.constant 0 : i32
        %swap3A_1508 = arith.index_cast %swap3A_1507 : i32 to index
        %swap3A_1509 = arith.index_cast %scan3A_1485 : i32 to index
        %swap3A_1510 = arith.constant 16 : index
        %swap3A_1511 = tpu.vector_load %arg7[%swap3A_1508, %swap3A_1509, %swap3A_1510] {strides = array<i32>} : memref<2x128x64xf32, #tpu.memory_space<vmem>>, vector<16xf32>,
        tpu.vector_store %arg7[%swap3A_1508, %swap3A_1509, %swap3A_1510], %mul3A_1506 {strides = array<i32>} : memref<2x128x64xf32, #tpu.memory_space<vmem>>, vector<16xf32>,
        %get3A_1512 = arith.constant 0 : i32
        %get3A_1513 = arith.index_cast %get3A_1512 : i32 to index
        %get3A_1514 = arith.index_cast %scan3A_1485 : i32 to index
        %get3A_1515 = arith.constant 32 : index
        %get3A_1516 = tpu.vector_load %arg6[%get3A_1513, %get3A_1514, %get3A_1515] {strides = array<i32>} : memref<4x128x128xf32, #tpu.memory_space<vmem>>, vector<16xf32>,
        %mul3A_1517 = arith.constant 1.000000e+00 : f32
        %mul3A_1518 = vector.broadcast %mul3A_1517 : f32 to vector<16xf32>
        %mul3A_1519 = arith.mulf %get3A_1516, %mul3A_1518 : vector<16xf32>
        %swap3A_1520 = arith.constant 0 : i32
        %swap3A_1521 = arith.index_cast %swap3A_1520 : i32 to index
        %swap3A_1522 = arith.index_cast %scan3A_1485 : i32 to index
        %swap3A_1523 = arith.constant 32 : index
        %swap3A_1524 = tpu.vector_load %arg7[%swap3A_1521, %swap3A_1522, %swap3A_1523] {strides = array<i32>} : memref<2x128x64xf32, #tpu.memory_space<vmem>>, vector<16xf32>,
        tpu.vector_store %arg7[%swap3A_1521, %swap3A_1522, %swap3A_1523], %mul3A_1519 {strides = array<i32>} : memref<2x128x64xf32, #tpu.memory_space<vmem>>, vector<16xf32>,
        %get3A_1525 = arith.constant 0 : i32
        %get3A_1526 = arith.index_cast %get3A_1525 : i32 to index
        %get3A_1527 = arith.index_cast %scan3A_1485 : i32 to index
        %get3A_1528 = arith.constant 48 : index
        %get3A_1529 = tpu.vector_load %arg6[%get3A_1526, %get3A_1527, %get3A_1528] {strides = array<i32>} : memref<4x128x128xf32, #tpu.memory_space<vmem>>, vector<16xf32>,
        %mul3A_1530 = arith.constant 1.000000e+00 : f32
        %mul3A_1531 = vector.broadcast %mul3A_1530 : f32 to vector<16xf32>
        %mul3A_1532 = arith.mulf %get3A_1529, %mul3A_1531 : vector<16xf32>
        %swap3A_1533 = arith.constant 0 : i32
        %swap3A_1534 = arith.index_cast %swap3A_1533 : i32 to index
        %swap3A_1535 = arith.index_cast %scan3A_1485 : i32 to index
        %swap3A_1536 = arith.constant 48 : index
        %swap3A_1537 = tpu.vector_load %arg7[%swap3A_1534, %swap3A_1535, %swap3A_1536] {strides = array<i32>} : memref<2x128x64xf32, #tpu.memory_space<vmem>>, vector<16xf32>,
        tpu.vector_store %arg7[%swap3A_1534, %swap3A_1535, %swap3A_1536], %mul3A_1532 {strides = array<i32>} : memref<2x128x64xf32, #tpu.memory_space<vmem>>, vector<16xf32>,
      }
      %scan3A_747 = arith.constant 128 : i32
      %mul3A_748 = arith.constant 128 : i32
      %mul3A_749 = arith.muli %add3A_673, %mul3A_748 : i32
      %add3A_750 = arith.addi %mul3A_4, %mul3A_749 : i32
      %dma_start3A_751 = arith.constant 0 : i32
      %dma_start3A_752 = arith.constant 0 : i32
      %dma_start3A_753 = arith.constant 0 : i32
      %dma_start3A_754 = tpu.memref_slice %arg7[%dma_start3A_751, %dma_start3A_752, %dma_start3A_753] : memref<2x128x64xf32, #tpu.memory_space<vmem>> -> memref<1x128x64xf32, #tpu.memory_space<vmem>>
      %dma_start3A_755 = tpu.memref_squeeze %dma_start3A_754 : memref<1x128x64xf32, #tpu.memory_space<vmem>> -> memref<128x64xf32, #tpu.memory_space<vmem>>
      %dma_start3A_756 = arith.constant 0 : i32
      %dma_start3A_757 = tpu.memref_slice %arg4[%add3A_750, %dma_start3A_756] : memref<819200x64xf32, #tpu.memory_space<hbm>> -> memref<128x64xf32, #tpu.memory_space<hbm>>
      %dma_start3A_758 = arith.constant 0 : i32
      %dma_start3A_759 = tpu.memref_slice %arg4[%add3A_750, %dma_start3A_758] : memref<819200x64xf32, #tpu.memory_space<hbm>> -> memref<128x64xf32, #tpu.memory_space<hbm>>
      %dma_start3A_760 = arith.constant 0 : i32
      %dma_start3A_761 = arith.constant 0 : i32
      %dma_start3A_762 = tpu.memref_slice %arg7[%dma_start3A_751, %dma_start3A_760, %dma_start3A_761] : memref<2x128x64xf32, #tpu.memory_space<vmem>> -> memref<1x128x64xf32, #tpu.memory_space<vmem>>
      %dma_start3A_763 = tpu.memref_squeeze %dma_start3A_762 : memref<1x128x64xf32, #tpu.memory_space<vmem>> -> memref<128x64xf32, #tpu.memory_space<vmem>>
      tpu.enqueue_dma source(%dma_start3A_763 : memref<128x64xf32, #tpu.memory_space<vmem>>) target(%dma_start3A_759 : memref<128x64xf32, #tpu.memory_space<hbm>>) target_semaphore(%arg12 : memref<!tpu.dma_semaphore, #tpu.memory_space<semaphore_mem>>)
      %add3A_764 = arith.constant 3 : i32
      %add3A_765 = arith.addi %add3A_673, %add3A_764 : i32
      %jit3A_766 = arith.constant 8 : i32
      %div3A_767 = arith.divsi %add3A_765, %jit3A_766 : i32
      %sign3A_768 = arith.constant 0 : i32
      %sign3A_769 = arith.cmpi sgt, %add3A_765, %sign3A_768 : i32
      %sign3A_770 = arith.extui %sign3A_769 : i1 to i32
      %sign3A_771 = arith.constant 0 : i32
      %sign3A_772 = arith.cmpi slt, %add3A_765, %sign3A_771 : i32
      %sign3A_773 = arith.extui %sign3A_772 : i1 to i32
      %sign3A_774 = arith.subi %sign3A_770, %sign3A_773 : i32
      %sign3A_775 = arith.constant 0 : i32
      %sign3A_776 = arith.cmpi sgt, %jit3A_766, %sign3A_775 : i32
      %sign3A_777 = arith.extui %sign3A_776 : i1 to i32
      %sign3A_778 = arith.constant 0 : i32
      %sign3A_779 = arith.cmpi slt, %jit3A_766, %sign3A_778 : i32
      %sign3A_780 = arith.extui %sign3A_779 : i1 to i32
      %sign3A_781 = arith.subi %sign3A_777, %sign3A_780 : i32
      %ne3A_782 = arith.cmpi ne, %sign3A_774, %sign3A_781 : i32
      %rem3A_783 = arith.remsi %add3A_765, %jit3A_766 : i32
      %ne3A_784 = arith.constant 0 : i32
      %ne3A_785 = arith.cmpi ne, %rem3A_783, %ne3A_784 : i32
      %and3A_786 = arith.andi %ne3A_782, %ne3A_785 : i1
      %sub3A_787 = arith.constant 1 : i32
      %sub3A_788 = arith.subi %div3A_767, %sub3A_787 : i32
      %select_n3A_789 = arith.select %and3A_786, %sub3A_788, %div3A_767 : i32
      %jit3A_790 = arith.constant 2 : i32
      %eq3A_791 = arith.constant 0 : i32
      %eq3A_792 = arith.cmpi eq, %jit3A_790, %eq3A_791 : i32
      %jit3A_793 = arith.constant 1 : i32
      %select_n3A_794 = arith.select %eq3A_792, %jit3A_793, %jit3A_790 : i32
      %rem3A_795 = arith.remsi %select_n3A_789, %select_n3A_794 : i32
      %ne3A_796 = arith.constant 0 : i32
      %ne3A_797 = arith.cmpi ne, %rem3A_795, %ne3A_796 : i32
      %lt3A_798 = arith.constant 0 : i32
      %lt3A_799 = arith.cmpi slt, %rem3A_795, %lt3A_798 : i32
      %lt3A_800 = arith.constant 0 : i32
      %lt3A_801 = arith.cmpi slt, %select_n3A_794, %lt3A_800 : i32
      %ne3A_802 = arith.xori %lt3A_799, %lt3A_801 : i1
      %and3A_803 = arith.andi %ne3A_802, %ne3A_797 : i1
      %add3A_804 = arith.addi %rem3A_795, %select_n3A_794 : i32
      %select_n3A_805 = arith.select %and3A_803, %add3A_804, %rem3A_795 : i32
      %dma_start3A_806 = arith.constant 7 : i32
      %dma_start3A_807 = arith.constant 3 : i32
      %dma_start3A_808 = arith.constant 0 : i32
      %dma_start3A_809 = arith.constant 0 : i32
      %dma_start3A_810 = tpu.memref_slice %arg6[%dma_start3A_807, %dma_start3A_808, %dma_start3A_809] : memref<4x128x128xf32, #tpu.memory_space<vmem>> -> memref<1x128x128xf32, #tpu.memory_space<vmem>>
      %dma_start3A_811 = tpu.memref_squeeze %dma_start3A_810 : memref<1x128x128xf32, #tpu.memory_space<vmem>> -> memref<128x128xf32, #tpu.memory_space<vmem>>
      %dma_start3A_812 = arith.constant 0 : i32
      %dma_start3A_813 = tpu.memref_slice %arg5[%select_n3A_805, %dma_start3A_806, %dma_start3A_812] : memref<2x8x128xi32, #tpu.memory_space<vmem>> -> memref<1x1x128xi32, #tpu.memory_space<vmem>>
      %dma_start3A_814 = tpu.memref_squeeze %dma_start3A_813 : memref<1x1x128xi32, #tpu.memory_space<vmem>> -> memref<128xi32, #tpu.memory_space<vmem>>
      %dma_start3A_815 = arith.constant 0 : i32
      %dma_start3A_816 = arith.constant 0 : i32
      %dma_start3A_817 = tpu.memref_slice %arg2[%dma_start3A_815, %dma_start3A_816] : memref<1000000x128xf32, #tpu.memory_space<hbm>> -> memref<1000000x128xf32, #tpu.memory_space<hbm>>
      tpu.enqueue_indirect_dma source(%dma_start3A_817 : memref<1000000x128xf32, #tpu.memory_space<hbm>>) target(%dma_start3A_811 : memref<128x128xf32, #tpu.memory_space<vmem>>) offsets(%dma_start3A_814 : memref<128xi32, #tpu.memory_space<vmem>>) semaphore(%arg11 : memref<!tpu.dma_semaphore, #tpu.memory_space<semaphore_mem>>)
      %add3A_818 = arith.constant 5 : i32
      %add3A_819 = arith.addi %mul3A_113, %add3A_818 : i32
      %jit3A_820 = arith.constant 8 : i32
      %div3A_821 = arith.divsi %add3A_819, %jit3A_820 : i32
      %sign3A_822 = arith.constant 0 : i32
      %sign3A_823 = arith.cmpi sgt, %add3A_819, %sign3A_822 : i32
      %sign3A_824 = arith.extui %sign3A_823 : i1 to i32
      %sign3A_825 = arith.constant 0 : i32
      %sign3A_826 = arith.cmpi slt, %add3A_819, %sign3A_825 : i32
      %sign3A_827 = arith.extui %sign3A_826 : i1 to i32
      %sign3A_828 = arith.subi %sign3A_824, %sign3A_827 : i32
      %sign3A_829 = arith.constant 0 : i32
      %sign3A_830 = arith.cmpi sgt, %jit3A_820, %sign3A_829 : i32
      %sign3A_831 = arith.extui %sign3A_830 : i1 to i32
      %sign3A_832 = arith.constant 0 : i32
      %sign3A_833 = arith.cmpi slt, %jit3A_820, %sign3A_832 : i32
      %sign3A_834 = arith.extui %sign3A_833 : i1 to i32
      %sign3A_835 = arith.subi %sign3A_831, %sign3A_834 : i32
      %ne3A_836 = arith.cmpi ne, %sign3A_828, %sign3A_835 : i32
      %rem3A_837 = arith.remsi %add3A_819, %jit3A_820 : i32
      %ne3A_838 = arith.constant 0 : i32
      %ne3A_839 = arith.cmpi ne, %rem3A_837, %ne3A_838 : i32
      %and3A_840 = arith.andi %ne3A_836, %ne3A_839 : i1
      %sub3A_841 = arith.constant 1 : i32
      %sub3A_842 = arith.subi %div3A_821, %sub3A_841 : i32
      %select_n3A_843 = arith.select %and3A_840, %sub3A_842, %div3A_821 : i32
      %jit3A_844 = arith.constant 2 : i32
      %eq3A_845 = arith.constant 0 : i32
      %eq3A_846 = arith.cmpi eq, %jit3A_844, %eq3A_845 : i32
      %jit3A_847 = arith.constant 1 : i32
      %select_n3A_848 = arith.select %eq3A_846, %jit3A_847, %jit3A_844 : i32
      %rem3A_849 = arith.remsi %select_n3A_843, %select_n3A_848 : i32
      %ne3A_850 = arith.constant 0 : i32
      %ne3A_851 = arith.cmpi ne, %rem3A_849, %ne3A_850 : i32
      %lt3A_852 = arith.constant 0 : i32
      %lt3A_853 = arith.cmpi slt, %rem3A_849, %lt3A_852 : i32
      %lt3A_854 = arith.constant 0 : i32
      %lt3A_855 = arith.cmpi slt, %select_n3A_848, %lt3A_854 : i32
      %ne3A_856 = arith.xori %lt3A_853, %lt3A_855 : i1
      %and3A_857 = arith.andi %ne3A_856, %ne3A_851 : i1
      %add3A_858 = arith.addi %rem3A_849, %select_n3A_848 : i32
      %select_n3A_859 = arith.select %and3A_857, %add3A_858, %rem3A_849 : i32
      %dma_wait3A_860 = arith.constant 1 : i32
      %dma_wait3A_861 = arith.constant 0 : i32
      %dma_wait3A_862 = arith.constant 0 : i32
      %dma_wait3A_863 = tpu.memref_slice %arg6[%dma_wait3A_860, %dma_wait3A_861, %dma_wait3A_862] : memref<4x128x128xf32, #tpu.memory_space<vmem>> -> memref<1x128x128xf32, #tpu.memory_space<vmem>>
      %dma_wait3A_864 = tpu.memref_squeeze %dma_wait3A_863 : memref<1x128x128xf32, #tpu.memory_space<vmem>> -> memref<128x128xf32, #tpu.memory_space<vmem>>
      %dma_wait3A_865 = arith.constant 0 : i32
      %dma_wait3A_866 = arith.constant 0 : i32
      %dma_wait3A_867 = tpu.memref_slice %arg2[%dma_wait3A_865, %dma_wait3A_866] : memref<1000000x128xf32, #tpu.memory_space<hbm>> -> memref<128x128xf32, #tpu.memory_space<hbm>>
      %dma_wait3A_868 = arith.constant 0 : i32
      %dma_wait3A_869 = arith.constant 0 : i32
      %dma_wait3A_870 = tpu.memref_slice %arg6[%dma_wait3A_860, %dma_wait3A_868, %dma_wait3A_869] : memref<4x128x128xf32, #tpu.memory_space<vmem>> -> memref<1x128x128xf32, #tpu.memory_space<vmem>>
      %dma_wait3A_871 = tpu.memref_squeeze %dma_wait3A_870 : memref<1x128x128xf32, #tpu.memory_space<vmem>> -> memref<128x128xf32, #tpu.memory_space<vmem>>
      %dma_wait3A_872 = arith.constant 0 : i32
      %dma_wait3A_873 = arith.constant 0 : i32
      %dma_wait3A_874 = tpu.memref_slice %arg2[%dma_wait3A_872, %dma_wait3A_873] : memref<1000000x128xf32, #tpu.memory_space<hbm>> -> memref<128x128xf32, #tpu.memory_space<hbm>>
      tpu.wait_dma2 semaphore(%arg9 : memref<!tpu.dma_semaphore, #tpu.memory_space<semaphore_mem>>) src(%dma_wait3A_874 : memref<128x128xf32, #tpu.memory_space<hbm>>) dst(%dma_wait3A_871 : memref<128x128xf32, #tpu.memory_space<vmem>>)
      %dma_wait3A_875 = arith.constant 1 : i32
      %dma_wait3A_876 = arith.constant 0 : i32
      %dma_wait3A_877 = arith.constant 0 : i32
      %dma_wait3A_878 = tpu.memref_slice %arg7[%dma_wait3A_875, %dma_wait3A_876, %dma_wait3A_877] : memref<2x128x64xf32, #tpu.memory_space<vmem>> -> memref<1x128x64xf32, #tpu.memory_space<vmem>>
      %dma_wait3A_879 = tpu.memref_squeeze %dma_wait3A_878 : memref<1x128x64xf32, #tpu.memory_space<vmem>> -> memref<128x64xf32, #tpu.memory_space<vmem>>
      %dma_wait3A_880 = arith.constant 0 : i32
      %dma_wait3A_881 = tpu.memref_slice %arg4[%mul3A_4, %dma_wait3A_880] : memref<819200x64xf32, #tpu.memory_space<hbm>> -> memref<128x64xf32, #tpu.memory_space<hbm>>
      %dma_wait3A_882 = arith.constant 0 : i32
      %dma_wait3A_883 = tpu.memref_slice %arg4[%mul3A_4, %dma_wait3A_882] : memref<819200x64xf32, #tpu.memory_space<hbm>> -> memref<128x64xf32, #tpu.memory_space<hbm>>
      %dma_wait3A_884 = arith.constant 0 : i32
      %dma_wait3A_885 = arith.constant 0 : i32
      %dma_wait3A_886 = tpu.memref_slice %arg7[%dma_wait3A_875, %dma_wait3A_884, %dma_wait3A_885] : memref<2x128x64xf32, #tpu.memory_space<vmem>> -> memref<1x128x64xf32, #tpu.memory_space<vmem>>
      %dma_wait3A_887 = tpu.memref_squeeze %dma_wait3A_886 : memref<1x128x64xf32, #tpu.memory_space<vmem>> -> memref<128x64xf32, #tpu.memory_space<vmem>>
      tpu.wait_dma2 semaphore(%arg13 : memref<!tpu.dma_semaphore, #tpu.memory_space<semaphore_mem>>) src(%dma_wait3A_887 : memref<128x64xf32, #tpu.memory_space<vmem>>) dst(%dma_wait3A_883 : memref<128x64xf32, #tpu.memory_space<hbm>>)
      %scan3A_888 = arith.constant 0 : i32
      %scan3A_889 = arith.constant 0 : i32
      %scan3A_890 = arith.constant 128 : i32
      %scan3A_891 = arith.addi %scan3A_889, %scan3A_890 : i32
      %scan3A_892 = arith.constant 8 : i32
      scf.for %scan3A_1109 = %scan3A_889 to %scan3A_891 step %scan3A_892  : i32 {
        %get3A = arith.constant 1 : i32
        %get3A_1110 = arith.index_cast %get3A : i32 to index
        %get3A_1111 = arith.index_cast %scan3A_1109 : i32 to index
        %get3A_1112 = arith.constant 0 : index
        %get3A_1113 = tpu.vector_load %arg6[%get3A_1110, %get3A_1111, %get3A_1112] {strides = array<i32>} : memref<4x128x128xf32, #tpu.memory_space<vmem>>, vector<16xf32>,
        %mul3A_1114 = arith.constant 1.000000e+00 : f32
        %mul3A_1115 = vector.broadcast %mul3A_1114 : f32 to vector<16xf32>
        %mul3A_1116 = arith.mulf %get3A_1113, %mul3A_1115 : vector<16xf32>
        %swap3A = arith.constant 1 : i32
        %swap3A_1117 = arith.index_cast %swap3A : i32 to index
        %swap3A_1118 = arith.index_cast %scan3A_1109 : i32 to index
        %swap3A_1119 = arith.constant 0 : index
        %swap3A_1120 = tpu.vector_load %arg7[%swap3A_1117, %swap3A_1118, %swap3A_1119] {strides = array<i32>} : memref<2x128x64xf32, #tpu.memory_space<vmem>>, vector<16xf32>,
        tpu.vector_store %arg7[%swap3A_1117, %swap3A_1118, %swap3A_1119], %mul3A_1116 {strides = array<i32>} : memref<2x128x64xf32, #tpu.memory_space<vmem>>, vector<16xf32>,
        %get3A_1121 = arith.constant 1 : i32
        %get3A_1122 = arith.index_cast %get3A_1121 : i32 to index
        %get3A_1123 = arith.index_cast %scan3A_1109 : i32 to index
        %get3A_1124 = arith.constant 16 : index
        %get3A_1125 = tpu.vector_load %arg6[%get3A_1122, %get3A_1123, %get3A_1124] {strides = array<i32>} : memref<4x128x128xf32, #tpu.memory_space<vmem>>, vector<16xf32>,
        %mul3A_1126 = arith.constant 1.000000e+00 : f32
        %mul3A_1127 = vector.broadcast %mul3A_1126 : f32 to vector<16xf32>
        %mul3A_1128 = arith.mulf %get3A_1125, %mul3A_1127 : vector<16xf32>
        %swap3A_1129 = arith.constant 1 : i32
        %swap3A_1130 = arith.index_cast %swap3A_1129 : i32 to index
        %swap3A_1131 = arith.index_cast %scan3A_1109 : i32 to index
        %swap3A_1132 = arith.constant 16 : index
        %swap3A_1133 = tpu.vector_load %arg7[%swap3A_1130, %swap3A_1131, %swap3A_1132] {strides = array<i32>} : memref<2x128x64xf32, #tpu.memory_space<vmem>>, vector<16xf32>,
        tpu.vector_store %arg7[%swap3A_1130, %swap3A_1131, %swap3A_1132], %mul3A_1128 {strides = array<i32>} : memref<2x128x64xf32, #tpu.memory_space<vmem>>, vector<16xf32>,
        %get3A_1134 = arith.constant 1 : i32
        %get3A_1135 = arith.index_cast %get3A_1134 : i32 to index
        %get3A_1136 = arith.index_cast %scan3A_1109 : i32 to index
        %get3A_1137 = arith.constant 32 : index
        %get3A_1138 = tpu.vector_load %arg6[%get3A_1135, %get3A_1136, %get3A_1137] {strides = array<i32>} : memref<4x128x128xf32, #tpu.memory_space<vmem>>, vector<16xf32>,
        %mul3A_1139 = arith.constant 1.000000e+00 : f32
        %mul3A_1140 = vector.broadcast %mul3A_1139 : f32 to vector<16xf32>
        %mul3A_1141 = arith.mulf %get3A_1138, %mul3A_1140 : vector<16xf32>
        %swap3A_1142 = arith.constant 1 : i32
        %swap3A_1143 = arith.index_cast %swap3A_1142 : i32 to index
        %swap3A_1144 = arith.index_cast %scan3A_1109 : i32 to index
        %swap3A_1145 = arith.constant 32 : index
        %swap3A_1146 = tpu.vector_load %arg7[%swap3A_1143, %swap3A_1144, %swap3A_1145] {strides = array<i32>} : memref<2x128x64xf32, #tpu.memory_space<vmem>>, vector<16xf32>,
        tpu.vector_store %arg7[%swap3A_1143, %swap3A_1144, %swap3A_1145], %mul3A_1141 {strides = array<i32>} : memref<2x128x64xf32, #tpu.memory_space<vmem>>, vector<16xf32>,
        %get3A_1147 = arith.constant 1 : i32
        %get3A_1148 = arith.index_cast %get3A_1147 : i32 to index
        %get3A_1149 = arith.index_cast %scan3A_1109 : i32 to index
        %get3A_1150 = arith.constant 48 : index
        %get3A_1151 = tpu.vector_load %arg6[%get3A_1148, %get3A_1149, %get3A_1150] {strides = array<i32>} : memref<4x128x128xf32, #tpu.memory_space<vmem>>, vector<16xf32>,
        %mul3A_1152 = arith.constant 1.000000e+00 : f32
        %mul3A_1153 = vector.broadcast %mul3A_1152 : f32 to vector<16xf32>
        %mul3A_1154 = arith.mulf %get3A_1151, %mul3A_1153 : vector<16xf32>
        %swap3A_1155 = arith.constant 1 : i32
        %swap3A_1156 = arith.index_cast %swap3A_1155 : i32 to index
        %swap3A_1157 = arith.index_cast %scan3A_1109 : i32 to index
        %swap3A_1158 = arith.constant 48 : index
        %swap3A_1159 = tpu.vector_load %arg7[%swap3A_1156, %swap3A_1157, %swap3A_1158] {strides = array<i32>} : memref<2x128x64xf32, #tpu.memory_space<vmem>>, vector<16xf32>,
        tpu.vector_store %arg7[%swap3A_1156, %swap3A_1157, %swap3A_1158], %mul3A_1154 {strides = array<i32>} : memref<2x128x64xf32, #tpu.memory_space<vmem>>, vector<16xf32>,
        %scan3A_1160 = arith.constant 1 : i32
        %scan3A_1161 = arith.addi %scan3A_1109, %scan3A_1160 : i32
        %get3A_1162 = arith.constant 1 : i32
        %get3A_1163 = arith.index_cast %get3A_1162 : i32 to index
        %get3A_1164 = arith.index_cast %scan3A_1161 : i32 to index
        %get3A_1165 = arith.constant 0 : index
        %get3A_1166 = tpu.vector_load %arg6[%get3A_1163, %get3A_1164, %get3A_1165] {strides = array<i32>} : memref<4x128x128xf32, #tpu.memory_space<vmem>>, vector<16xf32>,
        %mul3A_1167 = arith.constant 1.000000e+00 : f32
        %mul3A_1168 = vector.broadcast %mul3A_1167 : f32 to vector<16xf32>
        %mul3A_1169 = arith.mulf %get3A_1166, %mul3A_1168 : vector<16xf32>
        %swap3A_1170 = arith.constant 1 : i32
        %swap3A_1171 = arith.index_cast %swap3A_1170 : i32 to index
        %swap3A_1172 = arith.index_cast %scan3A_1161 : i32 to index
        %swap3A_1173 = arith.constant 0 : index
        %swap3A_1174 = tpu.vector_load %arg7[%swap3A_1171, %swap3A_1172, %swap3A_1173] {strides = array<i32>} : memref<2x128x64xf32, #tpu.memory_space<vmem>>, vector<16xf32>,
        tpu.vector_store %arg7[%swap3A_1171, %swap3A_1172, %swap3A_1173], %mul3A_1169 {strides = array<i32>} : memref<2x128x64xf32, #tpu.memory_space<vmem>>, vector<16xf32>,
        %get3A_1175 = arith.constant 1 : i32
        %get3A_1176 = arith.index_cast %get3A_1175 : i32 to index
        %get3A_1177 = arith.index_cast %scan3A_1161 : i32 to index
        %get3A_1178 = arith.constant 16 : index
        %get3A_1179 = tpu.vector_load %arg6[%get3A_1176, %get3A_1177, %get3A_1178] {strides = array<i32>} : memref<4x128x128xf32, #tpu.memory_space<vmem>>, vector<16xf32>,
        %mul3A_1180 = arith.constant 1.000000e+00 : f32
        %mul3A_1181 = vector.broadcast %mul3A_1180 : f32 to vector<16xf32>
        %mul3A_1182 = arith.mulf %get3A_1179, %mul3A_1181 : vector<16xf32>
        %swap3A_1183 = arith.constant 1 : i32
        %swap3A_1184 = arith.index_cast %swap3A_1183 : i32 to index
        %swap3A_1185 = arith.index_cast %scan3A_1161 : i32 to index
        %swap3A_1186 = arith.constant 16 : index
        %swap3A_1187 = tpu.vector_load %arg7[%swap3A_1184, %swap3A_1185, %swap3A_1186] {strides = array<i32>} : memref<2x128x64xf32, #tpu.memory_space<vmem>>, vector<16xf32>,
        tpu.vector_store %arg7[%swap3A_1184, %swap3A_1185, %swap3A_1186], %mul3A_1182 {strides = array<i32>} : memref<2x128x64xf32, #tpu.memory_space<vmem>>, vector<16xf32>,
        %get3A_1188 = arith.constant 1 : i32
        %get3A_1189 = arith.index_cast %get3A_1188 : i32 to index
        %get3A_1190 = arith.index_cast %scan3A_1161 : i32 to index
        %get3A_1191 = arith.constant 32 : index
        %get3A_1192 = tpu.vector_load %arg6[%get3A_1189, %get3A_1190, %get3A_1191] {strides = array<i32>} : memref<4x128x128xf32, #tpu.memory_space<vmem>>, vector<16xf32>,
        %mul3A_1193 = arith.constant 1.000000e+00 : f32
        %mul3A_1194 = vector.broadcast %mul3A_1193 : f32 to vector<16xf32>
        %mul3A_1195 = arith.mulf %get3A_1192, %mul3A_1194 : vector<16xf32>
        %swap3A_1196 = arith.constant 1 : i32
        %swap3A_1197 = arith.index_cast %swap3A_1196 : i32 to index
        %swap3A_1198 = arith.index_cast %scan3A_1161 : i32 to index
        %swap3A_1199 = arith.constant 32 : index
        %swap3A_1200 = tpu.vector_load %arg7[%swap3A_1197, %swap3A_1198, %swap3A_1199] {strides = array<i32>} : memref<2x128x64xf32, #tpu.memory_space<vmem>>, vector<16xf32>,
        tpu.vector_store %arg7[%swap3A_1197, %swap3A_1198, %swap3A_1199], %mul3A_1195 {strides = array<i32>} : memref<2x128x64xf32, #tpu.memory_space<vmem>>, vector<16xf32>,
        %get3A_1201 = arith.constant 1 : i32
        %get3A_1202 = arith.index_cast %get3A_1201 : i32 to index
        %get3A_1203 = arith.index_cast %scan3A_1161 : i32 to index
        %get3A_1204 = arith.constant 48 : index
        %get3A_1205 = tpu.vector_load %arg6[%get3A_1202, %get3A_1203, %get3A_1204] {strides = array<i32>} : memref<4x128x128xf32, #tpu.memory_space<vmem>>, vector<16xf32>,
        %mul3A_1206 = arith.constant 1.000000e+00 : f32
        %mul3A_1207 = vector.broadcast %mul3A_1206 : f32 to vector<16xf32>
        %mul3A_1208 = arith.mulf %get3A_1205, %mul3A_1207 : vector<16xf32>
        %swap3A_1209 = arith.constant 1 : i32
        %swap3A_1210 = arith.index_cast %swap3A_1209 : i32 to index
        %swap3A_1211 = arith.index_cast %scan3A_1161 : i32 to index
        %swap3A_1212 = arith.constant 48 : index
        %swap3A_1213 = tpu.vector_load %arg7[%swap3A_1210, %swap3A_1211, %swap3A_1212] {strides = array<i32>} : memref<2x128x64xf32, #tpu.memory_space<vmem>>, vector<16xf32>,
        tpu.vector_store %arg7[%swap3A_1210, %swap3A_1211, %swap3A_1212], %mul3A_1208 {strides = array<i32>} : memref<2x128x64xf32, #tpu.memory_space<vmem>>, vector<16xf32>,
        %scan3A_1214 = arith.constant 2 : i32
        %scan3A_1215 = arith.addi %scan3A_1109, %scan3A_1214 : i32
        %get3A_1216 = arith.constant 1 : i32
        %get3A_1217 = arith.index_cast %get3A_1216 : i32 to index
        %get3A_1218 = arith.index_cast %scan3A_1215 : i32 to index
        %get3A_1219 = arith.constant 0 : index
        %get3A_1220 = tpu.vector_load %arg6[%get3A_1217, %get3A_1218, %get3A_1219] {strides = array<i32>} : memref<4x128x128xf32, #tpu.memory_space<vmem>>, vector<16xf32>,
        %mul3A_1221 = arith.constant 1.000000e+00 : f32
        %mul3A_1222 = vector.broadcast %mul3A_1221 : f32 to vector<16xf32>
        %mul3A_1223 = arith.mulf %get3A_1220, %mul3A_1222 : vector<16xf32>
        %swap3A_1224 = arith.constant 1 : i32
        %swap3A_1225 = arith.index_cast %swap3A_1224 : i32 to index
        %swap3A_1226 = arith.index_cast %scan3A_1215 : i32 to index
        %swap3A_1227 = arith.constant 0 : index
        %swap3A_1228 = tpu.vector_load %arg7[%swap3A_1225, %swap3A_1226, %swap3A_1227] {strides = array<i32>} : memref<2x128x64xf32, #tpu.memory_space<vmem>>, vector<16xf32>,
        tpu.vector_store %arg7[%swap3A_1225, %swap3A_1226, %swap3A_1227], %mul3A_1223 {strides = array<i32>} : memref<2x128x64xf32, #tpu.memory_space<vmem>>, vector<16xf32>,
        %get3A_1229 = arith.constant 1 : i32
        %get3A_1230 = arith.index_cast %get3A_1229 : i32 to index
        %get3A_1231 = arith.index_cast %scan3A_1215 : i32 to index
        %get3A_1232 = arith.constant 16 : index
        %get3A_1233 = tpu.vector_load %arg6[%get3A_1230, %get3A_1231, %get3A_1232] {strides = array<i32>} : memref<4x128x128xf32, #tpu.memory_space<vmem>>, vector<16xf32>,
        %mul3A_1234 = arith.constant 1.000000e+00 : f32
        %mul3A_1235 = vector.broadcast %mul3A_1234 : f32 to vector<16xf32>
        %mul3A_1236 = arith.mulf %get3A_1233, %mul3A_1235 : vector<16xf32>
        %swap3A_1237 = arith.constant 1 : i32
        %swap3A_1238 = arith.index_cast %swap3A_1237 : i32 to index
        %swap3A_1239 = arith.index_cast %scan3A_1215 : i32 to index
        %swap3A_1240 = arith.constant 16 : index
        %swap3A_1241 = tpu.vector_load %arg7[%swap3A_1238, %swap3A_1239, %swap3A_1240] {strides = array<i32>} : memref<2x128x64xf32, #tpu.memory_space<vmem>>, vector<16xf32>,
        tpu.vector_store %arg7[%swap3A_1238, %swap3A_1239, %swap3A_1240], %mul3A_1236 {strides = array<i32>} : memref<2x128x64xf32, #tpu.memory_space<vmem>>, vector<16xf32>,
        %get3A_1242 = arith.constant 1 : i32
        %get3A_1243 = arith.index_cast %get3A_1242 : i32 to index
        %get3A_1244 = arith.index_cast %scan3A_1215 : i32 to index
        %get3A_1245 = arith.constant 32 : index
        %get3A_1246 = tpu.vector_load %arg6[%get3A_1243, %get3A_1244, %get3A_1245] {strides = array<i32>} : memref<4x128x128xf32, #tpu.memory_space<vmem>>, vector<16xf32>,
        %mul3A_1247 = arith.constant 1.000000e+00 : f32
        %mul3A_1248 = vector.broadcast %mul3A_1247 : f32 to vector<16xf32>
        %mul3A_1249 = arith.mulf %get3A_1246, %mul3A_1248 : vector<16xf32>
        %swap3A_1250 = arith.constant 1 : i32
        %swap3A_1251 = arith.index_cast %swap3A_1250 : i32 to index
        %swap3A_1252 = arith.index_cast %scan3A_1215 : i32 to index
        %swap3A_1253 = arith.constant 32 : index
        %swap3A_1254 = tpu.vector_load %arg7[%swap3A_1251, %swap3A_1252, %swap3A_1253] {strides = array<i32>} : memref<2x128x64xf32, #tpu.memory_space<vmem>>, vector<16xf32>,
        tpu.vector_store %arg7[%swap3A_1251, %swap3A_1252, %swap3A_1253], %mul3A_1249 {strides = array<i32>} : memref<2x128x64xf32, #tpu.memory_space<vmem>>, vector<16xf32>,
        %get3A_1255 = arith.constant 1 : i32
        %get3A_1256 = arith.index_cast %get3A_1255 : i32 to index
        %get3A_1257 = arith.index_cast %scan3A_1215 : i32 to index
        %get3A_1258 = arith.constant 48 : index
        %get3A_1259 = tpu.vector_load %arg6[%get3A_1256, %get3A_1257, %get3A_1258] {strides = array<i32>} : memref<4x128x128xf32, #tpu.memory_space<vmem>>, vector<16xf32>,
        %mul3A_1260 = arith.constant 1.000000e+00 : f32
        %mul3A_1261 = vector.broadcast %mul3A_1260 : f32 to vector<16xf32>
        %mul3A_1262 = arith.mulf %get3A_1259, %mul3A_1261 : vector<16xf32>
        %swap3A_1263 = arith.constant 1 : i32
        %swap3A_1264 = arith.index_cast %swap3A_1263 : i32 to index
        %swap3A_1265 = arith.index_cast %scan3A_1215 : i32 to index
        %swap3A_1266 = arith.constant 48 : index
        %swap3A_1267 = tpu.vector_load %arg7[%swap3A_1264, %swap3A_1265, %swap3A_1266] {strides = array<i32>} : memref<2x128x64xf32, #tpu.memory_space<vmem>>, vector<16xf32>,
        tpu.vector_store %arg7[%swap3A_1264, %swap3A_1265, %swap3A_1266], %mul3A_1262 {strides = array<i32>} : memref<2x128x64xf32, #tpu.memory_space<vmem>>, vector<16xf32>,
        %scan3A_1268 = arith.constant 3 : i32
        %scan3A_1269 = arith.addi %scan3A_1109, %scan3A_1268 : i32
        %get3A_1270 = arith.constant 1 : i32
        %get3A_1271 = arith.index_cast %get3A_1270 : i32 to index
        %get3A_1272 = arith.index_cast %scan3A_1269 : i32 to index
        %get3A_1273 = arith.constant 0 : index
        %get3A_1274 = tpu.vector_load %arg6[%get3A_1271, %get3A_1272, %get3A_1273] {strides = array<i32>} : memref<4x128x128xf32, #tpu.memory_space<vmem>>, vector<16xf32>,
        %mul3A_1275 = arith.constant 1.000000e+00 : f32
        %mul3A_1276 = vector.broadcast %mul3A_1275 : f32 to vector<16xf32>
        %mul3A_1277 = arith.mulf %get3A_1274, %mul3A_1276 : vector<16xf32>
        %swap3A_1278 = arith.constant 1 : i32
        %swap3A_1279 = arith.index_cast %swap3A_1278 : i32 to index
        %swap3A_1280 = arith.index_cast %scan3A_1269 : i32 to index
        %swap3A_1281 = arith.constant 0 : index
        %swap3A_1282 = tpu.vector_load %arg7[%swap3A_1279, %swap3A_1280, %swap3A_1281] {strides = array<i32>} : memref<2x128x64xf32, #tpu.memory_space<vmem>>, vector<16xf32>,
        tpu.vector_store %arg7[%swap3A_1279, %swap3A_1280, %swap3A_1281], %mul3A_1277 {strides = array<i32>} : memref<2x128x64xf32, #tpu.memory_space<vmem>>, vector<16xf32>,
        %get3A_1283 = arith.constant 1 : i32
        %get3A_1284 = arith.index_cast %get3A_1283 : i32 to index
        %get3A_1285 = arith.index_cast %scan3A_1269 : i32 to index
        %get3A_1286 = arith.constant 16 : index
        %get3A_1287 = tpu.vector_load %arg6[%get3A_1284, %get3A_1285, %get3A_1286] {strides = array<i32>} : memref<4x128x128xf32, #tpu.memory_space<vmem>>, vector<16xf32>,
        %mul3A_1288 = arith.constant 1.000000e+00 : f32
        %mul3A_1289 = vector.broadcast %mul3A_1288 : f32 to vector<16xf32>
        %mul3A_1290 = arith.mulf %get3A_1287, %mul3A_1289 : vector<16xf32>
        %swap3A_1291 = arith.constant 1 : i32
        %swap3A_1292 = arith.index_cast %swap3A_1291 : i32 to index
        %swap3A_1293 = arith.index_cast %scan3A_1269 : i32 to index
        %swap3A_1294 = arith.constant 16 : index
        %swap3A_1295 = tpu.vector_load %arg7[%swap3A_1292, %swap3A_1293, %swap3A_1294] {strides = array<i32>} : memref<2x128x64xf32, #tpu.memory_space<vmem>>, vector<16xf32>,
        tpu.vector_store %arg7[%swap3A_1292, %swap3A_1293, %swap3A_1294], %mul3A_1290 {strides = array<i32>} : memref<2x128x64xf32, #tpu.memory_space<vmem>>, vector<16xf32>,
        %get3A_1296 = arith.constant 1 : i32
        %get3A_1297 = arith.index_cast %get3A_1296 : i32 to index
        %get3A_1298 = arith.index_cast %scan3A_1269 : i32 to index
        %get3A_1299 = arith.constant 32 : index
        %get3A_1300 = tpu.vector_load %arg6[%get3A_1297, %get3A_1298, %get3A_1299] {strides = array<i32>} : memref<4x128x128xf32, #tpu.memory_space<vmem>>, vector<16xf32>,
        %mul3A_1301 = arith.constant 1.000000e+00 : f32
        %mul3A_1302 = vector.broadcast %mul3A_1301 : f32 to vector<16xf32>
        %mul3A_1303 = arith.mulf %get3A_1300, %mul3A_1302 : vector<16xf32>
        %swap3A_1304 = arith.constant 1 : i32
        %swap3A_1305 = arith.index_cast %swap3A_1304 : i32 to index
        %swap3A_1306 = arith.index_cast %scan3A_1269 : i32 to index
        %swap3A_1307 = arith.constant 32 : index
        %swap3A_1308 = tpu.vector_load %arg7[%swap3A_1305, %swap3A_1306, %swap3A_1307] {strides = array<i32>} : memref<2x128x64xf32, #tpu.memory_space<vmem>>, vector<16xf32>,
        tpu.vector_store %arg7[%swap3A_1305, %swap3A_1306, %swap3A_1307], %mul3A_1303 {strides = array<i32>} : memref<2x128x64xf32, #tpu.memory_space<vmem>>, vector<16xf32>,
        %get3A_1309 = arith.constant 1 : i32
        %get3A_1310 = arith.index_cast %get3A_1309 : i32 to index
        %get3A_1311 = arith.index_cast %scan3A_1269 : i32 to index
        %get3A_1312 = arith.constant 48 : index
        %get3A_1313 = tpu.vector_load %arg6[%get3A_1310, %get3A_1311, %get3A_1312] {strides = array<i32>} : memref<4x128x128xf32, #tpu.memory_space<vmem>>, vector<16xf32>,
        %mul3A_1314 = arith.constant 1.000000e+00 : f32
        %mul3A_1315 = vector.broadcast %mul3A_1314 : f32 to vector<16xf32>
        %mul3A_1316 = arith.mulf %get3A_1313, %mul3A_1315 : vector<16xf32>
        %swap3A_1317 = arith.constant 1 : i32
        %swap3A_1318 = arith.index_cast %swap3A_1317 : i32 to index
        %swap3A_1319 = arith.index_cast %scan3A_1269 : i32 to index
        %swap3A_1320 = arith.constant 48 : index
        %swap3A_1321 = tpu.vector_load %arg7[%swap3A_1318, %swap3A_1319, %swap3A_1320] {strides = array<i32>} : memref<2x128x64xf32, #tpu.memory_space<vmem>>, vector<16xf32>,
        tpu.vector_store %arg7[%swap3A_1318, %swap3A_1319, %swap3A_1320], %mul3A_1316 {strides = array<i32>} : memref<2x128x64xf32, #tpu.memory_space<vmem>>, vector<16xf32>,
        %scan3A_1322 = arith.constant 4 : i32
        %scan3A_1323 = arith.addi %scan3A_1109, %scan3A_1322 : i32
        %get3A_1324 = arith.constant 1 : i32
        %get3A_1325 = arith.index_cast %get3A_1324 : i32 to index
        %get3A_1326 = arith.index_cast %scan3A_1323 : i32 to index
        %get3A_1327 = arith.constant 0 : index
        %get3A_1328 = tpu.vector_load %arg6[%get3A_1325, %get3A_1326, %get3A_1327] {strides = array<i32>} : memref<4x128x128xf32, #tpu.memory_space<vmem>>, vector<16xf32>,
        %mul3A_1329 = arith.constant 1.000000e+00 : f32
        %mul3A_1330 = vector.broadcast %mul3A_1329 : f32 to vector<16xf32>
        %mul3A_1331 = arith.mulf %get3A_1328, %mul3A_1330 : vector<16xf32>
        %swap3A_1332 = arith.constant 1 : i32
        %swap3A_1333 = arith.index_cast %swap3A_1332 : i32 to index
        %swap3A_1334 = arith.index_cast %scan3A_1323 : i32 to index
        %swap3A_1335 = arith.constant 0 : index
        %swap3A_1336 = tpu.vector_load %arg7[%swap3A_1333, %swap3A_1334, %swap3A_1335] {strides = array<i32>} : memref<2x128x64xf32, #tpu.memory_space<vmem>>, vector<16xf32>,
        tpu.vector_store %arg7[%swap3A_1333, %swap3A_1334, %swap3A_1335], %mul3A_1331 {strides = array<i32>} : memref<2x128x64xf32, #tpu.memory_space<vmem>>, vector<16xf32>,
        %get3A_1337 = arith.constant 1 : i32
        %get3A_1338 = arith.index_cast %get3A_1337 : i32 to index
        %get3A_1339 = arith.index_cast %scan3A_1323 : i32 to index
        %get3A_1340 = arith.constant 16 : index
        %get3A_1341 = tpu.vector_load %arg6[%get3A_1338, %get3A_1339, %get3A_1340] {strides = array<i32>} : memref<4x128x128xf32, #tpu.memory_space<vmem>>, vector<16xf32>,
        %mul3A_1342 = arith.constant 1.000000e+00 : f32
        %mul3A_1343 = vector.broadcast %mul3A_1342 : f32 to vector<16xf32>
        %mul3A_1344 = arith.mulf %get3A_1341, %mul3A_1343 : vector<16xf32>
        %swap3A_1345 = arith.constant 1 : i32
        %swap3A_1346 = arith.index_cast %swap3A_1345 : i32 to index
        %swap3A_1347 = arith.index_cast %scan3A_1323 : i32 to index
        %swap3A_1348 = arith.constant 16 : index
        %swap3A_1349 = tpu.vector_load %arg7[%swap3A_1346, %swap3A_1347, %swap3A_1348] {strides = array<i32>} : memref<2x128x64xf32, #tpu.memory_space<vmem>>, vector<16xf32>,
        tpu.vector_store %arg7[%swap3A_1346, %swap3A_1347, %swap3A_1348], %mul3A_1344 {strides = array<i32>} : memref<2x128x64xf32, #tpu.memory_space<vmem>>, vector<16xf32>,
        %get3A_1350 = arith.constant 1 : i32
        %get3A_1351 = arith.index_cast %get3A_1350 : i32 to index
        %get3A_1352 = arith.index_cast %scan3A_1323 : i32 to index
        %get3A_1353 = arith.constant 32 : index
        %get3A_1354 = tpu.vector_load %arg6[%get3A_1351, %get3A_1352, %get3A_1353] {strides = array<i32>} : memref<4x128x128xf32, #tpu.memory_space<vmem>>, vector<16xf32>,
        %mul3A_1355 = arith.constant 1.000000e+00 : f32
        %mul3A_1356 = vector.broadcast %mul3A_1355 : f32 to vector<16xf32>
        %mul3A_1357 = arith.mulf %get3A_1354, %mul3A_1356 : vector<16xf32>
        %swap3A_1358 = arith.constant 1 : i32
        %swap3A_1359 = arith.index_cast %swap3A_1358 : i32 to index
        %swap3A_1360 = arith.index_cast %scan3A_1323 : i32 to index
        %swap3A_1361 = arith.constant 32 : index
        %swap3A_1362 = tpu.vector_load %arg7[%swap3A_1359, %swap3A_1360, %swap3A_1361] {strides = array<i32>} : memref<2x128x64xf32, #tpu.memory_space<vmem>>, vector<16xf32>,
        tpu.vector_store %arg7[%swap3A_1359, %swap3A_1360, %swap3A_1361], %mul3A_1357 {strides = array<i32>} : memref<2x128x64xf32, #tpu.memory_space<vmem>>, vector<16xf32>,
        %get3A_1363 = arith.constant 1 : i32
        %get3A_1364 = arith.index_cast %get3A_1363 : i32 to index
        %get3A_1365 = arith.index_cast %scan3A_1323 : i32 to index
        %get3A_1366 = arith.constant 48 : index
        %get3A_1367 = tpu.vector_load %arg6[%get3A_1364, %get3A_1365, %get3A_1366] {strides = array<i32>} : memref<4x128x128xf32, #tpu.memory_space<vmem>>, vector<16xf32>,
        %mul3A_1368 = arith.constant 1.000000e+00 : f32
        %mul3A_1369 = vector.broadcast %mul3A_1368 : f32 to vector<16xf32>
        %mul3A_1370 = arith.mulf %get3A_1367, %mul3A_1369 : vector<16xf32>
        %swap3A_1371 = arith.constant 1 : i32
        %swap3A_1372 = arith.index_cast %swap3A_1371 : i32 to index
        %swap3A_1373 = arith.index_cast %scan3A_1323 : i32 to index
        %swap3A_1374 = arith.constant 48 : index
        %swap3A_1375 = tpu.vector_load %arg7[%swap3A_1372, %swap3A_1373, %swap3A_1374] {strides = array<i32>} : memref<2x128x64xf32, #tpu.memory_space<vmem>>, vector<16xf32>,
        tpu.vector_store %arg7[%swap3A_1372, %swap3A_1373, %swap3A_1374], %mul3A_1370 {strides = array<i32>} : memref<2x128x64xf32, #tpu.memory_space<vmem>>, vector<16xf32>,
        %scan3A_1376 = arith.constant 5 : i32
        %scan3A_1377 = arith.addi %scan3A_1109, %scan3A_1376 : i32
        %get3A_1378 = arith.constant 1 : i32
        %get3A_1379 = arith.index_cast %get3A_1378 : i32 to index
        %get3A_1380 = arith.index_cast %scan3A_1377 : i32 to index
        %get3A_1381 = arith.constant 0 : index
        %get3A_1382 = tpu.vector_load %arg6[%get3A_1379, %get3A_1380, %get3A_1381] {strides = array<i32>} : memref<4x128x128xf32, #tpu.memory_space<vmem>>, vector<16xf32>,
        %mul3A_1383 = arith.constant 1.000000e+00 : f32
        %mul3A_1384 = vector.broadcast %mul3A_1383 : f32 to vector<16xf32>
        %mul3A_1385 = arith.mulf %get3A_1382, %mul3A_1384 : vector<16xf32>
        %swap3A_1386 = arith.constant 1 : i32
        %swap3A_1387 = arith.index_cast %swap3A_1386 : i32 to index
        %swap3A_1388 = arith.index_cast %scan3A_1377 : i32 to index
        %swap3A_1389 = arith.constant 0 : index
        %swap3A_1390 = tpu.vector_load %arg7[%swap3A_1387, %swap3A_1388, %swap3A_1389] {strides = array<i32>} : memref<2x128x64xf32, #tpu.memory_space<vmem>>, vector<16xf32>,
        tpu.vector_store %arg7[%swap3A_1387, %swap3A_1388, %swap3A_1389], %mul3A_1385 {strides = array<i32>} : memref<2x128x64xf32, #tpu.memory_space<vmem>>, vector<16xf32>,
        %get3A_1391 = arith.constant 1 : i32
        %get3A_1392 = arith.index_cast %get3A_1391 : i32 to index
        %get3A_1393 = arith.index_cast %scan3A_1377 : i32 to index
        %get3A_1394 = arith.constant 16 : index
        %get3A_1395 = tpu.vector_load %arg6[%get3A_1392, %get3A_1393, %get3A_1394] {strides = array<i32>} : memref<4x128x128xf32, #tpu.memory_space<vmem>>, vector<16xf32>,
        %mul3A_1396 = arith.constant 1.000000e+00 : f32
        %mul3A_1397 = vector.broadcast %mul3A_1396 : f32 to vector<16xf32>
        %mul3A_1398 = arith.mulf %get3A_1395, %mul3A_1397 : vector<16xf32>
        %swap3A_1399 = arith.constant 1 : i32
        %swap3A_1400 = arith.index_cast %swap3A_1399 : i32 to index
        %swap3A_1401 = arith.index_cast %scan3A_1377 : i32 to index
        %swap3A_1402 = arith.constant 16 : index
        %swap3A_1403 = tpu.vector_load %arg7[%swap3A_1400, %swap3A_1401, %swap3A_1402] {strides = array<i32>} : memref<2x128x64xf32, #tpu.memory_space<vmem>>, vector<16xf32>,
        tpu.vector_store %arg7[%swap3A_1400, %swap3A_1401, %swap3A_1402], %mul3A_1398 {strides = array<i32>} : memref<2x128x64xf32, #tpu.memory_space<vmem>>, vector<16xf32>,
        %get3A_1404 = arith.constant 1 : i32
        %get3A_1405 = arith.index_cast %get3A_1404 : i32 to index
        %get3A_1406 = arith.index_cast %scan3A_1377 : i32 to index
        %get3A_1407 = arith.constant 32 : index
        %get3A_1408 = tpu.vector_load %arg6[%get3A_1405, %get3A_1406, %get3A_1407] {strides = array<i32>} : memref<4x128x128xf32, #tpu.memory_space<vmem>>, vector<16xf32>,
        %mul3A_1409 = arith.constant 1.000000e+00 : f32
        %mul3A_1410 = vector.broadcast %mul3A_1409 : f32 to vector<16xf32>
        %mul3A_1411 = arith.mulf %get3A_1408, %mul3A_1410 : vector<16xf32>
        %swap3A_1412 = arith.constant 1 : i32
        %swap3A_1413 = arith.index_cast %swap3A_1412 : i32 to index
        %swap3A_1414 = arith.index_cast %scan3A_1377 : i32 to index
        %swap3A_1415 = arith.constant 32 : index
        %swap3A_1416 = tpu.vector_load %arg7[%swap3A_1413, %swap3A_1414, %swap3A_1415] {strides = array<i32>} : memref<2x128x64xf32, #tpu.memory_space<vmem>>, vector<16xf32>,
        tpu.vector_store %arg7[%swap3A_1413, %swap3A_1414, %swap3A_1415], %mul3A_1411 {strides = array<i32>} : memref<2x128x64xf32, #tpu.memory_space<vmem>>, vector<16xf32>,
        %get3A_1417 = arith.constant 1 : i32
        %get3A_1418 = arith.index_cast %get3A_1417 : i32 to index
        %get3A_1419 = arith.index_cast %scan3A_1377 : i32 to index
        %get3A_1420 = arith.constant 48 : index
        %get3A_1421 = tpu.vector_load %arg6[%get3A_1418, %get3A_1419, %get3A_1420] {strides = array<i32>} : memref<4x128x128xf32, #tpu.memory_space<vmem>>, vector<16xf32>,
        %mul3A_1422 = arith.constant 1.000000e+00 : f32
        %mul3A_1423 = vector.broadcast %mul3A_1422 : f32 to vector<16xf32>
        %mul3A_1424 = arith.mulf %get3A_1421, %mul3A_1423 : vector<16xf32>
        %swap3A_1425 = arith.constant 1 : i32
        %swap3A_1426 = arith.index_cast %swap3A_1425 : i32 to index
        %swap3A_1427 = arith.index_cast %scan3A_1377 : i32 to index
        %swap3A_1428 = arith.constant 48 : index
        %swap3A_1429 = tpu.vector_load %arg7[%swap3A_1426, %swap3A_1427, %swap3A_1428] {strides = array<i32>} : memref<2x128x64xf32, #tpu.memory_space<vmem>>, vector<16xf32>,
        tpu.vector_store %arg7[%swap3A_1426, %swap3A_1427, %swap3A_1428], %mul3A_1424 {strides = array<i32>} : memref<2x128x64xf32, #tpu.memory_space<vmem>>, vector<16xf32>,
        %scan3A_1430 = arith.constant 6 : i32
        %scan3A_1431 = arith.addi %scan3A_1109, %scan3A_1430 : i32
        %get3A_1432 = arith.constant 1 : i32
        %get3A_1433 = arith.index_cast %get3A_1432 : i32 to index
        %get3A_1434 = arith.index_cast %scan3A_1431 : i32 to index
        %get3A_1435 = arith.constant 0 : index
        %get3A_1436 = tpu.vector_load %arg6[%get3A_1433, %get3A_1434, %get3A_1435] {strides = array<i32>} : memref<4x128x128xf32, #tpu.memory_space<vmem>>, vector<16xf32>,
        %mul3A_1437 = arith.constant 1.000000e+00 : f32
        %mul3A_1438 = vector.broadcast %mul3A_1437 : f32 to vector<16xf32>
        %mul3A_1439 = arith.mulf %get3A_1436, %mul3A_1438 : vector<16xf32>
        %swap3A_1440 = arith.constant 1 : i32
        %swap3A_1441 = arith.index_cast %swap3A_1440 : i32 to index
        %swap3A_1442 = arith.index_cast %scan3A_1431 : i32 to index
        %swap3A_1443 = arith.constant 0 : index
        %swap3A_1444 = tpu.vector_load %arg7[%swap3A_1441, %swap3A_1442, %swap3A_1443] {strides = array<i32>} : memref<2x128x64xf32, #tpu.memory_space<vmem>>, vector<16xf32>,
        tpu.vector_store %arg7[%swap3A_1441, %swap3A_1442, %swap3A_1443], %mul3A_1439 {strides = array<i32>} : memref<2x128x64xf32, #tpu.memory_space<vmem>>, vector<16xf32>,
        %get3A_1445 = arith.constant 1 : i32
        %get3A_1446 = arith.index_cast %get3A_1445 : i32 to index
        %get3A_1447 = arith.index_cast %scan3A_1431 : i32 to index
        %get3A_1448 = arith.constant 16 : index
        %get3A_1449 = tpu.vector_load %arg6[%get3A_1446, %get3A_1447, %get3A_1448] {strides = array<i32>} : memref<4x128x128xf32, #tpu.memory_space<vmem>>, vector<16xf32>,
        %mul3A_1450 = arith.constant 1.000000e+00 : f32
        %mul3A_1451 = vector.broadcast %mul3A_1450 : f32 to vector<16xf32>
        %mul3A_1452 = arith.mulf %get3A_1449, %mul3A_1451 : vector<16xf32>
        %swap3A_1453 = arith.constant 1 : i32
        %swap3A_1454 = arith.index_cast %swap3A_1453 : i32 to index
        %swap3A_1455 = arith.index_cast %scan3A_1431 : i32 to index
        %swap3A_1456 = arith.constant 16 : index
        %swap3A_1457 = tpu.vector_load %arg7[%swap3A_1454, %swap3A_1455, %swap3A_1456] {strides = array<i32>} : memref<2x128x64xf32, #tpu.memory_space<vmem>>, vector<16xf32>,
        tpu.vector_store %arg7[%swap3A_1454, %swap3A_1455, %swap3A_1456], %mul3A_1452 {strides = array<i32>} : memref<2x128x64xf32, #tpu.memory_space<vmem>>, vector<16xf32>,
        %get3A_1458 = arith.constant 1 : i32
        %get3A_1459 = arith.index_cast %get3A_1458 : i32 to index
        %get3A_1460 = arith.index_cast %scan3A_1431 : i32 to index
        %get3A_1461 = arith.constant 32 : index
        %get3A_1462 = tpu.vector_load %arg6[%get3A_1459, %get3A_1460, %get3A_1461] {strides = array<i32>} : memref<4x128x128xf32, #tpu.memory_space<vmem>>, vector<16xf32>,
        %mul3A_1463 = arith.constant 1.000000e+00 : f32
        %mul3A_1464 = vector.broadcast %mul3A_1463 : f32 to vector<16xf32>
        %mul3A_1465 = arith.mulf %get3A_1462, %mul3A_1464 : vector<16xf32>
        %swap3A_1466 = arith.constant 1 : i32
        %swap3A_1467 = arith.index_cast %swap3A_1466 : i32 to index
        %swap3A_1468 = arith.index_cast %scan3A_1431 : i32 to index
        %swap3A_1469 = arith.constant 32 : index
        %swap3A_1470 = tpu.vector_load %arg7[%swap3A_1467, %swap3A_1468, %swap3A_1469] {strides = array<i32>} : memref<2x128x64xf32, #tpu.memory_space<vmem>>, vector<16xf32>,
        tpu.vector_store %arg7[%swap3A_1467, %swap3A_1468, %swap3A_1469], %mul3A_1465 {strides = array<i32>} : memref<2x128x64xf32, #tpu.memory_space<vmem>>, vector<16xf32>,
        %get3A_1471 = arith.constant 1 : i32
        %get3A_1472 = arith.index_cast %get3A_1471 : i32 to index
        %get3A_1473 = arith.index_cast %scan3A_1431 : i32 to index
        %get3A_1474 = arith.constant 48 : index
        %get3A_1475 = tpu.vector_load %arg6[%get3A_1472, %get3A_1473, %get3A_1474] {strides = array<i32>} : memref<4x128x128xf32, #tpu.memory_space<vmem>>, vector<16xf32>,
        %mul3A_1476 = arith.constant 1.000000e+00 : f32
        %mul3A_1477 = vector.broadcast %mul3A_1476 : f32 to vector<16xf32>
        %mul3A_1478 = arith.mulf %get3A_1475, %mul3A_1477 : vector<16xf32>
        %swap3A_1479 = arith.constant 1 : i32
        %swap3A_1480 = arith.index_cast %swap3A_1479 : i32 to index
        %swap3A_1481 = arith.index_cast %scan3A_1431 : i32 to index
        %swap3A_1482 = arith.constant 48 : index
        %swap3A_1483 = tpu.vector_load %arg7[%swap3A_1480, %swap3A_1481, %swap3A_1482] {strides = array<i32>} : memref<2x128x64xf32, #tpu.memory_space<vmem>>, vector<16xf32>,
        tpu.vector_store %arg7[%swap3A_1480, %swap3A_1481, %swap3A_1482], %mul3A_1478 {strides = array<i32>} : memref<2x128x64xf32, #tpu.memory_space<vmem>>, vector<16xf32>,
        %scan3A_1484 = arith.constant 7 : i32
        %scan3A_1485 = arith.addi %scan3A_1109, %scan3A_1484 : i32
        %get3A_1486 = arith.constant 1 : i32
        %get3A_1487 = arith.index_cast %get3A_1486 : i32 to index
        %get3A_1488 = arith.index_cast %scan3A_1485 : i32 to index
        %get3A_1489 = arith.constant 0 : index
        %get3A_1490 = tpu.vector_load %arg6[%get3A_1487, %get3A_1488, %get3A_1489] {strides = array<i32>} : memref<4x128x128xf32, #tpu.memory_space<vmem>>, vector<16xf32>,
        %mul3A_1491 = arith.constant 1.000000e+00 : f32
        %mul3A_1492 = vector.broadcast %mul3A_1491 : f32 to vector<16xf32>
        %mul3A_1493 = arith.mulf %get3A_1490, %mul3A_1492 : vector<16xf32>
        %swap3A_1494 = arith.constant 1 : i32
        %swap3A_1495 = arith.index_cast %swap3A_1494 : i32 to index
        %swap3A_1496 = arith.index_cast %scan3A_1485 : i32 to index
        %swap3A_1497 = arith.constant 0 : index
        %swap3A_1498 = tpu.vector_load %arg7[%swap3A_1495, %swap3A_1496, %swap3A_1497] {strides = array<i32>} : memref<2x128x64xf32, #tpu.memory_space<vmem>>, vector<16xf32>,
        tpu.vector_store %arg7[%swap3A_1495, %swap3A_1496, %swap3A_1497], %mul3A_1493 {strides = array<i32>} : memref<2x128x64xf32, #tpu.memory_space<vmem>>, vector<16xf32>,
        %get3A_1499 = arith.constant 1 : i32
        %get3A_1500 = arith.index_cast %get3A_1499 : i32 to index
        %get3A_1501 = arith.index_cast %scan3A_1485 : i32 to index
        %get3A_1502 = arith.constant 16 : index
        %get3A_1503 = tpu.vector_load %arg6[%get3A_1500, %get3A_1501, %get3A_1502] {strides = array<i32>} : memref<4x128x128xf32, #tpu.memory_space<vmem>>, vector<16xf32>,
        %mul3A_1504 = arith.constant 1.000000e+00 : f32
        %mul3A_1505 = vector.broadcast %mul3A_1504 : f32 to vector<16xf32>
        %mul3A_1506 = arith.mulf %get3A_1503, %mul3A_1505 : vector<16xf32>
        %swap3A_1507 = arith.constant 1 : i32
        %swap3A_1508 = arith.index_cast %swap3A_1507 : i32 to index
        %swap3A_1509 = arith.index_cast %scan3A_1485 : i32 to index
        %swap3A_1510 = arith.constant 16 : index
        %swap3A_1511 = tpu.vector_load %arg7[%swap3A_1508, %swap3A_1509, %swap3A_1510] {strides = array<i32>} : memref<2x128x64xf32, #tpu.memory_space<vmem>>, vector<16xf32>,
        tpu.vector_store %arg7[%swap3A_1508, %swap3A_1509, %swap3A_1510], %mul3A_1506 {strides = array<i32>} : memref<2x128x64xf32, #tpu.memory_space<vmem>>, vector<16xf32>,
        %get3A_1512 = arith.constant 1 : i32
        %get3A_1513 = arith.index_cast %get3A_1512 : i32 to index
        %get3A_1514 = arith.index_cast %scan3A_1485 : i32 to index
        %get3A_1515 = arith.constant 32 : index
        %get3A_1516 = tpu.vector_load %arg6[%get3A_1513, %get3A_1514, %get3A_1515] {strides = array<i32>} : memref<4x128x128xf32, #tpu.memory_space<vmem>>, vector<16xf32>,
        %mul3A_1517 = arith.constant 1.000000e+00 : f32
        %mul3A_1518 = vector.broadcast %mul3A_1517 : f32 to vector<16xf32>
        %mul3A_1519 = arith.mulf %get3A_1516, %mul3A_1518 : vector<16xf32>
        %swap3A_1520 = arith.constant 1 : i32
        %swap3A_1521 = arith.index_cast %swap3A_1520 : i32 to index
        %swap3A_1522 = arith.index_cast %scan3A_1485 : i32 to index
        %swap3A_1523 = arith.constant 32 : index
        %swap3A_1524 = tpu.vector_load %arg7[%swap3A_1521, %swap3A_1522, %swap3A_1523] {strides = array<i32>} : memref<2x128x64xf32, #tpu.memory_space<vmem>>, vector<16xf32>,
        tpu.vector_store %arg7[%swap3A_1521, %swap3A_1522, %swap3A_1523], %mul3A_1519 {strides = array<i32>} : memref<2x128x64xf32, #tpu.memory_space<vmem>>, vector<16xf32>,
        %get3A_1525 = arith.constant 1 : i32
        %get3A_1526 = arith.index_cast %get3A_1525 : i32 to index
        %get3A_1527 = arith.index_cast %scan3A_1485 : i32 to index
        %get3A_1528 = arith.constant 48 : index
        %get3A_1529 = tpu.vector_load %arg6[%get3A_1526, %get3A_1527, %get3A_1528] {strides = array<i32>} : memref<4x128x128xf32, #tpu.memory_space<vmem>>, vector<16xf32>,
        %mul3A_1530 = arith.constant 1.000000e+00 : f32
        %mul3A_1531 = vector.broadcast %mul3A_1530 : f32 to vector<16xf32>
        %mul3A_1532 = arith.mulf %get3A_1529, %mul3A_1531 : vector<16xf32>
        %swap3A_1533 = arith.constant 1 : i32
        %swap3A_1534 = arith.index_cast %swap3A_1533 : i32 to index
        %swap3A_1535 = arith.index_cast %scan3A_1485 : i32 to index
        %swap3A_1536 = arith.constant 48 : index
        %swap3A_1537 = tpu.vector_load %arg7[%swap3A_1534, %swap3A_1535, %swap3A_1536] {strides = array<i32>} : memref<2x128x64xf32, #tpu.memory_space<vmem>>, vector<16xf32>,
        tpu.vector_store %arg7[%swap3A_1534, %swap3A_1535, %swap3A_1536], %mul3A_1532 {strides = array<i32>} : memref<2x128x64xf32, #tpu.memory_space<vmem>>, vector<16xf32>,
      }
      %scan3A_893 = arith.constant 128 : i32
      %mul3A_894 = arith.constant 128 : i32
      %mul3A_895 = arith.muli %add3A_819, %mul3A_894 : i32
      %add3A_896 = arith.addi %mul3A_4, %mul3A_895 : i32
      %dma_start3A_897 = arith.constant 1 : i32
      %dma_start3A_898 = arith.constant 0 : i32
      %dma_start3A_899 = arith.constant 0 : i32
      %dma_start3A_900 = tpu.memref_slice %arg7[%dma_start3A_897, %dma_start3A_898, %dma_start3A_899] : memref<2x128x64xf32, #tpu.memory_space<vmem>> -> memref<1x128x64xf32, #tpu.memory_space<vmem>>
      %dma_start3A_901 = tpu.memref_squeeze %dma_start3A_900 : memref<1x128x64xf32, #tpu.memory_space<vmem>> -> memref<128x64xf32, #tpu.memory_space<vmem>>
      %dma_start3A_902 = arith.constant 0 : i32
      %dma_start3A_903 = tpu.memref_slice %arg4[%add3A_896, %dma_start3A_902] : memref<819200x64xf32, #tpu.memory_space<hbm>> -> memref<128x64xf32, #tpu.memory_space<hbm>>
      %dma_start3A_904 = arith.constant 0 : i32
      %dma_start3A_905 = tpu.memref_slice %arg4[%add3A_896, %dma_start3A_904] : memref<819200x64xf32, #tpu.memory_space<hbm>> -> memref<128x64xf32, #tpu.memory_space<hbm>>
      %dma_start3A_906 = arith.constant 0 : i32
      %dma_start3A_907 = arith.constant 0 : i32
      %dma_start3A_908 = tpu.memref_slice %arg7[%dma_start3A_897, %dma_start3A_906, %dma_start3A_907] : memref<2x128x64xf32, #tpu.memory_space<vmem>> -> memref<1x128x64xf32, #tpu.memory_space<vmem>>
      %dma_start3A_909 = tpu.memref_squeeze %dma_start3A_908 : memref<1x128x64xf32, #tpu.memory_space<vmem>> -> memref<128x64xf32, #tpu.memory_space<vmem>>
      tpu.enqueue_dma source(%dma_start3A_909 : memref<128x64xf32, #tpu.memory_space<vmem>>) target(%dma_start3A_905 : memref<128x64xf32, #tpu.memory_space<hbm>>) target_semaphore(%arg13 : memref<!tpu.dma_semaphore, #tpu.memory_space<semaphore_mem>>)
      %lt3A_910 = arith.constant 24 : i32
      %lt3A_911 = arith.cmpi slt, %scan3A_109, %lt3A_910 : i32
      %convert_element_type3A_912 = arith.extui %lt3A_911 : i1 to i32
      %cond3A_913 = arith.constant 0 : i32
      %cond3A_914 = arith.cmpi ne, %convert_element_type3A_912, %cond3A_913 : i32
      scf.if %cond3A_914 {
        %dma_wait3A_1109 = arith.constant 0 : i32
        %dma_wait3A_1110 = arith.constant 0 : i32
        %dma_wait3A_1111 = arith.constant 0 : i32
        %dma_wait3A_1112 = tpu.memref_slice %arg5[%dma_wait3A_1109, %dma_wait3A_1110, %dma_wait3A_1111] : memref<2x8x128xi32, #tpu.memory_space<vmem>> -> memref<1x8x128xi32, #tpu.memory_space<vmem>>
        %dma_wait3A_1113 = tpu.memref_squeeze %dma_wait3A_1112 : memref<1x8x128xi32, #tpu.memory_space<vmem>> -> memref<8x128xi32, #tpu.memory_space<vmem>>
        %dma_wait3A_1114 = arith.constant 0 : i32
        %dma_wait3A_1115 = arith.constant 0 : i32
        %dma_wait3A_1116 = tpu.memref_slice %arg3[%mul3A_2, %dma_wait3A_1114, %dma_wait3A_1115] : memref<800x8x128xi32, #tpu.memory_space<hbm>> -> memref<1x8x128xi32, #tpu.memory_space<hbm>>
        %dma_wait3A_1117 = tpu.memref_squeeze %dma_wait3A_1116 : memref<1x8x128xi32, #tpu.memory_space<hbm>> -> memref<8x128xi32, #tpu.memory_space<hbm>>
        %dma_wait3A_1118 = arith.constant 0 : i32
        %dma_wait3A_1119 = arith.constant 0 : i32
        %dma_wait3A_1120 = tpu.memref_slice %arg5[%dma_wait3A_1109, %dma_wait3A_1118, %dma_wait3A_1119] : memref<2x8x128xi32, #tpu.memory_space<vmem>> -> memref<1x8x128xi32, #tpu.memory_space<vmem>>
        %dma_wait3A_1121 = tpu.memref_squeeze %dma_wait3A_1120 : memref<1x8x128xi32, #tpu.memory_space<vmem>> -> memref<8x128xi32, #tpu.memory_space<vmem>>
        %dma_wait3A_1122 = arith.constant 0 : i32
        %dma_wait3A_1123 = arith.constant 0 : i32
        %dma_wait3A_1124 = tpu.memref_slice %arg3[%mul3A_2, %dma_wait3A_1122, %dma_wait3A_1123] : memref<800x8x128xi32, #tpu.memory_space<hbm>> -> memref<1x8x128xi32, #tpu.memory_space<hbm>>
        %dma_wait3A_1125 = tpu.memref_squeeze %dma_wait3A_1124 : memref<1x8x128xi32, #tpu.memory_space<hbm>> -> memref<8x128xi32, #tpu.memory_space<hbm>>
        tpu.wait_dma2 semaphore(%arg14 : memref<!tpu.dma_semaphore, #tpu.memory_space<semaphore_mem>>) src(%dma_wait3A_1125 : memref<8x128xi32, #tpu.memory_space<hbm>>) dst(%dma_wait3A_1121 : memref<8x128xi32, #tpu.memory_space<vmem>>)
        %add3A_1126 = arith.constant 3 : i32
        %add3A_1127 = arith.addi %add3A_819, %add3A_1126 : i32
        %jit3A_1128 = arith.constant 8 : i32
        %div3A_1129 = arith.divsi %add3A_1127, %jit3A_1128 : i32
        %sign3A_1130 = arith.constant 0 : i32
        %sign3A_1131 = arith.cmpi sgt, %add3A_1127, %sign3A_1130 : i32
        %sign3A_1132 = arith.extui %sign3A_1131 : i1 to i32
        %sign3A_1133 = arith.constant 0 : i32
        %sign3A_1134 = arith.cmpi slt, %add3A_1127, %sign3A_1133 : i32
        %sign3A_1135 = arith.extui %sign3A_1134 : i1 to i32
        %sign3A_1136 = arith.subi %sign3A_1132, %sign3A_1135 : i32
        %sign3A_1137 = arith.constant 0 : i32
        %sign3A_1138 = arith.cmpi sgt, %jit3A_1128, %sign3A_1137 : i32
        %sign3A_1139 = arith.extui %sign3A_1138 : i1 to i32
        %sign3A_1140 = arith.constant 0 : i32
        %sign3A_1141 = arith.cmpi slt, %jit3A_1128, %sign3A_1140 : i32
        %sign3A_1142 = arith.extui %sign3A_1141 : i1 to i32
        %sign3A_1143 = arith.subi %sign3A_1139, %sign3A_1142 : i32
        %ne3A_1144 = arith.cmpi ne, %sign3A_1136, %sign3A_1143 : i32
        %rem3A_1145 = arith.remsi %add3A_1127, %jit3A_1128 : i32
        %ne3A_1146 = arith.constant 0 : i32
        %ne3A_1147 = arith.cmpi ne, %rem3A_1145, %ne3A_1146 : i32
        %and3A_1148 = arith.andi %ne3A_1144, %ne3A_1147 : i1
        %sub3A_1149 = arith.constant 1 : i32
        %sub3A_1150 = arith.subi %div3A_1129, %sub3A_1149 : i32
        %select_n3A_1151 = arith.select %and3A_1148, %sub3A_1150, %div3A_1129 : i32
        %jit3A_1152 = arith.constant 2 : i32
        %eq3A_1153 = arith.constant 0 : i32
        %eq3A_1154 = arith.cmpi eq, %jit3A_1152, %eq3A_1153 : i32
        %jit3A_1155 = arith.constant 1 : i32
        %select_n3A_1156 = arith.select %eq3A_1154, %jit3A_1155, %jit3A_1152 : i32
        %rem3A_1157 = arith.remsi %select_n3A_1151, %select_n3A_1156 : i32
        %ne3A_1158 = arith.constant 0 : i32
        %ne3A_1159 = arith.cmpi ne, %rem3A_1157, %ne3A_1158 : i32
        %lt3A_1160 = arith.constant 0 : i32
        %lt3A_1161 = arith.cmpi slt, %rem3A_1157, %lt3A_1160 : i32
        %lt3A_1162 = arith.constant 0 : i32
        %lt3A_1163 = arith.cmpi slt, %select_n3A_1156, %lt3A_1162 : i32
        %ne3A_1164 = arith.xori %lt3A_1161, %lt3A_1163 : i1
        %and3A_1165 = arith.andi %ne3A_1164, %ne3A_1159 : i1
        %add3A_1166 = arith.addi %rem3A_1157, %select_n3A_1156 : i32
        %select_n3A_1167 = arith.select %and3A_1165, %add3A_1166, %rem3A_1157 : i32
        %dma_start3A_1168 = arith.constant 0 : i32
        %dma_start3A_1169 = arith.constant 0 : i32
        %dma_start3A_1170 = arith.constant 0 : i32
        %dma_start3A_1171 = arith.constant 0 : i32
        %dma_start3A_1172 = tpu.memref_slice %arg6[%dma_start3A_1169, %dma_start3A_1170, %dma_start3A_1171] : memref<4x128x128xf32, #tpu.memory_space<vmem>> -> memref<1x128x128xf32, #tpu.memory_space<vmem>>
        %dma_start3A_1173 = tpu.memref_squeeze %dma_start3A_1172 : memref<1x128x128xf32, #tpu.memory_space<vmem>> -> memref<128x128xf32, #tpu.memory_space<vmem>>
        %dma_start3A_1174 = arith.constant 0 : i32
        %dma_start3A_1175 = tpu.memref_slice %arg5[%select_n3A_1167, %dma_start3A_1168, %dma_start3A_1174] : memref<2x8x128xi32, #tpu.memory_space<vmem>> -> memref<1x1x128xi32, #tpu.memory_space<vmem>>
        %dma_start3A_1176 = tpu.memref_squeeze %dma_start3A_1175 : memref<1x1x128xi32, #tpu.memory_space<vmem>> -> memref<128xi32, #tpu.memory_space<vmem>>
        %dma_start3A_1177 = arith.constant 0 : i32
        %dma_start3A_1178 = arith.constant 0 : i32
        %dma_start3A_1179 = tpu.memref_slice %arg2[%dma_start3A_1177, %dma_start3A_1178] : memref<1000000x128xf32, #tpu.memory_space<hbm>> -> memref<1000000x128xf32, #tpu.memory_space<hbm>>
        tpu.enqueue_indirect_dma source(%dma_start3A_1179 : memref<1000000x128xf32, #tpu.memory_space<hbm>>) target(%dma_start3A_1173 : memref<128x128xf32, #tpu.memory_space<vmem>>) offsets(%dma_start3A_1176 : memref<128xi32, #tpu.memory_space<vmem>>) semaphore(%arg8 : memref<!tpu.dma_semaphore, #tpu.memory_space<semaphore_mem>>)
      } else {
      }
      %add3A_915 = arith.constant 6 : i32
      %add3A_916 = arith.addi %mul3A_113, %add3A_915 : i32
      %jit3A_917 = arith.constant 8 : i32
      %div3A_918 = arith.divsi %add3A_916, %jit3A_917 : i32
      %sign3A_919 = arith.constant 0 : i32
      %sign3A_920 = arith.cmpi sgt, %add3A_916, %sign3A_919 : i32
      %sign3A_921 = arith.extui %sign3A_920 : i1 to i32
      %sign3A_922 = arith.constant 0 : i32
      %sign3A_923 = arith.cmpi slt, %add3A_916, %sign3A_922 : i32
      %sign3A_924 = arith.extui %sign3A_923 : i1 to i32
      %sign3A_925 = arith.subi %sign3A_921, %sign3A_924 : i32
      %sign3A_926 = arith.constant 0 : i32
      %sign3A_927 = arith.cmpi sgt, %jit3A_917, %sign3A_926 : i32
      %sign3A_928 = arith.extui %sign3A_927 : i1 to i32
      %sign3A_929 = arith.constant 0 : i32
      %sign3A_930 = arith.cmpi slt, %jit3A_917, %sign3A_929 : i32
      %sign3A_931 = arith.extui %sign3A_930 : i1 to i32
      %sign3A_932 = arith.subi %sign3A_928, %sign3A_931 : i32
      %ne3A_933 = arith.cmpi ne, %sign3A_925, %sign3A_932 : i32
      %rem3A_934 = arith.remsi %add3A_916, %jit3A_917 : i32
      %ne3A_935 = arith.constant 0 : i32
      %ne3A_936 = arith.cmpi ne, %rem3A_934, %ne3A_935 : i32
      %and3A_937 = arith.andi %ne3A_933, %ne3A_936 : i1
      %sub3A_938 = arith.constant 1 : i32
      %sub3A_939 = arith.subi %div3A_918, %sub3A_938 : i32
      %select_n3A_940 = arith.select %and3A_937, %sub3A_939, %div3A_918 : i32
      %jit3A_941 = arith.constant 2 : i32
      %eq3A_942 = arith.constant 0 : i32
      %eq3A_943 = arith.cmpi eq, %jit3A_941, %eq3A_942 : i32
      %jit3A_944 = arith.constant 1 : i32
      %select_n3A_945 = arith.select %eq3A_943, %jit3A_944, %jit3A_941 : i32
      %rem3A_946 = arith.remsi %select_n3A_940, %select_n3A_945 : i32
      %ne3A_947 = arith.constant 0 : i32
      %ne3A_948 = arith.cmpi ne, %rem3A_946, %ne3A_947 : i32
      %lt3A_949 = arith.constant 0 : i32
      %lt3A_950 = arith.cmpi slt, %rem3A_946, %lt3A_949 : i32
      %lt3A_951 = arith.constant 0 : i32
      %lt3A_952 = arith.cmpi slt, %select_n3A_945, %lt3A_951 : i32
      %ne3A_953 = arith.xori %lt3A_950, %lt3A_952 : i1
      %and3A_954 = arith.andi %ne3A_953, %ne3A_948 : i1
      %add3A_955 = arith.addi %rem3A_946, %select_n3A_945 : i32
      %select_n3A_956 = arith.select %and3A_954, %add3A_955, %rem3A_946 : i32
      %dma_wait3A_957 = arith.constant 2 : i32
      %dma_wait3A_958 = arith.constant 0 : i32
      %dma_wait3A_959 = arith.constant 0 : i32
      %dma_wait3A_960 = tpu.memref_slice %arg6[%dma_wait3A_957, %dma_wait3A_958, %dma_wait3A_959] : memref<4x128x128xf32, #tpu.memory_space<vmem>> -> memref<1x128x128xf32, #tpu.memory_space<vmem>>
      %dma_wait3A_961 = tpu.memref_squeeze %dma_wait3A_960 : memref<1x128x128xf32, #tpu.memory_space<vmem>> -> memref<128x128xf32, #tpu.memory_space<vmem>>
      %dma_wait3A_962 = arith.constant 0 : i32
      %dma_wait3A_963 = arith.constant 0 : i32
      %dma_wait3A_964 = tpu.memref_slice %arg2[%dma_wait3A_962, %dma_wait3A_963] : memref<1000000x128xf32, #tpu.memory_space<hbm>> -> memref<128x128xf32, #tpu.memory_space<hbm>>
      %dma_wait3A_965 = arith.constant 0 : i32
      %dma_wait3A_966 = arith.constant 0 : i32
      %dma_wait3A_967 = tpu.memref_slice %arg6[%dma_wait3A_957, %dma_wait3A_965, %dma_wait3A_966] : memref<4x128x128xf32, #tpu.memory_space<vmem>> -> memref<1x128x128xf32, #tpu.memory_space<vmem>>
      %dma_wait3A_968 = tpu.memref_squeeze %dma_wait3A_967 : memref<1x128x128xf32, #tpu.memory_space<vmem>> -> memref<128x128xf32, #tpu.memory_space<vmem>>
      %dma_wait3A_969 = arith.constant 0 : i32
      %dma_wait3A_970 = arith.constant 0 : i32
      %dma_wait3A_971 = tpu.memref_slice %arg2[%dma_wait3A_969, %dma_wait3A_970] : memref<1000000x128xf32, #tpu.memory_space<hbm>> -> memref<128x128xf32, #tpu.memory_space<hbm>>
      tpu.wait_dma2 semaphore(%arg10 : memref<!tpu.dma_semaphore, #tpu.memory_space<semaphore_mem>>) src(%dma_wait3A_971 : memref<128x128xf32, #tpu.memory_space<hbm>>) dst(%dma_wait3A_968 : memref<128x128xf32, #tpu.memory_space<vmem>>)
      %dma_wait3A_972 = arith.constant 0 : i32
      %dma_wait3A_973 = arith.constant 0 : i32
      %dma_wait3A_974 = arith.constant 0 : i32
      %dma_wait3A_975 = tpu.memref_slice %arg7[%dma_wait3A_972, %dma_wait3A_973, %dma_wait3A_974] : memref<2x128x64xf32, #tpu.memory_space<vmem>> -> memref<1x128x64xf32, #tpu.memory_space<vmem>>
      %dma_wait3A_976 = tpu.memref_squeeze %dma_wait3A_975 : memref<1x128x64xf32, #tpu.memory_space<vmem>> -> memref<128x64xf32, #tpu.memory_space<vmem>>
      %dma_wait3A_977 = arith.constant 0 : i32
      %dma_wait3A_978 = tpu.memref_slice %arg4[%mul3A_4, %dma_wait3A_977] : memref<819200x64xf32, #tpu.memory_space<hbm>> -> memref<128x64xf32, #tpu.memory_space<hbm>>
      %dma_wait3A_979 = arith.constant 0 : i32
      %dma_wait3A_980 = tpu.memref_slice %arg4[%mul3A_4, %dma_wait3A_979] : memref<819200x64xf32, #tpu.memory_space<hbm>> -> memref<128x64xf32, #tpu.memory_space<hbm>>
      %dma_wait3A_981 = arith.constant 0 : i32
      %dma_wait3A_982 = arith.constant 0 : i32
      %dma_wait3A_983 = tpu.memref_slice %arg7[%dma_wait3A_972, %dma_wait3A_981, %dma_wait3A_982] : memref<2x128x64xf32, #tpu.memory_space<vmem>> -> memref<1x128x64xf32, #tpu.memory_space<vmem>>
      %dma_wait3A_984 = tpu.memref_squeeze %dma_wait3A_983 : memref<1x128x64xf32, #tpu.memory_space<vmem>> -> memref<128x64xf32, #tpu.memory_space<vmem>>
      tpu.wait_dma2 semaphore(%arg12 : memref<!tpu.dma_semaphore, #tpu.memory_space<semaphore_mem>>) src(%dma_wait3A_984 : memref<128x64xf32, #tpu.memory_space<vmem>>) dst(%dma_wait3A_980 : memref<128x64xf32, #tpu.memory_space<hbm>>)
      %scan3A_985 = arith.constant 0 : i32
      %scan3A_986 = arith.constant 0 : i32
      %scan3A_987 = arith.constant 128 : i32
      %scan3A_988 = arith.addi %scan3A_986, %scan3A_987 : i32
      %scan3A_989 = arith.constant 8 : i32
      scf.for %scan3A_1109 = %scan3A_986 to %scan3A_988 step %scan3A_989  : i32 {
        %get3A = arith.constant 2 : i32
        %get3A_1110 = arith.index_cast %get3A : i32 to index
        %get3A_1111 = arith.index_cast %scan3A_1109 : i32 to index
        %get3A_1112 = arith.constant 0 : index
        %get3A_1113 = tpu.vector_load %arg6[%get3A_1110, %get3A_1111, %get3A_1112] {strides = array<i32>} : memref<4x128x128xf32, #tpu.memory_space<vmem>>, vector<16xf32>,
        %mul3A_1114 = arith.constant 1.000000e+00 : f32
        %mul3A_1115 = vector.broadcast %mul3A_1114 : f32 to vector<16xf32>
        %mul3A_1116 = arith.mulf %get3A_1113, %mul3A_1115 : vector<16xf32>
        %swap3A = arith.constant 0 : i32
        %swap3A_1117 = arith.index_cast %swap3A : i32 to index
        %swap3A_1118 = arith.index_cast %scan3A_1109 : i32 to index
        %swap3A_1119 = arith.constant 0 : index
        %swap3A_1120 = tpu.vector_load %arg7[%swap3A_1117, %swap3A_1118, %swap3A_1119] {strides = array<i32>} : memref<2x128x64xf32, #tpu.memory_space<vmem>>, vector<16xf32>,
        tpu.vector_store %arg7[%swap3A_1117, %swap3A_1118, %swap3A_1119], %mul3A_1116 {strides = array<i32>} : memref<2x128x64xf32, #tpu.memory_space<vmem>>, vector<16xf32>,
        %get3A_1121 = arith.constant 2 : i32
        %get3A_1122 = arith.index_cast %get3A_1121 : i32 to index
        %get3A_1123 = arith.index_cast %scan3A_1109 : i32 to index
        %get3A_1124 = arith.constant 16 : index
        %get3A_1125 = tpu.vector_load %arg6[%get3A_1122, %get3A_1123, %get3A_1124] {strides = array<i32>} : memref<4x128x128xf32, #tpu.memory_space<vmem>>, vector<16xf32>,
        %mul3A_1126 = arith.constant 1.000000e+00 : f32
        %mul3A_1127 = vector.broadcast %mul3A_1126 : f32 to vector<16xf32>
        %mul3A_1128 = arith.mulf %get3A_1125, %mul3A_1127 : vector<16xf32>
        %swap3A_1129 = arith.constant 0 : i32
        %swap3A_1130 = arith.index_cast %swap3A_1129 : i32 to index
        %swap3A_1131 = arith.index_cast %scan3A_1109 : i32 to index
        %swap3A_1132 = arith.constant 16 : index
        %swap3A_1133 = tpu.vector_load %arg7[%swap3A_1130, %swap3A_1131, %swap3A_1132] {strides = array<i32>} : memref<2x128x64xf32, #tpu.memory_space<vmem>>, vector<16xf32>,
        tpu.vector_store %arg7[%swap3A_1130, %swap3A_1131, %swap3A_1132], %mul3A_1128 {strides = array<i32>} : memref<2x128x64xf32, #tpu.memory_space<vmem>>, vector<16xf32>,
        %get3A_1134 = arith.constant 2 : i32
        %get3A_1135 = arith.index_cast %get3A_1134 : i32 to index
        %get3A_1136 = arith.index_cast %scan3A_1109 : i32 to index
        %get3A_1137 = arith.constant 32 : index
        %get3A_1138 = tpu.vector_load %arg6[%get3A_1135, %get3A_1136, %get3A_1137] {strides = array<i32>} : memref<4x128x128xf32, #tpu.memory_space<vmem>>, vector<16xf32>,
        %mul3A_1139 = arith.constant 1.000000e+00 : f32
        %mul3A_1140 = vector.broadcast %mul3A_1139 : f32 to vector<16xf32>
        %mul3A_1141 = arith.mulf %get3A_1138, %mul3A_1140 : vector<16xf32>
        %swap3A_1142 = arith.constant 0 : i32
        %swap3A_1143 = arith.index_cast %swap3A_1142 : i32 to index
        %swap3A_1144 = arith.index_cast %scan3A_1109 : i32 to index
        %swap3A_1145 = arith.constant 32 : index
        %swap3A_1146 = tpu.vector_load %arg7[%swap3A_1143, %swap3A_1144, %swap3A_1145] {strides = array<i32>} : memref<2x128x64xf32, #tpu.memory_space<vmem>>, vector<16xf32>,
        tpu.vector_store %arg7[%swap3A_1143, %swap3A_1144, %swap3A_1145], %mul3A_1141 {strides = array<i32>} : memref<2x128x64xf32, #tpu.memory_space<vmem>>, vector<16xf32>,
        %get3A_1147 = arith.constant 2 : i32
        %get3A_1148 = arith.index_cast %get3A_1147 : i32 to index
        %get3A_1149 = arith.index_cast %scan3A_1109 : i32 to index
        %get3A_1150 = arith.constant 48 : index
        %get3A_1151 = tpu.vector_load %arg6[%get3A_1148, %get3A_1149, %get3A_1150] {strides = array<i32>} : memref<4x128x128xf32, #tpu.memory_space<vmem>>, vector<16xf32>,
        %mul3A_1152 = arith.constant 1.000000e+00 : f32
        %mul3A_1153 = vector.broadcast %mul3A_1152 : f32 to vector<16xf32>
        %mul3A_1154 = arith.mulf %get3A_1151, %mul3A_1153 : vector<16xf32>
        %swap3A_1155 = arith.constant 0 : i32
        %swap3A_1156 = arith.index_cast %swap3A_1155 : i32 to index
        %swap3A_1157 = arith.index_cast %scan3A_1109 : i32 to index
        %swap3A_1158 = arith.constant 48 : index
        %swap3A_1159 = tpu.vector_load %arg7[%swap3A_1156, %swap3A_1157, %swap3A_1158] {strides = array<i32>} : memref<2x128x64xf32, #tpu.memory_space<vmem>>, vector<16xf32>,
        tpu.vector_store %arg7[%swap3A_1156, %swap3A_1157, %swap3A_1158], %mul3A_1154 {strides = array<i32>} : memref<2x128x64xf32, #tpu.memory_space<vmem>>, vector<16xf32>,
        %scan3A_1160 = arith.constant 1 : i32
        %scan3A_1161 = arith.addi %scan3A_1109, %scan3A_1160 : i32
        %get3A_1162 = arith.constant 2 : i32
        %get3A_1163 = arith.index_cast %get3A_1162 : i32 to index
        %get3A_1164 = arith.index_cast %scan3A_1161 : i32 to index
        %get3A_1165 = arith.constant 0 : index
        %get3A_1166 = tpu.vector_load %arg6[%get3A_1163, %get3A_1164, %get3A_1165] {strides = array<i32>} : memref<4x128x128xf32, #tpu.memory_space<vmem>>, vector<16xf32>,
        %mul3A_1167 = arith.constant 1.000000e+00 : f32
        %mul3A_1168 = vector.broadcast %mul3A_1167 : f32 to vector<16xf32>
        %mul3A_1169 = arith.mulf %get3A_1166, %mul3A_1168 : vector<16xf32>
        %swap3A_1170 = arith.constant 0 : i32
        %swap3A_1171 = arith.index_cast %swap3A_1170 : i32 to index
        %swap3A_1172 = arith.index_cast %scan3A_1161 : i32 to index
        %swap3A_1173 = arith.constant 0 : index
        %swap3A_1174 = tpu.vector_load %arg7[%swap3A_1171, %swap3A_1172, %swap3A_1173] {strides = array<i32>} : memref<2x128x64xf32, #tpu.memory_space<vmem>>, vector<16xf32>,
        tpu.vector_store %arg7[%swap3A_1171, %swap3A_1172, %swap3A_1173], %mul3A_1169 {strides = array<i32>} : memref<2x128x64xf32, #tpu.memory_space<vmem>>, vector<16xf32>,
        %get3A_1175 = arith.constant 2 : i32
        %get3A_1176 = arith.index_cast %get3A_1175 : i32 to index
        %get3A_1177 = arith.index_cast %scan3A_1161 : i32 to index
        %get3A_1178 = arith.constant 16 : index
        %get3A_1179 = tpu.vector_load %arg6[%get3A_1176, %get3A_1177, %get3A_1178] {strides = array<i32>} : memref<4x128x128xf32, #tpu.memory_space<vmem>>, vector<16xf32>,
        %mul3A_1180 = arith.constant 1.000000e+00 : f32
        %mul3A_1181 = vector.broadcast %mul3A_1180 : f32 to vector<16xf32>
        %mul3A_1182 = arith.mulf %get3A_1179, %mul3A_1181 : vector<16xf32>
        %swap3A_1183 = arith.constant 0 : i32
        %swap3A_1184 = arith.index_cast %swap3A_1183 : i32 to index
        %swap3A_1185 = arith.index_cast %scan3A_1161 : i32 to index
        %swap3A_1186 = arith.constant 16 : index
        %swap3A_1187 = tpu.vector_load %arg7[%swap3A_1184, %swap3A_1185, %swap3A_1186] {strides = array<i32>} : memref<2x128x64xf32, #tpu.memory_space<vmem>>, vector<16xf32>,
        tpu.vector_store %arg7[%swap3A_1184, %swap3A_1185, %swap3A_1186], %mul3A_1182 {strides = array<i32>} : memref<2x128x64xf32, #tpu.memory_space<vmem>>, vector<16xf32>,
        %get3A_1188 = arith.constant 2 : i32
        %get3A_1189 = arith.index_cast %get3A_1188 : i32 to index
        %get3A_1190 = arith.index_cast %scan3A_1161 : i32 to index
        %get3A_1191 = arith.constant 32 : index
        %get3A_1192 = tpu.vector_load %arg6[%get3A_1189, %get3A_1190, %get3A_1191] {strides = array<i32>} : memref<4x128x128xf32, #tpu.memory_space<vmem>>, vector<16xf32>,
        %mul3A_1193 = arith.constant 1.000000e+00 : f32
        %mul3A_1194 = vector.broadcast %mul3A_1193 : f32 to vector<16xf32>
        %mul3A_1195 = arith.mulf %get3A_1192, %mul3A_1194 : vector<16xf32>
        %swap3A_1196 = arith.constant 0 : i32
        %swap3A_1197 = arith.index_cast %swap3A_1196 : i32 to index
        %swap3A_1198 = arith.index_cast %scan3A_1161 : i32 to index
        %swap3A_1199 = arith.constant 32 : index
        %swap3A_1200 = tpu.vector_load %arg7[%swap3A_1197, %swap3A_1198, %swap3A_1199] {strides = array<i32>} : memref<2x128x64xf32, #tpu.memory_space<vmem>>, vector<16xf32>,
        tpu.vector_store %arg7[%swap3A_1197, %swap3A_1198, %swap3A_1199], %mul3A_1195 {strides = array<i32>} : memref<2x128x64xf32, #tpu.memory_space<vmem>>, vector<16xf32>,
        %get3A_1201 = arith.constant 2 : i32
        %get3A_1202 = arith.index_cast %get3A_1201 : i32 to index
        %get3A_1203 = arith.index_cast %scan3A_1161 : i32 to index
        %get3A_1204 = arith.constant 48 : index
        %get3A_1205 = tpu.vector_load %arg6[%get3A_1202, %get3A_1203, %get3A_1204] {strides = array<i32>} : memref<4x128x128xf32, #tpu.memory_space<vmem>>, vector<16xf32>,
        %mul3A_1206 = arith.constant 1.000000e+00 : f32
        %mul3A_1207 = vector.broadcast %mul3A_1206 : f32 to vector<16xf32>
        %mul3A_1208 = arith.mulf %get3A_1205, %mul3A_1207 : vector<16xf32>
        %swap3A_1209 = arith.constant 0 : i32
        %swap3A_1210 = arith.index_cast %swap3A_1209 : i32 to index
        %swap3A_1211 = arith.index_cast %scan3A_1161 : i32 to index
        %swap3A_1212 = arith.constant 48 : index
        %swap3A_1213 = tpu.vector_load %arg7[%swap3A_1210, %swap3A_1211, %swap3A_1212] {strides = array<i32>} : memref<2x128x64xf32, #tpu.memory_space<vmem>>, vector<16xf32>,
        tpu.vector_store %arg7[%swap3A_1210, %swap3A_1211, %swap3A_1212], %mul3A_1208 {strides = array<i32>} : memref<2x128x64xf32, #tpu.memory_space<vmem>>, vector<16xf32>,
        %scan3A_1214 = arith.constant 2 : i32
        %scan3A_1215 = arith.addi %scan3A_1109, %scan3A_1214 : i32
        %get3A_1216 = arith.constant 2 : i32
        %get3A_1217 = arith.index_cast %get3A_1216 : i32 to index
        %get3A_1218 = arith.index_cast %scan3A_1215 : i32 to index
        %get3A_1219 = arith.constant 0 : index
        %get3A_1220 = tpu.vector_load %arg6[%get3A_1217, %get3A_1218, %get3A_1219] {strides = array<i32>} : memref<4x128x128xf32, #tpu.memory_space<vmem>>, vector<16xf32>,
        %mul3A_1221 = arith.constant 1.000000e+00 : f32
        %mul3A_1222 = vector.broadcast %mul3A_1221 : f32 to vector<16xf32>
        %mul3A_1223 = arith.mulf %get3A_1220, %mul3A_1222 : vector<16xf32>
        %swap3A_1224 = arith.constant 0 : i32
        %swap3A_1225 = arith.index_cast %swap3A_1224 : i32 to index
        %swap3A_1226 = arith.index_cast %scan3A_1215 : i32 to index
        %swap3A_1227 = arith.constant 0 : index
        %swap3A_1228 = tpu.vector_load %arg7[%swap3A_1225, %swap3A_1226, %swap3A_1227] {strides = array<i32>} : memref<2x128x64xf32, #tpu.memory_space<vmem>>, vector<16xf32>,
        tpu.vector_store %arg7[%swap3A_1225, %swap3A_1226, %swap3A_1227], %mul3A_1223 {strides = array<i32>} : memref<2x128x64xf32, #tpu.memory_space<vmem>>, vector<16xf32>,
        %get3A_1229 = arith.constant 2 : i32
        %get3A_1230 = arith.index_cast %get3A_1229 : i32 to index
        %get3A_1231 = arith.index_cast %scan3A_1215 : i32 to index
        %get3A_1232 = arith.constant 16 : index
        %get3A_1233 = tpu.vector_load %arg6[%get3A_1230, %get3A_1231, %get3A_1232] {strides = array<i32>} : memref<4x128x128xf32, #tpu.memory_space<vmem>>, vector<16xf32>,
        %mul3A_1234 = arith.constant 1.000000e+00 : f32
        %mul3A_1235 = vector.broadcast %mul3A_1234 : f32 to vector<16xf32>
        %mul3A_1236 = arith.mulf %get3A_1233, %mul3A_1235 : vector<16xf32>
        %swap3A_1237 = arith.constant 0 : i32
        %swap3A_1238 = arith.index_cast %swap3A_1237 : i32 to index
        %swap3A_1239 = arith.index_cast %scan3A_1215 : i32 to index
        %swap3A_1240 = arith.constant 16 : index
        %swap3A_1241 = tpu.vector_load %arg7[%swap3A_1238, %swap3A_1239, %swap3A_1240] {strides = array<i32>} : memref<2x128x64xf32, #tpu.memory_space<vmem>>, vector<16xf32>,
        tpu.vector_store %arg7[%swap3A_1238, %swap3A_1239, %swap3A_1240], %mul3A_1236 {strides = array<i32>} : memref<2x128x64xf32, #tpu.memory_space<vmem>>, vector<16xf32>,
        %get3A_1242 = arith.constant 2 : i32
        %get3A_1243 = arith.index_cast %get3A_1242 : i32 to index
        %get3A_1244 = arith.index_cast %scan3A_1215 : i32 to index
        %get3A_1245 = arith.constant 32 : index
        %get3A_1246 = tpu.vector_load %arg6[%get3A_1243, %get3A_1244, %get3A_1245] {strides = array<i32>} : memref<4x128x128xf32, #tpu.memory_space<vmem>>, vector<16xf32>,
        %mul3A_1247 = arith.constant 1.000000e+00 : f32
        %mul3A_1248 = vector.broadcast %mul3A_1247 : f32 to vector<16xf32>
        %mul3A_1249 = arith.mulf %get3A_1246, %mul3A_1248 : vector<16xf32>
        %swap3A_1250 = arith.constant 0 : i32
        %swap3A_1251 = arith.index_cast %swap3A_1250 : i32 to index
        %swap3A_1252 = arith.index_cast %scan3A_1215 : i32 to index
        %swap3A_1253 = arith.constant 32 : index
        %swap3A_1254 = tpu.vector_load %arg7[%swap3A_1251, %swap3A_1252, %swap3A_1253] {strides = array<i32>} : memref<2x128x64xf32, #tpu.memory_space<vmem>>, vector<16xf32>,
        tpu.vector_store %arg7[%swap3A_1251, %swap3A_1252, %swap3A_1253], %mul3A_1249 {strides = array<i32>} : memref<2x128x64xf32, #tpu.memory_space<vmem>>, vector<16xf32>,
        %get3A_1255 = arith.constant 2 : i32
        %get3A_1256 = arith.index_cast %get3A_1255 : i32 to index
        %get3A_1257 = arith.index_cast %scan3A_1215 : i32 to index
        %get3A_1258 = arith.constant 48 : index
        %get3A_1259 = tpu.vector_load %arg6[%get3A_1256, %get3A_1257, %get3A_1258] {strides = array<i32>} : memref<4x128x128xf32, #tpu.memory_space<vmem>>, vector<16xf32>,
        %mul3A_1260 = arith.constant 1.000000e+00 : f32
        %mul3A_1261 = vector.broadcast %mul3A_1260 : f32 to vector<16xf32>
        %mul3A_1262 = arith.mulf %get3A_1259, %mul3A_1261 : vector<16xf32>
        %swap3A_1263 = arith.constant 0 : i32
        %swap3A_1264 = arith.index_cast %swap3A_1263 : i32 to index
        %swap3A_1265 = arith.index_cast %scan3A_1215 : i32 to index
        %swap3A_1266 = arith.constant 48 : index
        %swap3A_1267 = tpu.vector_load %arg7[%swap3A_1264, %swap3A_1265, %swap3A_1266] {strides = array<i32>} : memref<2x128x64xf32, #tpu.memory_space<vmem>>, vector<16xf32>,
        tpu.vector_store %arg7[%swap3A_1264, %swap3A_1265, %swap3A_1266], %mul3A_1262 {strides = array<i32>} : memref<2x128x64xf32, #tpu.memory_space<vmem>>, vector<16xf32>,
        %scan3A_1268 = arith.constant 3 : i32
        %scan3A_1269 = arith.addi %scan3A_1109, %scan3A_1268 : i32
        %get3A_1270 = arith.constant 2 : i32
        %get3A_1271 = arith.index_cast %get3A_1270 : i32 to index
        %get3A_1272 = arith.index_cast %scan3A_1269 : i32 to index
        %get3A_1273 = arith.constant 0 : index
        %get3A_1274 = tpu.vector_load %arg6[%get3A_1271, %get3A_1272, %get3A_1273] {strides = array<i32>} : memref<4x128x128xf32, #tpu.memory_space<vmem>>, vector<16xf32>,
        %mul3A_1275 = arith.constant 1.000000e+00 : f32
        %mul3A_1276 = vector.broadcast %mul3A_1275 : f32 to vector<16xf32>
        %mul3A_1277 = arith.mulf %get3A_1274, %mul3A_1276 : vector<16xf32>
        %swap3A_1278 = arith.constant 0 : i32
        %swap3A_1279 = arith.index_cast %swap3A_1278 : i32 to index
        %swap3A_1280 = arith.index_cast %scan3A_1269 : i32 to index
        %swap3A_1281 = arith.constant 0 : index
        %swap3A_1282 = tpu.vector_load %arg7[%swap3A_1279, %swap3A_1280, %swap3A_1281] {strides = array<i32>} : memref<2x128x64xf32, #tpu.memory_space<vmem>>, vector<16xf32>,
        tpu.vector_store %arg7[%swap3A_1279, %swap3A_1280, %swap3A_1281], %mul3A_1277 {strides = array<i32>} : memref<2x128x64xf32, #tpu.memory_space<vmem>>, vector<16xf32>,
        %get3A_1283 = arith.constant 2 : i32
        %get3A_1284 = arith.index_cast %get3A_1283 : i32 to index
        %get3A_1285 = arith.index_cast %scan3A_1269 : i32 to index
        %get3A_1286 = arith.constant 16 : index
        %get3A_1287 = tpu.vector_load %arg6[%get3A_1284, %get3A_1285, %get3A_1286] {strides = array<i32>} : memref<4x128x128xf32, #tpu.memory_space<vmem>>, vector<16xf32>,
        %mul3A_1288 = arith.constant 1.000000e+00 : f32
        %mul3A_1289 = vector.broadcast %mul3A_1288 : f32 to vector<16xf32>
        %mul3A_1290 = arith.mulf %get3A_1287, %mul3A_1289 : vector<16xf32>
        %swap3A_1291 = arith.constant 0 : i32
        %swap3A_1292 = arith.index_cast %swap3A_1291 : i32 to index
        %swap3A_1293 = arith.index_cast %scan3A_1269 : i32 to index
        %swap3A_1294 = arith.constant 16 : index
        %swap3A_1295 = tpu.vector_load %arg7[%swap3A_1292, %swap3A_1293, %swap3A_1294] {strides = array<i32>} : memref<2x128x64xf32, #tpu.memory_space<vmem>>, vector<16xf32>,
        tpu.vector_store %arg7[%swap3A_1292, %swap3A_1293, %swap3A_1294], %mul3A_1290 {strides = array<i32>} : memref<2x128x64xf32, #tpu.memory_space<vmem>>, vector<16xf32>,
        %get3A_1296 = arith.constant 2 : i32
        %get3A_1297 = arith.index_cast %get3A_1296 : i32 to index
        %get3A_1298 = arith.index_cast %scan3A_1269 : i32 to index
        %get3A_1299 = arith.constant 32 : index
        %get3A_1300 = tpu.vector_load %arg6[%get3A_1297, %get3A_1298, %get3A_1299] {strides = array<i32>} : memref<4x128x128xf32, #tpu.memory_space<vmem>>, vector<16xf32>,
        %mul3A_1301 = arith.constant 1.000000e+00 : f32
        %mul3A_1302 = vector.broadcast %mul3A_1301 : f32 to vector<16xf32>
        %mul3A_1303 = arith.mulf %get3A_1300, %mul3A_1302 : vector<16xf32>
        %swap3A_1304 = arith.constant 0 : i32
        %swap3A_1305 = arith.index_cast %swap3A_1304 : i32 to index
        %swap3A_1306 = arith.index_cast %scan3A_1269 : i32 to index
        %swap3A_1307 = arith.constant 32 : index
        %swap3A_1308 = tpu.vector_load %arg7[%swap3A_1305, %swap3A_1306, %swap3A_1307] {strides = array<i32>} : memref<2x128x64xf32, #tpu.memory_space<vmem>>, vector<16xf32>,
        tpu.vector_store %arg7[%swap3A_1305, %swap3A_1306, %swap3A_1307], %mul3A_1303 {strides = array<i32>} : memref<2x128x64xf32, #tpu.memory_space<vmem>>, vector<16xf32>,
        %get3A_1309 = arith.constant 2 : i32
        %get3A_1310 = arith.index_cast %get3A_1309 : i32 to index
        %get3A_1311 = arith.index_cast %scan3A_1269 : i32 to index
        %get3A_1312 = arith.constant 48 : index
        %get3A_1313 = tpu.vector_load %arg6[%get3A_1310, %get3A_1311, %get3A_1312] {strides = array<i32>} : memref<4x128x128xf32, #tpu.memory_space<vmem>>, vector<16xf32>,
        %mul3A_1314 = arith.constant 1.000000e+00 : f32
        %mul3A_1315 = vector.broadcast %mul3A_1314 : f32 to vector<16xf32>
        %mul3A_1316 = arith.mulf %get3A_1313, %mul3A_1315 : vector<16xf32>
        %swap3A_1317 = arith.constant 0 : i32
        %swap3A_1318 = arith.index_cast %swap3A_1317 : i32 to index
        %swap3A_1319 = arith.index_cast %scan3A_1269 : i32 to index
        %swap3A_1320 = arith.constant 48 : index
        %swap3A_1321 = tpu.vector_load %arg7[%swap3A_1318, %swap3A_1319, %swap3A_1320] {strides = array<i32>} : memref<2x128x64xf32, #tpu.memory_space<vmem>>, vector<16xf32>,
        tpu.vector_store %arg7[%swap3A_1318, %swap3A_1319, %swap3A_1320], %mul3A_1316 {strides = array<i32>} : memref<2x128x64xf32, #tpu.memory_space<vmem>>, vector<16xf32>,
        %scan3A_1322 = arith.constant 4 : i32
        %scan3A_1323 = arith.addi %scan3A_1109, %scan3A_1322 : i32
        %get3A_1324 = arith.constant 2 : i32
        %get3A_1325 = arith.index_cast %get3A_1324 : i32 to index
        %get3A_1326 = arith.index_cast %scan3A_1323 : i32 to index
        %get3A_1327 = arith.constant 0 : index
        %get3A_1328 = tpu.vector_load %arg6[%get3A_1325, %get3A_1326, %get3A_1327] {strides = array<i32>} : memref<4x128x128xf32, #tpu.memory_space<vmem>>, vector<16xf32>,
        %mul3A_1329 = arith.constant 1.000000e+00 : f32
        %mul3A_1330 = vector.broadcast %mul3A_1329 : f32 to vector<16xf32>
        %mul3A_1331 = arith.mulf %get3A_1328, %mul3A_1330 : vector<16xf32>
        %swap3A_1332 = arith.constant 0 : i32
        %swap3A_1333 = arith.index_cast %swap3A_1332 : i32 to index
        %swap3A_1334 = arith.index_cast %scan3A_1323 : i32 to index
        %swap3A_1335 = arith.constant 0 : index
        %swap3A_1336 = tpu.vector_load %arg7[%swap3A_1333, %swap3A_1334, %swap3A_1335] {strides = array<i32>} : memref<2x128x64xf32, #tpu.memory_space<vmem>>, vector<16xf32>,
        tpu.vector_store %arg7[%swap3A_1333, %swap3A_1334, %swap3A_1335], %mul3A_1331 {strides = array<i32>} : memref<2x128x64xf32, #tpu.memory_space<vmem>>, vector<16xf32>,
        %get3A_1337 = arith.constant 2 : i32
        %get3A_1338 = arith.index_cast %get3A_1337 : i32 to index
        %get3A_1339 = arith.index_cast %scan3A_1323 : i32 to index
        %get3A_1340 = arith.constant 16 : index
        %get3A_1341 = tpu.vector_load %arg6[%get3A_1338, %get3A_1339, %get3A_1340] {strides = array<i32>} : memref<4x128x128xf32, #tpu.memory_space<vmem>>, vector<16xf32>,
        %mul3A_1342 = arith.constant 1.000000e+00 : f32
        %mul3A_1343 = vector.broadcast %mul3A_1342 : f32 to vector<16xf32>
        %mul3A_1344 = arith.mulf %get3A_1341, %mul3A_1343 : vector<16xf32>
        %swap3A_1345 = arith.constant 0 : i32
        %swap3A_1346 = arith.index_cast %swap3A_1345 : i32 to index
        %swap3A_1347 = arith.index_cast %scan3A_1323 : i32 to index
        %swap3A_1348 = arith.constant 16 : index
        %swap3A_1349 = tpu.vector_load %arg7[%swap3A_1346, %swap3A_1347, %swap3A_1348] {strides = array<i32>} : memref<2x128x64xf32, #tpu.memory_space<vmem>>, vector<16xf32>,
        tpu.vector_store %arg7[%swap3A_1346, %swap3A_1347, %swap3A_1348], %mul3A_1344 {strides = array<i32>} : memref<2x128x64xf32, #tpu.memory_space<vmem>>, vector<16xf32>,
        %get3A_1350 = arith.constant 2 : i32
        %get3A_1351 = arith.index_cast %get3A_1350 : i32 to index
        %get3A_1352 = arith.index_cast %scan3A_1323 : i32 to index
        %get3A_1353 = arith.constant 32 : index
        %get3A_1354 = tpu.vector_load %arg6[%get3A_1351, %get3A_1352, %get3A_1353] {strides = array<i32>} : memref<4x128x128xf32, #tpu.memory_space<vmem>>, vector<16xf32>,
        %mul3A_1355 = arith.constant 1.000000e+00 : f32
        %mul3A_1356 = vector.broadcast %mul3A_1355 : f32 to vector<16xf32>
        %mul3A_1357 = arith.mulf %get3A_1354, %mul3A_1356 : vector<16xf32>
        %swap3A_1358 = arith.constant 0 : i32
        %swap3A_1359 = arith.index_cast %swap3A_1358 : i32 to index
        %swap3A_1360 = arith.index_cast %scan3A_1323 : i32 to index
        %swap3A_1361 = arith.constant 32 : index
        %swap3A_1362 = tpu.vector_load %arg7[%swap3A_1359, %swap3A_1360, %swap3A_1361] {strides = array<i32>} : memref<2x128x64xf32, #tpu.memory_space<vmem>>, vector<16xf32>,
        tpu.vector_store %arg7[%swap3A_1359, %swap3A_1360, %swap3A_1361], %mul3A_1357 {strides = array<i32>} : memref<2x128x64xf32, #tpu.memory_space<vmem>>, vector<16xf32>,
        %get3A_1363 = arith.constant 2 : i32
        %get3A_1364 = arith.index_cast %get3A_1363 : i32 to index
        %get3A_1365 = arith.index_cast %scan3A_1323 : i32 to index
        %get3A_1366 = arith.constant 48 : index
        %get3A_1367 = tpu.vector_load %arg6[%get3A_1364, %get3A_1365, %get3A_1366] {strides = array<i32>} : memref<4x128x128xf32, #tpu.memory_space<vmem>>, vector<16xf32>,
        %mul3A_1368 = arith.constant 1.000000e+00 : f32
        %mul3A_1369 = vector.broadcast %mul3A_1368 : f32 to vector<16xf32>
        %mul3A_1370 = arith.mulf %get3A_1367, %mul3A_1369 : vector<16xf32>
        %swap3A_1371 = arith.constant 0 : i32
        %swap3A_1372 = arith.index_cast %swap3A_1371 : i32 to index
        %swap3A_1373 = arith.index_cast %scan3A_1323 : i32 to index
        %swap3A_1374 = arith.constant 48 : index
        %swap3A_1375 = tpu.vector_load %arg7[%swap3A_1372, %swap3A_1373, %swap3A_1374] {strides = array<i32>} : memref<2x128x64xf32, #tpu.memory_space<vmem>>, vector<16xf32>,
        tpu.vector_store %arg7[%swap3A_1372, %swap3A_1373, %swap3A_1374], %mul3A_1370 {strides = array<i32>} : memref<2x128x64xf32, #tpu.memory_space<vmem>>, vector<16xf32>,
        %scan3A_1376 = arith.constant 5 : i32
        %scan3A_1377 = arith.addi %scan3A_1109, %scan3A_1376 : i32
        %get3A_1378 = arith.constant 2 : i32
        %get3A_1379 = arith.index_cast %get3A_1378 : i32 to index
        %get3A_1380 = arith.index_cast %scan3A_1377 : i32 to index
        %get3A_1381 = arith.constant 0 : index
        %get3A_1382 = tpu.vector_load %arg6[%get3A_1379, %get3A_1380, %get3A_1381] {strides = array<i32>} : memref<4x128x128xf32, #tpu.memory_space<vmem>>, vector<16xf32>,
        %mul3A_1383 = arith.constant 1.000000e+00 : f32
        %mul3A_1384 = vector.broadcast %mul3A_1383 : f32 to vector<16xf32>
        %mul3A_1385 = arith.mulf %get3A_1382, %mul3A_1384 : vector<16xf32>
        %swap3A_1386 = arith.constant 0 : i32
        %swap3A_1387 = arith.index_cast %swap3A_1386 : i32 to index
        %swap3A_1388 = arith.index_cast %scan3A_1377 : i32 to index
        %swap3A_1389 = arith.constant 0 : index
        %swap3A_1390 = tpu.vector_load %arg7[%swap3A_1387, %swap3A_1388, %swap3A_1389] {strides = array<i32>} : memref<2x128x64xf32, #tpu.memory_space<vmem>>, vector<16xf32>,
        tpu.vector_store %arg7[%swap3A_1387, %swap3A_1388, %swap3A_1389], %mul3A_1385 {strides = array<i32>} : memref<2x128x64xf32, #tpu.memory_space<vmem>>, vector<16xf32>,
        %get3A_1391 = arith.constant 2 : i32
        %get3A_1392 = arith.index_cast %get3A_1391 : i32 to index
        %get3A_1393 = arith.index_cast %scan3A_1377 : i32 to index
        %get3A_1394 = arith.constant 16 : index
        %get3A_1395 = tpu.vector_load %arg6[%get3A_1392, %get3A_1393, %get3A_1394] {strides = array<i32>} : memref<4x128x128xf32, #tpu.memory_space<vmem>>, vector<16xf32>,
        %mul3A_1396 = arith.constant 1.000000e+00 : f32
        %mul3A_1397 = vector.broadcast %mul3A_1396 : f32 to vector<16xf32>
        %mul3A_1398 = arith.mulf %get3A_1395, %mul3A_1397 : vector<16xf32>
        %swap3A_1399 = arith.constant 0 : i32
        %swap3A_1400 = arith.index_cast %swap3A_1399 : i32 to index
        %swap3A_1401 = arith.index_cast %scan3A_1377 : i32 to index
        %swap3A_1402 = arith.constant 16 : index
        %swap3A_1403 = tpu.vector_load %arg7[%swap3A_1400, %swap3A_1401, %swap3A_1402] {strides = array<i32>} : memref<2x128x64xf32, #tpu.memory_space<vmem>>, vector<16xf32>,
        tpu.vector_store %arg7[%swap3A_1400, %swap3A_1401, %swap3A_1402], %mul3A_1398 {strides = array<i32>} : memref<2x128x64xf32, #tpu.memory_space<vmem>>, vector<16xf32>,
        %get3A_1404 = arith.constant 2 : i32
        %get3A_1405 = arith.index_cast %get3A_1404 : i32 to index
        %get3A_1406 = arith.index_cast %scan3A_1377 : i32 to index
        %get3A_1407 = arith.constant 32 : index
        %get3A_1408 = tpu.vector_load %arg6[%get3A_1405, %get3A_1406, %get3A_1407] {strides = array<i32>} : memref<4x128x128xf32, #tpu.memory_space<vmem>>, vector<16xf32>,
        %mul3A_1409 = arith.constant 1.000000e+00 : f32
        %mul3A_1410 = vector.broadcast %mul3A_1409 : f32 to vector<16xf32>
        %mul3A_1411 = arith.mulf %get3A_1408, %mul3A_1410 : vector<16xf32>
        %swap3A_1412 = arith.constant 0 : i32
        %swap3A_1413 = arith.index_cast %swap3A_1412 : i32 to index
        %swap3A_1414 = arith.index_cast %scan3A_1377 : i32 to index
        %swap3A_1415 = arith.constant 32 : index
        %swap3A_1416 = tpu.vector_load %arg7[%swap3A_1413, %swap3A_1414, %swap3A_1415] {strides = array<i32>} : memref<2x128x64xf32, #tpu.memory_space<vmem>>, vector<16xf32>,
        tpu.vector_store %arg7[%swap3A_1413, %swap3A_1414, %swap3A_1415], %mul3A_1411 {strides = array<i32>} : memref<2x128x64xf32, #tpu.memory_space<vmem>>, vector<16xf32>,
        %get3A_1417 = arith.constant 2 : i32
        %get3A_1418 = arith.index_cast %get3A_1417 : i32 to index
        %get3A_1419 = arith.index_cast %scan3A_1377 : i32 to index
        %get3A_1420 = arith.constant 48 : index
        %get3A_1421 = tpu.vector_load %arg6[%get3A_1418, %get3A_1419, %get3A_1420] {strides = array<i32>} : memref<4x128x128xf32, #tpu.memory_space<vmem>>, vector<16xf32>,
        %mul3A_1422 = arith.constant 1.000000e+00 : f32
        %mul3A_1423 = vector.broadcast %mul3A_1422 : f32 to vector<16xf32>
        %mul3A_1424 = arith.mulf %get3A_1421, %mul3A_1423 : vector<16xf32>
        %swap3A_1425 = arith.constant 0 : i32
        %swap3A_1426 = arith.index_cast %swap3A_1425 : i32 to index
        %swap3A_1427 = arith.index_cast %scan3A_1377 : i32 to index
        %swap3A_1428 = arith.constant 48 : index
        %swap3A_1429 = tpu.vector_load %arg7[%swap3A_1426, %swap3A_1427, %swap3A_1428] {strides = array<i32>} : memref<2x128x64xf32, #tpu.memory_space<vmem>>, vector<16xf32>,
        tpu.vector_store %arg7[%swap3A_1426, %swap3A_1427, %swap3A_1428], %mul3A_1424 {strides = array<i32>} : memref<2x128x64xf32, #tpu.memory_space<vmem>>, vector<16xf32>,
        %scan3A_1430 = arith.constant 6 : i32
        %scan3A_1431 = arith.addi %scan3A_1109, %scan3A_1430 : i32
        %get3A_1432 = arith.constant 2 : i32
        %get3A_1433 = arith.index_cast %get3A_1432 : i32 to index
        %get3A_1434 = arith.index_cast %scan3A_1431 : i32 to index
        %get3A_1435 = arith.constant 0 : index
        %get3A_1436 = tpu.vector_load %arg6[%get3A_1433, %get3A_1434, %get3A_1435] {strides = array<i32>} : memref<4x128x128xf32, #tpu.memory_space<vmem>>, vector<16xf32>,
        %mul3A_1437 = arith.constant 1.000000e+00 : f32
        %mul3A_1438 = vector.broadcast %mul3A_1437 : f32 to vector<16xf32>
        %mul3A_1439 = arith.mulf %get3A_1436, %mul3A_1438 : vector<16xf32>
        %swap3A_1440 = arith.constant 0 : i32
        %swap3A_1441 = arith.index_cast %swap3A_1440 : i32 to index
        %swap3A_1442 = arith.index_cast %scan3A_1431 : i32 to index
        %swap3A_1443 = arith.constant 0 : index
        %swap3A_1444 = tpu.vector_load %arg7[%swap3A_1441, %swap3A_1442, %swap3A_1443] {strides = array<i32>} : memref<2x128x64xf32, #tpu.memory_space<vmem>>, vector<16xf32>,
        tpu.vector_store %arg7[%swap3A_1441, %swap3A_1442, %swap3A_1443], %mul3A_1439 {strides = array<i32>} : memref<2x128x64xf32, #tpu.memory_space<vmem>>, vector<16xf32>,
        %get3A_1445 = arith.constant 2 : i32
        %get3A_1446 = arith.index_cast %get3A_1445 : i32 to index
        %get3A_1447 = arith.index_cast %scan3A_1431 : i32 to index
        %get3A_1448 = arith.constant 16 : index
        %get3A_1449 = tpu.vector_load %arg6[%get3A_1446, %get3A_1447, %get3A_1448] {strides = array<i32>} : memref<4x128x128xf32, #tpu.memory_space<vmem>>, vector<16xf32>,
        %mul3A_1450 = arith.constant 1.000000e+00 : f32
        %mul3A_1451 = vector.broadcast %mul3A_1450 : f32 to vector<16xf32>
        %mul3A_1452 = arith.mulf %get3A_1449, %mul3A_1451 : vector<16xf32>
        %swap3A_1453 = arith.constant 0 : i32
        %swap3A_1454 = arith.index_cast %swap3A_1453 : i32 to index
        %swap3A_1455 = arith.index_cast %scan3A_1431 : i32 to index
        %swap3A_1456 = arith.constant 16 : index
        %swap3A_1457 = tpu.vector_load %arg7[%swap3A_1454, %swap3A_1455, %swap3A_1456] {strides = array<i32>} : memref<2x128x64xf32, #tpu.memory_space<vmem>>, vector<16xf32>,
        tpu.vector_store %arg7[%swap3A_1454, %swap3A_1455, %swap3A_1456], %mul3A_1452 {strides = array<i32>} : memref<2x128x64xf32, #tpu.memory_space<vmem>>, vector<16xf32>,
        %get3A_1458 = arith.constant 2 : i32
        %get3A_1459 = arith.index_cast %get3A_1458 : i32 to index
        %get3A_1460 = arith.index_cast %scan3A_1431 : i32 to index
        %get3A_1461 = arith.constant 32 : index
        %get3A_1462 = tpu.vector_load %arg6[%get3A_1459, %get3A_1460, %get3A_1461] {strides = array<i32>} : memref<4x128x128xf32, #tpu.memory_space<vmem>>, vector<16xf32>,
        %mul3A_1463 = arith.constant 1.000000e+00 : f32
        %mul3A_1464 = vector.broadcast %mul3A_1463 : f32 to vector<16xf32>
        %mul3A_1465 = arith.mulf %get3A_1462, %mul3A_1464 : vector<16xf32>
        %swap3A_1466 = arith.constant 0 : i32
        %swap3A_1467 = arith.index_cast %swap3A_1466 : i32 to index
        %swap3A_1468 = arith.index_cast %scan3A_1431 : i32 to index
        %swap3A_1469 = arith.constant 32 : index
        %swap3A_1470 = tpu.vector_load %arg7[%swap3A_1467, %swap3A_1468, %swap3A_1469] {strides = array<i32>} : memref<2x128x64xf32, #tpu.memory_space<vmem>>, vector<16xf32>,
        tpu.vector_store %arg7[%swap3A_1467, %swap3A_1468, %swap3A_1469], %mul3A_1465 {strides = array<i32>} : memref<2x128x64xf32, #tpu.memory_space<vmem>>, vector<16xf32>,
        %get3A_1471 = arith.constant 2 : i32
        %get3A_1472 = arith.index_cast %get3A_1471 : i32 to index
        %get3A_1473 = arith.index_cast %scan3A_1431 : i32 to index
        %get3A_1474 = arith.constant 48 : index
        %get3A_1475 = tpu.vector_load %arg6[%get3A_1472, %get3A_1473, %get3A_1474] {strides = array<i32>} : memref<4x128x128xf32, #tpu.memory_space<vmem>>, vector<16xf32>,
        %mul3A_1476 = arith.constant 1.000000e+00 : f32
        %mul3A_1477 = vector.broadcast %mul3A_1476 : f32 to vector<16xf32>
        %mul3A_1478 = arith.mulf %get3A_1475, %mul3A_1477 : vector<16xf32>
        %swap3A_1479 = arith.constant 0 : i32
        %swap3A_1480 = arith.index_cast %swap3A_1479 : i32 to index
        %swap3A_1481 = arith.index_cast %scan3A_1431 : i32 to index
        %swap3A_1482 = arith.constant 48 : index
        %swap3A_1483 = tpu.vector_load %arg7[%swap3A_1480, %swap3A_1481, %swap3A_1482] {strides = array<i32>} : memref<2x128x64xf32, #tpu.memory_space<vmem>>, vector<16xf32>,
        tpu.vector_store %arg7[%swap3A_1480, %swap3A_1481, %swap3A_1482], %mul3A_1478 {strides = array<i32>} : memref<2x128x64xf32, #tpu.memory_space<vmem>>, vector<16xf32>,
        %scan3A_1484 = arith.constant 7 : i32
        %scan3A_1485 = arith.addi %scan3A_1109, %scan3A_1484 : i32
        %get3A_1486 = arith.constant 2 : i32
        %get3A_1487 = arith.index_cast %get3A_1486 : i32 to index
        %get3A_1488 = arith.index_cast %scan3A_1485 : i32 to index
        %get3A_1489 = arith.constant 0 : index
        %get3A_1490 = tpu.vector_load %arg6[%get3A_1487, %get3A_1488, %get3A_1489] {strides = array<i32>} : memref<4x128x128xf32, #tpu.memory_space<vmem>>, vector<16xf32>,
        %mul3A_1491 = arith.constant 1.000000e+00 : f32
        %mul3A_1492 = vector.broadcast %mul3A_1491 : f32 to vector<16xf32>
        %mul3A_1493 = arith.mulf %get3A_1490, %mul3A_1492 : vector<16xf32>
        %swap3A_1494 = arith.constant 0 : i32
        %swap3A_1495 = arith.index_cast %swap3A_1494 : i32 to index
        %swap3A_1496 = arith.index_cast %scan3A_1485 : i32 to index
        %swap3A_1497 = arith.constant 0 : index
        %swap3A_1498 = tpu.vector_load %arg7[%swap3A_1495, %swap3A_1496, %swap3A_1497] {strides = array<i32>} : memref<2x128x64xf32, #tpu.memory_space<vmem>>, vector<16xf32>,
        tpu.vector_store %arg7[%swap3A_1495, %swap3A_1496, %swap3A_1497], %mul3A_1493 {strides = array<i32>} : memref<2x128x64xf32, #tpu.memory_space<vmem>>, vector<16xf32>,
        %get3A_1499 = arith.constant 2 : i32
        %get3A_1500 = arith.index_cast %get3A_1499 : i32 to index
        %get3A_1501 = arith.index_cast %scan3A_1485 : i32 to index
        %get3A_1502 = arith.constant 16 : index
        %get3A_1503 = tpu.vector_load %arg6[%get3A_1500, %get3A_1501, %get3A_1502] {strides = array<i32>} : memref<4x128x128xf32, #tpu.memory_space<vmem>>, vector<16xf32>,
        %mul3A_1504 = arith.constant 1.000000e+00 : f32
        %mul3A_1505 = vector.broadcast %mul3A_1504 : f32 to vector<16xf32>
        %mul3A_1506 = arith.mulf %get3A_1503, %mul3A_1505 : vector<16xf32>
        %swap3A_1507 = arith.constant 0 : i32
        %swap3A_1508 = arith.index_cast %swap3A_1507 : i32 to index
        %swap3A_1509 = arith.index_cast %scan3A_1485 : i32 to index
        %swap3A_1510 = arith.constant 16 : index
        %swap3A_1511 = tpu.vector_load %arg7[%swap3A_1508, %swap3A_1509, %swap3A_1510] {strides = array<i32>} : memref<2x128x64xf32, #tpu.memory_space<vmem>>, vector<16xf32>,
        tpu.vector_store %arg7[%swap3A_1508, %swap3A_1509, %swap3A_1510], %mul3A_1506 {strides = array<i32>} : memref<2x128x64xf32, #tpu.memory_space<vmem>>, vector<16xf32>,
        %get3A_1512 = arith.constant 2 : i32
        %get3A_1513 = arith.index_cast %get3A_1512 : i32 to index
        %get3A_1514 = arith.index_cast %scan3A_1485 : i32 to index
        %get3A_1515 = arith.constant 32 : index
        %get3A_1516 = tpu.vector_load %arg6[%get3A_1513, %get3A_1514, %get3A_1515] {strides = array<i32>} : memref<4x128x128xf32, #tpu.memory_space<vmem>>, vector<16xf32>,
        %mul3A_1517 = arith.constant 1.000000e+00 : f32
        %mul3A_1518 = vector.broadcast %mul3A_1517 : f32 to vector<16xf32>
        %mul3A_1519 = arith.mulf %get3A_1516, %mul3A_1518 : vector<16xf32>
        %swap3A_1520 = arith.constant 0 : i32
        %swap3A_1521 = arith.index_cast %swap3A_1520 : i32 to index
        %swap3A_1522 = arith.index_cast %scan3A_1485 : i32 to index
        %swap3A_1523 = arith.constant 32 : index
        %swap3A_1524 = tpu.vector_load %arg7[%swap3A_1521, %swap3A_1522, %swap3A_1523] {strides = array<i32>} : memref<2x128x64xf32, #tpu.memory_space<vmem>>, vector<16xf32>,
        tpu.vector_store %arg7[%swap3A_1521, %swap3A_1522, %swap3A_1523], %mul3A_1519 {strides = array<i32>} : memref<2x128x64xf32, #tpu.memory_space<vmem>>, vector<16xf32>,
        %get3A_1525 = arith.constant 2 : i32
        %get3A_1526 = arith.index_cast %get3A_1525 : i32 to index
        %get3A_1527 = arith.index_cast %scan3A_1485 : i32 to index
        %get3A_1528 = arith.constant 48 : index
        %get3A_1529 = tpu.vector_load %arg6[%get3A_1526, %get3A_1527, %get3A_1528] {strides = array<i32>} : memref<4x128x128xf32, #tpu.memory_space<vmem>>, vector<16xf32>,
        %mul3A_1530 = arith.constant 1.000000e+00 : f32
        %mul3A_1531 = vector.broadcast %mul3A_1530 : f32 to vector<16xf32>
        %mul3A_1532 = arith.mulf %get3A_1529, %mul3A_1531 : vector<16xf32>
        %swap3A_1533 = arith.constant 0 : i32
        %swap3A_1534 = arith.index_cast %swap3A_1533 : i32 to index
        %swap3A_1535 = arith.index_cast %scan3A_1485 : i32 to index
        %swap3A_1536 = arith.constant 48 : index
        %swap3A_1537 = tpu.vector_load %arg7[%swap3A_1534, %swap3A_1535, %swap3A_1536] {strides = array<i32>} : memref<2x128x64xf32, #tpu.memory_space<vmem>>, vector<16xf32>,
        tpu.vector_store %arg7[%swap3A_1534, %swap3A_1535, %swap3A_1536], %mul3A_1532 {strides = array<i32>} : memref<2x128x64xf32, #tpu.memory_space<vmem>>, vector<16xf32>,
      }
      %scan3A_990 = arith.constant 128 : i32
      %mul3A_991 = arith.constant 128 : i32
      %mul3A_992 = arith.muli %add3A_916, %mul3A_991 : i32
      %add3A_993 = arith.addi %mul3A_4, %mul3A_992 : i32
      %dma_start3A_994 = arith.constant 0 : i32
      %dma_start3A_995 = arith.constant 0 : i32
      %dma_start3A_996 = arith.constant 0 : i32
      %dma_start3A_997 = tpu.memref_slice %arg7[%dma_start3A_994, %dma_start3A_995, %dma_start3A_996] : memref<2x128x64xf32, #tpu.memory_space<vmem>> -> memref<1x128x64xf32, #tpu.memory_space<vmem>>
      %dma_start3A_998 = tpu.memref_squeeze %dma_start3A_997 : memref<1x128x64xf32, #tpu.memory_space<vmem>> -> memref<128x64xf32, #tpu.memory_space<vmem>>
      %dma_start3A_999 = arith.constant 0 : i32
      %dma_start3A_1000 = tpu.memref_slice %arg4[%add3A_993, %dma_start3A_999] : memref<819200x64xf32, #tpu.memory_space<hbm>> -> memref<128x64xf32, #tpu.memory_space<hbm>>
      %dma_start3A_1001 = arith.constant 0 : i32
      %dma_start3A_1002 = tpu.memref_slice %arg4[%add3A_993, %dma_start3A_1001] : memref<819200x64xf32, #tpu.memory_space<hbm>> -> memref<128x64xf32, #tpu.memory_space<hbm>>
      %dma_start3A_1003 = arith.constant 0 : i32
      %dma_start3A_1004 = arith.constant 0 : i32
      %dma_start3A_1005 = tpu.memref_slice %arg7[%dma_start3A_994, %dma_start3A_1003, %dma_start3A_1004] : memref<2x128x64xf32, #tpu.memory_space<vmem>> -> memref<1x128x64xf32, #tpu.memory_space<vmem>>
      %dma_start3A_1006 = tpu.memref_squeeze %dma_start3A_1005 : memref<1x128x64xf32, #tpu.memory_space<vmem>> -> memref<128x64xf32, #tpu.memory_space<vmem>>
      tpu.enqueue_dma source(%dma_start3A_1006 : memref<128x64xf32, #tpu.memory_space<vmem>>) target(%dma_start3A_1002 : memref<128x64xf32, #tpu.memory_space<hbm>>) target_semaphore(%arg12 : memref<!tpu.dma_semaphore, #tpu.memory_space<semaphore_mem>>)
      %lt3A_1007 = arith.constant 24 : i32
      %lt3A_1008 = arith.cmpi slt, %scan3A_109, %lt3A_1007 : i32
      %convert_element_type3A_1009 = arith.extui %lt3A_1008 : i1 to i32
      %cond3A_1010 = arith.constant 0 : i32
      %cond3A_1011 = arith.cmpi ne, %convert_element_type3A_1009, %cond3A_1010 : i32
      scf.if %cond3A_1011 {
        %add3A_1109 = arith.constant 3 : i32
        %add3A_1110 = arith.addi %add3A_916, %add3A_1109 : i32
        %jit3A_1111 = arith.constant 8 : i32
        %div3A_1112 = arith.divsi %add3A_1110, %jit3A_1111 : i32
        %sign3A_1113 = arith.constant 0 : i32
        %sign3A_1114 = arith.cmpi sgt, %add3A_1110, %sign3A_1113 : i32
        %sign3A_1115 = arith.extui %sign3A_1114 : i1 to i32
        %sign3A_1116 = arith.constant 0 : i32
        %sign3A_1117 = arith.cmpi slt, %add3A_1110, %sign3A_1116 : i32
        %sign3A_1118 = arith.extui %sign3A_1117 : i1 to i32
        %sign3A_1119 = arith.subi %sign3A_1115, %sign3A_1118 : i32
        %sign3A_1120 = arith.constant 0 : i32
        %sign3A_1121 = arith.cmpi sgt, %jit3A_1111, %sign3A_1120 : i32
        %sign3A_1122 = arith.extui %sign3A_1121 : i1 to i32
        %sign3A_1123 = arith.constant 0 : i32
        %sign3A_1124 = arith.cmpi slt, %jit3A_1111, %sign3A_1123 : i32
        %sign3A_1125 = arith.extui %sign3A_1124 : i1 to i32
        %sign3A_1126 = arith.subi %sign3A_1122, %sign3A_1125 : i32
        %ne3A_1127 = arith.cmpi ne, %sign3A_1119, %sign3A_1126 : i32
        %rem3A_1128 = arith.remsi %add3A_1110, %jit3A_1111 : i32
        %ne3A_1129 = arith.constant 0 : i32
        %ne3A_1130 = arith.cmpi ne, %rem3A_1128, %ne3A_1129 : i32
        %and3A_1131 = arith.andi %ne3A_1127, %ne3A_1130 : i1
        %sub3A_1132 = arith.constant 1 : i32
        %sub3A_1133 = arith.subi %div3A_1112, %sub3A_1132 : i32
        %select_n3A_1134 = arith.select %and3A_1131, %sub3A_1133, %div3A_1112 : i32
        %jit3A_1135 = arith.constant 2 : i32
        %eq3A_1136 = arith.constant 0 : i32
        %eq3A_1137 = arith.cmpi eq, %jit3A_1135, %eq3A_1136 : i32
        %jit3A_1138 = arith.constant 1 : i32
        %select_n3A_1139 = arith.select %eq3A_1137, %jit3A_1138, %jit3A_1135 : i32
        %rem3A_1140 = arith.remsi %select_n3A_1134, %select_n3A_1139 : i32
        %ne3A_1141 = arith.constant 0 : i32
        %ne3A_1142 = arith.cmpi ne, %rem3A_1140, %ne3A_1141 : i32
        %lt3A_1143 = arith.constant 0 : i32
        %lt3A_1144 = arith.cmpi slt, %rem3A_1140, %lt3A_1143 : i32
        %lt3A_1145 = arith.constant 0 : i32
        %lt3A_1146 = arith.cmpi slt, %select_n3A_1139, %lt3A_1145 : i32
        %ne3A_1147 = arith.xori %lt3A_1144, %lt3A_1146 : i1
        %and3A_1148 = arith.andi %ne3A_1147, %ne3A_1142 : i1
        %add3A_1149 = arith.addi %rem3A_1140, %select_n3A_1139 : i32
        %select_n3A_1150 = arith.select %and3A_1148, %add3A_1149, %rem3A_1140 : i32
        %dma_start3A_1151 = arith.constant 1 : i32
        %dma_start3A_1152 = arith.constant 1 : i32
        %dma_start3A_1153 = arith.constant 0 : i32
        %dma_start3A_1154 = arith.constant 0 : i32
        %dma_start3A_1155 = tpu.memref_slice %arg6[%dma_start3A_1152, %dma_start3A_1153, %dma_start3A_1154] : memref<4x128x128xf32, #tpu.memory_space<vmem>> -> memref<1x128x128xf32, #tpu.memory_space<vmem>>
        %dma_start3A_1156 = tpu.memref_squeeze %dma_start3A_1155 : memref<1x128x128xf32, #tpu.memory_space<vmem>> -> memref<128x128xf32, #tpu.memory_space<vmem>>
        %dma_start3A_1157 = arith.constant 0 : i32
        %dma_start3A_1158 = tpu.memref_slice %arg5[%select_n3A_1150, %dma_start3A_1151, %dma_start3A_1157] : memref<2x8x128xi32, #tpu.memory_space<vmem>> -> memref<1x1x128xi32, #tpu.memory_space<vmem>>
        %dma_start3A_1159 = tpu.memref_squeeze %dma_start3A_1158 : memref<1x1x128xi32, #tpu.memory_space<vmem>> -> memref<128xi32, #tpu.memory_space<vmem>>
        %dma_start3A_1160 = arith.constant 0 : i32
        %dma_start3A_1161 = arith.constant 0 : i32
        %dma_start3A_1162 = tpu.memref_slice %arg2[%dma_start3A_1160, %dma_start3A_1161] : memref<1000000x128xf32, #tpu.memory_space<hbm>> -> memref<1000000x128xf32, #tpu.memory_space<hbm>>
        tpu.enqueue_indirect_dma source(%dma_start3A_1162 : memref<1000000x128xf32, #tpu.memory_space<hbm>>) target(%dma_start3A_1156 : memref<128x128xf32, #tpu.memory_space<vmem>>) offsets(%dma_start3A_1159 : memref<128xi32, #tpu.memory_space<vmem>>) semaphore(%arg9 : memref<!tpu.dma_semaphore, #tpu.memory_space<semaphore_mem>>)
      } else {
      }
      %add3A_1012 = arith.constant 7 : i32
      %add3A_1013 = arith.addi %mul3A_113, %add3A_1012 : i32
      %jit3A_1014 = arith.constant 8 : i32
      %div3A_1015 = arith.divsi %add3A_1013, %jit3A_1014 : i32
      %sign3A_1016 = arith.constant 0 : i32
      %sign3A_1017 = arith.cmpi sgt, %add3A_1013, %sign3A_1016 : i32
      %sign3A_1018 = arith.extui %sign3A_1017 : i1 to i32
      %sign3A_1019 = arith.constant 0 : i32
      %sign3A_1020 = arith.cmpi slt, %add3A_1013, %sign3A_1019 : i32
      %sign3A_1021 = arith.extui %sign3A_1020 : i1 to i32
      %sign3A_1022 = arith.subi %sign3A_1018, %sign3A_1021 : i32
      %sign3A_1023 = arith.constant 0 : i32
      %sign3A_1024 = arith.cmpi sgt, %jit3A_1014, %sign3A_1023 : i32
      %sign3A_1025 = arith.extui %sign3A_1024 : i1 to i32
      %sign3A_1026 = arith.constant 0 : i32
      %sign3A_1027 = arith.cmpi slt, %jit3A_1014, %sign3A_1026 : i32
      %sign3A_1028 = arith.extui %sign3A_1027 : i1 to i32
      %sign3A_1029 = arith.subi %sign3A_1025, %sign3A_1028 : i32
      %ne3A_1030 = arith.cmpi ne, %sign3A_1022, %sign3A_1029 : i32
      %rem3A_1031 = arith.remsi %add3A_1013, %jit3A_1014 : i32
      %ne3A_1032 = arith.constant 0 : i32
      %ne3A_1033 = arith.cmpi ne, %rem3A_1031, %ne3A_1032 : i32
      %and3A_1034 = arith.andi %ne3A_1030, %ne3A_1033 : i1
      %sub3A_1035 = arith.constant 1 : i32
      %sub3A_1036 = arith.subi %div3A_1015, %sub3A_1035 : i32
      %select_n3A_1037 = arith.select %and3A_1034, %sub3A_1036, %div3A_1015 : i32
      %jit3A_1038 = arith.constant 2 : i32
      %eq3A_1039 = arith.constant 0 : i32
      %eq3A_1040 = arith.cmpi eq, %jit3A_1038, %eq3A_1039 : i32
      %jit3A_1041 = arith.constant 1 : i32
      %select_n3A_1042 = arith.select %eq3A_1040, %jit3A_1041, %jit3A_1038 : i32
      %rem3A_1043 = arith.remsi %select_n3A_1037, %select_n3A_1042 : i32
      %ne3A_1044 = arith.constant 0 : i32
      %ne3A_1045 = arith.cmpi ne, %rem3A_1043, %ne3A_1044 : i32
      %lt3A_1046 = arith.constant 0 : i32
      %lt3A_1047 = arith.cmpi slt, %rem3A_1043, %lt3A_1046 : i32
      %lt3A_1048 = arith.constant 0 : i32
      %lt3A_1049 = arith.cmpi slt, %select_n3A_1042, %lt3A_1048 : i32
      %ne3A_1050 = arith.xori %lt3A_1047, %lt3A_1049 : i1
      %and3A_1051 = arith.andi %ne3A_1050, %ne3A_1045 : i1
      %add3A_1052 = arith.addi %rem3A_1043, %select_n3A_1042 : i32
      %select_n3A_1053 = arith.select %and3A_1051, %add3A_1052, %rem3A_1043 : i32
      %dma_wait3A_1054 = arith.constant 3 : i32
      %dma_wait3A_1055 = arith.constant 0 : i32
      %dma_wait3A_1056 = arith.constant 0 : i32
      %dma_wait3A_1057 = tpu.memref_slice %arg6[%dma_wait3A_1054, %dma_wait3A_1055, %dma_wait3A_1056] : memref<4x128x128xf32, #tpu.memory_space<vmem>> -> memref<1x128x128xf32, #tpu.memory_space<vmem>>
      %dma_wait3A_1058 = tpu.memref_squeeze %dma_wait3A_1057 : memref<1x128x128xf32, #tpu.memory_space<vmem>> -> memref<128x128xf32, #tpu.memory_space<vmem>>
      %dma_wait3A_1059 = arith.constant 0 : i32
      %dma_wait3A_1060 = arith.constant 0 : i32
      %dma_wait3A_1061 = tpu.memref_slice %arg2[%dma_wait3A_1059, %dma_wait3A_1060] : memref<1000000x128xf32, #tpu.memory_space<hbm>> -> memref<128x128xf32, #tpu.memory_space<hbm>>
      %dma_wait3A_1062 = arith.constant 0 : i32
      %dma_wait3A_1063 = arith.constant 0 : i32
      %dma_wait3A_1064 = tpu.memref_slice %arg6[%dma_wait3A_1054, %dma_wait3A_1062, %dma_wait3A_1063] : memref<4x128x128xf32, #tpu.memory_space<vmem>> -> memref<1x128x128xf32, #tpu.memory_space<vmem>>
      %dma_wait3A_1065 = tpu.memref_squeeze %dma_wait3A_1064 : memref<1x128x128xf32, #tpu.memory_space<vmem>> -> memref<128x128xf32, #tpu.memory_space<vmem>>
      %dma_wait3A_1066 = arith.constant 0 : i32
      %dma_wait3A_1067 = arith.constant 0 : i32
      %dma_wait3A_1068 = tpu.memref_slice %arg2[%dma_wait3A_1066, %dma_wait3A_1067] : memref<1000000x128xf32, #tpu.memory_space<hbm>> -> memref<128x128xf32, #tpu.memory_space<hbm>>
      tpu.wait_dma2 semaphore(%arg11 : memref<!tpu.dma_semaphore, #tpu.memory_space<semaphore_mem>>) src(%dma_wait3A_1068 : memref<128x128xf32, #tpu.memory_space<hbm>>) dst(%dma_wait3A_1065 : memref<128x128xf32, #tpu.memory_space<vmem>>)
      %dma_wait3A_1069 = arith.constant 1 : i32
      %dma_wait3A_1070 = arith.constant 0 : i32
      %dma_wait3A_1071 = arith.constant 0 : i32
      %dma_wait3A_1072 = tpu.memref_slice %arg7[%dma_wait3A_1069, %dma_wait3A_1070, %dma_wait3A_1071] : memref<2x128x64xf32, #tpu.memory_space<vmem>> -> memref<1x128x64xf32, #tpu.memory_space<vmem>>
      %dma_wait3A_1073 = tpu.memref_squeeze %dma_wait3A_1072 : memref<1x128x64xf32, #tpu.memory_space<vmem>> -> memref<128x64xf32, #tpu.memory_space<vmem>>
      %dma_wait3A_1074 = arith.constant 0 : i32
      %dma_wait3A_1075 = tpu.memref_slice %arg4[%mul3A_4, %dma_wait3A_1074] : memref<819200x64xf32, #tpu.memory_space<hbm>> -> memref<128x64xf32, #tpu.memory_space<hbm>>
      %dma_wait3A_1076 = arith.constant 0 : i32
      %dma_wait3A_1077 = tpu.memref_slice %arg4[%mul3A_4, %dma_wait3A_1076] : memref<819200x64xf32, #tpu.memory_space<hbm>> -> memref<128x64xf32, #tpu.memory_space<hbm>>
      %dma_wait3A_1078 = arith.constant 0 : i32
      %dma_wait3A_1079 = arith.constant 0 : i32
      %dma_wait3A_1080 = tpu.memref_slice %arg7[%dma_wait3A_1069, %dma_wait3A_1078, %dma_wait3A_1079] : memref<2x128x64xf32, #tpu.memory_space<vmem>> -> memref<1x128x64xf32, #tpu.memory_space<vmem>>
      %dma_wait3A_1081 = tpu.memref_squeeze %dma_wait3A_1080 : memref<1x128x64xf32, #tpu.memory_space<vmem>> -> memref<128x64xf32, #tpu.memory_space<vmem>>
      tpu.wait_dma2 semaphore(%arg13 : memref<!tpu.dma_semaphore, #tpu.memory_space<semaphore_mem>>) src(%dma_wait3A_1081 : memref<128x64xf32, #tpu.memory_space<vmem>>) dst(%dma_wait3A_1077 : memref<128x64xf32, #tpu.memory_space<hbm>>)
      %scan3A_1082 = arith.constant 0 : i32
      %scan3A_1083 = arith.constant 0 : i32
      %scan3A_1084 = arith.constant 128 : i32
      %scan3A_1085 = arith.addi %scan3A_1083, %scan3A_1084 : i32
      %scan3A_1086 = arith.constant 8 : i32
      scf.for %scan3A_1109 = %scan3A_1083 to %scan3A_1085 step %scan3A_1086  : i32 {
        %get3A = arith.constant 3 : i32
        %get3A_1110 = arith.index_cast %get3A : i32 to index
        %get3A_1111 = arith.index_cast %scan3A_1109 : i32 to index
        %get3A_1112 = arith.constant 0 : index
        %get3A_1113 = tpu.vector_load %arg6[%get3A_1110, %get3A_1111, %get3A_1112] {strides = array<i32>} : memref<4x128x128xf32, #tpu.memory_space<vmem>>, vector<16xf32>,
        %mul3A_1114 = arith.constant 1.000000e+00 : f32
        %mul3A_1115 = vector.broadcast %mul3A_1114 : f32 to vector<16xf32>
        %mul3A_1116 = arith.mulf %get3A_1113, %mul3A_1115 : vector<16xf32>
        %swap3A = arith.constant 1 : i32
        %swap3A_1117 = arith.index_cast %swap3A : i32 to index
        %swap3A_1118 = arith.index_cast %scan3A_1109 : i32 to index
        %swap3A_1119 = arith.constant 0 : index
        %swap3A_1120 = tpu.vector_load %arg7[%swap3A_1117, %swap3A_1118, %swap3A_1119] {strides = array<i32>} : memref<2x128x64xf32, #tpu.memory_space<vmem>>, vector<16xf32>,
        tpu.vector_store %arg7[%swap3A_1117, %swap3A_1118, %swap3A_1119], %mul3A_1116 {strides = array<i32>} : memref<2x128x64xf32, #tpu.memory_space<vmem>>, vector<16xf32>,
        %get3A_1121 = arith.constant 3 : i32
        %get3A_1122 = arith.index_cast %get3A_1121 : i32 to index
        %get3A_1123 = arith.index_cast %scan3A_1109 : i32 to index
        %get3A_1124 = arith.constant 16 : index
        %get3A_1125 = tpu.vector_load %arg6[%get3A_1122, %get3A_1123, %get3A_1124] {strides = array<i32>} : memref<4x128x128xf32, #tpu.memory_space<vmem>>, vector<16xf32>,
        %mul3A_1126 = arith.constant 1.000000e+00 : f32
        %mul3A_1127 = vector.broadcast %mul3A_1126 : f32 to vector<16xf32>
        %mul3A_1128 = arith.mulf %get3A_1125, %mul3A_1127 : vector<16xf32>
        %swap3A_1129 = arith.constant 1 : i32
        %swap3A_1130 = arith.index_cast %swap3A_1129 : i32 to index
        %swap3A_1131 = arith.index_cast %scan3A_1109 : i32 to index
        %swap3A_1132 = arith.constant 16 : index
        %swap3A_1133 = tpu.vector_load %arg7[%swap3A_1130, %swap3A_1131, %swap3A_1132] {strides = array<i32>} : memref<2x128x64xf32, #tpu.memory_space<vmem>>, vector<16xf32>,
        tpu.vector_store %arg7[%swap3A_1130, %swap3A_1131, %swap3A_1132], %mul3A_1128 {strides = array<i32>} : memref<2x128x64xf32, #tpu.memory_space<vmem>>, vector<16xf32>,
        %get3A_1134 = arith.constant 3 : i32
        %get3A_1135 = arith.index_cast %get3A_1134 : i32 to index
        %get3A_1136 = arith.index_cast %scan3A_1109 : i32 to index
        %get3A_1137 = arith.constant 32 : index
        %get3A_1138 = tpu.vector_load %arg6[%get3A_1135, %get3A_1136, %get3A_1137] {strides = array<i32>} : memref<4x128x128xf32, #tpu.memory_space<vmem>>, vector<16xf32>,
        %mul3A_1139 = arith.constant 1.000000e+00 : f32
        %mul3A_1140 = vector.broadcast %mul3A_1139 : f32 to vector<16xf32>
        %mul3A_1141 = arith.mulf %get3A_1138, %mul3A_1140 : vector<16xf32>
        %swap3A_1142 = arith.constant 1 : i32
        %swap3A_1143 = arith.index_cast %swap3A_1142 : i32 to index
        %swap3A_1144 = arith.index_cast %scan3A_1109 : i32 to index
        %swap3A_1145 = arith.constant 32 : index
        %swap3A_1146 = tpu.vector_load %arg7[%swap3A_1143, %swap3A_1144, %swap3A_1145] {strides = array<i32>} : memref<2x128x64xf32, #tpu.memory_space<vmem>>, vector<16xf32>,
        tpu.vector_store %arg7[%swap3A_1143, %swap3A_1144, %swap3A_1145], %mul3A_1141 {strides = array<i32>} : memref<2x128x64xf32, #tpu.memory_space<vmem>>, vector<16xf32>,
        %get3A_1147 = arith.constant 3 : i32
        %get3A_1148 = arith.index_cast %get3A_1147 : i32 to index
        %get3A_1149 = arith.index_cast %scan3A_1109 : i32 to index
        %get3A_1150 = arith.constant 48 : index
        %get3A_1151 = tpu.vector_load %arg6[%get3A_1148, %get3A_1149, %get3A_1150] {strides = array<i32>} : memref<4x128x128xf32, #tpu.memory_space<vmem>>, vector<16xf32>,
        %mul3A_1152 = arith.constant 1.000000e+00 : f32
        %mul3A_1153 = vector.broadcast %mul3A_1152 : f32 to vector<16xf32>
        %mul3A_1154 = arith.mulf %get3A_1151, %mul3A_1153 : vector<16xf32>
        %swap3A_1155 = arith.constant 1 : i32
        %swap3A_1156 = arith.index_cast %swap3A_1155 : i32 to index
        %swap3A_1157 = arith.index_cast %scan3A_1109 : i32 to index
        %swap3A_1158 = arith.constant 48 : index
        %swap3A_1159 = tpu.vector_load %arg7[%swap3A_1156, %swap3A_1157, %swap3A_1158] {strides = array<i32>} : memref<2x128x64xf32, #tpu.memory_space<vmem>>, vector<16xf32>,
        tpu.vector_store %arg7[%swap3A_1156, %swap3A_1157, %swap3A_1158], %mul3A_1154 {strides = array<i32>} : memref<2x128x64xf32, #tpu.memory_space<vmem>>, vector<16xf32>,
        %scan3A_1160 = arith.constant 1 : i32
        %scan3A_1161 = arith.addi %scan3A_1109, %scan3A_1160 : i32
        %get3A_1162 = arith.constant 3 : i32
        %get3A_1163 = arith.index_cast %get3A_1162 : i32 to index
        %get3A_1164 = arith.index_cast %scan3A_1161 : i32 to index
        %get3A_1165 = arith.constant 0 : index
        %get3A_1166 = tpu.vector_load %arg6[%get3A_1163, %get3A_1164, %get3A_1165] {strides = array<i32>} : memref<4x128x128xf32, #tpu.memory_space<vmem>>, vector<16xf32>,
        %mul3A_1167 = arith.constant 1.000000e+00 : f32
        %mul3A_1168 = vector.broadcast %mul3A_1167 : f32 to vector<16xf32>
        %mul3A_1169 = arith.mulf %get3A_1166, %mul3A_1168 : vector<16xf32>
        %swap3A_1170 = arith.constant 1 : i32
        %swap3A_1171 = arith.index_cast %swap3A_1170 : i32 to index
        %swap3A_1172 = arith.index_cast %scan3A_1161 : i32 to index
        %swap3A_1173 = arith.constant 0 : index
        %swap3A_1174 = tpu.vector_load %arg7[%swap3A_1171, %swap3A_1172, %swap3A_1173] {strides = array<i32>} : memref<2x128x64xf32, #tpu.memory_space<vmem>>, vector<16xf32>,
        tpu.vector_store %arg7[%swap3A_1171, %swap3A_1172, %swap3A_1173], %mul3A_1169 {strides = array<i32>} : memref<2x128x64xf32, #tpu.memory_space<vmem>>, vector<16xf32>,
        %get3A_1175 = arith.constant 3 : i32
        %get3A_1176 = arith.index_cast %get3A_1175 : i32 to index
        %get3A_1177 = arith.index_cast %scan3A_1161 : i32 to index
        %get3A_1178 = arith.constant 16 : index
        %get3A_1179 = tpu.vector_load %arg6[%get3A_1176, %get3A_1177, %get3A_1178] {strides = array<i32>} : memref<4x128x128xf32, #tpu.memory_space<vmem>>, vector<16xf32>,
        %mul3A_1180 = arith.constant 1.000000e+00 : f32
        %mul3A_1181 = vector.broadcast %mul3A_1180 : f32 to vector<16xf32>
        %mul3A_1182 = arith.mulf %get3A_1179, %mul3A_1181 : vector<16xf32>
        %swap3A_1183 = arith.constant 1 : i32
        %swap3A_1184 = arith.index_cast %swap3A_1183 : i32 to index
        %swap3A_1185 = arith.index_cast %scan3A_1161 : i32 to index
        %swap3A_1186 = arith.constant 16 : index
        %swap3A_1187 = tpu.vector_load %arg7[%swap3A_1184, %swap3A_1185, %swap3A_1186] {strides = array<i32>} : memref<2x128x64xf32, #tpu.memory_space<vmem>>, vector<16xf32>,
        tpu.vector_store %arg7[%swap3A_1184, %swap3A_1185, %swap3A_1186], %mul3A_1182 {strides = array<i32>} : memref<2x128x64xf32, #tpu.memory_space<vmem>>, vector<16xf32>,
        %get3A_1188 = arith.constant 3 : i32
        %get3A_1189 = arith.index_cast %get3A_1188 : i32 to index
        %get3A_1190 = arith.index_cast %scan3A_1161 : i32 to index
        %get3A_1191 = arith.constant 32 : index
        %get3A_1192 = tpu.vector_load %arg6[%get3A_1189, %get3A_1190, %get3A_1191] {strides = array<i32>} : memref<4x128x128xf32, #tpu.memory_space<vmem>>, vector<16xf32>,
        %mul3A_1193 = arith.constant 1.000000e+00 : f32
        %mul3A_1194 = vector.broadcast %mul3A_1193 : f32 to vector<16xf32>
        %mul3A_1195 = arith.mulf %get3A_1192, %mul3A_1194 : vector<16xf32>
        %swap3A_1196 = arith.constant 1 : i32
        %swap3A_1197 = arith.index_cast %swap3A_1196 : i32 to index
        %swap3A_1198 = arith.index_cast %scan3A_1161 : i32 to index
        %swap3A_1199 = arith.constant 32 : index
        %swap3A_1200 = tpu.vector_load %arg7[%swap3A_1197, %swap3A_1198, %swap3A_1199] {strides = array<i32>} : memref<2x128x64xf32, #tpu.memory_space<vmem>>, vector<16xf32>,
        tpu.vector_store %arg7[%swap3A_1197, %swap3A_1198, %swap3A_1199], %mul3A_1195 {strides = array<i32>} : memref<2x128x64xf32, #tpu.memory_space<vmem>>, vector<16xf32>,
        %get3A_1201 = arith.constant 3 : i32
        %get3A_1202 = arith.index_cast %get3A_1201 : i32 to index
        %get3A_1203 = arith.index_cast %scan3A_1161 : i32 to index
        %get3A_1204 = arith.constant 48 : index
        %get3A_1205 = tpu.vector_load %arg6[%get3A_1202, %get3A_1203, %get3A_1204] {strides = array<i32>} : memref<4x128x128xf32, #tpu.memory_space<vmem>>, vector<16xf32>,
        %mul3A_1206 = arith.constant 1.000000e+00 : f32
        %mul3A_1207 = vector.broadcast %mul3A_1206 : f32 to vector<16xf32>
        %mul3A_1208 = arith.mulf %get3A_1205, %mul3A_1207 : vector<16xf32>
        %swap3A_1209 = arith.constant 1 : i32
        %swap3A_1210 = arith.index_cast %swap3A_1209 : i32 to index
        %swap3A_1211 = arith.index_cast %scan3A_1161 : i32 to index
        %swap3A_1212 = arith.constant 48 : index
        %swap3A_1213 = tpu.vector_load %arg7[%swap3A_1210, %swap3A_1211, %swap3A_1212] {strides = array<i32>} : memref<2x128x64xf32, #tpu.memory_space<vmem>>, vector<16xf32>,
        tpu.vector_store %arg7[%swap3A_1210, %swap3A_1211, %swap3A_1212], %mul3A_1208 {strides = array<i32>} : memref<2x128x64xf32, #tpu.memory_space<vmem>>, vector<16xf32>,
        %scan3A_1214 = arith.constant 2 : i32
        %scan3A_1215 = arith.addi %scan3A_1109, %scan3A_1214 : i32
        %get3A_1216 = arith.constant 3 : i32
        %get3A_1217 = arith.index_cast %get3A_1216 : i32 to index
        %get3A_1218 = arith.index_cast %scan3A_1215 : i32 to index
        %get3A_1219 = arith.constant 0 : index
        %get3A_1220 = tpu.vector_load %arg6[%get3A_1217, %get3A_1218, %get3A_1219] {strides = array<i32>} : memref<4x128x128xf32, #tpu.memory_space<vmem>>, vector<16xf32>,
        %mul3A_1221 = arith.constant 1.000000e+00 : f32
        %mul3A_1222 = vector.broadcast %mul3A_1221 : f32 to vector<16xf32>
        %mul3A_1223 = arith.mulf %get3A_1220, %mul3A_1222 : vector<16xf32>
        %swap3A_1224 = arith.constant 1 : i32
        %swap3A_1225 = arith.index_cast %swap3A_1224 : i32 to index
        %swap3A_1226 = arith.index_cast %scan3A_1215 : i32 to index
        %swap3A_1227 = arith.constant 0 : index
        %swap3A_1228 = tpu.vector_load %arg7[%swap3A_1225, %swap3A_1226, %swap3A_1227] {strides = array<i32>} : memref<2x128x64xf32, #tpu.memory_space<vmem>>, vector<16xf32>,
        tpu.vector_store %arg7[%swap3A_1225, %swap3A_1226, %swap3A_1227], %mul3A_1223 {strides = array<i32>} : memref<2x128x64xf32, #tpu.memory_space<vmem>>, vector<16xf32>,
        %get3A_1229 = arith.constant 3 : i32
        %get3A_1230 = arith.index_cast %get3A_1229 : i32 to index
        %get3A_1231 = arith.index_cast %scan3A_1215 : i32 to index
        %get3A_1232 = arith.constant 16 : index
        %get3A_1233 = tpu.vector_load %arg6[%get3A_1230, %get3A_1231, %get3A_1232] {strides = array<i32>} : memref<4x128x128xf32, #tpu.memory_space<vmem>>, vector<16xf32>,
        %mul3A_1234 = arith.constant 1.000000e+00 : f32
        %mul3A_1235 = vector.broadcast %mul3A_1234 : f32 to vector<16xf32>
        %mul3A_1236 = arith.mulf %get3A_1233, %mul3A_1235 : vector<16xf32>
        %swap3A_1237 = arith.constant 1 : i32
        %swap3A_1238 = arith.index_cast %swap3A_1237 : i32 to index
        %swap3A_1239 = arith.index_cast %scan3A_1215 : i32 to index
        %swap3A_1240 = arith.constant 16 : index
        %swap3A_1241 = tpu.vector_load %arg7[%swap3A_1238, %swap3A_1239, %swap3A_1240] {strides = array<i32>} : memref<2x128x64xf32, #tpu.memory_space<vmem>>, vector<16xf32>,
        tpu.vector_store %arg7[%swap3A_1238, %swap3A_1239, %swap3A_1240], %mul3A_1236 {strides = array<i32>} : memref<2x128x64xf32, #tpu.memory_space<vmem>>, vector<16xf32>,
        %get3A_1242 = arith.constant 3 : i32
        %get3A_1243 = arith.index_cast %get3A_1242 : i32 to index
        %get3A_1244 = arith.index_cast %scan3A_1215 : i32 to index
        %get3A_1245 = arith.constant 32 : index
        %get3A_1246 = tpu.vector_load %arg6[%get3A_1243, %get3A_1244, %get3A_1245] {strides = array<i32>} : memref<4x128x128xf32, #tpu.memory_space<vmem>>, vector<16xf32>,
        %mul3A_1247 = arith.constant 1.000000e+00 : f32
        %mul3A_1248 = vector.broadcast %mul3A_1247 : f32 to vector<16xf32>
        %mul3A_1249 = arith.mulf %get3A_1246, %mul3A_1248 : vector<16xf32>
        %swap3A_1250 = arith.constant 1 : i32
        %swap3A_1251 = arith.index_cast %swap3A_1250 : i32 to index
        %swap3A_1252 = arith.index_cast %scan3A_1215 : i32 to index
        %swap3A_1253 = arith.constant 32 : index
        %swap3A_1254 = tpu.vector_load %arg7[%swap3A_1251, %swap3A_1252, %swap3A_1253] {strides = array<i32>} : memref<2x128x64xf32, #tpu.memory_space<vmem>>, vector<16xf32>,
        tpu.vector_store %arg7[%swap3A_1251, %swap3A_1252, %swap3A_1253], %mul3A_1249 {strides = array<i32>} : memref<2x128x64xf32, #tpu.memory_space<vmem>>, vector<16xf32>,
        %get3A_1255 = arith.constant 3 : i32
        %get3A_1256 = arith.index_cast %get3A_1255 : i32 to index
        %get3A_1257 = arith.index_cast %scan3A_1215 : i32 to index
        %get3A_1258 = arith.constant 48 : index
        %get3A_1259 = tpu.vector_load %arg6[%get3A_1256, %get3A_1257, %get3A_1258] {strides = array<i32>} : memref<4x128x128xf32, #tpu.memory_space<vmem>>, vector<16xf32>,
        %mul3A_1260 = arith.constant 1.000000e+00 : f32
        %mul3A_1261 = vector.broadcast %mul3A_1260 : f32 to vector<16xf32>
        %mul3A_1262 = arith.mulf %get3A_1259, %mul3A_1261 : vector<16xf32>
        %swap3A_1263 = arith.constant 1 : i32
        %swap3A_1264 = arith.index_cast %swap3A_1263 : i32 to index
        %swap3A_1265 = arith.index_cast %scan3A_1215 : i32 to index
        %swap3A_1266 = arith.constant 48 : index
        %swap3A_1267 = tpu.vector_load %arg7[%swap3A_1264, %swap3A_1265, %swap3A_1266] {strides = array<i32>} : memref<2x128x64xf32, #tpu.memory_space<vmem>>, vector<16xf32>,
        tpu.vector_store %arg7[%swap3A_1264, %swap3A_1265, %swap3A_1266], %mul3A_1262 {strides = array<i32>} : memref<2x128x64xf32, #tpu.memory_space<vmem>>, vector<16xf32>,
        %scan3A_1268 = arith.constant 3 : i32
        %scan3A_1269 = arith.addi %scan3A_1109, %scan3A_1268 : i32
        %get3A_1270 = arith.constant 3 : i32
        %get3A_1271 = arith.index_cast %get3A_1270 : i32 to index
        %get3A_1272 = arith.index_cast %scan3A_1269 : i32 to index
        %get3A_1273 = arith.constant 0 : index
        %get3A_1274 = tpu.vector_load %arg6[%get3A_1271, %get3A_1272, %get3A_1273] {strides = array<i32>} : memref<4x128x128xf32, #tpu.memory_space<vmem>>, vector<16xf32>,
        %mul3A_1275 = arith.constant 1.000000e+00 : f32
        %mul3A_1276 = vector.broadcast %mul3A_1275 : f32 to vector<16xf32>
        %mul3A_1277 = arith.mulf %get3A_1274, %mul3A_1276 : vector<16xf32>
        %swap3A_1278 = arith.constant 1 : i32
        %swap3A_1279 = arith.index_cast %swap3A_1278 : i32 to index
        %swap3A_1280 = arith.index_cast %scan3A_1269 : i32 to index
        %swap3A_1281 = arith.constant 0 : index
        %swap3A_1282 = tpu.vector_load %arg7[%swap3A_1279, %swap3A_1280, %swap3A_1281] {strides = array<i32>} : memref<2x128x64xf32, #tpu.memory_space<vmem>>, vector<16xf32>,
        tpu.vector_store %arg7[%swap3A_1279, %swap3A_1280, %swap3A_1281], %mul3A_1277 {strides = array<i32>} : memref<2x128x64xf32, #tpu.memory_space<vmem>>, vector<16xf32>,
        %get3A_1283 = arith.constant 3 : i32
        %get3A_1284 = arith.index_cast %get3A_1283 : i32 to index
        %get3A_1285 = arith.index_cast %scan3A_1269 : i32 to index
        %get3A_1286 = arith.constant 16 : index
        %get3A_1287 = tpu.vector_load %arg6[%get3A_1284, %get3A_1285, %get3A_1286] {strides = array<i32>} : memref<4x128x128xf32, #tpu.memory_space<vmem>>, vector<16xf32>,
        %mul3A_1288 = arith.constant 1.000000e+00 : f32
        %mul3A_1289 = vector.broadcast %mul3A_1288 : f32 to vector<16xf32>
        %mul3A_1290 = arith.mulf %get3A_1287, %mul3A_1289 : vector<16xf32>
        %swap3A_1291 = arith.constant 1 : i32
        %swap3A_1292 = arith.index_cast %swap3A_1291 : i32 to index
        %swap3A_1293 = arith.index_cast %scan3A_1269 : i32 to index
        %swap3A_1294 = arith.constant 16 : index
        %swap3A_1295 = tpu.vector_load %arg7[%swap3A_1292, %swap3A_1293, %swap3A_1294] {strides = array<i32>} : memref<2x128x64xf32, #tpu.memory_space<vmem>>, vector<16xf32>,
        tpu.vector_store %arg7[%swap3A_1292, %swap3A_1293, %swap3A_1294], %mul3A_1290 {strides = array<i32>} : memref<2x128x64xf32, #tpu.memory_space<vmem>>, vector<16xf32>,
        %get3A_1296 = arith.constant 3 : i32
        %get3A_1297 = arith.index_cast %get3A_1296 : i32 to index
        %get3A_1298 = arith.index_cast %scan3A_1269 : i32 to index
        %get3A_1299 = arith.constant 32 : index
        %get3A_1300 = tpu.vector_load %arg6[%get3A_1297, %get3A_1298, %get3A_1299] {strides = array<i32>} : memref<4x128x128xf32, #tpu.memory_space<vmem>>, vector<16xf32>,
        %mul3A_1301 = arith.constant 1.000000e+00 : f32
        %mul3A_1302 = vector.broadcast %mul3A_1301 : f32 to vector<16xf32>
        %mul3A_1303 = arith.mulf %get3A_1300, %mul3A_1302 : vector<16xf32>
        %swap3A_1304 = arith.constant 1 : i32
        %swap3A_1305 = arith.index_cast %swap3A_1304 : i32 to index
        %swap3A_1306 = arith.index_cast %scan3A_1269 : i32 to index
        %swap3A_1307 = arith.constant 32 : index
        %swap3A_1308 = tpu.vector_load %arg7[%swap3A_1305, %swap3A_1306, %swap3A_1307] {strides = array<i32>} : memref<2x128x64xf32, #tpu.memory_space<vmem>>, vector<16xf32>,
        tpu.vector_store %arg7[%swap3A_1305, %swap3A_1306, %swap3A_1307], %mul3A_1303 {strides = array<i32>} : memref<2x128x64xf32, #tpu.memory_space<vmem>>, vector<16xf32>,
        %get3A_1309 = arith.constant 3 : i32
        %get3A_1310 = arith.index_cast %get3A_1309 : i32 to index
        %get3A_1311 = arith.index_cast %scan3A_1269 : i32 to index
        %get3A_1312 = arith.constant 48 : index
        %get3A_1313 = tpu.vector_load %arg6[%get3A_1310, %get3A_1311, %get3A_1312] {strides = array<i32>} : memref<4x128x128xf32, #tpu.memory_space<vmem>>, vector<16xf32>,
        %mul3A_1314 = arith.constant 1.000000e+00 : f32
        %mul3A_1315 = vector.broadcast %mul3A_1314 : f32 to vector<16xf32>
        %mul3A_1316 = arith.mulf %get3A_1313, %mul3A_1315 : vector<16xf32>
        %swap3A_1317 = arith.constant 1 : i32
        %swap3A_1318 = arith.index_cast %swap3A_1317 : i32 to index
        %swap3A_1319 = arith.index_cast %scan3A_1269 : i32 to index
        %swap3A_1320 = arith.constant 48 : index
        %swap3A_1321 = tpu.vector_load %arg7[%swap3A_1318, %swap3A_1319, %swap3A_1320] {strides = array<i32>} : memref<2x128x64xf32, #tpu.memory_space<vmem>>, vector<16xf32>,
        tpu.vector_store %arg7[%swap3A_1318, %swap3A_1319, %swap3A_1320], %mul3A_1316 {strides = array<i32>} : memref<2x128x64xf32, #tpu.memory_space<vmem>>, vector<16xf32>,
        %scan3A_1322 = arith.constant 4 : i32
        %scan3A_1323 = arith.addi %scan3A_1109, %scan3A_1322 : i32
        %get3A_1324 = arith.constant 3 : i32
        %get3A_1325 = arith.index_cast %get3A_1324 : i32 to index
        %get3A_1326 = arith.index_cast %scan3A_1323 : i32 to index
        %get3A_1327 = arith.constant 0 : index
        %get3A_1328 = tpu.vector_load %arg6[%get3A_1325, %get3A_1326, %get3A_1327] {strides = array<i32>} : memref<4x128x128xf32, #tpu.memory_space<vmem>>, vector<16xf32>,
        %mul3A_1329 = arith.constant 1.000000e+00 : f32
        %mul3A_1330 = vector.broadcast %mul3A_1329 : f32 to vector<16xf32>
        %mul3A_1331 = arith.mulf %get3A_1328, %mul3A_1330 : vector<16xf32>
        %swap3A_1332 = arith.constant 1 : i32
        %swap3A_1333 = arith.index_cast %swap3A_1332 : i32 to index
        %swap3A_1334 = arith.index_cast %scan3A_1323 : i32 to index
        %swap3A_1335 = arith.constant 0 : index
        %swap3A_1336 = tpu.vector_load %arg7[%swap3A_1333, %swap3A_1334, %swap3A_1335] {strides = array<i32>} : memref<2x128x64xf32, #tpu.memory_space<vmem>>, vector<16xf32>,
        tpu.vector_store %arg7[%swap3A_1333, %swap3A_1334, %swap3A_1335], %mul3A_1331 {strides = array<i32>} : memref<2x128x64xf32, #tpu.memory_space<vmem>>, vector<16xf32>,
        %get3A_1337 = arith.constant 3 : i32
        %get3A_1338 = arith.index_cast %get3A_1337 : i32 to index
        %get3A_1339 = arith.index_cast %scan3A_1323 : i32 to index
        %get3A_1340 = arith.constant 16 : index
        %get3A_1341 = tpu.vector_load %arg6[%get3A_1338, %get3A_1339, %get3A_1340] {strides = array<i32>} : memref<4x128x128xf32, #tpu.memory_space<vmem>>, vector<16xf32>,
        %mul3A_1342 = arith.constant 1.000000e+00 : f32
        %mul3A_1343 = vector.broadcast %mul3A_1342 : f32 to vector<16xf32>
        %mul3A_1344 = arith.mulf %get3A_1341, %mul3A_1343 : vector<16xf32>
        %swap3A_1345 = arith.constant 1 : i32
        %swap3A_1346 = arith.index_cast %swap3A_1345 : i32 to index
        %swap3A_1347 = arith.index_cast %scan3A_1323 : i32 to index
        %swap3A_1348 = arith.constant 16 : index
        %swap3A_1349 = tpu.vector_load %arg7[%swap3A_1346, %swap3A_1347, %swap3A_1348] {strides = array<i32>} : memref<2x128x64xf32, #tpu.memory_space<vmem>>, vector<16xf32>,
        tpu.vector_store %arg7[%swap3A_1346, %swap3A_1347, %swap3A_1348], %mul3A_1344 {strides = array<i32>} : memref<2x128x64xf32, #tpu.memory_space<vmem>>, vector<16xf32>,
        %get3A_1350 = arith.constant 3 : i32
        %get3A_1351 = arith.index_cast %get3A_1350 : i32 to index
        %get3A_1352 = arith.index_cast %scan3A_1323 : i32 to index
        %get3A_1353 = arith.constant 32 : index
        %get3A_1354 = tpu.vector_load %arg6[%get3A_1351, %get3A_1352, %get3A_1353] {strides = array<i32>} : memref<4x128x128xf32, #tpu.memory_space<vmem>>, vector<16xf32>,
        %mul3A_1355 = arith.constant 1.000000e+00 : f32
        %mul3A_1356 = vector.broadcast %mul3A_1355 : f32 to vector<16xf32>
        %mul3A_1357 = arith.mulf %get3A_1354, %mul3A_1356 : vector<16xf32>
        %swap3A_1358 = arith.constant 1 : i32
        %swap3A_1359 = arith.index_cast %swap3A_1358 : i32 to index
        %swap3A_1360 = arith.index_cast %scan3A_1323 : i32 to index
        %swap3A_1361 = arith.constant 32 : index
        %swap3A_1362 = tpu.vector_load %arg7[%swap3A_1359, %swap3A_1360, %swap3A_1361] {strides = array<i32>} : memref<2x128x64xf32, #tpu.memory_space<vmem>>, vector<16xf32>,
        tpu.vector_store %arg7[%swap3A_1359, %swap3A_1360, %swap3A_1361], %mul3A_1357 {strides = array<i32>} : memref<2x128x64xf32, #tpu.memory_space<vmem>>, vector<16xf32>,
        %get3A_1363 = arith.constant 3 : i32
        %get3A_1364 = arith.index_cast %get3A_1363 : i32 to index
        %get3A_1365 = arith.index_cast %scan3A_1323 : i32 to index
        %get3A_1366 = arith.constant 48 : index
        %get3A_1367 = tpu.vector_load %arg6[%get3A_1364, %get3A_1365, %get3A_1366] {strides = array<i32>} : memref<4x128x128xf32, #tpu.memory_space<vmem>>, vector<16xf32>,
        %mul3A_1368 = arith.constant 1.000000e+00 : f32
        %mul3A_1369 = vector.broadcast %mul3A_1368 : f32 to vector<16xf32>
        %mul3A_1370 = arith.mulf %get3A_1367, %mul3A_1369 : vector<16xf32>
        %swap3A_1371 = arith.constant 1 : i32
        %swap3A_1372 = arith.index_cast %swap3A_1371 : i32 to index
        %swap3A_1373 = arith.index_cast %scan3A_1323 : i32 to index
        %swap3A_1374 = arith.constant 48 : index
        %swap3A_1375 = tpu.vector_load %arg7[%swap3A_1372, %swap3A_1373, %swap3A_1374] {strides = array<i32>} : memref<2x128x64xf32, #tpu.memory_space<vmem>>, vector<16xf32>,
        tpu.vector_store %arg7[%swap3A_1372, %swap3A_1373, %swap3A_1374], %mul3A_1370 {strides = array<i32>} : memref<2x128x64xf32, #tpu.memory_space<vmem>>, vector<16xf32>,
        %scan3A_1376 = arith.constant 5 : i32
        %scan3A_1377 = arith.addi %scan3A_1109, %scan3A_1376 : i32
        %get3A_1378 = arith.constant 3 : i32
        %get3A_1379 = arith.index_cast %get3A_1378 : i32 to index
        %get3A_1380 = arith.index_cast %scan3A_1377 : i32 to index
        %get3A_1381 = arith.constant 0 : index
        %get3A_1382 = tpu.vector_load %arg6[%get3A_1379, %get3A_1380, %get3A_1381] {strides = array<i32>} : memref<4x128x128xf32, #tpu.memory_space<vmem>>, vector<16xf32>,
        %mul3A_1383 = arith.constant 1.000000e+00 : f32
        %mul3A_1384 = vector.broadcast %mul3A_1383 : f32 to vector<16xf32>
        %mul3A_1385 = arith.mulf %get3A_1382, %mul3A_1384 : vector<16xf32>
        %swap3A_1386 = arith.constant 1 : i32
        %swap3A_1387 = arith.index_cast %swap3A_1386 : i32 to index
        %swap3A_1388 = arith.index_cast %scan3A_1377 : i32 to index
        %swap3A_1389 = arith.constant 0 : index
        %swap3A_1390 = tpu.vector_load %arg7[%swap3A_1387, %swap3A_1388, %swap3A_1389] {strides = array<i32>} : memref<2x128x64xf32, #tpu.memory_space<vmem>>, vector<16xf32>,
        tpu.vector_store %arg7[%swap3A_1387, %swap3A_1388, %swap3A_1389], %mul3A_1385 {strides = array<i32>} : memref<2x128x64xf32, #tpu.memory_space<vmem>>, vector<16xf32>,
        %get3A_1391 = arith.constant 3 : i32
        %get3A_1392 = arith.index_cast %get3A_1391 : i32 to index
        %get3A_1393 = arith.index_cast %scan3A_1377 : i32 to index
        %get3A_1394 = arith.constant 16 : index
        %get3A_1395 = tpu.vector_load %arg6[%get3A_1392, %get3A_1393, %get3A_1394] {strides = array<i32>} : memref<4x128x128xf32, #tpu.memory_space<vmem>>, vector<16xf32>,
        %mul3A_1396 = arith.constant 1.000000e+00 : f32
        %mul3A_1397 = vector.broadcast %mul3A_1396 : f32 to vector<16xf32>
        %mul3A_1398 = arith.mulf %get3A_1395, %mul3A_1397 : vector<16xf32>
        %swap3A_1399 = arith.constant 1 : i32
        %swap3A_1400 = arith.index_cast %swap3A_1399 : i32 to index
        %swap3A_1401 = arith.index_cast %scan3A_1377 : i32 to index
        %swap3A_1402 = arith.constant 16 : index
        %swap3A_1403 = tpu.vector_load %arg7[%swap3A_1400, %swap3A_1401, %swap3A_1402] {strides = array<i32>} : memref<2x128x64xf32, #tpu.memory_space<vmem>>, vector<16xf32>,
        tpu.vector_store %arg7[%swap3A_1400, %swap3A_1401, %swap3A_1402], %mul3A_1398 {strides = array<i32>} : memref<2x128x64xf32, #tpu.memory_space<vmem>>, vector<16xf32>,
        %get3A_1404 = arith.constant 3 : i32
        %get3A_1405 = arith.index_cast %get3A_1404 : i32 to index
        %get3A_1406 = arith.index_cast %scan3A_1377 : i32 to index
        %get3A_1407 = arith.constant 32 : index
        %get3A_1408 = tpu.vector_load %arg6[%get3A_1405, %get3A_1406, %get3A_1407] {strides = array<i32>} : memref<4x128x128xf32, #tpu.memory_space<vmem>>, vector<16xf32>,
        %mul3A_1409 = arith.constant 1.000000e+00 : f32
        %mul3A_1410 = vector.broadcast %mul3A_1409 : f32 to vector<16xf32>
        %mul3A_1411 = arith.mulf %get3A_1408, %mul3A_1410 : vector<16xf32>
        %swap3A_1412 = arith.constant 1 : i32
        %swap3A_1413 = arith.index_cast %swap3A_1412 : i32 to index
        %swap3A_1414 = arith.index_cast %scan3A_1377 : i32 to index
        %swap3A_1415 = arith.constant 32 : index
        %swap3A_1416 = tpu.vector_load %arg7[%swap3A_1413, %swap3A_1414, %swap3A_1415] {strides = array<i32>} : memref<2x128x64xf32, #tpu.memory_space<vmem>>, vector<16xf32>,
        tpu.vector_store %arg7[%swap3A_1413, %swap3A_1414, %swap3A_1415], %mul3A_1411 {strides = array<i32>} : memref<2x128x64xf32, #tpu.memory_space<vmem>>, vector<16xf32>,
        %get3A_1417 = arith.constant 3 : i32
        %get3A_1418 = arith.index_cast %get3A_1417 : i32 to index
        %get3A_1419 = arith.index_cast %scan3A_1377 : i32 to index
        %get3A_1420 = arith.constant 48 : index
        %get3A_1421 = tpu.vector_load %arg6[%get3A_1418, %get3A_1419, %get3A_1420] {strides = array<i32>} : memref<4x128x128xf32, #tpu.memory_space<vmem>>, vector<16xf32>,
        %mul3A_1422 = arith.constant 1.000000e+00 : f32
        %mul3A_1423 = vector.broadcast %mul3A_1422 : f32 to vector<16xf32>
        %mul3A_1424 = arith.mulf %get3A_1421, %mul3A_1423 : vector<16xf32>
        %swap3A_1425 = arith.constant 1 : i32
        %swap3A_1426 = arith.index_cast %swap3A_1425 : i32 to index
        %swap3A_1427 = arith.index_cast %scan3A_1377 : i32 to index
        %swap3A_1428 = arith.constant 48 : index
        %swap3A_1429 = tpu.vector_load %arg7[%swap3A_1426, %swap3A_1427, %swap3A_1428] {strides = array<i32>} : memref<2x128x64xf32, #tpu.memory_space<vmem>>, vector<16xf32>,
        tpu.vector_store %arg7[%swap3A_1426, %swap3A_1427, %swap3A_1428], %mul3A_1424 {strides = array<i32>} : memref<2x128x64xf32, #tpu.memory_space<vmem>>, vector<16xf32>,
        %scan3A_1430 = arith.constant 6 : i32
        %scan3A_1431 = arith.addi %scan3A_1109, %scan3A_1430 : i32
        %get3A_1432 = arith.constant 3 : i32
        %get3A_1433 = arith.index_cast %get3A_1432 : i32 to index
        %get3A_1434 = arith.index_cast %scan3A_1431 : i32 to index
        %get3A_1435 = arith.constant 0 : index
        %get3A_1436 = tpu.vector_load %arg6[%get3A_1433, %get3A_1434, %get3A_1435] {strides = array<i32>} : memref<4x128x128xf32, #tpu.memory_space<vmem>>, vector<16xf32>,
        %mul3A_1437 = arith.constant 1.000000e+00 : f32
        %mul3A_1438 = vector.broadcast %mul3A_1437 : f32 to vector<16xf32>
        %mul3A_1439 = arith.mulf %get3A_1436, %mul3A_1438 : vector<16xf32>
        %swap3A_1440 = arith.constant 1 : i32
        %swap3A_1441 = arith.index_cast %swap3A_1440 : i32 to index
        %swap3A_1442 = arith.index_cast %scan3A_1431 : i32 to index
        %swap3A_1443 = arith.constant 0 : index
        %swap3A_1444 = tpu.vector_load %arg7[%swap3A_1441, %swap3A_1442, %swap3A_1443] {strides = array<i32>} : memref<2x128x64xf32, #tpu.memory_space<vmem>>, vector<16xf32>,
        tpu.vector_store %arg7[%swap3A_1441, %swap3A_1442, %swap3A_1443], %mul3A_1439 {strides = array<i32>} : memref<2x128x64xf32, #tpu.memory_space<vmem>>, vector<16xf32>,
        %get3A_1445 = arith.constant 3 : i32
        %get3A_1446 = arith.index_cast %get3A_1445 : i32 to index
        %get3A_1447 = arith.index_cast %scan3A_1431 : i32 to index
        %get3A_1448 = arith.constant 16 : index
        %get3A_1449 = tpu.vector_load %arg6[%get3A_1446, %get3A_1447, %get3A_1448] {strides = array<i32>} : memref<4x128x128xf32, #tpu.memory_space<vmem>>, vector<16xf32>,
        %mul3A_1450 = arith.constant 1.000000e+00 : f32
        %mul3A_1451 = vector.broadcast %mul3A_1450 : f32 to vector<16xf32>
        %mul3A_1452 = arith.mulf %get3A_1449, %mul3A_1451 : vector<16xf32>
        %swap3A_1453 = arith.constant 1 : i32
        %swap3A_1454 = arith.index_cast %swap3A_1453 : i32 to index
        %swap3A_1455 = arith.index_cast %scan3A_1431 : i32 to index
        %swap3A_1456 = arith.constant 16 : index
        %swap3A_1457 = tpu.vector_load %arg7[%swap3A_1454, %swap3A_1455, %swap3A_1456] {strides = array<i32>} : memref<2x128x64xf32, #tpu.memory_space<vmem>>, vector<16xf32>,
        tpu.vector_store %arg7[%swap3A_1454, %swap3A_1455, %swap3A_1456], %mul3A_1452 {strides = array<i32>} : memref<2x128x64xf32, #tpu.memory_space<vmem>>, vector<16xf32>,
        %get3A_1458 = arith.constant 3 : i32
        %get3A_1459 = arith.index_cast %get3A_1458 : i32 to index
        %get3A_1460 = arith.index_cast %scan3A_1431 : i32 to index
        %get3A_1461 = arith.constant 32 : index
        %get3A_1462 = tpu.vector_load %arg6[%get3A_1459, %get3A_1460, %get3A_1461] {strides = array<i32>} : memref<4x128x128xf32, #tpu.memory_space<vmem>>, vector<16xf32>,
        %mul3A_1463 = arith.constant 1.000000e+00 : f32
        %mul3A_1464 = vector.broadcast %mul3A_1463 : f32 to vector<16xf32>
        %mul3A_1465 = arith.mulf %get3A_1462, %mul3A_1464 : vector<16xf32>
        %swap3A_1466 = arith.constant 1 : i32
        %swap3A_1467 = arith.index_cast %swap3A_1466 : i32 to index
        %swap3A_1468 = arith.index_cast %scan3A_1431 : i32 to index
        %swap3A_1469 = arith.constant 32 : index
        %swap3A_1470 = tpu.vector_load %arg7[%swap3A_1467, %swap3A_1468, %swap3A_1469] {strides = array<i32>} : memref<2x128x64xf32, #tpu.memory_space<vmem>>, vector<16xf32>,
        tpu.vector_store %arg7[%swap3A_1467, %swap3A_1468, %swap3A_1469], %mul3A_1465 {strides = array<i32>} : memref<2x128x64xf32, #tpu.memory_space<vmem>>, vector<16xf32>,
        %get3A_1471 = arith.constant 3 : i32
        %get3A_1472 = arith.index_cast %get3A_1471 : i32 to index
        %get3A_1473 = arith.index_cast %scan3A_1431 : i32 to index
        %get3A_1474 = arith.constant 48 : index
        %get3A_1475 = tpu.vector_load %arg6[%get3A_1472, %get3A_1473, %get3A_1474] {strides = array<i32>} : memref<4x128x128xf32, #tpu.memory_space<vmem>>, vector<16xf32>,
        %mul3A_1476 = arith.constant 1.000000e+00 : f32
        %mul3A_1477 = vector.broadcast %mul3A_1476 : f32 to vector<16xf32>
        %mul3A_1478 = arith.mulf %get3A_1475, %mul3A_1477 : vector<16xf32>
        %swap3A_1479 = arith.constant 1 : i32
        %swap3A_1480 = arith.index_cast %swap3A_1479 : i32 to index
        %swap3A_1481 = arith.index_cast %scan3A_1431 : i32 to index
        %swap3A_1482 = arith.constant 48 : index
        %swap3A_1483 = tpu.vector_load %arg7[%swap3A_1480, %swap3A_1481, %swap3A_1482] {strides = array<i32>} : memref<2x128x64xf32, #tpu.memory_space<vmem>>, vector<16xf32>,
        tpu.vector_store %arg7[%swap3A_1480, %swap3A_1481, %swap3A_1482], %mul3A_1478 {strides = array<i32>} : memref<2x128x64xf32, #tpu.memory_space<vmem>>, vector<16xf32>,
        %scan3A_1484 = arith.constant 7 : i32
        %scan3A_1485 = arith.addi %scan3A_1109, %scan3A_1484 : i32
        %get3A_1486 = arith.constant 3 : i32
        %get3A_1487 = arith.index_cast %get3A_1486 : i32 to index
        %get3A_1488 = arith.index_cast %scan3A_1485 : i32 to index
        %get3A_1489 = arith.constant 0 : index
        %get3A_1490 = tpu.vector_load %arg6[%get3A_1487, %get3A_1488, %get3A_1489] {strides = array<i32>} : memref<4x128x128xf32, #tpu.memory_space<vmem>>, vector<16xf32>,
        %mul3A_1491 = arith.constant 1.000000e+00 : f32
        %mul3A_1492 = vector.broadcast %mul3A_1491 : f32 to vector<16xf32>
        %mul3A_1493 = arith.mulf %get3A_1490, %mul3A_1492 : vector<16xf32>
        %swap3A_1494 = arith.constant 1 : i32
        %swap3A_1495 = arith.index_cast %swap3A_1494 : i32 to index
        %swap3A_1496 = arith.index_cast %scan3A_1485 : i32 to index
        %swap3A_1497 = arith.constant 0 : index
        %swap3A_1498 = tpu.vector_load %arg7[%swap3A_1495, %swap3A_1496, %swap3A_1497] {strides = array<i32>} : memref<2x128x64xf32, #tpu.memory_space<vmem>>, vector<16xf32>,
        tpu.vector_store %arg7[%swap3A_1495, %swap3A_1496, %swap3A_1497], %mul3A_1493 {strides = array<i32>} : memref<2x128x64xf32, #tpu.memory_space<vmem>>, vector<16xf32>,
        %get3A_1499 = arith.constant 3 : i32
        %get3A_1500 = arith.index_cast %get3A_1499 : i32 to index
        %get3A_1501 = arith.index_cast %scan3A_1485 : i32 to index
        %get3A_1502 = arith.constant 16 : index
        %get3A_1503 = tpu.vector_load %arg6[%get3A_1500, %get3A_1501, %get3A_1502] {strides = array<i32>} : memref<4x128x128xf32, #tpu.memory_space<vmem>>, vector<16xf32>,
        %mul3A_1504 = arith.constant 1.000000e+00 : f32
        %mul3A_1505 = vector.broadcast %mul3A_1504 : f32 to vector<16xf32>
        %mul3A_1506 = arith.mulf %get3A_1503, %mul3A_1505 : vector<16xf32>
        %swap3A_1507 = arith.constant 1 : i32
        %swap3A_1508 = arith.index_cast %swap3A_1507 : i32 to index
        %swap3A_1509 = arith.index_cast %scan3A_1485 : i32 to index
        %swap3A_1510 = arith.constant 16 : index
        %swap3A_1511 = tpu.vector_load %arg7[%swap3A_1508, %swap3A_1509, %swap3A_1510] {strides = array<i32>} : memref<2x128x64xf32, #tpu.memory_space<vmem>>, vector<16xf32>,
        tpu.vector_store %arg7[%swap3A_1508, %swap3A_1509, %swap3A_1510], %mul3A_1506 {strides = array<i32>} : memref<2x128x64xf32, #tpu.memory_space<vmem>>, vector<16xf32>,
        %get3A_1512 = arith.constant 3 : i32
        %get3A_1513 = arith.index_cast %get3A_1512 : i32 to index
        %get3A_1514 = arith.index_cast %scan3A_1485 : i32 to index
        %get3A_1515 = arith.constant 32 : index
        %get3A_1516 = tpu.vector_load %arg6[%get3A_1513, %get3A_1514, %get3A_1515] {strides = array<i32>} : memref<4x128x128xf32, #tpu.memory_space<vmem>>, vector<16xf32>,
        %mul3A_1517 = arith.constant 1.000000e+00 : f32
        %mul3A_1518 = vector.broadcast %mul3A_1517 : f32 to vector<16xf32>
        %mul3A_1519 = arith.mulf %get3A_1516, %mul3A_1518 : vector<16xf32>
        %swap3A_1520 = arith.constant 1 : i32
        %swap3A_1521 = arith.index_cast %swap3A_1520 : i32 to index
        %swap3A_1522 = arith.index_cast %scan3A_1485 : i32 to index
        %swap3A_1523 = arith.constant 32 : index
        %swap3A_1524 = tpu.vector_load %arg7[%swap3A_1521, %swap3A_1522, %swap3A_1523] {strides = array<i32>} : memref<2x128x64xf32, #tpu.memory_space<vmem>>, vector<16xf32>,
        tpu.vector_store %arg7[%swap3A_1521, %swap3A_1522, %swap3A_1523], %mul3A_1519 {strides = array<i32>} : memref<2x128x64xf32, #tpu.memory_space<vmem>>, vector<16xf32>,
        %get3A_1525 = arith.constant 3 : i32
        %get3A_1526 = arith.index_cast %get3A_1525 : i32 to index
        %get3A_1527 = arith.index_cast %scan3A_1485 : i32 to index
        %get3A_1528 = arith.constant 48 : index
        %get3A_1529 = tpu.vector_load %arg6[%get3A_1526, %get3A_1527, %get3A_1528] {strides = array<i32>} : memref<4x128x128xf32, #tpu.memory_space<vmem>>, vector<16xf32>,
        %mul3A_1530 = arith.constant 1.000000e+00 : f32
        %mul3A_1531 = vector.broadcast %mul3A_1530 : f32 to vector<16xf32>
        %mul3A_1532 = arith.mulf %get3A_1529, %mul3A_1531 : vector<16xf32>
        %swap3A_1533 = arith.constant 1 : i32
        %swap3A_1534 = arith.index_cast %swap3A_1533 : i32 to index
        %swap3A_1535 = arith.index_cast %scan3A_1485 : i32 to index
        %swap3A_1536 = arith.constant 48 : index
        %swap3A_1537 = tpu.vector_load %arg7[%swap3A_1534, %swap3A_1535, %swap3A_1536] {strides = array<i32>} : memref<2x128x64xf32, #tpu.memory_space<vmem>>, vector<16xf32>,
        tpu.vector_store %arg7[%swap3A_1534, %swap3A_1535, %swap3A_1536], %mul3A_1532 {strides = array<i32>} : memref<2x128x64xf32, #tpu.memory_space<vmem>>, vector<16xf32>,
      }
      %scan3A_1087 = arith.constant 128 : i32
      %mul3A_1088 = arith.constant 128 : i32
      %mul3A_1089 = arith.muli %add3A_1013, %mul3A_1088 : i32
      %add3A_1090 = arith.addi %mul3A_4, %mul3A_1089 : i32
      %dma_start3A_1091 = arith.constant 1 : i32
      %dma_start3A_1092 = arith.constant 0 : i32
      %dma_start3A_1093 = arith.constant 0 : i32
      %dma_start3A_1094 = tpu.memref_slice %arg7[%dma_start3A_1091, %dma_start3A_1092, %dma_start3A_1093] : memref<2x128x64xf32, #tpu.memory_space<vmem>> -> memref<1x128x64xf32, #tpu.memory_space<vmem>>
      %dma_start3A_1095 = tpu.memref_squeeze %dma_start3A_1094 : memref<1x128x64xf32, #tpu.memory_space<vmem>> -> memref<128x64xf32, #tpu.memory_space<vmem>>
      %dma_start3A_1096 = arith.constant 0 : i32
      %dma_start3A_1097 = tpu.memref_slice %arg4[%add3A_1090, %dma_start3A_1096] : memref<819200x64xf32, #tpu.memory_space<hbm>> -> memref<128x64xf32, #tpu.memory_space<hbm>>
      %dma_start3A_1098 = arith.constant 0 : i32
      %dma_start3A_1099 = tpu.memref_slice %arg4[%add3A_1090, %dma_start3A_1098] : memref<819200x64xf32, #tpu.memory_space<hbm>> -> memref<128x64xf32, #tpu.memory_space<hbm>>
      %dma_start3A_1100 = arith.constant 0 : i32
      %dma_start3A_1101 = arith.constant 0 : i32
      %dma_start3A_1102 = tpu.memref_slice %arg7[%dma_start3A_1091, %dma_start3A_1100, %dma_start3A_1101] : memref<2x128x64xf32, #tpu.memory_space<vmem>> -> memref<1x128x64xf32, #tpu.memory_space<vmem>>
      %dma_start3A_1103 = tpu.memref_squeeze %dma_start3A_1102 : memref<1x128x64xf32, #tpu.memory_space<vmem>> -> memref<128x64xf32, #tpu.memory_space<vmem>>
      tpu.enqueue_dma source(%dma_start3A_1103 : memref<128x64xf32, #tpu.memory_space<vmem>>) target(%dma_start3A_1099 : memref<128x64xf32, #tpu.memory_space<hbm>>) target_semaphore(%arg13 : memref<!tpu.dma_semaphore, #tpu.memory_space<semaphore_mem>>)
      %lt3A_1104 = arith.constant 24 : i32
      %lt3A_1105 = arith.cmpi slt, %scan3A_109, %lt3A_1104 : i32
      %convert_element_type3A_1106 = arith.extui %lt3A_1105 : i1 to i32
      %cond3A_1107 = arith.constant 0 : i32
      %cond3A_1108 = arith.cmpi ne, %convert_element_type3A_1106, %cond3A_1107 : i32
      scf.if %cond3A_1108 {
        %add3A_1109 = arith.constant 3 : i32
        %add3A_1110 = arith.addi %add3A_1013, %add3A_1109 : i32
        %jit3A_1111 = arith.constant 8 : i32
        %div3A_1112 = arith.divsi %add3A_1110, %jit3A_1111 : i32
        %sign3A_1113 = arith.constant 0 : i32
        %sign3A_1114 = arith.cmpi sgt, %add3A_1110, %sign3A_1113 : i32
        %sign3A_1115 = arith.extui %sign3A_1114 : i1 to i32
        %sign3A_1116 = arith.constant 0 : i32
        %sign3A_1117 = arith.cmpi slt, %add3A_1110, %sign3A_1116 : i32
        %sign3A_1118 = arith.extui %sign3A_1117 : i1 to i32
        %sign3A_1119 = arith.subi %sign3A_1115, %sign3A_1118 : i32
        %sign3A_1120 = arith.constant 0 : i32
        %sign3A_1121 = arith.cmpi sgt, %jit3A_1111, %sign3A_1120 : i32
        %sign3A_1122 = arith.extui %sign3A_1121 : i1 to i32
        %sign3A_1123 = arith.constant 0 : i32
        %sign3A_1124 = arith.cmpi slt, %jit3A_1111, %sign3A_1123 : i32
        %sign3A_1125 = arith.extui %sign3A_1124 : i1 to i32
        %sign3A_1126 = arith.subi %sign3A_1122, %sign3A_1125 : i32
        %ne3A_1127 = arith.cmpi ne, %sign3A_1119, %sign3A_1126 : i32
        %rem3A_1128 = arith.remsi %add3A_1110, %jit3A_1111 : i32
        %ne3A_1129 = arith.constant 0 : i32
        %ne3A_1130 = arith.cmpi ne, %rem3A_1128, %ne3A_1129 : i32
        %and3A_1131 = arith.andi %ne3A_1127, %ne3A_1130 : i1
        %sub3A_1132 = arith.constant 1 : i32
        %sub3A_1133 = arith.subi %div3A_1112, %sub3A_1132 : i32
        %select_n3A_1134 = arith.select %and3A_1131, %sub3A_1133, %div3A_1112 : i32
        %jit3A_1135 = arith.constant 2 : i32
        %eq3A_1136 = arith.constant 0 : i32
        %eq3A_1137 = arith.cmpi eq, %jit3A_1135, %eq3A_1136 : i32
        %jit3A_1138 = arith.constant 1 : i32
        %select_n3A_1139 = arith.select %eq3A_1137, %jit3A_1138, %jit3A_1135 : i32
        %rem3A_1140 = arith.remsi %select_n3A_1134, %select_n3A_1139 : i32
        %ne3A_1141 = arith.constant 0 : i32
        %ne3A_1142 = arith.cmpi ne, %rem3A_1140, %ne3A_1141 : i32
        %lt3A_1143 = arith.constant 0 : i32
        %lt3A_1144 = arith.cmpi slt, %rem3A_1140, %lt3A_1143 : i32
        %lt3A_1145 = arith.constant 0 : i32
        %lt3A_1146 = arith.cmpi slt, %select_n3A_1139, %lt3A_1145 : i32
        %ne3A_1147 = arith.xori %lt3A_1144, %lt3A_1146 : i1
        %and3A_1148 = arith.andi %ne3A_1147, %ne3A_1142 : i1
        %add3A_1149 = arith.addi %rem3A_1140, %select_n3A_1139 : i32
        %select_n3A_1150 = arith.select %and3A_1148, %add3A_1149, %rem3A_1140 : i32
        %dma_start3A_1151 = arith.constant 2 : i32
        %dma_start3A_1152 = arith.constant 2 : i32
        %dma_start3A_1153 = arith.constant 0 : i32
        %dma_start3A_1154 = arith.constant 0 : i32
        %dma_start3A_1155 = tpu.memref_slice %arg6[%dma_start3A_1152, %dma_start3A_1153, %dma_start3A_1154] : memref<4x128x128xf32, #tpu.memory_space<vmem>> -> memref<1x128x128xf32, #tpu.memory_space<vmem>>
        %dma_start3A_1156 = tpu.memref_squeeze %dma_start3A_1155 : memref<1x128x128xf32, #tpu.memory_space<vmem>> -> memref<128x128xf32, #tpu.memory_space<vmem>>
        %dma_start3A_1157 = arith.constant 0 : i32
        %dma_start3A_1158 = tpu.memref_slice %arg5[%select_n3A_1150, %dma_start3A_1151, %dma_start3A_1157] : memref<2x8x128xi32, #tpu.memory_space<vmem>> -> memref<1x1x128xi32, #tpu.memory_space<vmem>>
        %dma_start3A_1159 = tpu.memref_squeeze %dma_start3A_1158 : memref<1x1x128xi32, #tpu.memory_space<vmem>> -> memref<128xi32, #tpu.memory_space<vmem>>
        %dma_start3A_1160 = arith.constant 0 : i32
        %dma_start3A_1161 = arith.constant 0 : i32
        %dma_start3A_1162 = tpu.memref_slice %arg2[%dma_start3A_1160, %dma_start3A_1161] : memref<1000000x128xf32, #tpu.memory_space<hbm>> -> memref<1000000x128xf32, #tpu.memory_space<hbm>>
        tpu.enqueue_indirect_dma source(%dma_start3A_1162 : memref<1000000x128xf32, #tpu.memory_space<hbm>>) target(%dma_start3A_1156 : memref<128x128xf32, #tpu.memory_space<vmem>>) offsets(%dma_start3A_1159 : memref<128xi32, #tpu.memory_space<vmem>>) semaphore(%arg10 : memref<!tpu.dma_semaphore, #tpu.memory_space<semaphore_mem>>)
      } else {
      }
    }
    %scan3A_82 = arith.constant 25 : i32
    %dma_wait3A_83 = arith.constant 0 : i32
    %dma_wait3A_84 = arith.constant 0 : i32
    %dma_wait3A_85 = arith.constant 0 : i32
    %dma_wait3A_86 = tpu.memref_slice %arg7[%dma_wait3A_83, %dma_wait3A_84, %dma_wait3A_85] : memref<2x128x64xf32, #tpu.memory_space<vmem>> -> memref<1x128x64xf32, #tpu.memory_space<vmem>>
    %dma_wait3A_87 = tpu.memref_squeeze %dma_wait3A_86 : memref<1x128x64xf32, #tpu.memory_space<vmem>> -> memref<128x64xf32, #tpu.memory_space<vmem>>
    %dma_wait3A_88 = arith.constant 0 : i32
    %dma_wait3A_89 = tpu.memref_slice %arg4[%mul3A_4, %dma_wait3A_88] : memref<819200x64xf32, #tpu.memory_space<hbm>> -> memref<128x64xf32, #tpu.memory_space<hbm>>
    %dma_wait3A_90 = arith.constant 0 : i32
    %dma_wait3A_91 = tpu.memref_slice %arg4[%mul3A_4, %dma_wait3A_90] : memref<819200x64xf32, #tpu.memory_space<hbm>> -> memref<128x64xf32, #tpu.memory_space<hbm>>
    %dma_wait3A_92 = arith.constant 0 : i32
    %dma_wait3A_93 = arith.constant 0 : i32
    %dma_wait3A_94 = tpu.memref_slice %arg7[%dma_wait3A_83, %dma_wait3A_92, %dma_wait3A_93] : memref<2x128x64xf32, #tpu.memory_space<vmem>> -> memref<1x128x64xf32, #tpu.memory_space<vmem>>
    %dma_wait3A_95 = tpu.memref_squeeze %dma_wait3A_94 : memref<1x128x64xf32, #tpu.memory_space<vmem>> -> memref<128x64xf32, #tpu.memory_space<vmem>>
    tpu.wait_dma2 semaphore(%arg12 : memref<!tpu.dma_semaphore, #tpu.memory_space<semaphore_mem>>) src(%dma_wait3A_95 : memref<128x64xf32, #tpu.memory_space<vmem>>) dst(%dma_wait3A_91 : memref<128x64xf32, #tpu.memory_space<hbm>>)
    %dma_wait3A_96 = arith.constant 1 : i32
    %dma_wait3A_97 = arith.constant 0 : i32
    %dma_wait3A_98 = arith.constant 0 : i32
    %dma_wait3A_99 = tpu.memref_slice %arg7[%dma_wait3A_96, %dma_wait3A_97, %dma_wait3A_98] : memref<2x128x64xf32, #tpu.memory_space<vmem>> -> memref<1x128x64xf32, #tpu.memory_space<vmem>>
    %dma_wait3A_100 = tpu.memref_squeeze %dma_wait3A_99 : memref<1x128x64xf32, #tpu.memory_space<vmem>> -> memref<128x64xf32, #tpu.memory_space<vmem>>
    %dma_wait3A_101 = arith.constant 0 : i32
    %dma_wait3A_102 = tpu.memref_slice %arg4[%mul3A_4, %dma_wait3A_101] : memref<819200x64xf32, #tpu.memory_space<hbm>> -> memref<128x64xf32, #tpu.memory_space<hbm>>
    %dma_wait3A_103 = arith.constant 0 : i32
    %dma_wait3A_104 = tpu.memref_slice %arg4[%mul3A_4, %dma_wait3A_103] : memref<819200x64xf32, #tpu.memory_space<hbm>> -> memref<128x64xf32, #tpu.memory_space<hbm>>
    %dma_wait3A_105 = arith.constant 0 : i32
    %dma_wait3A_106 = arith.constant 0 : i32
    %dma_wait3A_107 = tpu.memref_slice %arg7[%dma_wait3A_96, %dma_wait3A_105, %dma_wait3A_106] : memref<2x128x64xf32, #tpu.memory_space<vmem>> -> memref<1x128x64xf32, #tpu.memory_space<vmem>>
    %dma_wait3A_108 = tpu.memref_squeeze %dma_wait3A_107 : memref<1x128x64xf32, #tpu.memory_space<vmem>> -> memref<128x64xf32, #tpu.memory_space<vmem>>
    tpu.wait_dma2 semaphore(%arg13 : memref<!tpu.dma_semaphore, #tpu.memory_space<semaphore_mem>>) src(%dma_wait3A_108 : memref<128x64xf32, #tpu.memory_space<vmem>>) dst(%dma_wait3A_104 : memref<128x64xf32, #tpu.memory_space<hbm>>)
    return
  }
}

</mosaic_0001>

<sc_bundles>
// kernel: kernel.3.cloned.1.call-start
scs
__scs_entry_jumppad:
0x0: {  	(pc) =	sbr.rel $0x88, $3  }
0x1: {  	(tag) =	ssettag $0x0;
	lr =	simm.s32 $0x1  }
0x2: {  	[smem:$0x3F9F] =	sst lr;
	_ =	strace $0xD0000000  }
0x3: {  	_ = 	snop  }
0x4: {  	_ = 	snop  }
0x5: {  	_ = 	snop  }
0x6: {  	_ = 	snop  }
0x7: {  	_ = 	snop  }
__scs_overlays_trampoline_lowered:
0x8: {  	[smem:$0x3FAE] =	sst s0  }
0x9: {  	[smem:$0x3FAF] =	sst s1  }
0xa: {  	[smem:$0x3FB0] =	sst s2  }
0xb: {  	[smem:$0x3FB1] =	sst s3  }
0xc: {  	[smem:$0x3FB2] =	sst s4  }
0xd: {  	[smem:$0x3FB3] =	sst s5  }
0xe: {  	[smem:$0x3FB4] =	sst s6  }
0xf: {  	[smem:$0x3FB5] =	sst s7  }
0x10: {  	[smem:$0x3FB6] =	sst s8  }
0x11: {  	[smem:$0x3FB7] =	sst s9;
	s0 =	simm.s32 @!p0 $0x0  }
0x12: {  	s1 =	sld [smem:$0x3F9D];
	s0 =	simm.s32 @p0 $0x1  }
0x13: {  	[smem:$0x3FB8] =	sst s0;
	s0 =	simm.s32 @!p1 $0x0  }
0x14: {  	s2 =	sld [smem:$0x3F9C];
	s0 =	simm.s32 @p1 $0x1  }
0x15: {  	[smem:$0x3FB9] =	sst s0;
	s0 =	simm.s32 @!p2 $0x0  }
0x16: {  	s3 =	sld [smem:$0x3FDB];
	s0 =	simm.s32 @p2 $0x1  }
0x17: {  	s4 =	simm.s32 $0x1BF5;
	[smem:$0x3FBB] =	sst s0  }
0x18: {  	s0 =	sld [smem:$0x3F9E];
	_ =	swait.ge [sflag:s4], $0x0  }
0x19: {  	s7 =	sld [smem:$0x3F9F]  }
0x1a: {  	s8 =	sadd.s32 $0xFFFFE003, lr  }
0x1b: {  	s9 =	sadd.s32 $0xFFFFFEF7, lr;
	s5 =	simm.s32 $0xFFFFFFFF;
	p2 =	slt.u32 s8, $0xFFFFF086  }
0x1c: {  	p1 =	slt.u32 s9, $0xF7A;
	s5 =	simm.s32 @!p2 $0x0  }
0x1d: {  	s5 =	simm.s32 @p1 $0x1;
	p0 =	seq.s32 s7, s2  }
0x1e: {  	s7 =	smul.u32 @!p0 $0xF7A, s2;
	p2 =	seq.s32 @!p0 s5, $0x0  }
0x1f: {  	s9 =	smul.u32 $0xF7A, s1;
	s8 =	simm.s32 @!p0 $0x1BF5;
	p2 =	por !p2, p0  }
0x20: {  	[sflag:s8] =	ssyncset.s32 @!p0 $0xFFFFF086;
	s6 =	sadd.s32 @!p0 s3, s7;
	s7 =	simm.s32 @!p0 $0x108  }
0x21: {  	s3 =	sadd.s32 s3, s9;
	s6 =	sadd.s32 @!p0 $0x88, s6;
	s7 =	simm.s32 @p2 $0x1082  }
0x22: {  	[simem:s7], [sflag:s8] =	dma.local @!p0 [hbm:s6], $0xF7A  }
0x23: {  	s9 =	sor.u32 $0xD0000000, s2;
	s6 =	simm.s32 $0x108;
	_ =	swait.ge @!p0 [sflag:s8], $0x0  }
0x24: {  	s3 =	sadd.s32 $0x88, s3;
	s6 =	simm.s32 @!p1 $0x1082;
	[sflag:s4] =	ssyncset.s32 $0xFFFFF086  }
0x25: {  	[simem:s6], [sflag:s4] =	dma.local [hbm:s3], $0xF7A  }
0x26: {  	[smem:$0x3F9F] =	sst s1;
	(tag) =	ssettag s2;
	_ =	strace s9  }
0x27: {  	s1 =	sld [smem:$0x3FAF]  }
0x28: {  	s2 =	sld [smem:$0x3FB0]  }
0x29: {  	s4 =	sld [smem:$0x3FB2]  }
0x2a: {  	p0 =	seq.s32 s5, $0x0;
	s5 =	sld [smem:$0x3FB3]  }
0x2b: {  	s6 =	sld [smem:$0x3FB4]  }
0x2c: {  	s7 =	sld [smem:$0x3FB5]  }
0x2d: {  	s3 =	simm.s32 $0x108;
	s8 =	sld [smem:$0x3FB6]  }
0x2e: {  	s3 =	simm.s32 @!p0 $0x1082;
	s9 =	sld [smem:$0x3FB7]  }
0x2f: {  	lr =	sadd.s32 s0, s3;
	s0 =	sld [smem:$0x3FAE]  }
0x30: {  	s3 =	sld [smem:$0x3FB1]  }
0x31: {  	[smem:$0x3FBA] =	sst s10  }
0x32: {  	s10 =	sld [smem:$0x3FB8];
	_ =	sdelay $0x3  }
0x33: {  	p0 =	seq.s32 s10, $0x1;
	s10 =	sld [smem:$0x3FBA];
	_ =	sdelay $0x3  }
0x34: {  	[smem:$0x3FBA] =	sst s10  }
0x35: {  	s10 =	sld [smem:$0x3FB9];
	_ =	sdelay $0x3  }
0x36: {  	p1 =	seq.s32 s10, $0x1;
	s10 =	sld [smem:$0x3FBA];
	_ =	sdelay $0x3  }
0x37: {  	[smem:$0x3FBA] =	sst s10  }
0x38: {  	s10 =	sld [smem:$0x3FBB]  }
0x39: {  	_ = 	snop;
	(pc) =	sbr.ind lr, $3  }
0x3a: {  	_ = 	snop  }
0x3b: {  	_ = 	snop  }
0x3c: {  	p2 =	seq.s32 s10, $0x1;
	s10 =	sld [smem:$0x3FBA]  }
0x3d: {  	_ =	shalt  }
0x3e: {  	_ =	shalt  }
0x3f: {  	_ =	shalt  }
0x40: {  	_ =	shalt  }
0x41: {  	_ =	shalt  }
0x42: {  	_ =	shalt  }
0x43: {  	_ =	shalt  }
0x44: {  	_ =	shalt  }
0x45: {  	_ =	shalt  }
0x46: {  	_ =	shalt  }
0x47: {  	_ =	shalt  }
0x48: {  	_ =	shalt  }
0x49: {  	_ =	shalt  }
0x4a: {  	_ =	shalt  }
0x4b: {  	_ =	shalt  }
0x4c: {  	_ =	shalt  }
0x4d: {  	_ =	shalt  }
0x4e: {  	_ =	shalt  }
0x4f: {  	_ =	shalt  }
0x50: {  	_ =	shalt  }
0x51: {  	_ =	shalt  }
0x52: {  	_ =	shalt  }
0x53: {  	_ =	shalt  }
0x54: {  	_ =	shalt  }
0x55: {  	_ =	shalt  }
0x56: {  	_ =	shalt  }
0x57: {  	_ =	shalt  }
0x58: {  	_ =	shalt  }
0x59: {  	_ =	shalt  }
0x5a: {  	_ =	shalt  }
0x5b: {  	_ =	shalt  }
0x5c: {  	_ =	shalt  }
0x5d: {  	_ =	shalt  }
0x5e: {  	_ =	shalt  }
0x5f: {  	_ =	shalt  }
0x60: {  	_ =	shalt  }
0x61: {  	_ =	shalt  }
0x62: {  	_ =	shalt  }
0x63: {  	_ =	shalt  }
0x64: {  	_ =	shalt  }
0x65: {  	_ =	shalt  }
0x66: {  	_ =	shalt  }
0x67: {  	_ =	shalt  }
0x68: {  	_ =	shalt  }
0x69: {  	_ =	shalt  }
0x6a: {  	_ =	shalt  }
0x6b: {  	_ =	shalt  }
0x6c: {  	_ =	shalt  }
0x6d: {  	_ =	shalt  }
0x6e: {  	_ =	shalt  }
0x6f: {  	_ =	shalt  }
0x70: {  	_ =	shalt  }
0x71: {  	_ =	shalt  }
0x72: {  	_ =	shalt  }
0x73: {  	_ =	shalt  }
0x74: {  	_ =	shalt  }
0x75: {  	_ =	shalt  }
0x76: {  	_ =	shalt  }
0x77: {  	_ =	shalt  }
0x78: {  	_ =	shalt  }
0x79: {  	_ =	shalt  }
0x7a: {  	_ =	shalt  }
0x7b: {  	_ =	shalt  }
0x7c: {  	_ =	shalt  }
0x7d: {  	_ =	shalt  }
0x7e: {  	_ =	shalt  }
0x7f: {  	_ =	shalt  }
0x80: {  	_ =	shalt  }
0x81: {  	_ =	shalt  }
0x82: {  	_ =	shalt  }
0x83: {  	_ =	shalt  }
0x84: {  	_ =	shalt  }
0x85: {  	_ =	shalt  }
0x86: {  	_ =	shalt  }
0x87: {  	_ =	shalt  }
.Lfunc_end0:
.L_simem_size_0:
called_computation.1_lowered:
.L_overlay_start_0:
0x88: {  	s2 =	sld [smem:$0x3FD9]  }
0x89: {  	s3 =	sld [smem:$0x3FFE];
	_ =	sdelay $0x1  }
0x8a: {  	s1 =	srdreg.scid  }
0x8b: {  	s0 =	sand.u32 $0x1, s1  }
0x8c: {  	s17 =	sshll.u32 s0, $0xA;
	s2 =	sadd.s32 s3, s2  }
0x8d: {  	s2 =	sadd.s32 s2, s17  }
0x8e: {  	[smem:$0x3FC6] =	sst s2  }
0x8f: {  	_ = 	snop  }
0x90: {  	s2 =	sld [smem:$0x3FD0];
	(tm) =	ssettm $0x1  }
0x91: {  	s18 =	sld [smem:$0x3FFB];
	_ =	sdelay $0x3  }
0x92: {  	_ =	strace s18  }
0x93: {  	s3 =	sld [smem:$0x3FFC];
	_ =	sdelay $0x3  }
0x94: {  	_ =	strace s3  }
0x95: {  	s3 =	sld [smem:$0x3FFD];
	_ =	sdelay $0x3  }
0x96: {  	_ =	strace s3  }
0x97: {  	_ =	strace $0x8FFFFFFF  }
0x98: {  	s19 =	sld [smem:$0x3FDB];
	_ =	sdelay $0x1  }
0x99: {  	s4 =	simm.s32 $_scs_section_size  }
0x9a: {  	s5 =	simm.s32 $_size__tile_overlayer_lowered;
	s6 =	simm.s32 $_tile_overlayer_lowered  }
0x9b: {  	s22 =	simm.s32 $0x1BFF;
	s21 =	sshll.u32 s6, $0x1;
	s3 =	sadd.s32 s4, s19  }
0x9c: {  	s7 =	simm.s32 $0x0;
	s20 =	sshll.u32 s5, $0x1;
	s5 =	sadd.s32 s21, s3  }
0x9d: {  	[timem:s7], [sflag:s22] =	dma.local [hbm:s5], s20  }
0x9e: {  	_ =	swait.ge [sflag:s22], s20  }
0x9f: {  	s4 =	ssub.s32 $0x0, s20;
	[sflag:s22] =	ssyncset.done $0x0  }
0xa0: {  	[sflag:s22] =	ssyncadd.s32 s4;
	_ =	sdelay $0x1  }
0xa1: {  	s23 =	simm.s32 $0x1B8B  }
0xa2: {  	_ =	swait.ge [sflag:s23], $0x1  }
0xa3: {  	[sflag:s23] =	ssyncset.done $0x0  }
0xa4: {  	s25 =	simm.s32 $0x1B8E;
	s24 =	sld [smem:$0x3FFE];
	[sflag:s23] =	ssyncadd.s32 $0xFFFFFFFF  }
0xa5: {  	s26 =	simm.s32 $execute0_lowered;
	[smem:$0x3FD2] =	sst s25  }
0xa6: {  	s5 =	sshll.u32 s26, $0x1;
	_ =	strace $0x80000046;
	[dreg:$0x1] =	wrdreg $0xFFFFFFFF  }
0xa7: {  	s28 =	simm.s32 $_size_execute0_lowered;
	s3 =	sadd.s32 s3, s5;
	[dreg:$0x0] =	wrdreg $0x0  }
0xa8: {  	s5 =	sshll.u32 s28, $0x1;
	[dreg:$0x2] =	wrdreg s3  }
0xa9: {  	[dreg:$0x3] =	wrdreg s5  }
0xaa: {  	[dreg:$0x4] =	wrdreg $0xC0  }
0xab: {  	_ =	task [dreg:s7], $0x5FFFF  }
0xac: {  	[dreg:$0x1] =	wrdreg $0xFFFFFFFF  }
0xad: {  	[dreg:$0x0] =	wrdreg $0x60  }
0xae: {  	[dreg:$0x2] =	wrdreg s24  }
0xaf: {  	[dreg:$0x3] =	wrdreg s2  }
0xb0: {  	[dreg:$0x4] =	wrdreg $0x9  }
0xb1: {  	_ =	task.clear_ibuf [dreg:s7], $0x5FFFF;
	_ =	strace $0x90000046  }
0xb2: {  	s29 =	simm.s32 $0x9;
	_ =	strace $0x80000048  }
0xb3: {  	_ =	swait.ge [sflag:s29], $0x1  }
0xb4: {  	[sflag:s29] =	ssyncadd.s32 $0xFFFFFFFF  }
0xb5: {  	_ =	strace $0x90000048  }
0xb6: {  	_ =	sfence  }
0xb7: {  	s30 =	sld [smem:$0x0];
	_ =	sdelay $0x2  }
0xb8: {  	s31 =	sshll.u32 s1, $0xD;
	s1 =	sshrl.u32 s1, $0x2  }
0xb9: {  	s3 =	sand.u32 $0x4000, s31;
	s1 =	sadd.s32 s1, s30  }
0xba: {  	s0 =	sor.u32 s3, s0;
	s1 =	sshll.u32 s1, $0x11  }
0xbb: {  	s0 =	sor.u32 s1, s0  }
0xbc: {  	s0 =	sadd.s32 $0x8F2B, s0  }
0xbd: {  	[sflag:s0] =	ssyncadd.remote.s32 $0x1  }
0xbe: {  	_ =	sfence.sel $0xFFFF  }
0xbf: {  	[dreg:$0x0] =	wrdreg $0xFFFFFFFF;
	(pc) =	sbr.abs _section_cstart, $3  }
0xc0: {  	[dreg:$0x1] =	wrdreg $0xFFFFFFFF  }
0xc1: {  	_ =	task.clear_ibuf [dreg:s7], $0x2FFFF;
	_ =	strace $0x9FFFFFFF  }
0xc2: {  	(tm) =	ssettm $0x7FFFFFFF  }
0xc3: {  	_ =	shalt  }
tec
execute0_lowered:
.L_overlay_start_1:
0x0: {  	(tag) =	ssettag $0x1  }
0x1: {  	s0 =	rddreg [dreg:$0x0]  }
0x2: {  	s10 =	rddreg [dreg:$0x1]  }
0x3: {  	s1 =	srdreg.scid;
	s2 =	stileid.u32  }
0x4: {  	s3 =	simm.s32 $0x0;
	s18 =	simm.s32 $0x80;
	s22 =	simm.s32 $0x8800  }
0x5: {  	s23 =	simm.s32 $0x1;
	s24 =	simm.s32 $0x10800;
	s28 =	simm.s32 $0x14800  }
0x6: {  	s29 =	simm.s32 $0x3;
	s1 =	sand.u32 $0x1, s1;
	s2 =	sshll.u32 s2, $0x1  }
0x7: {  	s30 =	simm.s32 $0x5;
	s31 =	simm.s32 $0x4;
	s2 =	sor.u32 s1, s2  }
0x8: {  	[smem:$0x7FF] =	sst s3;
	s4 =	sadd.s32 $0xF42E00, s0;
	s8 =	smul.u32 $0x6400, s2  }
0x9: {  	s5 =	sadd.s32 $0xA00, s0;
	s1 =	ssub.s32 $0x2, s1;
	s9 =	smul.u32 $0xC80, s2  }
0xa: {  	_ =	strace $0x80000047;
	s25 =	sshrl.u32 s1, $0x1;
	s6 =	smul.u32 $0x320000, s2  }
0xb: {  	s7 =	smul.u32 $0x19, s2;
	s2 =	simm.s32 $0x0;
	s0 =	ssub.s32 s1, s25  }
.Ltmp0:
0xc: {  	s25 =	simm.s32 $0xC800;
	s26 =	sadd.s32 s10, s9;
	(pc) =	sbr.rel .LBB2_1-.Ltmp0, $4  }
0xd: {  	s9 =	sor.u32 $0x80, s8;
	s10 =	sor.u32 $0x100, s8;
	s11 =	sor.u32 $0xC000, s6  }
0xe: {  	s12 =	sor.u32 $0x10000, s6;
	s13 =	sor.u32 $0x14000, s6;
	s14 =	sor.u32 $0x18000, s6  }
0xf: {  	s15 =	sor.u32 $0x1C000, s6;
	s0 =	smax.u32 s0, $0x1;
	[dreg:$0x3] =	wrdreg s26  }
0x10: {  	[dreg:$0x4] =	wrdreg s0;
	s26 =	simm.s32 $0x2;
	s0 =	simm.s32 $0x6  }
.LBB2_20:
0x11: {  	_ =	swait.ge [sflag:s30], $0x4000  }
0x12: {  	[sflag:s30] =	ssyncset.done $0x0  }
0x13: {  	[sflag:s30] =	ssyncadd.s32 $0xFFFFC000  }
0x14: {  	_ =	swait.ge [sflag:s0], $0x4000  }
0x15: {  	s2 =	rddreg [dreg:$0x5]  }
0x16: {  	s1 =	rddreg [dreg:$0x4];
	s2 =	sadd.s32 $0x1, s2  }
0x17: {  	p0 =	sne.s32 s2, s1  }
.Ltmp1:
0x18: {  	_ = 	snop;
	(pc) =	sbr.rel @!p0 .LBB2_21-.Ltmp1, $3  }
0x19: {  	_ =	sdelay $0x1  }
0x1a: {  	[sflag:s0] =	ssyncset.done $0x0  }
0x1b: {  	[sflag:s0] =	ssyncadd.s32 $0xFFFFC000  }
.LBB2_1:
0x1c: {  	[dreg:$0x5] =	wrdreg s2  }
0x1d: {  	s1 =	rddreg [dreg:$0x3];
	s17 =	simm.s32 $0x7  }
0x1e: {  	[tilespmem:s3], [sflag:$0x7] =	stream.linear.gather [hbm4b:s1+s3], $0x400, $0x38;
	[tilespmem:$0x18800] =	vst v63  }
0x1f: {  	_ =	swait.ge [sflag:s17], $0x400  }
0x20: {  	[sflag:s17] =	ssyncset.done $0x0  }
0x21: {  	s19 =	simm.s32 $0x800;
	[sflag:s17] =	ssyncadd.s32 $0xFFFFFC00  }
0x22: {  	[tilespmem:s19], [sflag:$0x1] =	stream.indirect.gather [hbm4b:s4+s18], $0x80, s3, s18, $0xb8;
	[tilespmem:$0x18800] =	vst v63  }
0x23: {  	s20 =	simm.s32 $0x4800  }
0x24: {  	[tilespmem:s20], [sflag:$0x2] =	stream.indirect.gather [hbm4b:s4+s18], $0x80, s18, s18, $0xb8;
	[tilespmem:$0x18800] =	vst v63  }
0x25: {  	s21 =	simm.s32 $0x100  }
0x26: {  	[tilespmem:s22], [sflag:$0x3] =	stream.indirect.gather [hbm4b:s4+s18], $0x80, s21, s18, $0xb8;
	[tilespmem:$0x18800] =	vst v63  }
0x27: {  	s21 =	simm.s32 $0x0  }
.LBB2_2:
0x28: {  	p0 =	seq.s32 s21, $0x18  }
0x29: {  	s1 =	sadd.s32 @!p0 $0x1, s21  }
0x2a: {  	s2 =	sadd.s32 @!p0 s7, s1  }
0x2b: {  	s2 =	sshll.u32 @!p0 s2, $0x7  }
0x2c: {  	s8 =	rddreg [dreg:$0x1];
	s1 =	sshll.u32 @!p0 s1, $0xA;
	s2 =	sand.u32 @!p0 $0x1FFFFF80, s2  }
0x2d: {  	s1 =	sand.u32 @!p0 $0x400, s1;
	s2 =	sadd.s32 @!p0 s8, s2;
	s8 =	simm.s32 @!p0 $0x0  }
0x2e: {  	[tilespmem:s1], [sflag:$0x7] =	stream.linear.gather @!p0 [hbm4b:s2+s8], $0x400, $0x38;
	[tilespmem:$0x18800] =	vst v63  }
0x2f: {  	_ =	swait.ge [sflag:s23], $0x4000  }
0x30: {  	p2 =	seq.s32 s21, $0x0;
	[sflag:s23] =	ssyncset.done $0x0  }
0x31: {  	s1 =	simm.s32 @!p2 $0x5;
	[sflag:s23] =	ssyncadd.s32 $0xFFFFC000  }
0x32: {  	_ =	swait.ge @!p2 [sflag:s1], $0x4000  }
0x33: {  	[sflag:s1] =	ssyncset.done @!p2 $0x0  }
0x34: {  	s20 =	simm.s32 $0xA00;
	[sflag:s1] =	ssyncadd.s32 @!p2 $0xFFFFC000  }
0x35: {  	v0 =	vld [tilespmem:s20+$0xFFFFFE00];
	_ =	sdelay $0x3  }
0x36: {  	s8 =	simm.s32 $0x10A00  }
0x37: {  	[tilespmem:s8+$0xFFFFFE00] =	vst v0  }
0x38: {  	v0 =	vld [tilespmem:s20+$0xFFFFFE10];
	_ =	sdelay $0x4  }
0x39: {  	[tilespmem:s8+$0xFFFFFE10] =	vst v0  }
0x3a: {  	v0 =	vld [tilespmem:s20+$0xFFFFFE20];
	_ =	sdelay $0x4  }
0x3b: {  	[tilespmem:s8+$0xFFFFFE20] =	vst v0  }
0x3c: {  	v0 =	vld [tilespmem:s20+$0xFFFFFE30];
	_ =	sdelay $0x4  }
0x3d: {  	[tilespmem:s8+$0xFFFFFE30] =	vst v0  }
0x3e: {  	v0 =	vld [tilespmem:s20+$0xFFFFFE80];
	_ =	sdelay $0x4  }
0x3f: {  	[tilespmem:s8+$0xFFFFFE80] =	vst v0  }
0x40: {  	v0 =	vld [tilespmem:s20+$0xFFFFFE90];
	_ =	sdelay $0x4  }
0x41: {  	[tilespmem:s8+$0xFFFFFE90] =	vst v0  }
0x42: {  	v0 =	vld [tilespmem:s20+$0xFFFFFEA0];
	_ =	sdelay $0x4  }
0x43: {  	[tilespmem:s8+$0xFFFFFEA0] =	vst v0  }
0x44: {  	v0 =	vld [tilespmem:s20+$0xFFFFFEB0];
	_ =	sdelay $0x4  }
0x45: {  	[tilespmem:s8+$0xFFFFFEB0] =	vst v0  }
0x46: {  	v0 =	vld [tilespmem:s20+$0xFFFFFF00];
	_ =	sdelay $0x4  }
0x47: {  	[tilespmem:s8+$0xFFFFFF00] =	vst v0  }
0x48: {  	v0 =	vld [tilespmem:s20+$0xFFFFFF10];
	_ =	sdelay $0x4  }
0x49: {  	[tilespmem:s8+$0xFFFFFF10] =	vst v0  }
0x4a: {  	v0 =	vld [tilespmem:s20+$0xFFFFFF20];
	_ =	sdelay $0x4  }
0x4b: {  	[tilespmem:s8+$0xFFFFFF20] =	vst v0  }
0x4c: {  	v0 =	vld [tilespmem:s20+$0xFFFFFF30];
	_ =	sdelay $0x4  }
0x4d: {  	[tilespmem:s8+$0xFFFFFF30] =	vst v0  }
0x4e: {  	v0 =	vld [tilespmem:s20+$0xFFFFFF80];
	_ =	sdelay $0x4  }
0x4f: {  	[tilespmem:s8+$0xFFFFFF80] =	vst v0  }
0x50: {  	v0 =	vld [tilespmem:s20+$0xFFFFFF90];
	_ =	sdelay $0x4  }
0x51: {  	[tilespmem:s8+$0xFFFFFF90] =	vst v0  }
0x52: {  	v0 =	vld [tilespmem:s20+$0xFFFFFFA0];
	_ =	sdelay $0x4  }
0x53: {  	[tilespmem:s8+$0xFFFFFFA0] =	vst v0  }
0x54: {  	v0 =	vld [tilespmem:s20+$0xFFFFFFB0];
	_ =	sdelay $0x4  }
0x55: {  	[tilespmem:s8+$0xFFFFFFB0] =	vst v0  }
0x56: {  	v0 =	vld [tilespmem:s20+$0x0];
	_ =	sdelay $0x4  }
0x57: {  	[tilespmem:s8+$0x0] =	vst v0  }
0x58: {  	v0 =	vld [tilespmem:s20+$0x10];
	_ =	sdelay $0x4  }
0x59: {  	[tilespmem:s8+$0x10] =	vst v0  }
0x5a: {  	v0 =	vld [tilespmem:s20+$0x20];
	_ =	sdelay $0x4  }
0x5b: {  	[tilespmem:s8+$0x20] =	vst v0  }
0x5c: {  	v0 =	vld [tilespmem:s20+$0x30];
	_ =	sdelay $0x4  }
0x5d: {  	[tilespmem:s8+$0x30] =	vst v0  }
0x5e: {  	v0 =	vld [tilespmem:s20+$0x80];
	_ =	sdelay $0x4  }
0x5f: {  	[tilespmem:s8+$0x80] =	vst v0  }
0x60: {  	v0 =	vld [tilespmem:s20+$0x90];
	_ =	sdelay $0x4  }
0x61: {  	[tilespmem:s8+$0x90] =	vst v0  }
0x62: {  	v0 =	vld [tilespmem:s20+$0xA0];
	_ =	sdelay $0x4  }
0x63: {  	[tilespmem:s8+$0xA0] =	vst v0  }
0x64: {  	v0 =	vld [tilespmem:s20+$0xB0];
	_ =	sdelay $0x4  }
0x65: {  	[tilespmem:s8+$0xB0] =	vst v0  }
0x66: {  	v0 =	vld [tilespmem:s20+$0x100];
	_ =	sdelay $0x4  }
0x67: {  	[tilespmem:s8+$0x100] =	vst v0  }
0x68: {  	v0 =	vld [tilespmem:s20+$0x110];
	_ =	sdelay $0x4  }
0x69: {  	[tilespmem:s8+$0x110] =	vst v0  }
0x6a: {  	v0 =	vld [tilespmem:s20+$0x120];
	_ =	sdelay $0x4  }
0x6b: {  	[tilespmem:s8+$0x120] =	vst v0  }
0x6c: {  	v0 =	vld [tilespmem:s20+$0x130];
	_ =	sdelay $0x4  }
0x6d: {  	[tilespmem:s8+$0x130] =	vst v0  }
0x6e: {  	v0 =	vld [tilespmem:s20+$0x180];
	_ =	sdelay $0x4  }
0x6f: {  	[tilespmem:s8+$0x180] =	vst v0  }
0x70: {  	v0 =	vld [tilespmem:s20+$0x190];
	_ =	sdelay $0x4  }
0x71: {  	[tilespmem:s8+$0x190] =	vst v0  }
0x72: {  	v0 =	vld [tilespmem:s20+$0x1A0];
	_ =	sdelay $0x4  }
0x73: {  	[tilespmem:s8+$0x1A0] =	vst v0  }
0x74: {  	v0 =	vld [tilespmem:s20+$0x1B0];
	_ =	sdelay $0x4  }
0x75: {  	s16 =	simm.s32 $0x0;
	s1 =	simm.s32 $0xE00;
	[tilespmem:s8+$0x1B0] =	vst v0  }
.LBB2_3:
0x76: {  	v0 =	vld [tilespmem:s1+$0xFFFFFE00];
	s16 =	sadd.s32 $0x8, s16  }
0x77: {  	p1 =	slt.u32 s16, $0x78;
	_ =	sdelay $0x2  }
0x78: {  	s8 =	sadd.s32 $0x400, s8  }
0x79: {  	[tilespmem:s8+$0xFFFFFE00] =	vst v0  }
0x7a: {  	v0 =	vld [tilespmem:s1+$0xFFFFFE10];
	_ =	sdelay $0x4  }
0x7b: {  	[tilespmem:s8+$0xFFFFFE10] =	vst v0  }
0x7c: {  	v0 =	vld [tilespmem:s1+$0xFFFFFE20];
	_ =	sdelay $0x4  }
0x7d: {  	[tilespmem:s8+$0xFFFFFE20] =	vst v0  }
0x7e: {  	v0 =	vld [tilespmem:s1+$0xFFFFFE30];
	_ =	sdelay $0x4  }
0x7f: {  	[tilespmem:s8+$0xFFFFFE30] =	vst v0  }
0x80: {  	v0 =	vld [tilespmem:s1+$0xFFFFFE80];
	_ =	sdelay $0x4  }
0x81: {  	[tilespmem:s8+$0xFFFFFE80] =	vst v0  }
0x82: {  	v0 =	vld [tilespmem:s1+$0xFFFFFE90];
	_ =	sdelay $0x4  }
0x83: {  	[tilespmem:s8+$0xFFFFFE90] =	vst v0  }
0x84: {  	v0 =	vld [tilespmem:s1+$0xFFFFFEA0];
	_ =	sdelay $0x4  }
0x85: {  	[tilespmem:s8+$0xFFFFFEA0] =	vst v0  }
0x86: {  	v0 =	vld [tilespmem:s1+$0xFFFFFEB0];
	_ =	sdelay $0x4  }
0x87: {  	[tilespmem:s8+$0xFFFFFEB0] =	vst v0  }
0x88: {  	v0 =	vld [tilespmem:s1+$0xFFFFFF00];
	_ =	sdelay $0x4  }
0x89: {  	[tilespmem:s8+$0xFFFFFF00] =	vst v0  }
0x8a: {  	v0 =	vld [tilespmem:s1+$0xFFFFFF10];
	_ =	sdelay $0x4  }
0x8b: {  	[tilespmem:s8+$0xFFFFFF10] =	vst v0  }
0x8c: {  	v0 =	vld [tilespmem:s1+$0xFFFFFF20];
	_ =	sdelay $0x4  }
0x8d: {  	[tilespmem:s8+$0xFFFFFF20] =	vst v0  }
0x8e: {  	v0 =	vld [tilespmem:s1+$0xFFFFFF30];
	_ =	sdelay $0x4  }
0x8f: {  	[tilespmem:s8+$0xFFFFFF30] =	vst v0  }
0x90: {  	v0 =	vld [tilespmem:s1+$0xFFFFFF80];
	_ =	sdelay $0x4  }
0x91: {  	[tilespmem:s8+$0xFFFFFF80] =	vst v0  }
0x92: {  	v0 =	vld [tilespmem:s1+$0xFFFFFF90];
	_ =	sdelay $0x4  }
0x93: {  	[tilespmem:s8+$0xFFFFFF90] =	vst v0  }
0x94: {  	v0 =	vld [tilespmem:s1+$0xFFFFFFA0];
	_ =	sdelay $0x4  }
0x95: {  	[tilespmem:s8+$0xFFFFFFA0] =	vst v0  }
0x96: {  	v0 =	vld [tilespmem:s1+$0xFFFFFFB0];
	_ =	sdelay $0x4  }
0x97: {  	[tilespmem:s8+$0xFFFFFFB0] =	vst v0  }
0x98: {  	v0 =	vld [tilespmem:s1+$0x0];
	_ =	sdelay $0x4  }
0x99: {  	[tilespmem:s8+$0x0] =	vst v0  }
0x9a: {  	v0 =	vld [tilespmem:s1+$0x10];
	_ =	sdelay $0x4  }
0x9b: {  	[tilespmem:s8+$0x10] =	vst v0  }
0x9c: {  	v0 =	vld [tilespmem:s1+$0x20];
	_ =	sdelay $0x4  }
0x9d: {  	[tilespmem:s8+$0x20] =	vst v0  }
0x9e: {  	v0 =	vld [tilespmem:s1+$0x30];
	_ =	sdelay $0x4  }
0x9f: {  	[tilespmem:s8+$0x30] =	vst v0  }
0xa0: {  	v0 =	vld [tilespmem:s1+$0x80];
	_ =	sdelay $0x4  }
0xa1: {  	[tilespmem:s8+$0x80] =	vst v0  }
0xa2: {  	v0 =	vld [tilespmem:s1+$0x90];
	_ =	sdelay $0x4  }
0xa3: {  	[tilespmem:s8+$0x90] =	vst v0  }
0xa4: {  	v0 =	vld [tilespmem:s1+$0xA0];
	_ =	sdelay $0x4  }
0xa5: {  	[tilespmem:s8+$0xA0] =	vst v0  }
0xa6: {  	v0 =	vld [tilespmem:s1+$0xB0];
	_ =	sdelay $0x4  }
0xa7: {  	[tilespmem:s8+$0xB0] =	vst v0  }
0xa8: {  	v0 =	vld [tilespmem:s1+$0x100];
	_ =	sdelay $0x4  }
0xa9: {  	[tilespmem:s8+$0x100] =	vst v0  }
0xaa: {  	v0 =	vld [tilespmem:s1+$0x110];
	_ =	sdelay $0x4  }
0xab: {  	[tilespmem:s8+$0x110] =	vst v0  }
0xac: {  	v0 =	vld [tilespmem:s1+$0x120];
	_ =	sdelay $0x4  }
0xad: {  	[tilespmem:s8+$0x120] =	vst v0  }
0xae: {  	v0 =	vld [tilespmem:s1+$0x130];
	_ =	sdelay $0x4  }
0xaf: {  	[tilespmem:s8+$0x130] =	vst v0  }
0xb0: {  	v0 =	vld [tilespmem:s1+$0x180];
	_ =	sdelay $0x4  }
0xb1: {  	[tilespmem:s8+$0x180] =	vst v0  }
0xb2: {  	v0 =	vld [tilespmem:s1+$0x190];
	_ =	sdelay $0x4  }
0xb3: {  	[tilespmem:s8+$0x190] =	vst v0  }
0xb4: {  	v0 =	vld [tilespmem:s1+$0x1A0];
	_ =	sdelay $0x4  }
0xb5: {  	[tilespmem:s8+$0x1A0] =	vst v0  }
0xb6: {  	v0 =	vld [tilespmem:s1+$0x1B0]  }
.Ltmp2:
0xb7: {  	(pc) =	sbr.rel @p1 .LBB2_3-.Ltmp2, $2  }
0xb8: {  	_ =	sdelay $0x2  }
0xb9: {  	s1 =	sadd.s32 $0x400, s1;
	[tilespmem:s8+$0x1B0] =	vst v0  }
0xba: {  	s8 =	sshll.u32 s21, $0x11  }
0xbb: {  	s1 =	sadd.s32 s6, s8  }
0xbc: {  	s1 =	sshrl.u32 s1, $0x3  }
0xbd: {  	s20 =	sand.u32 $0x1, s21;
	s1 =	sadd.s32 s5, s1  }
0xbe: {  	[hbm4b:s1+s3] =	stream.linear.scatter [tilespmem:s24], [sflag:$0x5], $0x4000, $0x38;
	[tilespmem:$0x18800] =	vst v63  }
0xbf: {  	p1 =	seq.s32 s20, $0x1;
	s1 =	simm.s32 $0x580  }
0xc0: {  	s1 =	simm.s32 @!p1 $0x180  }
0xc1: {  	[tilespmem:s25], [sflag:$0x4] =	stream.indirect.gather [hbm4b:s4+s18], $0x80, s1, s18, $0xb8;
	[tilespmem:$0x18800] =	vst v63  }
0xc2: {  	_ =	swait.ge [sflag:s26], $0x4000  }
0xc3: {  	[sflag:s26] =	ssyncset.done $0x0  }
0xc4: {  	s1 =	simm.s32 @!p2 $0x6;
	[sflag:s26] =	ssyncadd.s32 $0xFFFFC000  }
0xc5: {  	_ =	swait.ge @!p2 [sflag:s1], $0x4000  }
0xc6: {  	[sflag:s1] =	ssyncset.done @!p2 $0x0  }
0xc7: {  	[sflag:s1] =	ssyncadd.s32 @!p2 $0xFFFFC000;
	s1 =	simm.s32 $0x0  }
0xc8: {  	v0 =	vld [tilespmem:s1+$0x4BB0]  }
0xc9: {  	v1 =	vld [tilespmem:s1+$0x4800]  }
0xca: {  	v2 =	vld [tilespmem:s1+$0x4810]  }
0xcb: {  	v3 =	vld [tilespmem:s1+$0x4820]  }
0xcc: {  	v4 =	vld [tilespmem:s1+$0x4830]  }
0xcd: {  	v5 =	vld [tilespmem:s1+$0x4880];
	[tilespmem:s1+$0x14BB0] =	vst v0  }
0xce: {  	[tilespmem:s1+$0x14800] =	vst v1;
	v0 =	vld [tilespmem:s1+$0x4890]  }
0xcf: {  	[tilespmem:s1+$0x14810] =	vst v2;
	v1 =	vld [tilespmem:s1+$0x48A0]  }
0xd0: {  	[tilespmem:s1+$0x14820] =	vst v3;
	v2 =	vld [tilespmem:s1+$0x48B0]  }
0xd1: {  	[tilespmem:s1+$0x14830] =	vst v4;
	v3 =	vld [tilespmem:s1+$0x4900]  }
0xd2: {  	[tilespmem:s1+$0x14880] =	vst v5;
	v4 =	vld [tilespmem:s1+$0x4910]  }
0xd3: {  	v5 =	vld [tilespmem:s1+$0x4AB0];
	[tilespmem:s1+$0x14890] =	vst v0  }
0xd4: {  	v0 =	vld [tilespmem:s1+$0x4920];
	[tilespmem:s1+$0x148A0] =	vst v1  }
0xd5: {  	v1 =	vld [tilespmem:s1+$0x4930];
	[tilespmem:s1+$0x148B0] =	vst v2  }
0xd6: {  	v2 =	vld [tilespmem:s1+$0x4980];
	[tilespmem:s1+$0x14900] =	vst v3  }
0xd7: {  	[tilespmem:s1+$0x14910] =	vst v4;
	v4 =	vld [tilespmem:s1+$0x49A0]  }
0xd8: {  	v3 =	vld [tilespmem:s1+$0x4990];
	[tilespmem:s1+$0x14AB0] =	vst v5  }
0xd9: {  	[tilespmem:s1+$0x14920] =	vst v0;
	v0 =	vld [tilespmem:s1+$0x49B0]  }
0xda: {  	[tilespmem:s1+$0x14930] =	vst v1;
	v1 =	vld [tilespmem:s1+$0x4A00]  }
0xdb: {  	[tilespmem:s1+$0x14980] =	vst v2;
	v2 =	vld [tilespmem:s1+$0x4A10]  }
0xdc: {  	[tilespmem:s1+$0x149A0] =	vst v4;
	v4 =	vld [tilespmem:s1+$0x4A30]  }
0xdd: {  	[tilespmem:s1+$0x14990] =	vst v3;
	v3 =	vld [tilespmem:s1+$0x4A20]  }
0xde: {  	[tilespmem:s1+$0x149B0] =	vst v0;
	v0 =	vld [tilespmem:s1+$0x4A80]  }
0xdf: {  	[tilespmem:s1+$0x14A00] =	vst v1;
	v1 =	vld [tilespmem:s1+$0x4A90]  }
0xe0: {  	[tilespmem:s1+$0x14A10] =	vst v2;
	v2 =	vld [tilespmem:s1+$0x4AA0]  }
0xe1: {  	[tilespmem:s1+$0x14A30] =	vst v4;
	v4 =	vld [tilespmem:s1+$0x4B00]  }
0xe2: {  	[tilespmem:s1+$0x14A20] =	vst v3;
	v3 =	vld [tilespmem:s1+$0x4B10]  }
0xe3: {  	[tilespmem:s1+$0x14A80] =	vst v0;
	v0 =	vld [tilespmem:s1+$0x4B20]  }
0xe4: {  	[tilespmem:s1+$0x14A90] =	vst v1;
	v1 =	vld [tilespmem:s1+$0x4B30]  }
0xe5: {  	[tilespmem:s1+$0x14AA0] =	vst v2;
	v2 =	vld [tilespmem:s1+$0x4B80]  }
0xe6: {  	s2 =	simm.s32 $0x0;
	s16 =	simm.s32 $0x1000;
	[tilespmem:s1+$0x14B00] =	vst v4;
	v4 =	vld [tilespmem:s1+$0x4B90]  }
.LBB2_5:
0xe7: {  	s17 =	sshra.s32 s16, $0x2;
	s2 =	sadd.s32 $0x8, s2;
	[tilespmem:s1+$0x14B10] =	vst v3;
	v3 =	vld [tilespmem:s1+$0x4BA0]  }
0xe8: {  	v5 =	vld [tilespmem:s17+$0x4BB0];
	p2 =	slt.u32 s2, $0x78;
	[tilespmem:s1+$0x14B20] =	vst v0  }
0xe9: {  	v0 =	vld [tilespmem:s17+$0x4800];
	[tilespmem:s1+$0x14B30] =	vst v1  }
0xea: {  	v1 =	vld [tilespmem:s17+$0x4810];
	[tilespmem:s1+$0x14B80] =	vst v2  }
0xeb: {  	v2 =	vld [tilespmem:s17+$0x4820];
	[tilespmem:s1+$0x14B90] =	vst v4  }
0xec: {  	v4 =	vld [tilespmem:s17+$0x4830];
	[tilespmem:s1+$0x14BA0] =	vst v3;
	s1 =	smov.u32 s17  }
0xed: {  	v3 =	vld [tilespmem:s1+$0x4880];
	[tilespmem:s1+$0x14BB0] =	vst v5  }
0xee: {  	[tilespmem:s1+$0x14800] =	vst v0;
	v0 =	vld [tilespmem:s1+$0x4890]  }
0xef: {  	[tilespmem:s1+$0x14810] =	vst v1;
	v1 =	vld [tilespmem:s1+$0x48A0]  }
0xf0: {  	[tilespmem:s1+$0x14820] =	vst v2;
	v2 =	vld [tilespmem:s1+$0x48B0]  }
0xf1: {  	[tilespmem:s1+$0x14830] =	vst v4;
	v4 =	vld [tilespmem:s1+$0x4900]  }
0xf2: {  	[tilespmem:s1+$0x14880] =	vst v3;
	v3 =	vld [tilespmem:s1+$0x4910]  }
0xf3: {  	[tilespmem:s1+$0x14890] =	vst v0;
	v0 =	vld [tilespmem:s1+$0x4920]  }
0xf4: {  	[tilespmem:s1+$0x148A0] =	vst v1;
	v1 =	vld [tilespmem:s1+$0x4930]  }
0xf5: {  	[tilespmem:s1+$0x148B0] =	vst v2;
	v2 =	vld [tilespmem:s1+$0x4980]  }
0xf6: {  	[tilespmem:s1+$0x14900] =	vst v4;
	v4 =	vld [tilespmem:s1+$0x4990]  }
0xf7: {  	[tilespmem:s1+$0x14910] =	vst v3;
	v3 =	vld [tilespmem:s1+$0x49A0]  }
0xf8: {  	[tilespmem:s1+$0x14920] =	vst v0;
	v0 =	vld [tilespmem:s1+$0x49B0]  }
0xf9: {  	[tilespmem:s1+$0x14930] =	vst v1;
	v1 =	vld [tilespmem:s1+$0x4A00]  }
0xfa: {  	[tilespmem:s1+$0x14980] =	vst v2;
	v2 =	vld [tilespmem:s1+$0x4A10]  }
0xfb: {  	[tilespmem:s1+$0x14990] =	vst v4;
	v4 =	vld [tilespmem:s1+$0x4A20]  }
0xfc: {  	[tilespmem:s1+$0x149A0] =	vst v3;
	v3 =	vld [tilespmem:s1+$0x4A30]  }
0xfd: {  	[tilespmem:s1+$0x149B0] =	vst v0;
	v0 =	vld [tilespmem:s1+$0x4A80]  }
0xfe: {  	[tilespmem:s1+$0x14A00] =	vst v1;
	v1 =	vld [tilespmem:s1+$0x4A90]  }
0xff: {  	[tilespmem:s1+$0x14A10] =	vst v2;
	v2 =	vld [tilespmem:s1+$0x4AA0]  }
0x100: {  	[tilespmem:s1+$0x14A20] =	vst v4;
	v4 =	vld [tilespmem:s1+$0x4AB0]  }
0x101: {  	[tilespmem:s1+$0x14A30] =	vst v3;
	v5 =	vld [tilespmem:s1+$0x4B00]  }
.Ltmp3:
0x102: {  	[tilespmem:s1+$0x14A80] =	vst v0;
	v3 =	vld [tilespmem:s1+$0x4B10];
	(pc) =	sbr.rel @p2 .LBB2_5-.Ltmp3, $4  }
0x103: {  	[tilespmem:s1+$0x14A90] =	vst v1;
	v0 =	vld [tilespmem:s1+$0x4B20]  }
0x104: {  	[tilespmem:s1+$0x14AA0] =	vst v2;
	v1 =	vld [tilespmem:s1+$0x4B30]  }
0x105: {  	[tilespmem:s1+$0x14AB0] =	vst v4;
	v2 =	vld [tilespmem:s1+$0x4B80]  }
0x106: {  	s16 =	sadd.s32 $0x1000, s16;
	[tilespmem:s1+$0x14B00] =	vst v5;
	v4 =	vld [tilespmem:s1+$0x4B90]  }
0x107: {  	[tilespmem:s1+$0x14B10] =	vst v3;
	v3 =	vld [tilespmem:s1+$0x4BA0]  }
0x108: {  	[tilespmem:s1+$0x14B20] =	vst v0  }
0x109: {  	s16 =	sshll.u32 s21, $0xA;
	[tilespmem:s1+$0x14B30] =	vst v1  }
0x10a: {  	s2 =	sadd.s32 s16, s9;
	[tilespmem:s1+$0x14B80] =	vst v2  }
0x10b: {  	s2 =	sshll.u32 s2, $0x4;
	[tilespmem:s1+$0x14B90] =	vst v4  }
0x10c: {  	s19 =	simm.s32 $0x0;
	s17 =	sadd.s32 s5, s2;
	[tilespmem:s1+$0x14BA0] =	vst v3;
	s1 =	simm.s32 $0x600  }
0x10d: {  	[hbm4b:s17+s19] =	stream.linear.scatter [tilespmem:s28], [sflag:$0x6], $0x4000, $0x38;
	[tilespmem:$0x18800] =	vst v63  }
0x10e: {  	s20 =	simm.s32 $0x800;
	s1 =	simm.s32 @!p1 $0x200  }
0x10f: {  	[tilespmem:s20], [sflag:$0x1] =	stream.indirect.gather [hbm4b:s4+s18], $0x80, s1, s18, $0xb8;
	[tilespmem:$0x18800] =	vst v63  }
0x110: {  	_ =	swait.ge [sflag:s29], $0x4000  }
0x111: {  	[sflag:s29] =	ssyncset.done $0x0  }
0x112: {  	[sflag:s29] =	ssyncadd.s32 $0xFFFFC000  }
0x113: {  	_ =	swait.ge [sflag:s30], $0x4000  }
0x114: {  	[sflag:s30] =	ssyncset.done $0x0  }
0x115: {  	s1 =	simm.s32 $0x0;
	[sflag:s30] =	ssyncadd.s32 $0xFFFFC000  }
0x116: {  	v0 =	vld [tilespmem:s1+$0x8BB0]  }
0x117: {  	v1 =	vld [tilespmem:s1+$0x8800]  }
0x118: {  	v2 =	vld [tilespmem:s1+$0x8810]  }
0x119: {  	v3 =	vld [tilespmem:s1+$0x8820]  }
0x11a: {  	v4 =	vld [tilespmem:s1+$0x8830]  }
0x11b: {  	v5 =	vld [tilespmem:s1+$0x8880];
	[tilespmem:s1+$0x10BB0] =	vst v0  }
0x11c: {  	[tilespmem:s1+$0x10800] =	vst v1;
	v0 =	vld [tilespmem:s1+$0x8890]  }
0x11d: {  	[tilespmem:s1+$0x10810] =	vst v2;
	v1 =	vld [tilespmem:s1+$0x88A0]  }
0x11e: {  	[tilespmem:s1+$0x10820] =	vst v3;
	v2 =	vld [tilespmem:s1+$0x88B0]  }
0x11f: {  	[tilespmem:s1+$0x10830] =	vst v4;
	v3 =	vld [tilespmem:s1+$0x8900]  }
0x120: {  	[tilespmem:s1+$0x10880] =	vst v5;
	v4 =	vld [tilespmem:s1+$0x8910]  }
0x121: {  	v5 =	vld [tilespmem:s1+$0x8AA0];
	[tilespmem:s1+$0x10890] =	vst v0  }
0x122: {  	v0 =	vld [tilespmem:s1+$0x8920];
	[tilespmem:s1+$0x108A0] =	vst v1  }
0x123: {  	v1 =	vld [tilespmem:s1+$0x8930];
	[tilespmem:s1+$0x108B0] =	vst v2  }
0x124: {  	[tilespmem:s1+$0x10900] =	vst v3;
	v3 =	vld [tilespmem:s1+$0x8990]  }
0x125: {  	[tilespmem:s1+$0x10910] =	vst v4;
	v4 =	vld [tilespmem:s1+$0x89A0]  }
0x126: {  	v2 =	vld [tilespmem:s1+$0x8980];
	[tilespmem:s1+$0x10AA0] =	vst v5  }
0x127: {  	[tilespmem:s1+$0x10920] =	vst v0;
	v0 =	vld [tilespmem:s1+$0x89B0]  }
0x128: {  	[tilespmem:s1+$0x10930] =	vst v1;
	v1 =	vld [tilespmem:s1+$0x8A00]  }
0x129: {  	[tilespmem:s1+$0x10990] =	vst v3;
	v3 =	vld [tilespmem:s1+$0x8A20]  }
0x12a: {  	[tilespmem:s1+$0x109A0] =	vst v4;
	v4 =	vld [tilespmem:s1+$0x8A30]  }
0x12b: {  	[tilespmem:s1+$0x10980] =	vst v2;
	v2 =	vld [tilespmem:s1+$0x8A10]  }
0x12c: {  	[tilespmem:s1+$0x109B0] =	vst v0;
	v0 =	vld [tilespmem:s1+$0x8A80]  }
0x12d: {  	[tilespmem:s1+$0x10A00] =	vst v1;
	v1 =	vld [tilespmem:s1+$0x8A90]  }
0x12e: {  	[tilespmem:s1+$0x10A20] =	vst v3;
	v3 =	vld [tilespmem:s1+$0x8AB0]  }
0x12f: {  	[tilespmem:s1+$0x10A30] =	vst v4;
	v4 =	vld [tilespmem:s1+$0x8B00]  }
0x130: {  	[tilespmem:s1+$0x10A10] =	vst v2;
	v2 =	vld [tilespmem:s1+$0x8B10]  }
0x131: {  	[tilespmem:s1+$0x10A80] =	vst v0;
	v0 =	vld [tilespmem:s1+$0x8B20]  }
0x132: {  	[tilespmem:s1+$0x10A90] =	vst v1;
	v1 =	vld [tilespmem:s1+$0x8B30]  }
0x133: {  	[tilespmem:s1+$0x10AB0] =	vst v3;
	v3 =	vld [tilespmem:s1+$0x8B80]  }
0x134: {  	s2 =	simm.s32 $0x0;
	s17 =	simm.s32 $0x1000;
	[tilespmem:s1+$0x10B00] =	vst v4;
	v4 =	vld [tilespmem:s1+$0x8B90]  }
.LBB2_7:
0x135: {  	s19 =	sshra.s32 s17, $0x2;
	s2 =	sadd.s32 $0x8, s2;
	[tilespmem:s1+$0x10B10] =	vst v2;
	v2 =	vld [tilespmem:s1+$0x8BA0]  }
0x136: {  	v5 =	vld [tilespmem:s19+$0x8BB0];
	p2 =	slt.u32 s2, $0x78;
	[tilespmem:s1+$0x10B20] =	vst v0  }
0x137: {  	v0 =	vld [tilespmem:s19+$0x8800];
	[tilespmem:s1+$0x10B30] =	vst v1  }
0x138: {  	v1 =	vld [tilespmem:s19+$0x8810];
	[tilespmem:s1+$0x10B80] =	vst v3  }
0x139: {  	v3 =	vld [tilespmem:s19+$0x8820];
	[tilespmem:s1+$0x10B90] =	vst v4  }
0x13a: {  	v4 =	vld [tilespmem:s19+$0x8830];
	[tilespmem:s1+$0x10BA0] =	vst v2;
	s1 =	smov.u32 s19  }
0x13b: {  	v2 =	vld [tilespmem:s1+$0x8880];
	[tilespmem:s1+$0x10BB0] =	vst v5  }
0x13c: {  	[tilespmem:s1+$0x10800] =	vst v0;
	v0 =	vld [tilespmem:s1+$0x8890]  }
0x13d: {  	[tilespmem:s1+$0x10810] =	vst v1;
	v1 =	vld [tilespmem:s1+$0x88A0]  }
0x13e: {  	[tilespmem:s1+$0x10820] =	vst v3;
	v3 =	vld [tilespmem:s1+$0x88B0]  }
0x13f: {  	[tilespmem:s1+$0x10830] =	vst v4;
	v4 =	vld [tilespmem:s1+$0x8900]  }
0x140: {  	[tilespmem:s1+$0x10880] =	vst v2;
	v2 =	vld [tilespmem:s1+$0x8910]  }
0x141: {  	[tilespmem:s1+$0x10890] =	vst v0;
	v0 =	vld [tilespmem:s1+$0x8920]  }
0x142: {  	[tilespmem:s1+$0x108A0] =	vst v1;
	v1 =	vld [tilespmem:s1+$0x8930]  }
0x143: {  	[tilespmem:s1+$0x108B0] =	vst v3;
	v3 =	vld [tilespmem:s1+$0x8980]  }
0x144: {  	[tilespmem:s1+$0x10900] =	vst v4;
	v4 =	vld [tilespmem:s1+$0x8990]  }
0x145: {  	[tilespmem:s1+$0x10910] =	vst v2;
	v2 =	vld [tilespmem:s1+$0x89A0]  }
0x146: {  	[tilespmem:s1+$0x10920] =	vst v0;
	v0 =	vld [tilespmem:s1+$0x89B0]  }
0x147: {  	[tilespmem:s1+$0x10930] =	vst v1;
	v1 =	vld [tilespmem:s1+$0x8A00]  }
0x148: {  	[tilespmem:s1+$0x10980] =	vst v3;
	v3 =	vld [tilespmem:s1+$0x8A10]  }
0x149: {  	[tilespmem:s1+$0x10990] =	vst v4;
	v4 =	vld [tilespmem:s1+$0x8A20]  }
0x14a: {  	[tilespmem:s1+$0x109A0] =	vst v2;
	v2 =	vld [tilespmem:s1+$0x8A30]  }
0x14b: {  	[tilespmem:s1+$0x109B0] =	vst v0;
	v0 =	vld [tilespmem:s1+$0x8A80]  }
0x14c: {  	[tilespmem:s1+$0x10A00] =	vst v1;
	v1 =	vld [tilespmem:s1+$0x8A90]  }
0x14d: {  	[tilespmem:s1+$0x10A10] =	vst v3;
	v3 =	vld [tilespmem:s1+$0x8AA0]  }
0x14e: {  	[tilespmem:s1+$0x10A20] =	vst v4;
	v4 =	vld [tilespmem:s1+$0x8AB0]  }
0x14f: {  	[tilespmem:s1+$0x10A30] =	vst v2;
	v5 =	vld [tilespmem:s1+$0x8B00]  }
.Ltmp4:
0x150: {  	[tilespmem:s1+$0x10A80] =	vst v0;
	v2 =	vld [tilespmem:s1+$0x8B10];
	(pc) =	sbr.rel @p2 .LBB2_7-.Ltmp4, $4  }
0x151: {  	[tilespmem:s1+$0x10A90] =	vst v1;
	v0 =	vld [tilespmem:s1+$0x8B20]  }
0x152: {  	[tilespmem:s1+$0x10AA0] =	vst v3;
	v1 =	vld [tilespmem:s1+$0x8B30]  }
0x153: {  	[tilespmem:s1+$0x10AB0] =	vst v4;
	v3 =	vld [tilespmem:s1+$0x8B80]  }
0x154: {  	s17 =	sadd.s32 $0x1000, s17;
	[tilespmem:s1+$0x10B00] =	vst v5;
	v4 =	vld [tilespmem:s1+$0x8B90]  }
0x155: {  	[tilespmem:s1+$0x10B10] =	vst v2;
	v2 =	vld [tilespmem:s1+$0x8BA0]  }
0x156: {  	[tilespmem:s1+$0x10B20] =	vst v0  }
0x157: {  	[tilespmem:s1+$0x10B30] =	vst v1  }
0x158: {  	s2 =	sadd.s32 s16, s10;
	[tilespmem:s1+$0x10B80] =	vst v3  }
0x159: {  	s2 =	sshll.u32 s2, $0x4;
	[tilespmem:s1+$0x10B90] =	vst v4  }
0x15a: {  	s19 =	simm.s32 $0x0;
	s17 =	sadd.s32 s5, s2;
	[tilespmem:s1+$0x10BA0] =	vst v2;
	s1 =	simm.s32 $0x680  }
0x15b: {  	[hbm4b:s17+s19] =	stream.linear.scatter [tilespmem:s24], [sflag:$0x5], $0x4000, $0x38;
	[tilespmem:$0x18800] =	vst v63  }
0x15c: {  	s20 =	simm.s32 $0x4800;
	s1 =	simm.s32 @!p1 $0x280  }
0x15d: {  	[tilespmem:s20], [sflag:$0x2] =	stream.indirect.gather [hbm4b:s4+s18], $0x80, s1, s18, $0xb8;
	[tilespmem:$0x18800] =	vst v63  }
0x15e: {  	_ =	swait.ge [sflag:s31], $0x4000  }
0x15f: {  	[sflag:s31] =	ssyncset.done $0x0  }
0x160: {  	[sflag:s31] =	ssyncadd.s32 $0xFFFFC000  }
0x161: {  	_ =	swait.ge [sflag:s0], $0x4000  }
0x162: {  	[sflag:s0] =	ssyncset.done $0x0  }
0x163: {  	s1 =	simm.s32 $0x0;
	[sflag:s0] =	ssyncadd.s32 $0xFFFFC000  }
0x164: {  	v0 =	vld [tilespmem:s1+$0xCBB0]  }
0x165: {  	v1 =	vld [tilespmem:s1+$0xC800]  }
0x166: {  	v2 =	vld [tilespmem:s1+$0xC810]  }
0x167: {  	v3 =	vld [tilespmem:s1+$0xC820]  }
0x168: {  	v4 =	vld [tilespmem:s1+$0xC830]  }
0x169: {  	v5 =	vld [tilespmem:s1+$0xC880];
	[tilespmem:s1+$0x14BB0] =	vst v0  }
0x16a: {  	[tilespmem:s1+$0x14800] =	vst v1;
	v0 =	vld [tilespmem:s1+$0xC890]  }
0x16b: {  	[tilespmem:s1+$0x14810] =	vst v2;
	v1 =	vld [tilespmem:s1+$0xC8A0]  }
0x16c: {  	[tilespmem:s1+$0x14820] =	vst v3;
	v2 =	vld [tilespmem:s1+$0xC8B0]  }
0x16d: {  	[tilespmem:s1+$0x14830] =	vst v4;
	v3 =	vld [tilespmem:s1+$0xC900]  }
0x16e: {  	[tilespmem:s1+$0x14880] =	vst v5;
	v4 =	vld [tilespmem:s1+$0xC910]  }
0x16f: {  	v5 =	vld [tilespmem:s1+$0xCAA0];
	[tilespmem:s1+$0x14890] =	vst v0  }
0x170: {  	v0 =	vld [tilespmem:s1+$0xC920];
	[tilespmem:s1+$0x148A0] =	vst v1  }
0x171: {  	v1 =	vld [tilespmem:s1+$0xC930];
	[tilespmem:s1+$0x148B0] =	vst v2  }
0x172: {  	[tilespmem:s1+$0x14900] =	vst v3;
	v3 =	vld [tilespmem:s1+$0xC990]  }
0x173: {  	[tilespmem:s1+$0x14910] =	vst v4;
	v4 =	vld [tilespmem:s1+$0xC9A0]  }
0x174: {  	v2 =	vld [tilespmem:s1+$0xC980];
	[tilespmem:s1+$0x14AA0] =	vst v5  }
0x175: {  	[tilespmem:s1+$0x14920] =	vst v0;
	v0 =	vld [tilespmem:s1+$0xC9B0]  }
0x176: {  	[tilespmem:s1+$0x14930] =	vst v1;
	v1 =	vld [tilespmem:s1+$0xCA00]  }
0x177: {  	[tilespmem:s1+$0x14990] =	vst v3;
	v3 =	vld [tilespmem:s1+$0xCA20]  }
0x178: {  	[tilespmem:s1+$0x149A0] =	vst v4;
	v4 =	vld [tilespmem:s1+$0xCA30]  }
0x179: {  	[tilespmem:s1+$0x14980] =	vst v2;
	v2 =	vld [tilespmem:s1+$0xCA10]  }
0x17a: {  	[tilespmem:s1+$0x149B0] =	vst v0;
	v0 =	vld [tilespmem:s1+$0xCA80]  }
0x17b: {  	[tilespmem:s1+$0x14A00] =	vst v1;
	v1 =	vld [tilespmem:s1+$0xCA90]  }
0x17c: {  	[tilespmem:s1+$0x14A20] =	vst v3;
	v3 =	vld [tilespmem:s1+$0xCAB0]  }
0x17d: {  	[tilespmem:s1+$0x14A30] =	vst v4;
	v4 =	vld [tilespmem:s1+$0xCB00]  }
0x17e: {  	[tilespmem:s1+$0x14A10] =	vst v2;
	v2 =	vld [tilespmem:s1+$0xCB10]  }
0x17f: {  	[tilespmem:s1+$0x14A80] =	vst v0;
	v0 =	vld [tilespmem:s1+$0xCB20]  }
0x180: {  	[tilespmem:s1+$0x14A90] =	vst v1;
	v1 =	vld [tilespmem:s1+$0xCB30]  }
0x181: {  	[tilespmem:s1+$0x14AB0] =	vst v3;
	v3 =	vld [tilespmem:s1+$0xCB80]  }
0x182: {  	s2 =	simm.s32 $0x0;
	s17 =	simm.s32 $0x1000;
	[tilespmem:s1+$0x14B00] =	vst v4;
	v4 =	vld [tilespmem:s1+$0xCB90]  }
.LBB2_9:
0x183: {  	s19 =	sshra.s32 s17, $0x2;
	s2 =	sadd.s32 $0x8, s2;
	[tilespmem:s1+$0x14B10] =	vst v2;
	v2 =	vld [tilespmem:s1+$0xCBA0]  }
0x184: {  	v5 =	vld [tilespmem:s19+$0xCBB0];
	p2 =	slt.u32 s2, $0x78;
	[tilespmem:s1+$0x14B20] =	vst v0  }
0x185: {  	v0 =	vld [tilespmem:s19+$0xC800];
	[tilespmem:s1+$0x14B30] =	vst v1  }
0x186: {  	v1 =	vld [tilespmem:s19+$0xC810];
	[tilespmem:s1+$0x14B80] =	vst v3  }
0x187: {  	v3 =	vld [tilespmem:s19+$0xC820];
	[tilespmem:s1+$0x14B90] =	vst v4  }
0x188: {  	v4 =	vld [tilespmem:s19+$0xC830];
	[tilespmem:s1+$0x14BA0] =	vst v2;
	s1 =	smov.u32 s19  }
0x189: {  	v2 =	vld [tilespmem:s1+$0xC880];
	[tilespmem:s1+$0x14BB0] =	vst v5  }
0x18a: {  	[tilespmem:s1+$0x14800] =	vst v0;
	v0 =	vld [tilespmem:s1+$0xC890]  }
0x18b: {  	[tilespmem:s1+$0x14810] =	vst v1;
	v1 =	vld [tilespmem:s1+$0xC8A0]  }
0x18c: {  	[tilespmem:s1+$0x14820] =	vst v3;
	v3 =	vld [tilespmem:s1+$0xC8B0]  }
0x18d: {  	[tilespmem:s1+$0x14830] =	vst v4;
	v4 =	vld [tilespmem:s1+$0xC900]  }
0x18e: {  	[tilespmem:s1+$0x14880] =	vst v2;
	v2 =	vld [tilespmem:s1+$0xC910]  }
0x18f: {  	[tilespmem:s1+$0x14890] =	vst v0;
	v0 =	vld [tilespmem:s1+$0xC920]  }
0x190: {  	[tilespmem:s1+$0x148A0] =	vst v1;
	v1 =	vld [tilespmem:s1+$0xC930]  }
0x191: {  	[tilespmem:s1+$0x148B0] =	vst v3;
	v3 =	vld [tilespmem:s1+$0xC980]  }
0x192: {  	[tilespmem:s1+$0x14900] =	vst v4;
	v4 =	vld [tilespmem:s1+$0xC990]  }
0x193: {  	[tilespmem:s1+$0x14910] =	vst v2;
	v2 =	vld [tilespmem:s1+$0xC9A0]  }
0x194: {  	[tilespmem:s1+$0x14920] =	vst v0;
	v0 =	vld [tilespmem:s1+$0xC9B0]  }
0x195: {  	[tilespmem:s1+$0x14930] =	vst v1;
	v1 =	vld [tilespmem:s1+$0xCA00]  }
0x196: {  	[tilespmem:s1+$0x14980] =	vst v3;
	v3 =	vld [tilespmem:s1+$0xCA10]  }
0x197: {  	[tilespmem:s1+$0x14990] =	vst v4;
	v4 =	vld [tilespmem:s1+$0xCA20]  }
0x198: {  	[tilespmem:s1+$0x149A0] =	vst v2;
	v2 =	vld [tilespmem:s1+$0xCA30]  }
0x199: {  	[tilespmem:s1+$0x149B0] =	vst v0;
	v0 =	vld [tilespmem:s1+$0xCA80]  }
0x19a: {  	[tilespmem:s1+$0x14A00] =	vst v1;
	v1 =	vld [tilespmem:s1+$0xCA90]  }
0x19b: {  	[tilespmem:s1+$0x14A10] =	vst v3;
	v3 =	vld [tilespmem:s1+$0xCAA0]  }
0x19c: {  	[tilespmem:s1+$0x14A20] =	vst v4;
	v4 =	vld [tilespmem:s1+$0xCAB0]  }
0x19d: {  	[tilespmem:s1+$0x14A30] =	vst v2;
	v5 =	vld [tilespmem:s1+$0xCB00]  }
.Ltmp5:
0x19e: {  	[tilespmem:s1+$0x14A80] =	vst v0;
	v2 =	vld [tilespmem:s1+$0xCB10];
	(pc) =	sbr.rel @p2 .LBB2_9-.Ltmp5, $4  }
0x19f: {  	[tilespmem:s1+$0x14A90] =	vst v1;
	v0 =	vld [tilespmem:s1+$0xCB20]  }
0x1a0: {  	[tilespmem:s1+$0x14AA0] =	vst v3;
	v1 =	vld [tilespmem:s1+$0xCB30]  }
0x1a1: {  	[tilespmem:s1+$0x14AB0] =	vst v4;
	v3 =	vld [tilespmem:s1+$0xCB80]  }
0x1a2: {  	s17 =	sadd.s32 $0x1000, s17;
	[tilespmem:s1+$0x14B00] =	vst v5;
	v4 =	vld [tilespmem:s1+$0xCB90]  }
0x1a3: {  	[tilespmem:s1+$0x14B10] =	vst v2;
	v62 =	vld [tilespmem:s1+$0xCBA0]  }
0x1a4: {  	[tilespmem:s1+$0x14B20] =	vst v0  }
0x1a5: {  	[tilespmem:s1+$0x14B30] =	vst v1  }
0x1a6: {  	s2 =	sadd.s32 s8, s11;
	[tilespmem:s1+$0x14B80] =	vst v3  }
0x1a7: {  	s2 =	sshrl.u32 s2, $0x3;
	[tilespmem:s1+$0x14B90] =	vst v4  }
0x1a8: {  	s19 =	sadd.s32 s5, s2;
	[tilespmem:s1+$0x14BA0] =	vst v62;
	s1 =	simm.s32 $0x700  }
0x1a9: {  	[hbm4b:s19+s3] =	stream.linear.scatter [tilespmem:s28], [sflag:$0x6], $0x4000, $0x38;
	[tilespmem:$0x18800] =	vst v63  }
0x1aa: {  	s1 =	simm.s32 @!p1 $0x300  }
0x1ab: {  	[tilespmem:s22], [sflag:$0x3] =	stream.indirect.gather [hbm4b:s4+s18], $0x80, s1, s18, $0xb8;
	[tilespmem:$0x18800] =	vst v63  }
0x1ac: {  	_ =	swait.ge [sflag:s23], $0x4000  }
0x1ad: {  	[sflag:s23] =	ssyncset.done $0x0  }
0x1ae: {  	[sflag:s23] =	ssyncadd.s32 $0xFFFFC000  }
0x1af: {  	_ =	swait.ge [sflag:s30], $0x4000  }
0x1b0: {  	[sflag:s30] =	ssyncset.done $0x0  }
0x1b1: {  	s20 =	simm.s32 $0xA00;
	[sflag:s30] =	ssyncadd.s32 $0xFFFFC000  }
0x1b2: {  	v63 =	vld [tilespmem:s20+$0xFFFFFE00];
	_ =	sdelay $0x3  }
0x1b3: {  	s17 =	simm.s32 $0x10A00  }
0x1b4: {  	[tilespmem:s17+$0xFFFFFE00] =	vst v63  }
0x1b5: {  	v0 =	vld [tilespmem:s20+$0xFFFFFE10];
	_ =	sdelay $0x4  }
0x1b6: {  	[tilespmem:s17+$0xFFFFFE10] =	vst v0  }
0x1b7: {  	v0 =	vld [tilespmem:s20+$0xFFFFFE20];
	_ =	sdelay $0x4  }
0x1b8: {  	[tilespmem:s17+$0xFFFFFE20] =	vst v0  }
0x1b9: {  	v0 =	vld [tilespmem:s20+$0xFFFFFE30];
	_ =	sdelay $0x4  }
0x1ba: {  	[tilespmem:s17+$0xFFFFFE30] =	vst v0  }
0x1bb: {  	v0 =	vld [tilespmem:s20+$0xFFFFFE80];
	_ =	sdelay $0x4  }
0x1bc: {  	[tilespmem:s17+$0xFFFFFE80] =	vst v0  }
0x1bd: {  	v0 =	vld [tilespmem:s20+$0xFFFFFE90];
	_ =	sdelay $0x4  }
0x1be: {  	[tilespmem:s17+$0xFFFFFE90] =	vst v0  }
0x1bf: {  	v0 =	vld [tilespmem:s20+$0xFFFFFEA0];
	_ =	sdelay $0x4  }
0x1c0: {  	[tilespmem:s17+$0xFFFFFEA0] =	vst v0  }
0x1c1: {  	v0 =	vld [tilespmem:s20+$0xFFFFFEB0];
	_ =	sdelay $0x4  }
0x1c2: {  	[tilespmem:s17+$0xFFFFFEB0] =	vst v0  }
0x1c3: {  	v0 =	vld [tilespmem:s20+$0xFFFFFF00];
	_ =	sdelay $0x4  }
0x1c4: {  	[tilespmem:s17+$0xFFFFFF00] =	vst v0  }
0x1c5: {  	v0 =	vld [tilespmem:s20+$0xFFFFFF10];
	_ =	sdelay $0x4  }
0x1c6: {  	[tilespmem:s17+$0xFFFFFF10] =	vst v0  }
0x1c7: {  	v0 =	vld [tilespmem:s20+$0xFFFFFF20];
	_ =	sdelay $0x4  }
0x1c8: {  	[tilespmem:s17+$0xFFFFFF20] =	vst v0  }
0x1c9: {  	v0 =	vld [tilespmem:s20+$0xFFFFFF30];
	_ =	sdelay $0x4  }
0x1ca: {  	[tilespmem:s17+$0xFFFFFF30] =	vst v0  }
0x1cb: {  	v0 =	vld [tilespmem:s20+$0xFFFFFF80];
	_ =	sdelay $0x4  }
0x1cc: {  	[tilespmem:s17+$0xFFFFFF80] =	vst v0  }
0x1cd: {  	v0 =	vld [tilespmem:s20+$0xFFFFFF90];
	_ =	sdelay $0x4  }
0x1ce: {  	[tilespmem:s17+$0xFFFFFF90] =	vst v0  }
0x1cf: {  	v0 =	vld [tilespmem:s20+$0xFFFFFFA0];
	_ =	sdelay $0x4  }
0x1d0: {  	[tilespmem:s17+$0xFFFFFFA0] =	vst v0  }
0x1d1: {  	v0 =	vld [tilespmem:s20+$0xFFFFFFB0];
	_ =	sdelay $0x4  }
0x1d2: {  	[tilespmem:s17+$0xFFFFFFB0] =	vst v0  }
0x1d3: {  	v0 =	vld [tilespmem:s20+$0x0];
	_ =	sdelay $0x4  }
0x1d4: {  	[tilespmem:s17+$0x0] =	vst v0  }
0x1d5: {  	v0 =	vld [tilespmem:s20+$0x10];
	_ =	sdelay $0x4  }
0x1d6: {  	[tilespmem:s17+$0x10] =	vst v0  }
0x1d7: {  	v0 =	vld [tilespmem:s20+$0x20];
	_ =	sdelay $0x4  }
0x1d8: {  	[tilespmem:s17+$0x20] =	vst v0  }
0x1d9: {  	v0 =	vld [tilespmem:s20+$0x30];
	_ =	sdelay $0x4  }
0x1da: {  	[tilespmem:s17+$0x30] =	vst v0  }
0x1db: {  	v0 =	vld [tilespmem:s20+$0x80];
	_ =	sdelay $0x4  }
0x1dc: {  	[tilespmem:s17+$0x80] =	vst v0  }
0x1dd: {  	v0 =	vld [tilespmem:s20+$0x90];
	_ =	sdelay $0x4  }
0x1de: {  	[tilespmem:s17+$0x90] =	vst v0  }
0x1df: {  	v0 =	vld [tilespmem:s20+$0xA0];
	_ =	sdelay $0x4  }
0x1e0: {  	[tilespmem:s17+$0xA0] =	vst v0  }
0x1e1: {  	v0 =	vld [tilespmem:s20+$0xB0];
	_ =	sdelay $0x4  }
0x1e2: {  	[tilespmem:s17+$0xB0] =	vst v0  }
0x1e3: {  	v0 =	vld [tilespmem:s20+$0x100];
	_ =	sdelay $0x4  }
0x1e4: {  	[tilespmem:s17+$0x100] =	vst v0  }
0x1e5: {  	v0 =	vld [tilespmem:s20+$0x110];
	_ =	sdelay $0x4  }
0x1e6: {  	[tilespmem:s17+$0x110] =	vst v0  }
0x1e7: {  	v0 =	vld [tilespmem:s20+$0x120];
	_ =	sdelay $0x4  }
0x1e8: {  	[tilespmem:s17+$0x120] =	vst v0  }
0x1e9: {  	v0 =	vld [tilespmem:s20+$0x130];
	_ =	sdelay $0x4  }
0x1ea: {  	[tilespmem:s17+$0x130] =	vst v0  }
0x1eb: {  	v0 =	vld [tilespmem:s20+$0x180];
	_ =	sdelay $0x4  }
0x1ec: {  	[tilespmem:s17+$0x180] =	vst v0  }
0x1ed: {  	v0 =	vld [tilespmem:s20+$0x190];
	_ =	sdelay $0x4  }
0x1ee: {  	[tilespmem:s17+$0x190] =	vst v0  }
0x1ef: {  	v0 =	vld [tilespmem:s20+$0x1A0];
	_ =	sdelay $0x4  }
0x1f0: {  	[tilespmem:s17+$0x1A0] =	vst v0  }
0x1f1: {  	v0 =	vld [tilespmem:s20+$0x1B0];
	_ =	sdelay $0x4  }
0x1f2: {  	s2 =	simm.s32 $0xE00;
	s1 =	simm.s32 $0x0;
	[tilespmem:s17+$0x1B0] =	vst v0  }
.LBB2_11:
0x1f3: {  	v0 =	vld [tilespmem:s2+$0xFFFFFE00];
	s1 =	sadd.s32 $0x8, s1  }
0x1f4: {  	p2 =	slt.u32 s1, $0x78;
	_ =	sdelay $0x2  }
0x1f5: {  	s17 =	sadd.s32 $0x400, s17  }
0x1f6: {  	[tilespmem:s17+$0xFFFFFE00] =	vst v0  }
0x1f7: {  	v0 =	vld [tilespmem:s2+$0xFFFFFE10];
	_ =	sdelay $0x4  }
0x1f8: {  	[tilespmem:s17+$0xFFFFFE10] =	vst v0  }
0x1f9: {  	v0 =	vld [tilespmem:s2+$0xFFFFFE20];
	_ =	sdelay $0x4  }
0x1fa: {  	[tilespmem:s17+$0xFFFFFE20] =	vst v0  }
0x1fb: {  	v0 =	vld [tilespmem:s2+$0xFFFFFE30];
	_ =	sdelay $0x4  }
0x1fc: {  	[tilespmem:s17+$0xFFFFFE30] =	vst v0  }
0x1fd: {  	v0 =	vld [tilespmem:s2+$0xFFFFFE80];
	_ =	sdelay $0x4  }
0x1fe: {  	[tilespmem:s17+$0xFFFFFE80] =	vst v0  }
0x1ff: {  	v0 =	vld [tilespmem:s2+$0xFFFFFE90];
	_ =	sdelay $0x4  }
0x200: {  	[tilespmem:s17+$0xFFFFFE90] =	vst v0  }
0x201: {  	v0 =	vld [tilespmem:s2+$0xFFFFFEA0];
	_ =	sdelay $0x4  }
0x202: {  	[tilespmem:s17+$0xFFFFFEA0] =	vst v0  }
0x203: {  	v0 =	vld [tilespmem:s2+$0xFFFFFEB0];
	_ =	sdelay $0x4  }
0x204: {  	[tilespmem:s17+$0xFFFFFEB0] =	vst v0  }
0x205: {  	v0 =	vld [tilespmem:s2+$0xFFFFFF00];
	_ =	sdelay $0x4  }
0x206: {  	[tilespmem:s17+$0xFFFFFF00] =	vst v0  }
0x207: {  	v0 =	vld [tilespmem:s2+$0xFFFFFF10];
	_ =	sdelay $0x4  }
0x208: {  	[tilespmem:s17+$0xFFFFFF10] =	vst v0  }
0x209: {  	v0 =	vld [tilespmem:s2+$0xFFFFFF20];
	_ =	sdelay $0x4  }
0x20a: {  	[tilespmem:s17+$0xFFFFFF20] =	vst v0  }
0x20b: {  	v0 =	vld [tilespmem:s2+$0xFFFFFF30];
	_ =	sdelay $0x4  }
0x20c: {  	[tilespmem:s17+$0xFFFFFF30] =	vst v0  }
0x20d: {  	v0 =	vld [tilespmem:s2+$0xFFFFFF80];
	_ =	sdelay $0x4  }
0x20e: {  	[tilespmem:s17+$0xFFFFFF80] =	vst v0  }
0x20f: {  	v0 =	vld [tilespmem:s2+$0xFFFFFF90];
	_ =	sdelay $0x4  }
0x210: {  	[tilespmem:s17+$0xFFFFFF90] =	vst v0  }
0x211: {  	v0 =	vld [tilespmem:s2+$0xFFFFFFA0];
	_ =	sdelay $0x4  }
0x212: {  	[tilespmem:s17+$0xFFFFFFA0] =	vst v0  }
0x213: {  	v0 =	vld [tilespmem:s2+$0xFFFFFFB0];
	_ =	sdelay $0x4  }
0x214: {  	[tilespmem:s17+$0xFFFFFFB0] =	vst v0  }
0x215: {  	v0 =	vld [tilespmem:s2+$0x0];
	_ =	sdelay $0x4  }
0x216: {  	[tilespmem:s17+$0x0] =	vst v0  }
0x217: {  	v0 =	vld [tilespmem:s2+$0x10];
	_ =	sdelay $0x4  }
0x218: {  	[tilespmem:s17+$0x10] =	vst v0  }
0x219: {  	v0 =	vld [tilespmem:s2+$0x20];
	_ =	sdelay $0x4  }
0x21a: {  	[tilespmem:s17+$0x20] =	vst v0  }
0x21b: {  	v0 =	vld [tilespmem:s2+$0x30];
	_ =	sdelay $0x4  }
0x21c: {  	[tilespmem:s17+$0x30] =	vst v0  }
0x21d: {  	v0 =	vld [tilespmem:s2+$0x80];
	_ =	sdelay $0x4  }
0x21e: {  	[tilespmem:s17+$0x80] =	vst v0  }
0x21f: {  	v0 =	vld [tilespmem:s2+$0x90];
	_ =	sdelay $0x4  }
0x220: {  	[tilespmem:s17+$0x90] =	vst v0  }
0x221: {  	v0 =	vld [tilespmem:s2+$0xA0];
	_ =	sdelay $0x4  }
0x222: {  	[tilespmem:s17+$0xA0] =	vst v0  }
0x223: {  	v0 =	vld [tilespmem:s2+$0xB0];
	_ =	sdelay $0x4  }
0x224: {  	[tilespmem:s17+$0xB0] =	vst v0  }
0x225: {  	v0 =	vld [tilespmem:s2+$0x100];
	_ =	sdelay $0x4  }
0x226: {  	[tilespmem:s17+$0x100] =	vst v0  }
0x227: {  	v0 =	vld [tilespmem:s2+$0x110];
	_ =	sdelay $0x4  }
0x228: {  	[tilespmem:s17+$0x110] =	vst v0  }
0x229: {  	v0 =	vld [tilespmem:s2+$0x120];
	_ =	sdelay $0x4  }
0x22a: {  	[tilespmem:s17+$0x120] =	vst v0  }
0x22b: {  	v0 =	vld [tilespmem:s2+$0x130];
	_ =	sdelay $0x4  }
0x22c: {  	[tilespmem:s17+$0x130] =	vst v0  }
0x22d: {  	v0 =	vld [tilespmem:s2+$0x180];
	_ =	sdelay $0x4  }
0x22e: {  	[tilespmem:s17+$0x180] =	vst v0  }
0x22f: {  	v0 =	vld [tilespmem:s2+$0x190];
	_ =	sdelay $0x4  }
0x230: {  	[tilespmem:s17+$0x190] =	vst v0  }
0x231: {  	v0 =	vld [tilespmem:s2+$0x1A0];
	_ =	sdelay $0x4  }
0x232: {  	[tilespmem:s17+$0x1A0] =	vst v0  }
0x233: {  	v0 =	vld [tilespmem:s2+$0x1B0]  }
.Ltmp6:
0x234: {  	(pc) =	sbr.rel @p2 .LBB2_11-.Ltmp6, $2  }
0x235: {  	_ =	sdelay $0x2  }
0x236: {  	s2 =	sadd.s32 $0x400, s2;
	[tilespmem:s17+$0x1B0] =	vst v0  }
0x237: {  	s1 =	sadd.s32 s8, s12  }
0x238: {  	s1 =	sshrl.u32 s1, $0x3  }
0x239: {  	s2 =	simm.s32 $0x0;
	s1 =	sadd.s32 s5, s1  }
0x23a: {  	[hbm4b:s1+s2] =	stream.linear.scatter [tilespmem:s24], [sflag:$0x5], $0x4000, $0x38;
	[tilespmem:$0x18800] =	vst v63  }
0x23b: {  	s1 =	simm.s32 $0x780  }
0x23c: {  	s1 =	simm.s32 @!p1 $0x380  }
0x23d: {  	[tilespmem:s25], [sflag:$0x4] =	stream.indirect.gather [hbm4b:s4+s18], $0x80, s1, s18, $0xb8;
	[tilespmem:$0x18800] =	vst v63  }
0x23e: {  	_ =	swait.ge [sflag:s26], $0x4000  }
0x23f: {  	[sflag:s26] =	ssyncset.done $0x0  }
0x240: {  	[sflag:s26] =	ssyncadd.s32 $0xFFFFC000  }
0x241: {  	_ =	swait.ge [sflag:s0], $0x4000  }
0x242: {  	[sflag:s0] =	ssyncset.done $0x0  }
0x243: {  	s1 =	simm.s32 $0x0;
	[sflag:s0] =	ssyncadd.s32 $0xFFFFC000  }
0x244: {  	v0 =	vld [tilespmem:s1+$0x4BB0]  }
0x245: {  	v1 =	vld [tilespmem:s1+$0x4800]  }
0x246: {  	v2 =	vld [tilespmem:s1+$0x4810]  }
0x247: {  	v3 =	vld [tilespmem:s1+$0x4820]  }
0x248: {  	v4 =	vld [tilespmem:s1+$0x4830]  }
0x249: {  	v5 =	vld [tilespmem:s1+$0x4880];
	[tilespmem:s1+$0x14BB0] =	vst v0  }
0x24a: {  	[tilespmem:s1+$0x14800] =	vst v1;
	v0 =	vld [tilespmem:s1+$0x4890]  }
0x24b: {  	[tilespmem:s1+$0x14810] =	vst v2;
	v1 =	vld [tilespmem:s1+$0x48A0]  }
0x24c: {  	[tilespmem:s1+$0x14820] =	vst v3;
	v2 =	vld [tilespmem:s1+$0x48B0]  }
0x24d: {  	[tilespmem:s1+$0x14830] =	vst v4;
	v3 =	vld [tilespmem:s1+$0x4900]  }
0x24e: {  	[tilespmem:s1+$0x14880] =	vst v5;
	v4 =	vld [tilespmem:s1+$0x4910]  }
0x24f: {  	v5 =	vld [tilespmem:s1+$0x4AA0];
	[tilespmem:s1+$0x14890] =	vst v0  }
0x250: {  	v0 =	vld [tilespmem:s1+$0x4920];
	[tilespmem:s1+$0x148A0] =	vst v1  }
0x251: {  	v1 =	vld [tilespmem:s1+$0x4930];
	[tilespmem:s1+$0x148B0] =	vst v2  }
0x252: {  	[tilespmem:s1+$0x14900] =	vst v3;
	v3 =	vld [tilespmem:s1+$0x4990]  }
0x253: {  	[tilespmem:s1+$0x14910] =	vst v4;
	v4 =	vld [tilespmem:s1+$0x49A0]  }
0x254: {  	v2 =	vld [tilespmem:s1+$0x4980];
	[tilespmem:s1+$0x14AA0] =	vst v5  }
0x255: {  	[tilespmem:s1+$0x14920] =	vst v0;
	v0 =	vld [tilespmem:s1+$0x49B0]  }
0x256: {  	[tilespmem:s1+$0x14930] =	vst v1;
	v1 =	vld [tilespmem:s1+$0x4A00]  }
0x257: {  	[tilespmem:s1+$0x14990] =	vst v3;
	v3 =	vld [tilespmem:s1+$0x4A20]  }
0x258: {  	[tilespmem:s1+$0x149A0] =	vst v4;
	v4 =	vld [tilespmem:s1+$0x4A30]  }
0x259: {  	[tilespmem:s1+$0x14980] =	vst v2;
	v2 =	vld [tilespmem:s1+$0x4A10]  }
0x25a: {  	[tilespmem:s1+$0x149B0] =	vst v0;
	v0 =	vld [tilespmem:s1+$0x4A80]  }
0x25b: {  	[tilespmem:s1+$0x14A00] =	vst v1;
	v1 =	vld [tilespmem:s1+$0x4A90]  }
0x25c: {  	[tilespmem:s1+$0x14A20] =	vst v3;
	v3 =	vld [tilespmem:s1+$0x4AB0]  }
0x25d: {  	[tilespmem:s1+$0x14A30] =	vst v4;
	v4 =	vld [tilespmem:s1+$0x4B00]  }
0x25e: {  	[tilespmem:s1+$0x14A10] =	vst v2;
	v2 =	vld [tilespmem:s1+$0x4B10]  }
0x25f: {  	[tilespmem:s1+$0x14A80] =	vst v0;
	v0 =	vld [tilespmem:s1+$0x4B20]  }
0x260: {  	[tilespmem:s1+$0x14A90] =	vst v1;
	v1 =	vld [tilespmem:s1+$0x4B30]  }
0x261: {  	[tilespmem:s1+$0x14AB0] =	vst v3;
	v3 =	vld [tilespmem:s1+$0x4B80]  }
0x262: {  	s17 =	simm.s32 $0x1000;
	s2 =	simm.s32 $0x0;
	[tilespmem:s1+$0x14B00] =	vst v4;
	v4 =	vld [tilespmem:s1+$0x4B90]  }
.LBB2_13:
0x263: {  	s19 =	sshra.s32 s17, $0x2;
	s2 =	sadd.s32 $0x8, s2;
	[tilespmem:s1+$0x14B10] =	vst v2;
	v2 =	vld [tilespmem:s1+$0x4BA0]  }
0x264: {  	v5 =	vld [tilespmem:s19+$0x4BB0];
	p1 =	slt.u32 s2, $0x78;
	[tilespmem:s1+$0x14B20] =	vst v0  }
0x265: {  	v0 =	vld [tilespmem:s19+$0x4800];
	[tilespmem:s1+$0x14B30] =	vst v1  }
0x266: {  	v1 =	vld [tilespmem:s19+$0x4810];
	[tilespmem:s1+$0x14B80] =	vst v3  }
0x267: {  	v3 =	vld [tilespmem:s19+$0x4820];
	[tilespmem:s1+$0x14B90] =	vst v4  }
0x268: {  	v4 =	vld [tilespmem:s19+$0x4830];
	[tilespmem:s1+$0x14BA0] =	vst v2;
	s1 =	smov.u32 s19  }
0x269: {  	v2 =	vld [tilespmem:s1+$0x4880];
	[tilespmem:s1+$0x14BB0] =	vst v5  }
0x26a: {  	[tilespmem:s1+$0x14800] =	vst v0;
	v0 =	vld [tilespmem:s1+$0x4890]  }
0x26b: {  	[tilespmem:s1+$0x14810] =	vst v1;
	v1 =	vld [tilespmem:s1+$0x48A0]  }
0x26c: {  	[tilespmem:s1+$0x14820] =	vst v3;
	v3 =	vld [tilespmem:s1+$0x48B0]  }
0x26d: {  	[tilespmem:s1+$0x14830] =	vst v4;
	v4 =	vld [tilespmem:s1+$0x4900]  }
0x26e: {  	[tilespmem:s1+$0x14880] =	vst v2;
	v2 =	vld [tilespmem:s1+$0x4910]  }
0x26f: {  	[tilespmem:s1+$0x14890] =	vst v0;
	v0 =	vld [tilespmem:s1+$0x4920]  }
0x270: {  	[tilespmem:s1+$0x148A0] =	vst v1;
	v1 =	vld [tilespmem:s1+$0x4930]  }
0x271: {  	[tilespmem:s1+$0x148B0] =	vst v3;
	v3 =	vld [tilespmem:s1+$0x4980]  }
0x272: {  	[tilespmem:s1+$0x14900] =	vst v4;
	v4 =	vld [tilespmem:s1+$0x4990]  }
0x273: {  	[tilespmem:s1+$0x14910] =	vst v2;
	v2 =	vld [tilespmem:s1+$0x49A0]  }
0x274: {  	[tilespmem:s1+$0x14920] =	vst v0;
	v0 =	vld [tilespmem:s1+$0x49B0]  }
0x275: {  	[tilespmem:s1+$0x14930] =	vst v1;
	v1 =	vld [tilespmem:s1+$0x4A00]  }
0x276: {  	[tilespmem:s1+$0x14980] =	vst v3;
	v3 =	vld [tilespmem:s1+$0x4A10]  }
0x277: {  	[tilespmem:s1+$0x14990] =	vst v4;
	v4 =	vld [tilespmem:s1+$0x4A20]  }
0x278: {  	[tilespmem:s1+$0x149A0] =	vst v2;
	v2 =	vld [tilespmem:s1+$0x4A30]  }
0x279: {  	[tilespmem:s1+$0x149B0] =	vst v0;
	v0 =	vld [tilespmem:s1+$0x4A80]  }
0x27a: {  	[tilespmem:s1+$0x14A00] =	vst v1;
	v1 =	vld [tilespmem:s1+$0x4A90]  }
0x27b: {  	[tilespmem:s1+$0x14A10] =	vst v3;
	v3 =	vld [tilespmem:s1+$0x4AA0]  }
0x27c: {  	[tilespmem:s1+$0x14A20] =	vst v4;
	v4 =	vld [tilespmem:s1+$0x4AB0]  }
0x27d: {  	[tilespmem:s1+$0x14A30] =	vst v2;
	v5 =	vld [tilespmem:s1+$0x4B00]  }
.Ltmp7:
0x27e: {  	[tilespmem:s1+$0x14A80] =	vst v0;
	v2 =	vld [tilespmem:s1+$0x4B10];
	(pc) =	sbr.rel @p1 .LBB2_13-.Ltmp7, $4  }
0x27f: {  	[tilespmem:s1+$0x14A90] =	vst v1;
	v0 =	vld [tilespmem:s1+$0x4B20]  }
0x280: {  	[tilespmem:s1+$0x14AA0] =	vst v3;
	v1 =	vld [tilespmem:s1+$0x4B30]  }
0x281: {  	[tilespmem:s1+$0x14AB0] =	vst v4;
	v3 =	vld [tilespmem:s1+$0x4B80]  }
0x282: {  	s17 =	sadd.s32 $0x1000, s17;
	[tilespmem:s1+$0x14B00] =	vst v5;
	v4 =	vld [tilespmem:s1+$0x4B90]  }
0x283: {  	[tilespmem:s1+$0x14B10] =	vst v2;
	v2 =	vld [tilespmem:s1+$0x4BA0]  }
0x284: {  	[tilespmem:s1+$0x14B20] =	vst v0  }
0x285: {  	[tilespmem:s1+$0x14B30] =	vst v1  }
0x286: {  	s2 =	sadd.s32 s8, s13;
	[tilespmem:s1+$0x14B80] =	vst v3  }
0x287: {  	s2 =	sshrl.u32 s2, $0x3;
	[tilespmem:s1+$0x14B90] =	vst v4  }
0x288: {  	s20 =	sadd.s32 s5, s2;
	[tilespmem:s1+$0x14BA0] =	vst v2;
	s1 =	simm.s32 @!p0 $0x7  }
0x289: {  	[hbm4b:s20+s3] =	stream.linear.scatter [tilespmem:s28], [sflag:$0x6], $0x4000, $0x38;
	[tilespmem:$0x18800] =	vst v63  }
0x28a: {  	_ =	swait.ge @!p0 [sflag:s1], $0x400  }
0x28b: {  	[sflag:s1] =	ssyncset.done @!p0 $0x0  }
0x28c: {  	[sflag:s1] =	ssyncadd.s32 @!p0 $0xFFFFFC00;
	s1 =	sxor.u32 @!p0 $0xFFFFFFFF, s16  }
0x28d: {  	s17 =	simm.s32 @!p0 $0x800;
	s2 =	simm.s32 @!p0 $0x80;
	s1 =	sand.u32 @!p0 $0x400, s1  }
0x28e: {  	[tilespmem:s17], [sflag:$0x1] =	stream.indirect.gather @!p0 [hbm4b:s4+s2], $0x80, s1, s2, $0xb8;
	[tilespmem:$0x18800] =	vst v63  }
0x28f: {  	_ =	swait.ge [sflag:s29], $0x4000  }
0x290: {  	[sflag:s29] =	ssyncset.done $0x0  }
0x291: {  	[sflag:s29] =	ssyncadd.s32 $0xFFFFC000  }
0x292: {  	_ =	swait.ge [sflag:s30], $0x4000  }
0x293: {  	[sflag:s30] =	ssyncset.done $0x0  }
0x294: {  	s2 =	simm.s32 $0x0;
	[sflag:s30] =	ssyncadd.s32 $0xFFFFC000  }
0x295: {  	v0 =	vld [tilespmem:s2+$0x8BB0]  }
0x296: {  	v1 =	vld [tilespmem:s2+$0x8800]  }
0x297: {  	v2 =	vld [tilespmem:s2+$0x8810]  }
0x298: {  	v3 =	vld [tilespmem:s2+$0x8820]  }
0x299: {  	v4 =	vld [tilespmem:s2+$0x8830]  }
0x29a: {  	v5 =	vld [tilespmem:s2+$0x8880];
	[tilespmem:s2+$0x10BB0] =	vst v0  }
0x29b: {  	[tilespmem:s2+$0x10800] =	vst v1;
	v0 =	vld [tilespmem:s2+$0x8890]  }
0x29c: {  	[tilespmem:s2+$0x10810] =	vst v2;
	v1 =	vld [tilespmem:s2+$0x88A0]  }
0x29d: {  	[tilespmem:s2+$0x10820] =	vst v3;
	v2 =	vld [tilespmem:s2+$0x88B0]  }
0x29e: {  	[tilespmem:s2+$0x10830] =	vst v4;
	v3 =	vld [tilespmem:s2+$0x8900]  }
0x29f: {  	[tilespmem:s2+$0x10880] =	vst v5;
	v4 =	vld [tilespmem:s2+$0x8910]  }
0x2a0: {  	v5 =	vld [tilespmem:s2+$0x8AA0];
	[tilespmem:s2+$0x10890] =	vst v0  }
0x2a1: {  	v0 =	vld [tilespmem:s2+$0x8920];
	[tilespmem:s2+$0x108A0] =	vst v1  }
0x2a2: {  	v1 =	vld [tilespmem:s2+$0x8930];
	[tilespmem:s2+$0x108B0] =	vst v2  }
0x2a3: {  	[tilespmem:s2+$0x10900] =	vst v3;
	v3 =	vld [tilespmem:s2+$0x8990]  }
0x2a4: {  	[tilespmem:s2+$0x10910] =	vst v4;
	v4 =	vld [tilespmem:s2+$0x89A0]  }
0x2a5: {  	v2 =	vld [tilespmem:s2+$0x8980];
	[tilespmem:s2+$0x10AA0] =	vst v5  }
0x2a6: {  	[tilespmem:s2+$0x10920] =	vst v0;
	v0 =	vld [tilespmem:s2+$0x89B0]  }
0x2a7: {  	[tilespmem:s2+$0x10930] =	vst v1;
	v1 =	vld [tilespmem:s2+$0x8A00]  }
0x2a8: {  	[tilespmem:s2+$0x10990] =	vst v3;
	v3 =	vld [tilespmem:s2+$0x8A20]  }
0x2a9: {  	[tilespmem:s2+$0x109A0] =	vst v4;
	v4 =	vld [tilespmem:s2+$0x8A30]  }
0x2aa: {  	[tilespmem:s2+$0x10980] =	vst v2;
	v2 =	vld [tilespmem:s2+$0x8A10]  }
0x2ab: {  	[tilespmem:s2+$0x109B0] =	vst v0;
	v0 =	vld [tilespmem:s2+$0x8A80]  }
0x2ac: {  	[tilespmem:s2+$0x10A00] =	vst v1;
	v1 =	vld [tilespmem:s2+$0x8A90]  }
0x2ad: {  	[tilespmem:s2+$0x10A20] =	vst v3;
	v3 =	vld [tilespmem:s2+$0x8AB0]  }
0x2ae: {  	[tilespmem:s2+$0x10A30] =	vst v4;
	v4 =	vld [tilespmem:s2+$0x8B00]  }
0x2af: {  	[tilespmem:s2+$0x10A10] =	vst v2;
	v2 =	vld [tilespmem:s2+$0x8B10]  }
0x2b0: {  	[tilespmem:s2+$0x10A80] =	vst v0;
	v0 =	vld [tilespmem:s2+$0x8B20]  }
0x2b1: {  	[tilespmem:s2+$0x10A90] =	vst v1;
	v1 =	vld [tilespmem:s2+$0x8B30]  }
0x2b2: {  	[tilespmem:s2+$0x10AB0] =	vst v3;
	v3 =	vld [tilespmem:s2+$0x8B80]  }
0x2b3: {  	s19 =	simm.s32 $0x1000;
	s17 =	simm.s32 $0x0;
	[tilespmem:s2+$0x10B00] =	vst v4;
	v4 =	vld [tilespmem:s2+$0x8B90]  }
.LBB2_15:
0x2b4: {  	s20 =	sshra.s32 s19, $0x2;
	s17 =	sadd.s32 $0x8, s17;
	[tilespmem:s2+$0x10B10] =	vst v2;
	v2 =	vld [tilespmem:s2+$0x8BA0]  }
0x2b5: {  	v5 =	vld [tilespmem:s20+$0x8BB0];
	p1 =	slt.u32 s17, $0x78;
	[tilespmem:s2+$0x10B20] =	vst v0  }
0x2b6: {  	v0 =	vld [tilespmem:s20+$0x8800];
	[tilespmem:s2+$0x10B30] =	vst v1  }
0x2b7: {  	v1 =	vld [tilespmem:s20+$0x8810];
	[tilespmem:s2+$0x10B80] =	vst v3  }
0x2b8: {  	v3 =	vld [tilespmem:s20+$0x8820];
	[tilespmem:s2+$0x10B90] =	vst v4  }
0x2b9: {  	v4 =	vld [tilespmem:s20+$0x8830];
	[tilespmem:s2+$0x10BA0] =	vst v2;
	s2 =	smov.u32 s20  }
0x2ba: {  	v2 =	vld [tilespmem:s2+$0x8880];
	[tilespmem:s2+$0x10BB0] =	vst v5  }
0x2bb: {  	[tilespmem:s2+$0x10800] =	vst v0;
	v0 =	vld [tilespmem:s2+$0x8890]  }
0x2bc: {  	[tilespmem:s2+$0x10810] =	vst v1;
	v1 =	vld [tilespmem:s2+$0x88A0]  }
0x2bd: {  	[tilespmem:s2+$0x10820] =	vst v3;
	v3 =	vld [tilespmem:s2+$0x88B0]  }
0x2be: {  	[tilespmem:s2+$0x10830] =	vst v4;
	v4 =	vld [tilespmem:s2+$0x8900]  }
0x2bf: {  	[tilespmem:s2+$0x10880] =	vst v2;
	v2 =	vld [tilespmem:s2+$0x8910]  }
0x2c0: {  	[tilespmem:s2+$0x10890] =	vst v0;
	v0 =	vld [tilespmem:s2+$0x8920]  }
0x2c1: {  	[tilespmem:s2+$0x108A0] =	vst v1;
	v1 =	vld [tilespmem:s2+$0x8930]  }
0x2c2: {  	[tilespmem:s2+$0x108B0] =	vst v3;
	v3 =	vld [tilespmem:s2+$0x8980]  }
0x2c3: {  	[tilespmem:s2+$0x10900] =	vst v4;
	v4 =	vld [tilespmem:s2+$0x8990]  }
0x2c4: {  	[tilespmem:s2+$0x10910] =	vst v2;
	v2 =	vld [tilespmem:s2+$0x89A0]  }
0x2c5: {  	[tilespmem:s2+$0x10920] =	vst v0;
	v0 =	vld [tilespmem:s2+$0x89B0]  }
0x2c6: {  	[tilespmem:s2+$0x10930] =	vst v1;
	v1 =	vld [tilespmem:s2+$0x8A00]  }
0x2c7: {  	[tilespmem:s2+$0x10980] =	vst v3;
	v3 =	vld [tilespmem:s2+$0x8A10]  }
0x2c8: {  	[tilespmem:s2+$0x10990] =	vst v4;
	v4 =	vld [tilespmem:s2+$0x8A20]  }
0x2c9: {  	[tilespmem:s2+$0x109A0] =	vst v2;
	v2 =	vld [tilespmem:s2+$0x8A30]  }
0x2ca: {  	[tilespmem:s2+$0x109B0] =	vst v0;
	v0 =	vld [tilespmem:s2+$0x8A80]  }
0x2cb: {  	[tilespmem:s2+$0x10A00] =	vst v1;
	v1 =	vld [tilespmem:s2+$0x8A90]  }
0x2cc: {  	[tilespmem:s2+$0x10A10] =	vst v3;
	v3 =	vld [tilespmem:s2+$0x8AA0]  }
0x2cd: {  	[tilespmem:s2+$0x10A20] =	vst v4;
	v4 =	vld [tilespmem:s2+$0x8AB0]  }
0x2ce: {  	[tilespmem:s2+$0x10A30] =	vst v2;
	v5 =	vld [tilespmem:s2+$0x8B00]  }
.Ltmp8:
0x2cf: {  	[tilespmem:s2+$0x10A80] =	vst v0;
	v2 =	vld [tilespmem:s2+$0x8B10];
	(pc) =	sbr.rel @p1 .LBB2_15-.Ltmp8, $4  }
0x2d0: {  	[tilespmem:s2+$0x10A90] =	vst v1;
	v0 =	vld [tilespmem:s2+$0x8B20]  }
0x2d1: {  	[tilespmem:s2+$0x10AA0] =	vst v3;
	v1 =	vld [tilespmem:s2+$0x8B30]  }
0x2d2: {  	[tilespmem:s2+$0x10AB0] =	vst v4;
	v3 =	vld [tilespmem:s2+$0x8B80]  }
0x2d3: {  	s19 =	sadd.s32 $0x1000, s19;
	[tilespmem:s2+$0x10B00] =	vst v5;
	v4 =	vld [tilespmem:s2+$0x8B90]  }
0x2d4: {  	[tilespmem:s2+$0x10B10] =	vst v2;
	v2 =	vld [tilespmem:s2+$0x8BA0]  }
0x2d5: {  	[tilespmem:s2+$0x10B20] =	vst v0  }
0x2d6: {  	[tilespmem:s2+$0x10B30] =	vst v1  }
0x2d7: {  	s17 =	sadd.s32 s8, s14;
	[tilespmem:s2+$0x10B80] =	vst v3  }
0x2d8: {  	s17 =	sshrl.u32 s17, $0x3;
	[tilespmem:s2+$0x10B90] =	vst v4  }
0x2d9: {  	s20 =	sadd.s32 s5, s17;
	[tilespmem:s2+$0x10BA0] =	vst v2  }
0x2da: {  	[hbm4b:s20+s3] =	stream.linear.scatter [tilespmem:s24], [sflag:$0x5], $0x4000, $0x38;
	[tilespmem:$0x18800] =	vst v63  }
0x2db: {  	s1 =	sor.u32 @!p0 $0x80, s1;
	s17 =	simm.s32 @!p0 $0x4800;
	s2 =	simm.s32 @!p0 $0x80  }
0x2dc: {  	[tilespmem:s17], [sflag:$0x2] =	stream.indirect.gather @!p0 [hbm4b:s4+s2], $0x80, s1, s2, $0xb8;
	[tilespmem:$0x18800] =	vst v63  }
0x2dd: {  	_ =	swait.ge [sflag:s31], $0x4000  }
0x2de: {  	[sflag:s31] =	ssyncset.done $0x0  }
0x2df: {  	[sflag:s31] =	ssyncadd.s32 $0xFFFFC000  }
0x2e0: {  	_ =	swait.ge [sflag:s0], $0x4000  }
0x2e1: {  	[sflag:s0] =	ssyncset.done $0x0  }
0x2e2: {  	s1 =	simm.s32 $0x0;
	[sflag:s0] =	ssyncadd.s32 $0xFFFFC000  }
0x2e3: {  	v0 =	vld [tilespmem:s1+$0xCBB0]  }
0x2e4: {  	v1 =	vld [tilespmem:s1+$0xC800]  }
0x2e5: {  	v2 =	vld [tilespmem:s1+$0xC810]  }
0x2e6: {  	v3 =	vld [tilespmem:s1+$0xC820]  }
0x2e7: {  	v4 =	vld [tilespmem:s1+$0xC830]  }
0x2e8: {  	v5 =	vld [tilespmem:s1+$0xC880];
	[tilespmem:s1+$0x14BB0] =	vst v0  }
0x2e9: {  	[tilespmem:s1+$0x14800] =	vst v1;
	v0 =	vld [tilespmem:s1+$0xC890]  }
0x2ea: {  	[tilespmem:s1+$0x14810] =	vst v2;
	v1 =	vld [tilespmem:s1+$0xC8A0]  }
0x2eb: {  	[tilespmem:s1+$0x14820] =	vst v3;
	v2 =	vld [tilespmem:s1+$0xC8B0]  }
0x2ec: {  	[tilespmem:s1+$0x14830] =	vst v4;
	v3 =	vld [tilespmem:s1+$0xC900]  }
0x2ed: {  	[tilespmem:s1+$0x14880] =	vst v5;
	v4 =	vld [tilespmem:s1+$0xC910]  }
0x2ee: {  	v5 =	vld [tilespmem:s1+$0xCAA0];
	[tilespmem:s1+$0x14890] =	vst v0  }
0x2ef: {  	v0 =	vld [tilespmem:s1+$0xC920];
	[tilespmem:s1+$0x148A0] =	vst v1  }
0x2f0: {  	v1 =	vld [tilespmem:s1+$0xC930];
	[tilespmem:s1+$0x148B0] =	vst v2  }
0x2f1: {  	[tilespmem:s1+$0x14900] =	vst v3;
	v3 =	vld [tilespmem:s1+$0xC990]  }
0x2f2: {  	[tilespmem:s1+$0x14910] =	vst v4;
	v4 =	vld [tilespmem:s1+$0xC9A0]  }
0x2f3: {  	v2 =	vld [tilespmem:s1+$0xC980];
	[tilespmem:s1+$0x14AA0] =	vst v5  }
0x2f4: {  	[tilespmem:s1+$0x14920] =	vst v0;
	v0 =	vld [tilespmem:s1+$0xC9B0]  }
0x2f5: {  	[tilespmem:s1+$0x14930] =	vst v1;
	v1 =	vld [tilespmem:s1+$0xCA00]  }
0x2f6: {  	[tilespmem:s1+$0x14990] =	vst v3;
	v3 =	vld [tilespmem:s1+$0xCA20]  }
0x2f7: {  	[tilespmem:s1+$0x149A0] =	vst v4;
	v4 =	vld [tilespmem:s1+$0xCA30]  }
0x2f8: {  	[tilespmem:s1+$0x14980] =	vst v2;
	v2 =	vld [tilespmem:s1+$0xCA10]  }
0x2f9: {  	[tilespmem:s1+$0x149B0] =	vst v0;
	v0 =	vld [tilespmem:s1+$0xCA80]  }
0x2fa: {  	[tilespmem:s1+$0x14A00] =	vst v1;
	v1 =	vld [tilespmem:s1+$0xCA90]  }
0x2fb: {  	[tilespmem:s1+$0x14A20] =	vst v3;
	v3 =	vld [tilespmem:s1+$0xCAB0]  }
0x2fc: {  	[tilespmem:s1+$0x14A30] =	vst v4;
	v4 =	vld [tilespmem:s1+$0xCB00]  }
0x2fd: {  	[tilespmem:s1+$0x14A10] =	vst v2;
	v2 =	vld [tilespmem:s1+$0xCB10]  }
0x2fe: {  	[tilespmem:s1+$0x14A80] =	vst v0;
	v0 =	vld [tilespmem:s1+$0xCB20]  }
0x2ff: {  	[tilespmem:s1+$0x14A90] =	vst v1;
	v1 =	vld [tilespmem:s1+$0xCB30]  }
0x300: {  	[tilespmem:s1+$0x14AB0] =	vst v3;
	v3 =	vld [tilespmem:s1+$0xCB80]  }
0x301: {  	s2 =	simm.s32 $0x0;
	s17 =	simm.s32 $0x1000;
	[tilespmem:s1+$0x14B00] =	vst v4;
	v4 =	vld [tilespmem:s1+$0xCB90]  }
.LBB2_17:
0x302: {  	s19 =	sshra.s32 s17, $0x2;
	s2 =	sadd.s32 $0x8, s2;
	[tilespmem:s1+$0x14B10] =	vst v2;
	v2 =	vld [tilespmem:s1+$0xCBA0]  }
0x303: {  	v5 =	vld [tilespmem:s19+$0xCBB0];
	p1 =	slt.u32 s2, $0x78;
	[tilespmem:s1+$0x14B20] =	vst v0  }
0x304: {  	v0 =	vld [tilespmem:s19+$0xC800];
	[tilespmem:s1+$0x14B30] =	vst v1  }
0x305: {  	v1 =	vld [tilespmem:s19+$0xC810];
	[tilespmem:s1+$0x14B80] =	vst v3  }
0x306: {  	v3 =	vld [tilespmem:s19+$0xC820];
	[tilespmem:s1+$0x14B90] =	vst v4  }
0x307: {  	v4 =	vld [tilespmem:s19+$0xC830];
	[tilespmem:s1+$0x14BA0] =	vst v2;
	s1 =	smov.u32 s19  }
0x308: {  	v2 =	vld [tilespmem:s1+$0xC880];
	[tilespmem:s1+$0x14BB0] =	vst v5  }
0x309: {  	[tilespmem:s1+$0x14800] =	vst v0;
	v0 =	vld [tilespmem:s1+$0xC890]  }
0x30a: {  	[tilespmem:s1+$0x14810] =	vst v1;
	v1 =	vld [tilespmem:s1+$0xC8A0]  }
0x30b: {  	[tilespmem:s1+$0x14820] =	vst v3;
	v3 =	vld [tilespmem:s1+$0xC8B0]  }
0x30c: {  	[tilespmem:s1+$0x14830] =	vst v4;
	v4 =	vld [tilespmem:s1+$0xC900]  }
0x30d: {  	[tilespmem:s1+$0x14880] =	vst v2;
	v2 =	vld [tilespmem:s1+$0xC910]  }
0x30e: {  	[tilespmem:s1+$0x14890] =	vst v0;
	v0 =	vld [tilespmem:s1+$0xC920]  }
0x30f: {  	[tilespmem:s1+$0x148A0] =	vst v1;
	v1 =	vld [tilespmem:s1+$0xC930]  }
0x310: {  	[tilespmem:s1+$0x148B0] =	vst v3;
	v3 =	vld [tilespmem:s1+$0xC980]  }
0x311: {  	[tilespmem:s1+$0x14900] =	vst v4;
	v4 =	vld [tilespmem:s1+$0xC990]  }
0x312: {  	[tilespmem:s1+$0x14910] =	vst v2;
	v2 =	vld [tilespmem:s1+$0xC9A0]  }
0x313: {  	[tilespmem:s1+$0x14920] =	vst v0;
	v0 =	vld [tilespmem:s1+$0xC9B0]  }
0x314: {  	[tilespmem:s1+$0x14930] =	vst v1;
	v1 =	vld [tilespmem:s1+$0xCA00]  }
0x315: {  	[tilespmem:s1+$0x14980] =	vst v3;
	v3 =	vld [tilespmem:s1+$0xCA10]  }
0x316: {  	[tilespmem:s1+$0x14990] =	vst v4;
	v4 =	vld [tilespmem:s1+$0xCA20]  }
0x317: {  	[tilespmem:s1+$0x149A0] =	vst v2;
	v2 =	vld [tilespmem:s1+$0xCA30]  }
0x318: {  	[tilespmem:s1+$0x149B0] =	vst v0;
	v0 =	vld [tilespmem:s1+$0xCA80]  }
0x319: {  	[tilespmem:s1+$0x14A00] =	vst v1;
	v1 =	vld [tilespmem:s1+$0xCA90]  }
0x31a: {  	[tilespmem:s1+$0x14A10] =	vst v3;
	v3 =	vld [tilespmem:s1+$0xCAA0]  }
0x31b: {  	[tilespmem:s1+$0x14A20] =	vst v4;
	v4 =	vld [tilespmem:s1+$0xCAB0]  }
0x31c: {  	[tilespmem:s1+$0x14A30] =	vst v2;
	v5 =	vld [tilespmem:s1+$0xCB00]  }
.Ltmp9:
0x31d: {  	[tilespmem:s1+$0x14A80] =	vst v0;
	v2 =	vld [tilespmem:s1+$0xCB10];
	(pc) =	sbr.rel @p1 .LBB2_17-.Ltmp9, $4  }
0x31e: {  	[tilespmem:s1+$0x14A90] =	vst v1;
	v0 =	vld [tilespmem:s1+$0xCB20]  }
0x31f: {  	[tilespmem:s1+$0x14AA0] =	vst v3;
	v1 =	vld [tilespmem:s1+$0xCB30]  }
0x320: {  	[tilespmem:s1+$0x14AB0] =	vst v4;
	v3 =	vld [tilespmem:s1+$0xCB80]  }
0x321: {  	s17 =	sadd.s32 $0x1000, s17;
	[tilespmem:s1+$0x14B00] =	vst v5;
	v4 =	vld [tilespmem:s1+$0xCB90]  }
0x322: {  	[tilespmem:s1+$0x14B10] =	vst v2;
	v63 =	vld [tilespmem:s1+$0xCBA0]  }
0x323: {  	[tilespmem:s1+$0x14B20] =	vst v0  }
.Ltmp10:
0x324: {  	[tilespmem:s1+$0x14B30] =	vst v1;
	(pc) =	sbr.rel @p0 .LBB2_20-.Ltmp10, $4  }
0x325: {  	s2 =	sadd.s32 s8, s15;
	[tilespmem:s1+$0x14B80] =	vst v3  }
0x326: {  	s2 =	sshrl.u32 s2, $0x3;
	[tilespmem:s1+$0x14B90] =	vst v4  }
0x327: {  	s20 =	sadd.s32 s5, s2;
	[tilespmem:s1+$0x14BA0] =	vst v63  }
0x328: {  	[hbm4b:s20+s3] =	stream.linear.scatter [tilespmem:s28], [sflag:$0x6], $0x4000, $0x38;
	[tilespmem:$0x18800] =	vst v63  }
.Ltmp11:
0x329: {  	(pc) =	sbr.rel .LBB2_2-.Ltmp11, $4  }
0x32a: {  	s1 =	sxor.u32 $0xFFFFFFFF, s16  }
0x32b: {  	s1 =	sand.u32 $0x400, s1  }
0x32c: {  	s21 =	sadd.s32 $0x1, s21;
	s1 =	sor.u32 $0x100, s1  }
0x32d: {  	[tilespmem:s22], [sflag:$0x3] =	stream.indirect.gather [hbm4b:s4+s18], $0x80, s1, s18, $0xb8;
	[tilespmem:$0x18800] =	vst v63  }
.LBB2_21:
0x32e: {  	_ =	sfence.sel $0x180000  }
0x32f: {  	[bflag:$0x0] =	sbarrier.arrive $0xFFFF  }
0x330: {  	_ =	strace $0x90000047  }
0x331: {  	s0 =	stileid.u32;
	[bflag:$0x2] =	sbarrier.arrive $0xFFFF  }
0x332: {  	p0 =	sne.s32 s0, $0x0;
	s0 =	rddreg [dreg:$0x2]  }
0x333: {  	s0 =	sadd.s32 @!p0 $0x100000, s0  }
0x334: {  	[sflag:s0] =	ssyncadd.tile.s32 @!p0 $0x1;
	_ =	shalt  }
.Lfunc_end2:
_tile_overlayer_lowered:
.L_overlay_start_2:
0x335: {  	(tag) =	ssettag $0x2  }
0x336: {  	s0 =	rddreg [dreg:$0x0];
	s2 =	stileid.u32  }
0x337: {  	s1 =	rddreg [dreg:$0x1];
	p0 =	sne.s32 s2, $0x0  }
0x338: {  	s3 =	rddreg [dreg:$0x2];
	[bflag:$0x3] =	sbarrier.arrive $0xFFFF;
	s2 =	simm.s32 @!p0 $0x1C08  }
0x339: {  	[timem:s3], [sflag:s2] =	dma.local @!p0 [hbm:s0], s1  }
0x33a: {  	s0 =	simm.s32 @!p0 $0x8  }
0x33b: {  	_ =	swait.ge @!p0 [sflag:s0], s1  }
0x33c: {  	s1 =	ssub.s32 @!p0 $0x0, s1;
	[sflag:s0] =	ssyncset.done @!p0 $0x0  }
0x33d: {  	[sflag:s0] =	ssyncadd.s32 @!p0 s1  }
0x33e: {  	[bflag:$0x3] =	sbarrier.arrive $0xFFFF  }
0x33f: {  	_ =	shalt  }

// kernel: sparse-core-data-format-call.cloned.1.call-start
scs
called_computation_lowered:
.L_overlay_start_0:
0x0: {  	s2 =	sld [smem:$0x3FD9]  }
0x1: {  	s3 =	sld [smem:$0x3FFE];
	_ =	sdelay $0x1  }
0x2: {  	s1 =	srdreg.scid  }
0x3: {  	s0 =	sand.u32 $0x1, s1  }
0x4: {  	s18 =	sshll.u32 s0, $0xA;
	s2 =	sadd.s32 s3, s2  }
0x5: {  	s2 =	sadd.s32 s2, s18  }
0x6: {  	[smem:$0x3FC6] =	sst s2  }
0x7: {  	_ = 	snop  }
0x8: {  	s2 =	sld [smem:$0x3FD0];
	(tm) =	ssettm $0x1  }
0x9: {  	s19 =	sld [smem:$0x3FFB];
	_ =	sdelay $0x3  }
0xa: {  	_ =	strace s19  }
0xb: {  	s3 =	sld [smem:$0x3FFC];
	_ =	sdelay $0x3  }
0xc: {  	_ =	strace s3  }
0xd: {  	s3 =	sld [smem:$0x3FFD];
	_ =	sdelay $0x3  }
0xe: {  	_ =	strace s3  }
0xf: {  	_ =	strace $0x8FFFFFFF  }
0x10: {  	s20 =	sld [smem:$0x3FDB];
	_ =	sdelay $0x1  }
0x11: {  	s4 =	simm.s32 $_scs_section_size  }
0x12: {  	s5 =	simm.s32 $_size__tile_overlayer_lowered;
	s6 =	simm.s32 $_tile_overlayer_lowered  }
0x13: {  	s23 =	simm.s32 $0x1BFF;
	s22 =	sshll.u32 s6, $0x1;
	s3 =	sadd.s32 s4, s20  }
0x14: {  	s7 =	simm.s32 $0x0;
	s21 =	sshll.u32 s5, $0x1;
	s5 =	sadd.s32 s22, s3  }
0x15: {  	[timem:s7], [sflag:s23] =	dma.local [hbm:s5], s21  }
0x16: {  	_ =	swait.ge [sflag:s23], s21  }
0x17: {  	s4 =	ssub.s32 $0x0, s21;
	[sflag:s23] =	ssyncset.done $0x0  }
0x18: {  	[sflag:s23] =	ssyncadd.s32 s4;
	_ =	sdelay $0x1  }
0x19: {  	s24 =	simm.s32 $0x1B8B  }
0x1a: {  	_ =	swait.ge [sflag:s24], $0x1  }
0x1b: {  	[sflag:s24] =	ssyncset.done $0x0  }
0x1c: {  	s26 =	simm.s32 $0x1B8E;
	s25 =	sld [smem:$0x3FFE];
	[sflag:s24] =	ssyncadd.s32 $0xFFFFFFFF  }
0x1d: {  	s27 =	simm.s32 $execute0_lowered;
	[smem:$0x3FD2] =	sst s26  }
0x1e: {  	s5 =	sshll.u32 s27, $0x1;
	_ =	strace $0x80000049;
	[dreg:$0x1] =	wrdreg $0xFFFFFFFF  }
0x1f: {  	s28 =	simm.s32 $_size_execute0_lowered;
	s3 =	sadd.s32 s3, s5;
	[dreg:$0x0] =	wrdreg $0x0  }
0x20: {  	s5 =	sshll.u32 s28, $0x1;
	[dreg:$0x2] =	wrdreg s3  }
0x21: {  	[dreg:$0x3] =	wrdreg s5  }
0x22: {  	[dreg:$0x4] =	wrdreg $0xC0  }
0x23: {  	_ =	task [dreg:s7], $0x5FFFF  }
0x24: {  	[dreg:$0x1] =	wrdreg $0xFFFFFFFF  }
0x25: {  	[dreg:$0x0] =	wrdreg $0x60  }
0x26: {  	[dreg:$0x2] =	wrdreg s25  }
0x27: {  	[dreg:$0x3] =	wrdreg s2  }
0x28: {  	[dreg:$0x4] =	wrdreg $0x9  }
0x29: {  	_ =	task.clear_ibuf [dreg:s7], $0x5FFFF;
	_ =	strace $0x90000049  }
0x2a: {  	s29 =	simm.s32 $0x9;
	_ =	strace $0x8000004B  }
0x2b: {  	_ =	swait.ge [sflag:s29], $0x1  }
0x2c: {  	[sflag:s29] =	ssyncadd.s32 $0xFFFFFFFF  }
0x2d: {  	_ =	strace $0x9000004B  }
0x2e: {  	_ =	sfence  }
0x2f: {  	s30 =	sld [smem:$0x0];
	_ =	sdelay $0x2  }
0x30: {  	s31 =	sshll.u32 s1, $0xD;
	s1 =	sshrl.u32 s1, $0x2  }
0x31: {  	s3 =	sand.u32 $0x4000, s31;
	s1 =	sadd.s32 s1, s30  }
0x32: {  	s0 =	sor.u32 s3, s0;
	s1 =	sshll.u32 s1, $0x11  }
0x33: {  	s0 =	sor.u32 s1, s0  }
0x34: {  	s0 =	sadd.s32 $0x8F2B, s0  }
0x35: {  	[sflag:s0] =	ssyncadd.remote.s32 $0x1  }
0x36: {  	_ =	sfence.sel $0xFFFF  }
0x37: {  	[dreg:$0x0] =	wrdreg $0xFFFFFFFF;
	(pc) =	sbr.abs _section_cstart, $3  }
0x38: {  	[dreg:$0x1] =	wrdreg $0xFFFFFFFF  }
0x39: {  	_ =	task.clear_ibuf [dreg:s7], $0x2FFFF;
	_ =	strace $0x9FFFFFFF  }
0x3a: {  	(tm) =	ssettm $0x7FFFFFFF  }
0x3b: {  	_ =	shalt  }
tec
execute0_lowered:
.L_overlay_start_1:
0x0: {  	(tag) =	ssettag $0x1  }
0x1: {  	s0 =	srdreg.scid  }
0x2: {  	s1 =	sshll.u32 s0, $0x4  }
0x3: {  	s0 =	stileid.u32;
	s1 =	sand.u32 $0x10, s1  }
0x4: {  	s1 =	sor.u32 s0, s1  }
0x5: {  	s6 =	rddreg [dreg:$0x0];
	s4 =	simm.s32 $0x1;
	s2 =	sshll.u32 s1, $0x7  }
0x6: {  	s7 =	simm.s32 $0x2;
	s12 =	simm.s32 $0x0;
	s1 =	ssub.s32 $0x1000, s2  }
0x7: {  	s8 =	simm.s32 $0x8000;
	s13 =	simm.s32 $0x0;
	s3 =	sand.u32 $0xF80, s1  }
0x8: {  	s9 =	simm.s32 $0x0;
	s5 =	sshrl.u32 s1, $0xC;
	p0 =	sne.s32 s3, $0x0  }
.Ltmp0:
0x9: {  	s1 =	rddreg [dreg:$0x2];
	s4 =	simm.s32 @!p0 $0x0;
	(pc) =	sbr.rel .LBB1_1-.Ltmp0, $4  }
0xa: {  	s11 =	simm.s32 $0x0;
	s3 =	rddreg [dreg:$0x1];
	s5 =	sadd.s32 s4, s5  }
0xb: {  	_ =	strace $0x8000004A;
	s4 =	simm.s32 $0x1;
	s5 =	smul.u32 $0xC8, s5  }
0xc: {  	s6 =	sadd.s32 $0xA00, s6;
	s10 =	smov.u32 s2;
	[sflag:s4] =	ssyncpa.u1 $0x0  }
0xd: {  	p0 =	por $0x0, $0x0;
	[sflag:s7] =	ssyncpa.u1 $0x0;
	s7 =	sor.u32 $0x1, s5  }
.LBB1_4:
0xe: {  	s16 =	sshll.u32 s13, $0x3;
	s17 =	sand.u32 $0x78, s13  }
0xf: {  	s30 =	sand.u32 $0x7E00, s13;
	s12 =	sshll.u32 s12, $0xF;
	s16 =	sand.u32 $0xC00, s16  }
0x10: {  	[tilespmem:s15+$0x810 ss:$0x81] =	vst.msk $0xffff, v2;
	s31 =	sand.u32 $0x7, s13;
	s16 =	sor.u32 s17, s16;
	s17 =	sadd.s32 s3, s30  }
0x11: {  	[tilespmem:s15+$0x1020 ss:$0x81] =	vst.msk $0xffff, v0;
	s13 =	sshll.u32 s31, $0x12;
	s12 =	sadd.s32 s12, s17;
	s16 =	sshrl.u32 s16, $0x3  }
0x12: {  	[tilespmem:s15+$0x0 ss:$0x81] =	vst.msk $0xffff, v1;
	s13 =	sor.u32 $0x400, s13;
	s12 =	sadd.s32 s16, s12  }
0x13: {  	[hbm4b:s12+s13] =	stream.strided.scatter [tilespmem:s14], [sflag:$0x2], $0x2000, s8, s13, $0x20;
	[tilespmem:$0x8080] =	vst v63  }
.LBB1_5:
0x14: {  	s14 =	sadd.s32 $0x1, s9  }
0x15: {  	s12 =	sadd.s32 $0x1000, s10;
	s16 =	smov.u32 s10;
	p2 =	sgt.s32 s14, $0xC7  }
0x16: {  	s16 =	smov.u32 @p2 s12  }
0x17: {  	s14 =	simm.s32 @p2 $0x0;
	p2 =	sgt.s32 s16, $0xFFF  }
0x18: {  	s16 =	smov.u32 @p2 s2;
	p2 =	sne.s32 s11, s7  }
.Ltmp1:
0x19: {  	p1 =	slt.u32 s11, $0x2;
	(pc) =	sbr.rel @!p2 .LBB1_6-.Ltmp1, $4  }
0x1a: {  	s15 =	simm.s32 @!p1 $0x2  }
0x1b: {  	s13 =	smov.u32 s10;
	p0 =	por !p0, !p0;
	_ =	swait.ge @!p1 [sflag:s15], $0x2000  }
0x1c: {  	s12 =	smov.u32 s9;
	[sflag:s15] =	ssyncset.done @!p1 $0x0;
	s9 =	smov.u32 s14  }
0x1d: {  	s11 =	sadd.s32 $0x1, s11;
	[sflag:s15] =	ssyncadd.s32 @!p1 $0xFFFFE000;
	s10 =	smov.u32 s16  }
.LBB1_1:
0x1e: {  	p1 =	sge.u32 s11, s5  }
0x1f: {  	s14 =	sand.u32 @!p1 $0x1FFFFFF, s9  }
0x20: {  	s15 =	smulhi.u32 @!p1 $0x147AE15, s14;
	_ =	sdelay $0x1  }
0x21: {  	s15 =	smul.u32 @!p1 $0xC8, s15  }
0x22: {  	s16 =	sxor.u32 @!p1 $0xFFFFFFFF, s11;
	s17 =	smul.u32 @!p1 $0xC80, s10  }
0x23: {  	s31 =	sadd.s32 $0xFFFFFFFF, s11;
	s16 =	sshll.u32 @!p1 s16, $0xD;
	s14 =	ssub.s32 @!p1 s14, s15  }
0x24: {  	s15 =	sand.u32 @!p1 $0x2000, s16;
	s16 =	sadd.s32 @!p1 s6, s17;
	s14 =	sshll.u32 @!p1 s14, $0x4  }
0x25: {  	s17 =	simm.s32 @!p1 $0x6400;
	s14 =	sadd.s32 @!p1 s14, s16;
	s16 =	simm.s32 @!p1 $0x40  }
0x26: {  	[tilespmem:s15], [sflag:$0x1] =	stream.strided.gather @!p1 [hbm4b:s14+s16], $0x2000, s17, s16, $0x38;
	[tilespmem:$0x8080] =	vst v63  }
0x27: {  	p1 =	sge.u32 s31, s5  }
.Ltmp2:
0x28: {  	_ = 	snop;
	(pc) =	sbr.rel @p1 .LBB1_5-.Ltmp2, $1  }
0x29: {  	_ =	sdelay $0x3  }
0x2a: {  	s14 =	simm.s32 $0x1  }
0x2b: {  	_ =	swait.ge [sflag:s4], $0x2000;
	s14 =	simm.s32 @!p0 $0x0  }
0x2c: {  	[sflag:s4] =	ssyncset.done $0x0;
	s15 =	sshll.u32 s14, $0xD  }
0x2d: {  	[sflag:s4] =	ssyncadd.s32 $0xFFFFE000;
	s18 =	sor.u32 $0x20, s15  }
0x2e: {  	s14 =	smul.u32 $0x8100, s14;
	v3 =	vld [tilespmem:s18+$0x10]  }
0x2f: {  	s30 =	sand.u32 $0x1, s11;
	v2 =	vld [tilespmem:s18+$0xFFFFFFF0]  }
0x30: {  	s15 =	smul.u32 $0x8100, s30;
	s14 =	sshrl.u32 s14, $0x2;
	v0 =	vld [tilespmem:s18+$0x0]  }
0x31: {  	v1 =	vld [tilespmem:s18+$0xFFFFFFE0];
	s16 =	sor.u32 $0x4000, s14  }
0x32: {  	s31 =	sshrl.u32 s15, $0x2;
	s15 =	sadd.s32 $0x0, s16  }
0x33: {  	s17 =	simm.s32 $0x4;
	s18 =	sadd.s32 $0x40, s18;
	s14 =	sor.u32 $0x4000, s31;
	[tilespmem:s15+$0x1830 ss:$0x81] =	vst.msk $0xffff, v3  }
.LBB1_3:
0x34: {  	v3 =	vld [tilespmem:s18+$0x10];
	p1 =	sne.s32 s17, $0x1FC;
	[tilespmem:s15+$0x810 ss:$0x81] =	vst.msk $0xffff, v2;
	s19 =	smov.u32 s17;
	s17 =	sadd.s32 $0x4, s17  }
.Ltmp3:
0x35: {  	v2 =	vld [tilespmem:s18+$0xFFFFFFF0];
	[tilespmem:s15+$0x1020 ss:$0x81] =	vst.msk $0xffff, v0;
	(pc) =	sbr.rel @p1 .LBB1_3-.Ltmp3, $4  }
0x36: {  	v0 =	vld [tilespmem:s18+$0x0];
	[tilespmem:s15+$0x0 ss:$0x81] =	vst.msk $0xffff, v1  }
0x37: {  	s15 =	sshra.s32 s19, $0x2;
	v1 =	vld [tilespmem:s18+$0xFFFFFFE0]  }
0x38: {  	s15 =	sadd.s32 s15, s16  }
0x39: {  	s18 =	sadd.s32 $0x40, s18;
	[tilespmem:s15+$0x1830 ss:$0x81] =	vst.msk $0xffff, v3  }
.Ltmp4:
0x3a: {  	_ = 	snop;
	(pc) =	sbr.rel .LBB1_4-.Ltmp4, $1  }
0x3b: {  	_ =	sdelay $0x3  }
.LBB1_6:
0x3c: {  	_ =	sfence.sel $0x180000  }
0x3d: {  	s2 =	simm.s32 $0x1;
	[bflag:$0x0] =	sbarrier.arrive $0xFFFF  }
0x3e: {  	s31 =	simm.s32 $0x2;
	[sflag:s2] =	ssyncpa.u1 $0x1  }
0x3f: {  	[sflag:s31] =	ssyncpa.u1 $0x1  }
0x40: {  	p0 =	sne.s32 s0, $0x0;
	_ =	strace $0x9000004A  }
0x41: {  	s0 =	sadd.s32 @!p0 $0x100000, s1;
	[bflag:$0x2] =	sbarrier.arrive $0xFFFF  }
0x42: {  	[sflag:s0] =	ssyncadd.tile.s32 @!p0 $0x1;
	_ =	shalt  }
.Lfunc_end1:
_tile_overlayer_lowered:
.L_overlay_start_2:
0x43: {  	(tag) =	ssettag $0x2  }
0x44: {  	s0 =	rddreg [dreg:$0x0];
	s2 =	stileid.u32  }
0x45: {  	s1 =	rddreg [dreg:$0x1];
	p0 =	sne.s32 s2, $0x0  }
0x46: {  	s3 =	rddreg [dreg:$0x2];
	[bflag:$0x3] =	sbarrier.arrive $0xFFFF;
	s2 =	simm.s32 @!p0 $0x1C01  }
0x47: {  	[timem:s3], [sflag:s2] =	dma.local @!p0 [hbm:s0], s1  }
0x48: {  	s0 =	simm.s32 @!p0 $0x1  }
0x49: {  	_ =	swait.ge @!p0 [sflag:s0], s1  }
0x4a: {  	s1 =	ssub.s32 @!p0 $0x0, s1;
	[sflag:s0] =	ssyncset.done @!p0 $0x0  }
0x4b: {  	[sflag:s0] =	ssyncadd.s32 @!p0 s1  }
0x4c: {  	[bflag:$0x3] =	sbarrier.arrive $0xFFFF  }
0x4d: {  	_ =	shalt  }

</sc_bundles>
